<compile_context>
chip_gen: v7x
topology: tpu7x:2x2x1
jax: 0.10.2.dev20260603
libtpu: 0.0.44.dev20260713+nightly
codegen_flags: <defaults>
</compile_context>

<pallas_src>
import functools

import jax
import jax.numpy as jnp
from jax import lax
from jax.experimental import pallas as pl
from jax.experimental.pallas import tpu as pltpu
from jax.experimental.pallas import tpu_sc as plsc

N = 10000
E = 320000
D_IN = 128
DIM = 256
HALF = 128
NSEG = 1000
NCLS = 7

NC, NS = 2, 16
CH = 128
NCHUNK = E // CH
NPAD = 10240

R = 1000
G = N // R

@functools.cache
def _sc_mesh():
  return plsc.VectorSubcoreMesh(
      core_axis_name="c", subcore_axis_name="s", num_cores=NC, num_subcores=NS)


def _fill(ref, n, value):
  for j in range(n // 16):
    ref[pl.ds(j * 16, 16)] = jnp.full((16,), value, ref.dtype)


def _deg_body(ei1, ei2, zn, degs, acc, dstv, onesv):
  c = lax.axis_index("c")
  s = lax.axis_index("s")
  _fill(onesv, CH, 1.0)

  @pl.when(s < 10)
  def _zero():
    pltpu.sync_copy(zn.at[pl.ds(s * 1024, 1024)], acc.at[pl.ds(s * 1024, 1024)])

  plsc.subcore_barrier()

  nmine = jnp.where(s < NCHUNK - 156 * NS, 157, 156)

  def run(ei):
    def chunk(i, _):
      base = pl.multiple_of((i * NS + s) * CH, CH)
      pltpu.sync_copy(ei.at[1].at[pl.ds(base, CH)], dstv)
      pltpu.sync_copy(onesv, acc.at[dstv], add=True)
      return ()
    lax.fori_loop(0, nmine, chunk, ())

  @pl.when(c == 0)
  def _run1():
    run(ei1)

  @pl.when(c == 1)
  def _run2():
    run(ei2)

  plsc.subcore_barrier()

  @pl.when(s < 10)
  def _flush():
    pltpu.sync_copy(acc.at[pl.ds(s * 1024, 1024)],
                    degs.at[pl.ds(c * NPAD + s * 1024, 1024)])


@functools.cache
def _deg_kernel():
  return pl.kernel(
    _deg_body,
    out_type=jax.ShapeDtypeStruct((2 * NPAD,), jnp.float32),
    mesh=_sc_mesh(),
    scratch_types=[
        pltpu.VMEM_SHARED((NPAD,), jnp.float32),
        pltpu.VMEM((CH,), jnp.int32),
        pltpu.VMEM((CH,), jnp.float32),
    ],
)


def _agg_body(p1, p2, ei1, ei2, znh, s1, s2, acc, srcv, dstv, rows, sem):
  c = lax.axis_index("c")
  s = lax.axis_index("s")
  off = c * N
  nmine = jnp.where(s < NCHUNK - 156 * NS, 157, 156)

  def zero():
    @pl.when(s < 10)
    def _():
      pltpu.sync_copy(znh.at[pl.ds(s * 1000, 1000)],
                      acc.at[pl.ds(s * 1000, 1000)])

  def accumulate(p, ei):
    def chunk(i, _):
      base = pl.multiple_of((i * NS + s) * CH, CH)
      pltpu.sync_copy(ei.at[0].at[pl.ds(base, CH)], srcv)
      for j in range(CH // 16):
        srcv[pl.ds(j * 16, 16)] = srcv[pl.ds(j * 16, 16)] + off
      pltpu.async_copy(p.at[srcv], rows, sem).wait()
      pltpu.sync_copy(ei.at[1].at[pl.ds(base, CH)], dstv)
      pltpu.sync_copy(rows, acc.at[dstv], add=True)
      return ()
    lax.fori_loop(0, nmine, chunk, ())

  def flush(dst):
    @pl.when(s < 10)
    def _():
      pltpu.sync_copy(acc.at[pl.ds(s * 1000, 1000)],
                      dst.at[pl.ds(off + s * 1000, 1000)])

  zero()
  plsc.subcore_barrier()
  accumulate(p1, ei1)
  plsc.subcore_barrier()
  flush(s1)
  plsc.subcore_barrier()
  zero()
  plsc.subcore_barrier()
  accumulate(p2, ei2)
  plsc.subcore_barrier()
  flush(s2)


@functools.cache
def _agg_kernel():
  return pl.kernel(
    _agg_body,
    out_type=(jax.ShapeDtypeStruct((2 * N, HALF), jnp.float32),
              jax.ShapeDtypeStruct((2 * N, HALF), jnp.float32)),
    mesh=_sc_mesh(),
    scratch_types=[
        pltpu.VMEM_SHARED((N, HALF), jnp.float32),
        pltpu.VMEM((CH,), jnp.int32),
        pltpu.VMEM((CH,), jnp.int32),
        pltpu.VMEM((CH, HALF), jnp.float32),
        pltpu.SemaphoreType.DMA,
    ],
)


_PCH = 128
_PNF = N // _PCH
_PTAIL = N - _PNF * _PCH

def _pool_body(h, idx1, idx2, znh, zn, s1, s2, cnt, acc1, acc2, cacc,
               rows, rows_t, iv1, iv2, iv1_t, iv2_t, onesv, onesv_t):
  c = lax.axis_index("c")
  s = lax.axis_index("s")
  _fill(onesv, _PCH, 1.0)
  _fill(onesv_t, _PTAIL, 1.0)

  @pl.when(s < 5)
  def _zero1():
    pltpu.sync_copy(znh.at[pl.ds(s * 200, 200)], acc1.at[pl.ds(s * 200, 200)])

  @pl.when((s >= 5) & (s < 10))
  def _zero2():
    pltpu.sync_copy(znh.at[pl.ds((s - 5) * 200, 200)],
                    acc2.at[pl.ds((s - 5) * 200, 200)])

  @pl.when(s == 10)
  def _zero_cnt():
    pltpu.sync_copy(zn.at[pl.ds(0, 1024)], cacc)

  plsc.subcore_barrier()

  count = jnp.where(s < _PNF - 4 * NS, 5, 4)

  def chunk(j, _):
    base = pl.multiple_of((j * NS + s) * _PCH, _PCH)
    pltpu.sync_copy(h.at[pl.ds(c * N + base, _PCH)], rows)
    pltpu.sync_copy(idx1.at[pl.ds(base, _PCH)], iv1)
    pltpu.sync_copy(idx2.at[pl.ds(base, _PCH)], iv2)
    pltpu.sync_copy(rows, acc1.at[iv1], add=True)
    pltpu.sync_copy(rows, acc2.at[iv2], add=True)

    @pl.when(c == 0)
    def _():
      pltpu.sync_copy(onesv, cacc.at[iv1], add=True)

    @pl.when(c == 1)
    def _():
      pltpu.sync_copy(onesv, cacc.at[iv2], add=True)
    return ()

  lax.fori_loop(0, count, chunk, ())

  @pl.when(s == 15)
  def _tail():
    base = _PNF * _PCH
    pltpu.sync_copy(h.at[pl.ds(c * N + base, _PTAIL)], rows_t)
    pltpu.sync_copy(idx1.at[pl.ds(base, _PTAIL)], iv1_t)
    pltpu.sync_copy(idx2.at[pl.ds(base, _PTAIL)], iv2_t)
    pltpu.sync_copy(rows_t, acc1.at[iv1_t], add=True)
    pltpu.sync_copy(rows_t, acc2.at[iv2_t], add=True)

    @pl.when(c == 0)
    def _():
      pltpu.sync_copy(onesv_t, cacc.at[iv1_t], add=True)

    @pl.when(c == 1)
    def _():
      pltpu.sync_copy(onesv_t, cacc.at[iv2_t], add=True)

  plsc.subcore_barrier()

  @pl.when(s < 5)
  def _flush1():
    pltpu.sync_copy(acc1.at[pl.ds(s * 200, 200)],
                    s1.at[pl.ds(c * NSEG + s * 200, 200)])

  @pl.when((s >= 5) & (s < 10))
  def _flush2():
    pltpu.sync_copy(acc2.at[pl.ds((s - 5) * 200, 200)],
                    s2.at[pl.ds(c * NSEG + (s - 5) * 200, 200)])

  @pl.when(s == 10)
  def _flushc():
    pltpu.sync_copy(cacc, cnt.at[pl.ds(c * 1024, 1024)])


@functools.cache
def _pool_kernel():
  return pl.kernel(
    _pool_body,
    out_type=(jax.ShapeDtypeStruct((2 * NSEG, HALF), jnp.float32),
              jax.ShapeDtypeStruct((2 * NSEG, HALF), jnp.float32),
              jax.ShapeDtypeStruct((2048,), jnp.float32)),
    mesh=_sc_mesh(),
    scratch_types=[
        pltpu.VMEM_SHARED((NSEG, HALF), jnp.float32),
        pltpu.VMEM_SHARED((NSEG, HALF), jnp.float32),
        pltpu.VMEM_SHARED((1024,), jnp.float32),
        pltpu.VMEM((_PCH, HALF), jnp.float32),
        pltpu.VMEM((_PTAIL, HALF), jnp.float32),
        pltpu.VMEM((_PCH,), jnp.int32),
        pltpu.VMEM((_PCH,), jnp.int32),
        pltpu.VMEM((_PTAIL,), jnp.int32),
        pltpu.VMEM((_PTAIL,), jnp.int32),
        pltpu.VMEM((_PCH,), jnp.float32),
        pltpu.VMEM((_PTAIL,), jnp.float32),
    ],
)


def _phase1_body(x, deg1, deg2, w11, w12, p11, p12, dinv1, dinv2):
  d1 = lax.rsqrt(deg1[...] + 1.0)
  d2 = lax.rsqrt(deg2[...] + 1.0)
  u11 = jnp.dot(x[...], w11[...], preferred_element_type=jnp.float32) * d1
  u12 = jnp.dot(x[...], w12[...], preferred_element_type=jnp.float32) * d2
  p11[0] = u11[:, :HALF]
  p11[1] = u11[:, HALF:]
  p12[0] = u12[:, :HALF]
  p12[1] = u12[:, HALF:]
  dinv1[...] = d1
  dinv2[...] = d2


def _tc_phase1(x, deg1, deg2, w11, w12):
  bw = lambda shape: pl.BlockSpec(shape, lambda i: (0,) * len(shape))
  return pl.pallas_call(
      _phase1_body,
      grid=(G,),
      in_specs=[
          pl.BlockSpec((R, D_IN), lambda i: (i, 0)),
          pl.BlockSpec((R, 1), lambda i: (i, 0)),
          pl.BlockSpec((R, 1), lambda i: (i, 0)),
          bw((D_IN, DIM)),
          bw((D_IN, DIM)),
      ],
      out_specs=[
          pl.BlockSpec((2, R, HALF), lambda i: (0, i, 0)),
          pl.BlockSpec((2, R, HALF), lambda i: (0, i, 0)),
          pl.BlockSpec((R, 1), lambda i: (i, 0)),
          pl.BlockSpec((R, 1), lambda i: (i, 0)),
      ],
      out_shape=[
          jax.ShapeDtypeStruct((2, N, HALF), jnp.float32),
          jax.ShapeDtypeStruct((2, N, HALF), jnp.float32),
          jax.ShapeDtypeStruct((N, 1), jnp.float32),
          jax.ShapeDtypeStruct((N, 1), jnp.float32),
      ],
  )(x, deg1, deg2, w11, w12)


def _mlp_front(s1, s2, p1, p2, d1, d2, b1, b2, mw1, mb1, mw2, mb2):
  x1 = jnp.concatenate([s1[0] + p1[0], s1[1] + p1[1]], axis=1)
  x1 = jnp.maximum(x1 * d1[...] + b1[...], 0.0)
  x2 = jnp.concatenate([s2[0] + p2[0], s2[1] + p2[1]], axis=1)
  x2 = jnp.maximum(x2 * d2[...] + b2[...], 0.0)
  h = jnp.concatenate([x1, x2], axis=1)
  t = jnp.maximum(
      jnp.dot(h, mw1[...], preferred_element_type=jnp.float32) + mb1[...], 0.0)
  return jnp.dot(t, mw2[...], preferred_element_type=jnp.float32) + mb2[...]


def _phase3_body(s11, s12, p11, p12, d1, d2, b11, b12, m1w1, m1b1, m1w2, m1b2,
                 w21, w22, p21, p22):
  h2 = _mlp_front(s11, s12, p11, p12, d1, d2, b11, b12, m1w1, m1b1, m1w2, m1b2)
  u21 = jnp.dot(h2, w21[...], preferred_element_type=jnp.float32) * d1[...]
  u22 = jnp.dot(h2, w22[...], preferred_element_type=jnp.float32) * d2[...]
  p21[0] = u21[:, :HALF]
  p21[1] = u21[:, HALF:]
  p22[0] = u22[:, :HALF]
  p22[1] = u22[:, HALF:]


def _phase5_body(s21, s22, p21, p22, d1, d2, b21, b22, m2w1, m2b1, m2w2, m2b2,
                 h3):
  out = _mlp_front(s21, s22, p21, p22, d1, d2, b21, b22, m2w1, m2b1, m2w2,
                   m2b2)
  h3[0] = out[:, :HALF]
  h3[1] = out[:, HALF:]


def _tc_phase35(body, n_out, s1, s2, p1, p2, d1, d2, b1, b2, mw1, mb1, mw2,
                mb2, w21=None, w22=None):
  bw = lambda shape: pl.BlockSpec(shape, lambda i: (0,) * len(shape))
  half = lambda: pl.BlockSpec((2, R, HALF), lambda i: (0, i, 0))
  col = lambda: pl.BlockSpec((R, 1), lambda i: (i, 0))
  in_specs = [half(), half(), half(), half(), col(), col(),
              bw((1, DIM)), bw((1, DIM)), bw((2 * DIM, DIM)), bw((1, DIM)),
              bw((DIM, DIM)), bw((1, DIM))]
  args = [s1, s2, p1, p2, d1, d2, b1, b2, mw1, mb1, mw2, mb2]
  if w21 is not None:
    in_specs += [bw((DIM, DIM)), bw((DIM, DIM))]
    args += [w21, w22]
  return pl.pallas_call(
      body,
      grid=(G,),
      in_specs=in_specs,
      out_specs=[half() for _ in range(n_out)],
      out_shape=[jax.ShapeDtypeStruct((2, N, HALF), jnp.float32)
                 for _ in range(n_out)],
  )(*args)


def _phase7_body(s1, s2, c1, c2, mw1, mb1, mw2p, mb2p, out):
  m1 = jnp.concatenate([s1[0], s1[1]], axis=1) / c1[...]
  m2 = jnp.concatenate([s2[0], s2[1]], axis=1) / c2[...]
  pooled = jnp.concatenate([m1, m2], axis=1)
  z = jnp.maximum(
      jnp.dot(pooled, mw1[...], preferred_element_type=jnp.float32) + mb1[...],
      0.0)
  o = jnp.dot(z, mw2p[...], preferred_element_type=jnp.float32) + mb2p[...]
  mx = jnp.max(o, axis=1, keepdims=True)
  lse = jnp.log(jnp.sum(jnp.exp(o - mx), axis=1, keepdims=True))
  out[...] = o - mx - lse


def _tc_phase7(s1, s2, c1, c2, mw1, mb1, mw2p, mb2p):
  bs = lambda shape: pl.BlockSpec(shape, lambda: (0,) * len(shape))
  return pl.pallas_call(
      _phase7_body,
      in_specs=[bs((2, NSEG, HALF)), bs((2, NSEG, HALF)), bs((NSEG, 1)),
                bs((NSEG, 1)), bs((2 * DIM, DIM)), bs((1, DIM)),
                bs((DIM, 128)), bs((1, 128))],
      out_specs=bs((NSEG, 128)),
      out_shape=jax.ShapeDtypeStruct((NSEG, 128), jnp.float32),
  )(s1, s2, c1, c2, mw1, mb1, mw2p, mb2p)


def kernel(x, edge_index_1, edge_index_2, index_1, index_2,
           W11, b11, W12, b12, W21, b21, W22, b22,
           m1W1, m1b1, m1W2, m1b2, m2W1, m2b1, m2W2, m2b2,
           mW1, mb1, mW2, mb2):
  zn = jnp.zeros((NPAD,), jnp.float32)
  znh = jnp.zeros((N, HALF), jnp.float32)

  degs = _deg_kernel()(edge_index_1, edge_index_2, zn)
  deg1 = degs[:N, None]
  deg2 = degs[NPAD:NPAD + N, None]

  p11, p12, dinv1, dinv2 = _tc_phase1(x, deg1, deg2, W11, W12)
  s11, s12 = _agg_kernel()(p11.reshape(2 * N, HALF), p12.reshape(2 * N, HALF),
                         edge_index_1, edge_index_2, znh)

  p21, p22 = _tc_phase35(
      _phase3_body, 2, s11.reshape(2, N, HALF), s12.reshape(2, N, HALF),
      p11, p12, dinv1, dinv2, b11[None, :], b12[None, :], m1W1,
      m1b1[None, :], m1W2, m1b2[None, :], W21, W22)

  s21, s22 = _agg_kernel()(p21.reshape(2 * N, HALF), p22.reshape(2 * N, HALF),
                         edge_index_1, edge_index_2, znh)

  h3 = _tc_phase35(
      _phase5_body, 1, s21.reshape(2, N, HALF), s22.reshape(2, N, HALF),
      p21, p22, dinv1, dinv2, b21[None, :], b22[None, :], m2W1,
      m2b1[None, :], m2W2, m2b2[None, :])[0]

  ps1, ps2, cnt = _pool_kernel()(h3.reshape(2 * N, HALF), index_1, index_2,
                               znh[:2 * NSEG], zn)
  c1 = jnp.clip(cnt[:NSEG], 1.0)[:, None]
  c2 = jnp.clip(cnt[1024:1024 + NSEG], 1.0)[:, None]

  mw2p = jnp.pad(mW2, ((0, 0), (0, 128 - NCLS)))
  mb2p = jnp.pad(mb2, (0, 128 - NCLS), constant_values=-1e9)[None, :]
  out = _tc_phase7(ps1.reshape(2, NSEG, HALF), ps2.reshape(2, NSEG, HALF),
                   c1, c2, mW1, mb1[None, :], mw2p, mb2p)
  return out[:, :NCLS]

# --- scband reference (transcript-rebuilt; emitter-appended) ---
"""Pipeline reference for scband-net-32847909880071 (READ-ONLY COPY).

The authoritative reference and input builder live on the scoring server;
editing this copy changes nothing except your own understanding.
"""

import jax, jax.numpy as jnp
import numpy as np

N = 10000
E = 320000
D_IN = 128
DIM = 256
NSEG = 1000
NCLS = 7


def setup_inputs(seed: int = 0) -> dict:
    key = jax.random.key(seed)
    ks = jax.random.split(key, 32)

    def w(k, shape):
        return jax.random.normal(k, shape, dtype=jnp.float32) * 0.05

    inp = {}
    inp["x"] = jax.random.normal(ks[0], (N, D_IN), dtype=jnp.float32)
    inp["edge_index_1"] = jax.random.randint(ks[1], (2, E), 0, N, dtype=jnp.int32)
    inp["edge_index_2"] = jax.random.randint(ks[2], (2, E), 0, N, dtype=jnp.int32)
    inp["index_1"] = jax.random.randint(ks[3], (N,), 0, NSEG, dtype=jnp.int32)
    inp["index_2"] = jax.random.randint(ks[4], (N,), 0, NSEG, dtype=jnp.int32)
    # GCNConv weights (x @ W + b after symmetric-normalized aggregation)
    inp["W11"] = w(ks[5], (D_IN, DIM)); inp["b11"] = jnp.zeros((DIM,), jnp.float32)
    inp["W12"] = w(ks[6], (D_IN, DIM)); inp["b12"] = jnp.zeros((DIM,), jnp.float32)
    inp["W21"] = w(ks[7], (DIM, DIM)); inp["b21"] = jnp.zeros((DIM,), jnp.float32)
    inp["W22"] = w(ks[8], (DIM, DIM)); inp["b22"] = jnp.zeros((DIM,), jnp.float32)
    # mlp_1
    inp["m1W1"] = w(ks[9], (2 * DIM, DIM)); inp["m1b1"] = jnp.zeros((DIM,), jnp.float32)
    inp["m1W2"] = w(ks[10], (DIM, DIM)); inp["m1b2"] = jnp.zeros((DIM,), jnp.float32)
    # mlp_2
    inp["m2W1"] = w(ks[11], (2 * DIM, DIM)); inp["m2b1"] = jnp.zeros((DIM,), jnp.float32)
    inp["m2W2"] = w(ks[12], (DIM, DIM)); inp["m2b2"] = jnp.zeros((DIM,), jnp.float32)
    # final mlp
    inp["mW1"] = w(ks[13], (2 * DIM, DIM)); inp["mb1"] = jnp.zeros((DIM,), jnp.float32)
    inp["mW2"] = w(ks[14], (DIM, NCLS)); inp["mb2"] = jnp.zeros((NCLS,), jnp.float32)
    return inp


def gcn_conv(x, edge_index, W, b):
    # PyG GCNConv: add self-loops, symmetric D^{-1/2}(A+I)D^{-1/2} normalization,
    # linear transform, scatter-add aggregation to dst, then bias.
    src = edge_index[0]
    dst = edge_index[1]
    loop = jnp.arange(N, dtype=edge_index.dtype)
    src = jnp.concatenate([src, loop])
    dst = jnp.concatenate([dst, loop])
    deg = jnp.zeros((N,), x.dtype).at[dst].add(1.0)
    dinv = jnp.where(deg > 0, jax.lax.rsqrt(deg), 0.0)
    norm = dinv[src] * dinv[dst]
    h = x @ W
    agg = jnp.zeros((N, W.shape[1]), x.dtype).at[dst].add(h[src] * norm[:, None])
    return agg + b


def segment_mean(h, idx):
    s = jax.ops.segment_sum(h, idx, num_segments=NSEG)
    cnt = jax.ops.segment_sum(jnp.ones((h.shape[0],), h.dtype), idx, num_segments=NSEG)
    return s / jnp.clip(cnt, 1.0)[:, None]


def reference(x, edge_index_1, edge_index_2, index_1, index_2,
              W11, b11, W12, b12, W21, b21, W22, b22,
              m1W1, m1b1, m1W2, m1b2, m2W1, m2b1, m2W2, m2b2,
              mW1, mb1, mW2, mb2):
    x1 = jax.nn.relu(gcn_conv(x, edge_index_1, W11, b11))
    x2 = jax.nn.relu(gcn_conv(x, edge_index_2, W12, b12))
    h = jnp.concatenate([x1, x2], axis=-1)
    h = jax.nn.relu(h @ m1W1 + m1b1) @ m1W2 + m1b2
    x1 = jax.nn.relu(gcn_conv(h, edge_index_1, W21, b21))
    x2 = jax.nn.relu(gcn_conv(h, edge_index_2, W22, b22))
    h = jnp.concatenate([x1, x2], axis=-1)
    h = jax.nn.relu(h @ m2W1 + m2b1) @ m2W2 + m2b2
    s1 = segment_mean(h, index_1)
    s2 = segment_mean(h, index_2)
    out = jax.nn.relu(jnp.concatenate([s1, s2], axis=1) @ mW1 + mb1) @ mW2 + mb2
    return jax.nn.log_softmax(out, axis=1)

if __name__ == "__main__":
    import jax
    _d = setup_inputs()
    print(jax.jit(kernel)(*tuple(_d.values())))

</pallas_src>

<mosaic_0001>
#map = affine_map<(d0, d1) -> (0, 0)>
module attributes {stable_mosaic.version = 14 : i64} {
  func.func @_agg_body(%arg0: i32, %arg1: i32, %arg2: memref<20000x128xf32, #tpu.memory_space<hbm>>, %arg3: memref<20000x128xf32, #tpu.memory_space<hbm>>, %arg4: memref<2x320000xi32, #tpu.memory_space<hbm>>, %arg5: memref<2x320000xi32, #tpu.memory_space<hbm>>, %arg6: memref<10000x128xf32, #tpu.memory_space<hbm>>, %arg7: memref<20000x128xf32, #tpu.memory_space<hbm>>, %arg8: memref<20000x128xf32, #tpu.memory_space<hbm>>, %arg9: memref<10000x128xf32, #tpu.memory_space<vmem_shared>>, %arg10: memref<128xi32, #tpu.memory_space<vmem>>, %arg11: memref<128xi32, #tpu.memory_space<vmem>>, %arg12: memref<128x128xf32, #tpu.memory_space<vmem>>, %arg13: memref<!tpu.dma_semaphore, #tpu.memory_space<semaphore_mem>>) attributes {dimension_semantics = [#tpu.dimension_semantics<core_parallel>, #tpu.dimension_semantics<subcore_parallel>], iteration_bounds = array<i64: 2, 16>, scalar_prefetch = 0 : i64, scratch_operands = 5 : i64, tpu.core_type = #tpu.core_type<sc_vector_subcore>, window_params = [{transform_indices = #map}, {transform_indices = #map}, {transform_indices = #map}, {transform_indices = #map}, {transform_indices = #map}, {transform_indices = #map}, {transform_indices = #map}]} {
    %mul3A = arith.constant 10000 : i32
    %mul3A_0 = arith.muli %arg0, %mul3A : i32
    %lt3A = arith.constant 4 : i32
    %lt3A_1 = arith.cmpi slt, %arg1, %lt3A : i32
    %jit3A = arith.constant 157 : i32
    %jit3A_2 = arith.constant 156 : i32
    %select_n3A = arith.select %lt3A_1, %jit3A, %jit3A_2 : i32
    %lt3A_3 = arith.constant 10 : i32
    %lt3A_4 = arith.cmpi slt, %arg1, %lt3A_3 : i32
    %convert_element_type3A = arith.extui %lt3A_4 : i1 to i32
    %cond3A = arith.constant 0 : i32
    %cond3A_5 = arith.cmpi ne, %convert_element_type3A, %cond3A : i32
    scf.if %cond3A_5 {
      %mul3A_42 = arith.constant 1000 : i32
      %mul3A_43 = arith.muli %arg1, %mul3A_42 : i32
      %mul3A_44 = arith.constant 1000 : i32
      %mul3A_45 = arith.muli %arg1, %mul3A_44 : i32
      "tpu.region"() ({
        %run_scoped3A = tpu.sem_alloc : memref<!tpu.dma_semaphore, #tpu.memory_space<semaphore_mem>>
        %dma_start3A = arith.constant 0 : i32
        %dma_start3A_46 = tpu.memref_slice %arg9[%mul3A_45, %dma_start3A] : memref<10000x128xf32, #tpu.memory_space<vmem_shared>> -> memref<1000x128xf32, #tpu.memory_space<vmem_shared>>
        %dma_start3A_47 = arith.constant 0 : i32
        %dma_start3A_48 = tpu.memref_slice %arg6[%mul3A_43, %dma_start3A_47] : memref<10000x128xf32, #tpu.memory_space<hbm>> -> memref<1000x128xf32, #tpu.memory_space<hbm>>
        tpu.enqueue_dma source(%dma_start3A_48 : memref<1000x128xf32, #tpu.memory_space<hbm>>) target(%dma_start3A_46 : memref<1000x128xf32, #tpu.memory_space<vmem_shared>>) target_semaphore(%run_scoped3A : memref<!tpu.dma_semaphore, #tpu.memory_space<semaphore_mem>>)
        %dma_wait3A = arith.constant 0 : i32
        %dma_wait3A_49 = tpu.memref_slice %arg9[%mul3A_45, %dma_wait3A] : memref<10000x128xf32, #tpu.memory_space<vmem_shared>> -> memref<1000x128xf32, #tpu.memory_space<vmem_shared>>
        %dma_wait3A_50 = arith.constant 0 : i32
        %dma_wait3A_51 = tpu.memref_slice %arg6[%mul3A_43, %dma_wait3A_50] : memref<10000x128xf32, #tpu.memory_space<hbm>> -> memref<1000x128xf32, #tpu.memory_space<hbm>>
        tpu.wait_dma2 semaphore(%run_scoped3A : memref<!tpu.dma_semaphore, #tpu.memory_space<semaphore_mem>>) src(%dma_wait3A_51 : memref<1000x128xf32, #tpu.memory_space<hbm>>) dst(%dma_wait3A_49 : memref<1000x128xf32, #tpu.memory_space<vmem_shared>>)
        tpu.yield
      }) : () -> ()
    } else {
    }
    %barrier3A = arith.constant 0 : index
    tpu.barrier barrier_id(%barrier3A)
    %while3A = arith.constant 0 : i32
    %while3A_6 = arith.subi %select_n3A, %while3A : i32
    %while3A_7 = arith.addi %while3A, %while3A_6 : i32
    %while3A_8 = arith.constant 1 : i32
    %while3A_9 = arith.divsi %while3A_6, %while3A_8 : i32
    %while3A_10 = arith.muli %while3A_9, %while3A_8 : i32
    %while3A_11 = arith.addi %while3A, %while3A_10 : i32
    %while3A_12 = arith.constant 1 : i32
    scf.for %while3A_42 = %while3A to %while3A_11 step %while3A_12  : i32 {
      %mul3A_43 = arith.constant 16 : i32
      %mul3A_44 = arith.muli %while3A_42, %mul3A_43 : i32
      %add3A = arith.addi %mul3A_44, %arg1 : i32
      %mul3A_45 = arith.constant 128 : i32
      %mul3A_46 = arith.muli %add3A, %mul3A_45 : i32
      %multiple_of3A = tpu.assume_multiple %mul3A_46, 128 : i32
      %run_scoped3A = arith.constant 0 : i32
      "tpu.region"() ({
        %run_scoped3A_122 = tpu.sem_alloc : memref<!tpu.dma_semaphore, #tpu.memory_space<semaphore_mem>>
        %dma_start3A_123 = arith.constant 0 : i32
        %dma_start3A_124 = tpu.memref_slice %arg4[%run_scoped3A, %dma_start3A_123] : memref<2x320000xi32, #tpu.memory_space<hbm>> -> memref<1x320000xi32, #tpu.memory_space<hbm>>
        %dma_start3A_125 = tpu.memref_squeeze %dma_start3A_124 : memref<1x320000xi32, #tpu.memory_space<hbm>> -> memref<320000xi32, #tpu.memory_space<hbm>>
        %dma_start3A_126 = tpu.memref_slice %dma_start3A_125[%multiple_of3A] : memref<320000xi32, #tpu.memory_space<hbm>> -> memref<128xi32, #tpu.memory_space<hbm>>
        %dma_start3A_127 = arith.constant 0 : i32
        %dma_start3A_128 = tpu.memref_slice %arg4[%run_scoped3A, %dma_start3A_127] : memref<2x320000xi32, #tpu.memory_space<hbm>> -> memref<1x320000xi32, #tpu.memory_space<hbm>>
        %dma_start3A_129 = tpu.memref_squeeze %dma_start3A_128 : memref<1x320000xi32, #tpu.memory_space<hbm>> -> memref<320000xi32, #tpu.memory_space<hbm>>
        %dma_start3A_130 = tpu.memref_slice %dma_start3A_129[%multiple_of3A] : memref<320000xi32, #tpu.memory_space<hbm>> -> memref<128xi32, #tpu.memory_space<hbm>>
        tpu.enqueue_dma source(%dma_start3A_130 : memref<128xi32, #tpu.memory_space<hbm>>) target(%arg10 : memref<128xi32, #tpu.memory_space<vmem>>) target_semaphore(%run_scoped3A_122 : memref<!tpu.dma_semaphore, #tpu.memory_space<semaphore_mem>>)
        %dma_wait3A_131 = arith.constant 0 : i32
        %dma_wait3A_132 = tpu.memref_slice %arg4[%run_scoped3A, %dma_wait3A_131] : memref<2x320000xi32, #tpu.memory_space<hbm>> -> memref<1x320000xi32, #tpu.memory_space<hbm>>
        %dma_wait3A_133 = tpu.memref_squeeze %dma_wait3A_132 : memref<1x320000xi32, #tpu.memory_space<hbm>> -> memref<320000xi32, #tpu.memory_space<hbm>>
        %dma_wait3A_134 = tpu.memref_slice %dma_wait3A_133[%multiple_of3A] : memref<320000xi32, #tpu.memory_space<hbm>> -> memref<128xi32, #tpu.memory_space<hbm>>
        %dma_wait3A_135 = arith.constant 0 : i32
        %dma_wait3A_136 = tpu.memref_slice %arg4[%run_scoped3A, %dma_wait3A_135] : memref<2x320000xi32, #tpu.memory_space<hbm>> -> memref<1x320000xi32, #tpu.memory_space<hbm>>
        %dma_wait3A_137 = tpu.memref_squeeze %dma_wait3A_136 : memref<1x320000xi32, #tpu.memory_space<hbm>> -> memref<320000xi32, #tpu.memory_space<hbm>>
        %dma_wait3A_138 = tpu.memref_slice %dma_wait3A_137[%multiple_of3A] : memref<320000xi32, #tpu.memory_space<hbm>> -> memref<128xi32, #tpu.memory_space<hbm>>
        tpu.wait_dma2 semaphore(%run_scoped3A_122 : memref<!tpu.dma_semaphore, #tpu.memory_space<semaphore_mem>>) src(%dma_wait3A_138 : memref<128xi32, #tpu.memory_space<hbm>>) dst(%arg10 : memref<128xi32, #tpu.memory_space<vmem>>)
        tpu.yield
      }) : () -> ()
      %get3A = arith.constant 0 : index
      %get3A_47 = tpu.vector_load %arg10[%get3A] {strides = array<i32>} : memref<128xi32, #tpu.memory_space<vmem>>, vector<16xi32>,
      %get3A_48 = vector.shape_cast %get3A_47 : vector<16xi32> to vector<16xi32>
      %add3A_49 = vector.broadcast %mul3A_0 : i32 to vector<16xi32>
      %add3A_50 = arith.addi %get3A_48, %add3A_49 : vector<16xi32>
      %swap3A = arith.constant 0 : index
      %swap3A_51 = tpu.vector_load %arg10[%swap3A] {strides = array<i32>} : memref<128xi32, #tpu.memory_space<vmem>>, vector<16xi32>,
      %swap3A_52 = vector.shape_cast %swap3A_51 : vector<16xi32> to vector<16xi32>
      %swap3A_53 = vector.shape_cast %add3A_50 : vector<16xi32> to vector<16xi32>
      tpu.vector_store %arg10[%swap3A], %swap3A_53 {strides = array<i32>} : memref<128xi32, #tpu.memory_space<vmem>>, vector<16xi32>,
      %get3A_54 = arith.constant 16 : index
      %get3A_55 = tpu.vector_load %arg10[%get3A_54] {strides = array<i32>} : memref<128xi32, #tpu.memory_space<vmem>>, vector<16xi32>,
      %get3A_56 = vector.shape_cast %get3A_55 : vector<16xi32> to vector<16xi32>
      %add3A_57 = vector.broadcast %mul3A_0 : i32 to vector<16xi32>
      %add3A_58 = arith.addi %get3A_56, %add3A_57 : vector<16xi32>
      %swap3A_59 = arith.constant 16 : index
      %swap3A_60 = tpu.vector_load %arg10[%swap3A_59] {strides = array<i32>} : memref<128xi32, #tpu.memory_space<vmem>>, vector<16xi32>,
      %swap3A_61 = vector.shape_cast %swap3A_60 : vector<16xi32> to vector<16xi32>
      %swap3A_62 = vector.shape_cast %add3A_58 : vector<16xi32> to vector<16xi32>
      tpu.vector_store %arg10[%swap3A_59], %swap3A_62 {strides = array<i32>} : memref<128xi32, #tpu.memory_space<vmem>>, vector<16xi32>,
      %get3A_63 = arith.constant 32 : index
      %get3A_64 = tpu.vector_load %arg10[%get3A_63] {strides = array<i32>} : memref<128xi32, #tpu.memory_space<vmem>>, vector<16xi32>,
      %get3A_65 = vector.shape_cast %get3A_64 : vector<16xi32> to vector<16xi32>
      %add3A_66 = vector.broadcast %mul3A_0 : i32 to vector<16xi32>
      %add3A_67 = arith.addi %get3A_65, %add3A_66 : vector<16xi32>
      %swap3A_68 = arith.constant 32 : index
      %swap3A_69 = tpu.vector_load %arg10[%swap3A_68] {strides = array<i32>} : memref<128xi32, #tpu.memory_space<vmem>>, vector<16xi32>,
      %swap3A_70 = vector.shape_cast %swap3A_69 : vector<16xi32> to vector<16xi32>
      %swap3A_71 = vector.shape_cast %add3A_67 : vector<16xi32> to vector<16xi32>
      tpu.vector_store %arg10[%swap3A_68], %swap3A_71 {strides = array<i32>} : memref<128xi32, #tpu.memory_space<vmem>>, vector<16xi32>,
      %get3A_72 = arith.constant 48 : index
      %get3A_73 = tpu.vector_load %arg10[%get3A_72] {strides = array<i32>} : memref<128xi32, #tpu.memory_space<vmem>>, vector<16xi32>,
      %get3A_74 = vector.shape_cast %get3A_73 : vector<16xi32> to vector<16xi32>
      %add3A_75 = vector.broadcast %mul3A_0 : i32 to vector<16xi32>
      %add3A_76 = arith.addi %get3A_74, %add3A_75 : vector<16xi32>
      %swap3A_77 = arith.constant 48 : index
      %swap3A_78 = tpu.vector_load %arg10[%swap3A_77] {strides = array<i32>} : memref<128xi32, #tpu.memory_space<vmem>>, vector<16xi32>,
      %swap3A_79 = vector.shape_cast %swap3A_78 : vector<16xi32> to vector<16xi32>
      %swap3A_80 = vector.shape_cast %add3A_76 : vector<16xi32> to vector<16xi32>
      tpu.vector_store %arg10[%swap3A_77], %swap3A_80 {strides = array<i32>} : memref<128xi32, #tpu.memory_space<vmem>>, vector<16xi32>,
      %get3A_81 = arith.constant 64 : index
      %get3A_82 = tpu.vector_load %arg10[%get3A_81] {strides = array<i32>} : memref<128xi32, #tpu.memory_space<vmem>>, vector<16xi32>,
      %get3A_83 = vector.shape_cast %get3A_82 : vector<16xi32> to vector<16xi32>
      %add3A_84 = vector.broadcast %mul3A_0 : i32 to vector<16xi32>
      %add3A_85 = arith.addi %get3A_83, %add3A_84 : vector<16xi32>
      %swap3A_86 = arith.constant 64 : index
      %swap3A_87 = tpu.vector_load %arg10[%swap3A_86] {strides = array<i32>} : memref<128xi32, #tpu.memory_space<vmem>>, vector<16xi32>,
      %swap3A_88 = vector.shape_cast %swap3A_87 : vector<16xi32> to vector<16xi32>
      %swap3A_89 = vector.shape_cast %add3A_85 : vector<16xi32> to vector<16xi32>
      tpu.vector_store %arg10[%swap3A_86], %swap3A_89 {strides = array<i32>} : memref<128xi32, #tpu.memory_space<vmem>>, vector<16xi32>,
      %get3A_90 = arith.constant 80 : index
      %get3A_91 = tpu.vector_load %arg10[%get3A_90] {strides = array<i32>} : memref<128xi32, #tpu.memory_space<vmem>>, vector<16xi32>,
      %get3A_92 = vector.shape_cast %get3A_91 : vector<16xi32> to vector<16xi32>
      %add3A_93 = vector.broadcast %mul3A_0 : i32 to vector<16xi32>
      %add3A_94 = arith.addi %get3A_92, %add3A_93 : vector<16xi32>
      %swap3A_95 = arith.constant 80 : index
      %swap3A_96 = tpu.vector_load %arg10[%swap3A_95] {strides = array<i32>} : memref<128xi32, #tpu.memory_space<vmem>>, vector<16xi32>,
      %swap3A_97 = vector.shape_cast %swap3A_96 : vector<16xi32> to vector<16xi32>
      %swap3A_98 = vector.shape_cast %add3A_94 : vector<16xi32> to vector<16xi32>
      tpu.vector_store %arg10[%swap3A_95], %swap3A_98 {strides = array<i32>} : memref<128xi32, #tpu.memory_space<vmem>>, vector<16xi32>,
      %get3A_99 = arith.constant 96 : index
      %get3A_100 = tpu.vector_load %arg10[%get3A_99] {strides = array<i32>} : memref<128xi32, #tpu.memory_space<vmem>>, vector<16xi32>,
      %get3A_101 = vector.shape_cast %get3A_100 : vector<16xi32> to vector<16xi32>
      %add3A_102 = vector.broadcast %mul3A_0 : i32 to vector<16xi32>
      %add3A_103 = arith.addi %get3A_101, %add3A_102 : vector<16xi32>
      %swap3A_104 = arith.constant 96 : index
      %swap3A_105 = tpu.vector_load %arg10[%swap3A_104] {strides = array<i32>} : memref<128xi32, #tpu.memory_space<vmem>>, vector<16xi32>,
      %swap3A_106 = vector.shape_cast %swap3A_105 : vector<16xi32> to vector<16xi32>
      %swap3A_107 = vector.shape_cast %add3A_103 : vector<16xi32> to vector<16xi32>
      tpu.vector_store %arg10[%swap3A_104], %swap3A_107 {strides = array<i32>} : memref<128xi32, #tpu.memory_space<vmem>>, vector<16xi32>,
      %get3A_108 = arith.constant 112 : index
      %get3A_109 = tpu.vector_load %arg10[%get3A_108] {strides = array<i32>} : memref<128xi32, #tpu.memory_space<vmem>>, vector<16xi32>,
      %get3A_110 = vector.shape_cast %get3A_109 : vector<16xi32> to vector<16xi32>
      %add3A_111 = vector.broadcast %mul3A_0 : i32 to vector<16xi32>
      %add3A_112 = arith.addi %get3A_110, %add3A_111 : vector<16xi32>
      %swap3A_113 = arith.constant 112 : index
      %swap3A_114 = tpu.vector_load %arg10[%swap3A_113] {strides = array<i32>} : memref<128xi32, #tpu.memory_space<vmem>>, vector<16xi32>,
      %swap3A_115 = vector.shape_cast %swap3A_114 : vector<16xi32> to vector<16xi32>
      %swap3A_116 = vector.shape_cast %add3A_112 : vector<16xi32> to vector<16xi32>
      tpu.vector_store %arg10[%swap3A_113], %swap3A_116 {strides = array<i32>} : memref<128xi32, #tpu.memory_space<vmem>>, vector<16xi32>,
      %dma_start3A = arith.constant 0 : i32
      %dma_start3A_117 = arith.constant 0 : i32
      %dma_start3A_118 = tpu.memref_slice %arg2[%dma_start3A, %dma_start3A_117] : memref<20000x128xf32, #tpu.memory_space<hbm>> -> memref<20000x128xf32, #tpu.memory_space<hbm>>
      tpu.enqueue_indirect_dma source(%dma_start3A_118 : memref<20000x128xf32, #tpu.memory_space<hbm>>) target(%arg12 : memref<128x128xf32, #tpu.memory_space<vmem>>) offsets(%arg10 : memref<128xi32, #tpu.memory_space<vmem>>) semaphore(%arg13 : memref<!tpu.dma_semaphore, #tpu.memory_space<semaphore_mem>>)
      %dma_wait3A = arith.constant 0 : i32
      %dma_wait3A_119 = arith.constant 0 : i32
      %dma_wait3A_120 = tpu.memref_slice %arg2[%dma_wait3A, %dma_wait3A_119] : memref<20000x128xf32, #tpu.memory_space<hbm>> -> memref<20000x128xf32, #tpu.memory_space<hbm>>
      tpu.wait_indirect_dma semaphore(%arg13 : memref<!tpu.dma_semaphore, #tpu.memory_space<semaphore_mem>>) src(%dma_wait3A_120 : memref<20000x128xf32, #tpu.memory_space<hbm>>) dst(%arg12 : memref<128x128xf32, #tpu.memory_space<vmem>>)
      %run_scoped3A_121 = arith.constant 1 : i32
      "tpu.region"() ({
        %run_scoped3A_122 = tpu.sem_alloc : memref<!tpu.dma_semaphore, #tpu.memory_space<semaphore_mem>>
        %dma_start3A_123 = arith.constant 0 : i32
        %dma_start3A_124 = tpu.memref_slice %arg4[%run_scoped3A_121, %dma_start3A_123] : memref<2x320000xi32, #tpu.memory_space<hbm>> -> memref<1x320000xi32, #tpu.memory_space<hbm>>
        %dma_start3A_125 = tpu.memref_squeeze %dma_start3A_124 : memref<1x320000xi32, #tpu.memory_space<hbm>> -> memref<320000xi32, #tpu.memory_space<hbm>>
        %dma_start3A_126 = tpu.memref_slice %dma_start3A_125[%multiple_of3A] : memref<320000xi32, #tpu.memory_space<hbm>> -> memref<128xi32, #tpu.memory_space<hbm>>
        %dma_start3A_127 = arith.constant 0 : i32
        %dma_start3A_128 = tpu.memref_slice %arg4[%run_scoped3A_121, %dma_start3A_127] : memref<2x320000xi32, #tpu.memory_space<hbm>> -> memref<1x320000xi32, #tpu.memory_space<hbm>>
        %dma_start3A_129 = tpu.memref_squeeze %dma_start3A_128 : memref<1x320000xi32, #tpu.memory_space<hbm>> -> memref<320000xi32, #tpu.memory_space<hbm>>
        %dma_start3A_130 = tpu.memref_slice %dma_start3A_129[%multiple_of3A] : memref<320000xi32, #tpu.memory_space<hbm>> -> memref<128xi32, #tpu.memory_space<hbm>>
        tpu.enqueue_dma source(%dma_start3A_130 : memref<128xi32, #tpu.memory_space<hbm>>) target(%arg11 : memref<128xi32, #tpu.memory_space<vmem>>) target_semaphore(%run_scoped3A_122 : memref<!tpu.dma_semaphore, #tpu.memory_space<semaphore_mem>>)
        %dma_wait3A_131 = arith.constant 0 : i32
        %dma_wait3A_132 = tpu.memref_slice %arg4[%run_scoped3A_121, %dma_wait3A_131] : memref<2x320000xi32, #tpu.memory_space<hbm>> -> memref<1x320000xi32, #tpu.memory_space<hbm>>
        %dma_wait3A_133 = tpu.memref_squeeze %dma_wait3A_132 : memref<1x320000xi32, #tpu.memory_space<hbm>> -> memref<320000xi32, #tpu.memory_space<hbm>>
        %dma_wait3A_134 = tpu.memref_slice %dma_wait3A_133[%multiple_of3A] : memref<320000xi32, #tpu.memory_space<hbm>> -> memref<128xi32, #tpu.memory_space<hbm>>
        %dma_wait3A_135 = arith.constant 0 : i32
        %dma_wait3A_136 = tpu.memref_slice %arg4[%run_scoped3A_121, %dma_wait3A_135] : memref<2x320000xi32, #tpu.memory_space<hbm>> -> memref<1x320000xi32, #tpu.memory_space<hbm>>
        %dma_wait3A_137 = tpu.memref_squeeze %dma_wait3A_136 : memref<1x320000xi32, #tpu.memory_space<hbm>> -> memref<320000xi32, #tpu.memory_space<hbm>>
        %dma_wait3A_138 = tpu.memref_slice %dma_wait3A_137[%multiple_of3A] : memref<320000xi32, #tpu.memory_space<hbm>> -> memref<128xi32, #tpu.memory_space<hbm>>
        tpu.wait_dma2 semaphore(%run_scoped3A_122 : memref<!tpu.dma_semaphore, #tpu.memory_space<semaphore_mem>>) src(%dma_wait3A_138 : memref<128xi32, #tpu.memory_space<hbm>>) dst(%arg11 : memref<128xi32, #tpu.memory_space<vmem>>)
        tpu.yield
      }) : () -> ()
      "tpu.region"() ({
        %run_scoped3A_122 = tpu.sem_alloc : memref<!tpu.dma_semaphore, #tpu.memory_space<semaphore_mem>>
        %dma_start3A_123 = arith.constant 0 : i32
        %dma_start3A_124 = arith.constant 0 : i32
        %dma_start3A_125 = tpu.memref_slice %arg9[%dma_start3A_123, %dma_start3A_124] : memref<10000x128xf32, #tpu.memory_space<vmem_shared>> -> memref<10000x128xf32, #tpu.memory_space<vmem_shared>>
        tpu.enqueue_indirect_dma source(%arg12 : memref<128x128xf32, #tpu.memory_space<vmem>>) target(%dma_start3A_125 : memref<10000x128xf32, #tpu.memory_space<vmem_shared>>) offsets(%arg11 : memref<128xi32, #tpu.memory_space<vmem>>) semaphore(%run_scoped3A_122 : memref<!tpu.dma_semaphore, #tpu.memory_space<semaphore_mem>>) {add = true}
        %dma_wait3A_126 = arith.constant 0 : i32
        %dma_wait3A_127 = arith.constant 0 : i32
        %dma_wait3A_128 = tpu.memref_slice %arg9[%dma_wait3A_126, %dma_wait3A_127] : memref<10000x128xf32, #tpu.memory_space<vmem_shared>> -> memref<10000x128xf32, #tpu.memory_space<vmem_shared>>
        tpu.wait_indirect_dma semaphore(%run_scoped3A_122 : memref<!tpu.dma_semaphore, #tpu.memory_space<semaphore_mem>>) src(%arg12 : memref<128x128xf32, #tpu.memory_space<vmem>>) dst(%dma_wait3A_128 : memref<10000x128xf32, #tpu.memory_space<vmem_shared>>)
        tpu.yield
      }) : () -> ()
    }
    %while3A_13 = arith.constant 1 : i32
    scf.for %while3A_42 = %while3A_11 to %while3A_7 step %while3A_13  : i32 {
      %mul3A_43 = arith.constant 16 : i32
      %mul3A_44 = arith.muli %while3A_42, %mul3A_43 : i32
      %add3A = arith.addi %mul3A_44, %arg1 : i32
      %mul3A_45 = arith.constant 128 : i32
      %mul3A_46 = arith.muli %add3A, %mul3A_45 : i32
      %multiple_of3A = tpu.assume_multiple %mul3A_46, 128 : i32
      %run_scoped3A = arith.constant 0 : i32
      "tpu.region"() ({
        %run_scoped3A_122 = tpu.sem_alloc : memref<!tpu.dma_semaphore, #tpu.memory_space<semaphore_mem>>
        %dma_start3A_123 = arith.constant 0 : i32
        %dma_start3A_124 = tpu.memref_slice %arg4[%run_scoped3A, %dma_start3A_123] : memref<2x320000xi32, #tpu.memory_space<hbm>> -> memref<1x320000xi32, #tpu.memory_space<hbm>>
        %dma_start3A_125 = tpu.memref_squeeze %dma_start3A_124 : memref<1x320000xi32, #tpu.memory_space<hbm>> -> memref<320000xi32, #tpu.memory_space<hbm>>
        %dma_start3A_126 = tpu.memref_slice %dma_start3A_125[%multiple_of3A] : memref<320000xi32, #tpu.memory_space<hbm>> -> memref<128xi32, #tpu.memory_space<hbm>>
        %dma_start3A_127 = arith.constant 0 : i32
        %dma_start3A_128 = tpu.memref_slice %arg4[%run_scoped3A, %dma_start3A_127] : memref<2x320000xi32, #tpu.memory_space<hbm>> -> memref<1x320000xi32, #tpu.memory_space<hbm>>
        %dma_start3A_129 = tpu.memref_squeeze %dma_start3A_128 : memref<1x320000xi32, #tpu.memory_space<hbm>> -> memref<320000xi32, #tpu.memory_space<hbm>>
        %dma_start3A_130 = tpu.memref_slice %dma_start3A_129[%multiple_of3A] : memref<320000xi32, #tpu.memory_space<hbm>> -> memref<128xi32, #tpu.memory_space<hbm>>
        tpu.enqueue_dma source(%dma_start3A_130 : memref<128xi32, #tpu.memory_space<hbm>>) target(%arg10 : memref<128xi32, #tpu.memory_space<vmem>>) target_semaphore(%run_scoped3A_122 : memref<!tpu.dma_semaphore, #tpu.memory_space<semaphore_mem>>)
        %dma_wait3A_131 = arith.constant 0 : i32
        %dma_wait3A_132 = tpu.memref_slice %arg4[%run_scoped3A, %dma_wait3A_131] : memref<2x320000xi32, #tpu.memory_space<hbm>> -> memref<1x320000xi32, #tpu.memory_space<hbm>>
        %dma_wait3A_133 = tpu.memref_squeeze %dma_wait3A_132 : memref<1x320000xi32, #tpu.memory_space<hbm>> -> memref<320000xi32, #tpu.memory_space<hbm>>
        %dma_wait3A_134 = tpu.memref_slice %dma_wait3A_133[%multiple_of3A] : memref<320000xi32, #tpu.memory_space<hbm>> -> memref<128xi32, #tpu.memory_space<hbm>>
        %dma_wait3A_135 = arith.constant 0 : i32
        %dma_wait3A_136 = tpu.memref_slice %arg4[%run_scoped3A, %dma_wait3A_135] : memref<2x320000xi32, #tpu.memory_space<hbm>> -> memref<1x320000xi32, #tpu.memory_space<hbm>>
        %dma_wait3A_137 = tpu.memref_squeeze %dma_wait3A_136 : memref<1x320000xi32, #tpu.memory_space<hbm>> -> memref<320000xi32, #tpu.memory_space<hbm>>
        %dma_wait3A_138 = tpu.memref_slice %dma_wait3A_137[%multiple_of3A] : memref<320000xi32, #tpu.memory_space<hbm>> -> memref<128xi32, #tpu.memory_space<hbm>>
        tpu.wait_dma2 semaphore(%run_scoped3A_122 : memref<!tpu.dma_semaphore, #tpu.memory_space<semaphore_mem>>) src(%dma_wait3A_138 : memref<128xi32, #tpu.memory_space<hbm>>) dst(%arg10 : memref<128xi32, #tpu.memory_space<vmem>>)
        tpu.yield
      }) : () -> ()
      %get3A = arith.constant 0 : index
      %get3A_47 = tpu.vector_load %arg10[%get3A] {strides = array<i32>} : memref<128xi32, #tpu.memory_space<vmem>>, vector<16xi32>,
      %get3A_48 = vector.shape_cast %get3A_47 : vector<16xi32> to vector<16xi32>
      %add3A_49 = vector.broadcast %mul3A_0 : i32 to vector<16xi32>
      %add3A_50 = arith.addi %get3A_48, %add3A_49 : vector<16xi32>
      %swap3A = arith.constant 0 : index
      %swap3A_51 = tpu.vector_load %arg10[%swap3A] {strides = array<i32>} : memref<128xi32, #tpu.memory_space<vmem>>, vector<16xi32>,
      %swap3A_52 = vector.shape_cast %swap3A_51 : vector<16xi32> to vector<16xi32>
      %swap3A_53 = vector.shape_cast %add3A_50 : vector<16xi32> to vector<16xi32>
      tpu.vector_store %arg10[%swap3A], %swap3A_53 {strides = array<i32>} : memref<128xi32, #tpu.memory_space<vmem>>, vector<16xi32>,
      %get3A_54 = arith.constant 16 : index
      %get3A_55 = tpu.vector_load %arg10[%get3A_54] {strides = array<i32>} : memref<128xi32, #tpu.memory_space<vmem>>, vector<16xi32>,
      %get3A_56 = vector.shape_cast %get3A_55 : vector<16xi32> to vector<16xi32>
      %add3A_57 = vector.broadcast %mul3A_0 : i32 to vector<16xi32>
      %add3A_58 = arith.addi %get3A_56, %add3A_57 : vector<16xi32>
      %swap3A_59 = arith.constant 16 : index
      %swap3A_60 = tpu.vector_load %arg10[%swap3A_59] {strides = array<i32>} : memref<128xi32, #tpu.memory_space<vmem>>, vector<16xi32>,
      %swap3A_61 = vector.shape_cast %swap3A_60 : vector<16xi32> to vector<16xi32>
      %swap3A_62 = vector.shape_cast %add3A_58 : vector<16xi32> to vector<16xi32>
      tpu.vector_store %arg10[%swap3A_59], %swap3A_62 {strides = array<i32>} : memref<128xi32, #tpu.memory_space<vmem>>, vector<16xi32>,
      %get3A_63 = arith.constant 32 : index
      %get3A_64 = tpu.vector_load %arg10[%get3A_63] {strides = array<i32>} : memref<128xi32, #tpu.memory_space<vmem>>, vector<16xi32>,
      %get3A_65 = vector.shape_cast %get3A_64 : vector<16xi32> to vector<16xi32>
      %add3A_66 = vector.broadcast %mul3A_0 : i32 to vector<16xi32>
      %add3A_67 = arith.addi %get3A_65, %add3A_66 : vector<16xi32>
      %swap3A_68 = arith.constant 32 : index
      %swap3A_69 = tpu.vector_load %arg10[%swap3A_68] {strides = array<i32>} : memref<128xi32, #tpu.memory_space<vmem>>, vector<16xi32>,
      %swap3A_70 = vector.shape_cast %swap3A_69 : vector<16xi32> to vector<16xi32>
      %swap3A_71 = vector.shape_cast %add3A_67 : vector<16xi32> to vector<16xi32>
      tpu.vector_store %arg10[%swap3A_68], %swap3A_71 {strides = array<i32>} : memref<128xi32, #tpu.memory_space<vmem>>, vector<16xi32>,
      %get3A_72 = arith.constant 48 : index
      %get3A_73 = tpu.vector_load %arg10[%get3A_72] {strides = array<i32>} : memref<128xi32, #tpu.memory_space<vmem>>, vector<16xi32>,
      %get3A_74 = vector.shape_cast %get3A_73 : vector<16xi32> to vector<16xi32>
      %add3A_75 = vector.broadcast %mul3A_0 : i32 to vector<16xi32>
      %add3A_76 = arith.addi %get3A_74, %add3A_75 : vector<16xi32>
      %swap3A_77 = arith.constant 48 : index
      %swap3A_78 = tpu.vector_load %arg10[%swap3A_77] {strides = array<i32>} : memref<128xi32, #tpu.memory_space<vmem>>, vector<16xi32>,
      %swap3A_79 = vector.shape_cast %swap3A_78 : vector<16xi32> to vector<16xi32>
      %swap3A_80 = vector.shape_cast %add3A_76 : vector<16xi32> to vector<16xi32>
      tpu.vector_store %arg10[%swap3A_77], %swap3A_80 {strides = array<i32>} : memref<128xi32, #tpu.memory_space<vmem>>, vector<16xi32>,
      %get3A_81 = arith.constant 64 : index
      %get3A_82 = tpu.vector_load %arg10[%get3A_81] {strides = array<i32>} : memref<128xi32, #tpu.memory_space<vmem>>, vector<16xi32>,
      %get3A_83 = vector.shape_cast %get3A_82 : vector<16xi32> to vector<16xi32>
      %add3A_84 = vector.broadcast %mul3A_0 : i32 to vector<16xi32>
      %add3A_85 = arith.addi %get3A_83, %add3A_84 : vector<16xi32>
      %swap3A_86 = arith.constant 64 : index
      %swap3A_87 = tpu.vector_load %arg10[%swap3A_86] {strides = array<i32>} : memref<128xi32, #tpu.memory_space<vmem>>, vector<16xi32>,
      %swap3A_88 = vector.shape_cast %swap3A_87 : vector<16xi32> to vector<16xi32>
      %swap3A_89 = vector.shape_cast %add3A_85 : vector<16xi32> to vector<16xi32>
      tpu.vector_store %arg10[%swap3A_86], %swap3A_89 {strides = array<i32>} : memref<128xi32, #tpu.memory_space<vmem>>, vector<16xi32>,
      %get3A_90 = arith.constant 80 : index
      %get3A_91 = tpu.vector_load %arg10[%get3A_90] {strides = array<i32>} : memref<128xi32, #tpu.memory_space<vmem>>, vector<16xi32>,
      %get3A_92 = vector.shape_cast %get3A_91 : vector<16xi32> to vector<16xi32>
      %add3A_93 = vector.broadcast %mul3A_0 : i32 to vector<16xi32>
      %add3A_94 = arith.addi %get3A_92, %add3A_93 : vector<16xi32>
      %swap3A_95 = arith.constant 80 : index
      %swap3A_96 = tpu.vector_load %arg10[%swap3A_95] {strides = array<i32>} : memref<128xi32, #tpu.memory_space<vmem>>, vector<16xi32>,
      %swap3A_97 = vector.shape_cast %swap3A_96 : vector<16xi32> to vector<16xi32>
      %swap3A_98 = vector.shape_cast %add3A_94 : vector<16xi32> to vector<16xi32>
      tpu.vector_store %arg10[%swap3A_95], %swap3A_98 {strides = array<i32>} : memref<128xi32, #tpu.memory_space<vmem>>, vector<16xi32>,
      %get3A_99 = arith.constant 96 : index
      %get3A_100 = tpu.vector_load %arg10[%get3A_99] {strides = array<i32>} : memref<128xi32, #tpu.memory_space<vmem>>, vector<16xi32>,
      %get3A_101 = vector.shape_cast %get3A_100 : vector<16xi32> to vector<16xi32>
      %add3A_102 = vector.broadcast %mul3A_0 : i32 to vector<16xi32>
      %add3A_103 = arith.addi %get3A_101, %add3A_102 : vector<16xi32>
      %swap3A_104 = arith.constant 96 : index
      %swap3A_105 = tpu.vector_load %arg10[%swap3A_104] {strides = array<i32>} : memref<128xi32, #tpu.memory_space<vmem>>, vector<16xi32>,
      %swap3A_106 = vector.shape_cast %swap3A_105 : vector<16xi32> to vector<16xi32>
      %swap3A_107 = vector.shape_cast %add3A_103 : vector<16xi32> to vector<16xi32>
      tpu.vector_store %arg10[%swap3A_104], %swap3A_107 {strides = array<i32>} : memref<128xi32, #tpu.memory_space<vmem>>, vector<16xi32>,
      %get3A_108 = arith.constant 112 : index
      %get3A_109 = tpu.vector_load %arg10[%get3A_108] {strides = array<i32>} : memref<128xi32, #tpu.memory_space<vmem>>, vector<16xi32>,
      %get3A_110 = vector.shape_cast %get3A_109 : vector<16xi32> to vector<16xi32>
      %add3A_111 = vector.broadcast %mul3A_0 : i32 to vector<16xi32>
      %add3A_112 = arith.addi %get3A_110, %add3A_111 : vector<16xi32>
      %swap3A_113 = arith.constant 112 : index
      %swap3A_114 = tpu.vector_load %arg10[%swap3A_113] {strides = array<i32>} : memref<128xi32, #tpu.memory_space<vmem>>, vector<16xi32>,
      %swap3A_115 = vector.shape_cast %swap3A_114 : vector<16xi32> to vector<16xi32>
      %swap3A_116 = vector.shape_cast %add3A_112 : vector<16xi32> to vector<16xi32>
      tpu.vector_store %arg10[%swap3A_113], %swap3A_116 {strides = array<i32>} : memref<128xi32, #tpu.memory_space<vmem>>, vector<16xi32>,
      %dma_start3A = arith.constant 0 : i32
      %dma_start3A_117 = arith.constant 0 : i32
      %dma_start3A_118 = tpu.memref_slice %arg2[%dma_start3A, %dma_start3A_117] : memref<20000x128xf32, #tpu.memory_space<hbm>> -> memref<20000x128xf32, #tpu.memory_space<hbm>>
      tpu.enqueue_indirect_dma source(%dma_start3A_118 : memref<20000x128xf32, #tpu.memory_space<hbm>>) target(%arg12 : memref<128x128xf32, #tpu.memory_space<vmem>>) offsets(%arg10 : memref<128xi32, #tpu.memory_space<vmem>>) semaphore(%arg13 : memref<!tpu.dma_semaphore, #tpu.memory_space<semaphore_mem>>)
      %dma_wait3A = arith.constant 0 : i32
      %dma_wait3A_119 = arith.constant 0 : i32
      %dma_wait3A_120 = tpu.memref_slice %arg2[%dma_wait3A, %dma_wait3A_119] : memref<20000x128xf32, #tpu.memory_space<hbm>> -> memref<20000x128xf32, #tpu.memory_space<hbm>>
      tpu.wait_indirect_dma semaphore(%arg13 : memref<!tpu.dma_semaphore, #tpu.memory_space<semaphore_mem>>) src(%dma_wait3A_120 : memref<20000x128xf32, #tpu.memory_space<hbm>>) dst(%arg12 : memref<128x128xf32, #tpu.memory_space<vmem>>)
      %run_scoped3A_121 = arith.constant 1 : i32
      "tpu.region"() ({
        %run_scoped3A_122 = tpu.sem_alloc : memref<!tpu.dma_semaphore, #tpu.memory_space<semaphore_mem>>
        %dma_start3A_123 = arith.constant 0 : i32
        %dma_start3A_124 = tpu.memref_slice %arg4[%run_scoped3A_121, %dma_start3A_123] : memref<2x320000xi32, #tpu.memory_space<hbm>> -> memref<1x320000xi32, #tpu.memory_space<hbm>>
        %dma_start3A_125 = tpu.memref_squeeze %dma_start3A_124 : memref<1x320000xi32, #tpu.memory_space<hbm>> -> memref<320000xi32, #tpu.memory_space<hbm>>
        %dma_start3A_126 = tpu.memref_slice %dma_start3A_125[%multiple_of3A] : memref<320000xi32, #tpu.memory_space<hbm>> -> memref<128xi32, #tpu.memory_space<hbm>>
        %dma_start3A_127 = arith.constant 0 : i32
        %dma_start3A_128 = tpu.memref_slice %arg4[%run_scoped3A_121, %dma_start3A_127] : memref<2x320000xi32, #tpu.memory_space<hbm>> -> memref<1x320000xi32, #tpu.memory_space<hbm>>
        %dma_start3A_129 = tpu.memref_squeeze %dma_start3A_128 : memref<1x320000xi32, #tpu.memory_space<hbm>> -> memref<320000xi32, #tpu.memory_space<hbm>>
        %dma_start3A_130 = tpu.memref_slice %dma_start3A_129[%multiple_of3A] : memref<320000xi32, #tpu.memory_space<hbm>> -> memref<128xi32, #tpu.memory_space<hbm>>
        tpu.enqueue_dma source(%dma_start3A_130 : memref<128xi32, #tpu.memory_space<hbm>>) target(%arg11 : memref<128xi32, #tpu.memory_space<vmem>>) target_semaphore(%run_scoped3A_122 : memref<!tpu.dma_semaphore, #tpu.memory_space<semaphore_mem>>)
        %dma_wait3A_131 = arith.constant 0 : i32
        %dma_wait3A_132 = tpu.memref_slice %arg4[%run_scoped3A_121, %dma_wait3A_131] : memref<2x320000xi32, #tpu.memory_space<hbm>> -> memref<1x320000xi32, #tpu.memory_space<hbm>>
        %dma_wait3A_133 = tpu.memref_squeeze %dma_wait3A_132 : memref<1x320000xi32, #tpu.memory_space<hbm>> -> memref<320000xi32, #tpu.memory_space<hbm>>
        %dma_wait3A_134 = tpu.memref_slice %dma_wait3A_133[%multiple_of3A] : memref<320000xi32, #tpu.memory_space<hbm>> -> memref<128xi32, #tpu.memory_space<hbm>>
        %dma_wait3A_135 = arith.constant 0 : i32
        %dma_wait3A_136 = tpu.memref_slice %arg4[%run_scoped3A_121, %dma_wait3A_135] : memref<2x320000xi32, #tpu.memory_space<hbm>> -> memref<1x320000xi32, #tpu.memory_space<hbm>>
        %dma_wait3A_137 = tpu.memref_squeeze %dma_wait3A_136 : memref<1x320000xi32, #tpu.memory_space<hbm>> -> memref<320000xi32, #tpu.memory_space<hbm>>
        %dma_wait3A_138 = tpu.memref_slice %dma_wait3A_137[%multiple_of3A] : memref<320000xi32, #tpu.memory_space<hbm>> -> memref<128xi32, #tpu.memory_space<hbm>>
        tpu.wait_dma2 semaphore(%run_scoped3A_122 : memref<!tpu.dma_semaphore, #tpu.memory_space<semaphore_mem>>) src(%dma_wait3A_138 : memref<128xi32, #tpu.memory_space<hbm>>) dst(%arg11 : memref<128xi32, #tpu.memory_space<vmem>>)
        tpu.yield
      }) : () -> ()
      "tpu.region"() ({
        %run_scoped3A_122 = tpu.sem_alloc : memref<!tpu.dma_semaphore, #tpu.memory_space<semaphore_mem>>
        %dma_start3A_123 = arith.constant 0 : i32
        %dma_start3A_124 = arith.constant 0 : i32
        %dma_start3A_125 = tpu.memref_slice %arg9[%dma_start3A_123, %dma_start3A_124] : memref<10000x128xf32, #tpu.memory_space<vmem_shared>> -> memref<10000x128xf32, #tpu.memory_space<vmem_shared>>
        tpu.enqueue_indirect_dma source(%arg12 : memref<128x128xf32, #tpu.memory_space<vmem>>) target(%dma_start3A_125 : memref<10000x128xf32, #tpu.memory_space<vmem_shared>>) offsets(%arg11 : memref<128xi32, #tpu.memory_space<vmem>>) semaphore(%run_scoped3A_122 : memref<!tpu.dma_semaphore, #tpu.memory_space<semaphore_mem>>) {add = true}
        %dma_wait3A_126 = arith.constant 0 : i32
        %dma_wait3A_127 = arith.constant 0 : i32
        %dma_wait3A_128 = tpu.memref_slice %arg9[%dma_wait3A_126, %dma_wait3A_127] : memref<10000x128xf32, #tpu.memory_space<vmem_shared>> -> memref<10000x128xf32, #tpu.memory_space<vmem_shared>>
        tpu.wait_indirect_dma semaphore(%run_scoped3A_122 : memref<!tpu.dma_semaphore, #tpu.memory_space<semaphore_mem>>) src(%arg12 : memref<128x128xf32, #tpu.memory_space<vmem>>) dst(%dma_wait3A_128 : memref<10000x128xf32, #tpu.memory_space<vmem_shared>>)
        tpu.yield
      }) : () -> ()
    }
    %barrier3A_14 = arith.constant 0 : index
    tpu.barrier barrier_id(%barrier3A_14)
    %lt3A_15 = arith.constant 10 : i32
    %lt3A_16 = arith.cmpi slt, %arg1, %lt3A_15 : i32
    %convert_element_type3A_17 = arith.extui %lt3A_16 : i1 to i32
    %cond3A_18 = arith.constant 0 : i32
    %cond3A_19 = arith.cmpi ne, %convert_element_type3A_17, %cond3A_18 : i32
    scf.if %cond3A_19 {
      %mul3A_42 = arith.constant 1000 : i32
      %mul3A_43 = arith.muli %arg1, %mul3A_42 : i32
      %mul3A_44 = arith.constant 1000 : i32
      %mul3A_45 = arith.muli %arg1, %mul3A_44 : i32
      %add3A = arith.addi %mul3A_0, %mul3A_45 : i32
      "tpu.region"() ({
        %run_scoped3A = tpu.sem_alloc : memref<!tpu.dma_semaphore, #tpu.memory_space<semaphore_mem>>
        %dma_start3A = arith.constant 0 : i32
        %dma_start3A_46 = tpu.memref_slice %arg7[%add3A, %dma_start3A] : memref<20000x128xf32, #tpu.memory_space<hbm>> -> memref<1000x128xf32, #tpu.memory_space<hbm>>
        %dma_start3A_47 = arith.constant 0 : i32
        %dma_start3A_48 = tpu.memref_slice %arg9[%mul3A_43, %dma_start3A_47] : memref<10000x128xf32, #tpu.memory_space<vmem_shared>> -> memref<1000x128xf32, #tpu.memory_space<vmem_shared>>
        tpu.enqueue_dma source(%dma_start3A_48 : memref<1000x128xf32, #tpu.memory_space<vmem_shared>>) target(%dma_start3A_46 : memref<1000x128xf32, #tpu.memory_space<hbm>>) target_semaphore(%run_scoped3A : memref<!tpu.dma_semaphore, #tpu.memory_space<semaphore_mem>>)
        %dma_wait3A = arith.constant 0 : i32
        %dma_wait3A_49 = tpu.memref_slice %arg7[%add3A, %dma_wait3A] : memref<20000x128xf32, #tpu.memory_space<hbm>> -> memref<1000x128xf32, #tpu.memory_space<hbm>>
        %dma_wait3A_50 = arith.constant 0 : i32
        %dma_wait3A_51 = tpu.memref_slice %arg9[%mul3A_43, %dma_wait3A_50] : memref<10000x128xf32, #tpu.memory_space<vmem_shared>> -> memref<1000x128xf32, #tpu.memory_space<vmem_shared>>
        tpu.wait_dma2 semaphore(%run_scoped3A : memref<!tpu.dma_semaphore, #tpu.memory_space<semaphore_mem>>) src(%dma_wait3A_51 : memref<1000x128xf32, #tpu.memory_space<vmem_shared>>) dst(%dma_wait3A_49 : memref<1000x128xf32, #tpu.memory_space<hbm>>)
        tpu.yield
      }) : () -> ()
    } else {
    }
    %barrier3A_20 = arith.constant 0 : index
    tpu.barrier barrier_id(%barrier3A_20)
    %lt3A_21 = arith.constant 10 : i32
    %lt3A_22 = arith.cmpi slt, %arg1, %lt3A_21 : i32
    %convert_element_type3A_23 = arith.extui %lt3A_22 : i1 to i32
    %cond3A_24 = arith.constant 0 : i32
    %cond3A_25 = arith.cmpi ne, %convert_element_type3A_23, %cond3A_24 : i32
    scf.if %cond3A_25 {
      %mul3A_42 = arith.constant 1000 : i32
      %mul3A_43 = arith.muli %arg1, %mul3A_42 : i32
      %mul3A_44 = arith.constant 1000 : i32
      %mul3A_45 = arith.muli %arg1, %mul3A_44 : i32
      "tpu.region"() ({
        %run_scoped3A = tpu.sem_alloc : memref<!tpu.dma_semaphore, #tpu.memory_space<semaphore_mem>>
        %dma_start3A = arith.constant 0 : i32
        %dma_start3A_46 = tpu.memref_slice %arg9[%mul3A_45, %dma_start3A] : memref<10000x128xf32, #tpu.memory_space<vmem_shared>> -> memref<1000x128xf32, #tpu.memory_space<vmem_shared>>
        %dma_start3A_47 = arith.constant 0 : i32
        %dma_start3A_48 = tpu.memref_slice %arg6[%mul3A_43, %dma_start3A_47] : memref<10000x128xf32, #tpu.memory_space<hbm>> -> memref<1000x128xf32, #tpu.memory_space<hbm>>
        tpu.enqueue_dma source(%dma_start3A_48 : memref<1000x128xf32, #tpu.memory_space<hbm>>) target(%dma_start3A_46 : memref<1000x128xf32, #tpu.memory_space<vmem_shared>>) target_semaphore(%run_scoped3A : memref<!tpu.dma_semaphore, #tpu.memory_space<semaphore_mem>>)
        %dma_wait3A = arith.constant 0 : i32
        %dma_wait3A_49 = tpu.memref_slice %arg9[%mul3A_45, %dma_wait3A] : memref<10000x128xf32, #tpu.memory_space<vmem_shared>> -> memref<1000x128xf32, #tpu.memory_space<vmem_shared>>
        %dma_wait3A_50 = arith.constant 0 : i32
        %dma_wait3A_51 = tpu.memref_slice %arg6[%mul3A_43, %dma_wait3A_50] : memref<10000x128xf32, #tpu.memory_space<hbm>> -> memref<1000x128xf32, #tpu.memory_space<hbm>>
        tpu.wait_dma2 semaphore(%run_scoped3A : memref<!tpu.dma_semaphore, #tpu.memory_space<semaphore_mem>>) src(%dma_wait3A_51 : memref<1000x128xf32, #tpu.memory_space<hbm>>) dst(%dma_wait3A_49 : memref<1000x128xf32, #tpu.memory_space<vmem_shared>>)
        tpu.yield
      }) : () -> ()
    } else {
    }
    %barrier3A_26 = arith.constant 0 : index
    tpu.barrier barrier_id(%barrier3A_26)
    %while3A_27 = arith.constant 0 : i32
    %while3A_28 = arith.subi %select_n3A, %while3A_27 : i32
    %while3A_29 = arith.addi %while3A_27, %while3A_28 : i32
    %while3A_30 = arith.constant 1 : i32
    %while3A_31 = arith.divsi %while3A_28, %while3A_30 : i32
    %while3A_32 = arith.muli %while3A_31, %while3A_30 : i32
    %while3A_33 = arith.addi %while3A_27, %while3A_32 : i32
    %while3A_34 = arith.constant 1 : i32
    scf.for %while3A_42 = %while3A_27 to %while3A_33 step %while3A_34  : i32 {
      %mul3A_43 = arith.constant 16 : i32
      %mul3A_44 = arith.muli %while3A_42, %mul3A_43 : i32
      %add3A = arith.addi %mul3A_44, %arg1 : i32
      %mul3A_45 = arith.constant 128 : i32
      %mul3A_46 = arith.muli %add3A, %mul3A_45 : i32
      %multiple_of3A = tpu.assume_multiple %mul3A_46, 128 : i32
      %run_scoped3A = arith.constant 0 : i32
      "tpu.region"() ({
        %run_scoped3A_122 = tpu.sem_alloc : memref<!tpu.dma_semaphore, #tpu.memory_space<semaphore_mem>>
        %dma_start3A_123 = arith.constant 0 : i32
        %dma_start3A_124 = tpu.memref_slice %arg5[%run_scoped3A, %dma_start3A_123] : memref<2x320000xi32, #tpu.memory_space<hbm>> -> memref<1x320000xi32, #tpu.memory_space<hbm>>
        %dma_start3A_125 = tpu.memref_squeeze %dma_start3A_124 : memref<1x320000xi32, #tpu.memory_space<hbm>> -> memref<320000xi32, #tpu.memory_space<hbm>>
        %dma_start3A_126 = tpu.memref_slice %dma_start3A_125[%multiple_of3A] : memref<320000xi32, #tpu.memory_space<hbm>> -> memref<128xi32, #tpu.memory_space<hbm>>
        %dma_start3A_127 = arith.constant 0 : i32
        %dma_start3A_128 = tpu.memref_slice %arg5[%run_scoped3A, %dma_start3A_127] : memref<2x320000xi32, #tpu.memory_space<hbm>> -> memref<1x320000xi32, #tpu.memory_space<hbm>>
        %dma_start3A_129 = tpu.memref_squeeze %dma_start3A_128 : memref<1x320000xi32, #tpu.memory_space<hbm>> -> memref<320000xi32, #tpu.memory_space<hbm>>
        %dma_start3A_130 = tpu.memref_slice %dma_start3A_129[%multiple_of3A] : memref<320000xi32, #tpu.memory_space<hbm>> -> memref<128xi32, #tpu.memory_space<hbm>>
        tpu.enqueue_dma source(%dma_start3A_130 : memref<128xi32, #tpu.memory_space<hbm>>) target(%arg10 : memref<128xi32, #tpu.memory_space<vmem>>) target_semaphore(%run_scoped3A_122 : memref<!tpu.dma_semaphore, #tpu.memory_space<semaphore_mem>>)
        %dma_wait3A_131 = arith.constant 0 : i32
        %dma_wait3A_132 = tpu.memref_slice %arg5[%run_scoped3A, %dma_wait3A_131] : memref<2x320000xi32, #tpu.memory_space<hbm>> -> memref<1x320000xi32, #tpu.memory_space<hbm>>
        %dma_wait3A_133 = tpu.memref_squeeze %dma_wait3A_132 : memref<1x320000xi32, #tpu.memory_space<hbm>> -> memref<320000xi32, #tpu.memory_space<hbm>>
        %dma_wait3A_134 = tpu.memref_slice %dma_wait3A_133[%multiple_of3A] : memref<320000xi32, #tpu.memory_space<hbm>> -> memref<128xi32, #tpu.memory_space<hbm>>
        %dma_wait3A_135 = arith.constant 0 : i32
        %dma_wait3A_136 = tpu.memref_slice %arg5[%run_scoped3A, %dma_wait3A_135] : memref<2x320000xi32, #tpu.memory_space<hbm>> -> memref<1x320000xi32, #tpu.memory_space<hbm>>
        %dma_wait3A_137 = tpu.memref_squeeze %dma_wait3A_136 : memref<1x320000xi32, #tpu.memory_space<hbm>> -> memref<320000xi32, #tpu.memory_space<hbm>>
        %dma_wait3A_138 = tpu.memref_slice %dma_wait3A_137[%multiple_of3A] : memref<320000xi32, #tpu.memory_space<hbm>> -> memref<128xi32, #tpu.memory_space<hbm>>
        tpu.wait_dma2 semaphore(%run_scoped3A_122 : memref<!tpu.dma_semaphore, #tpu.memory_space<semaphore_mem>>) src(%dma_wait3A_138 : memref<128xi32, #tpu.memory_space<hbm>>) dst(%arg10 : memref<128xi32, #tpu.memory_space<vmem>>)
        tpu.yield
      }) : () -> ()
      %get3A = arith.constant 0 : index
      %get3A_47 = tpu.vector_load %arg10[%get3A] {strides = array<i32>} : memref<128xi32, #tpu.memory_space<vmem>>, vector<16xi32>,
      %get3A_48 = vector.shape_cast %get3A_47 : vector<16xi32> to vector<16xi32>
      %add3A_49 = vector.broadcast %mul3A_0 : i32 to vector<16xi32>
      %add3A_50 = arith.addi %get3A_48, %add3A_49 : vector<16xi32>
      %swap3A = arith.constant 0 : index
      %swap3A_51 = tpu.vector_load %arg10[%swap3A] {strides = array<i32>} : memref<128xi32, #tpu.memory_space<vmem>>, vector<16xi32>,
      %swap3A_52 = vector.shape_cast %swap3A_51 : vector<16xi32> to vector<16xi32>
      %swap3A_53 = vector.shape_cast %add3A_50 : vector<16xi32> to vector<16xi32>
      tpu.vector_store %arg10[%swap3A], %swap3A_53 {strides = array<i32>} : memref<128xi32, #tpu.memory_space<vmem>>, vector<16xi32>,
      %get3A_54 = arith.constant 16 : index
      %get3A_55 = tpu.vector_load %arg10[%get3A_54] {strides = array<i32>} : memref<128xi32, #tpu.memory_space<vmem>>, vector<16xi32>,
      %get3A_56 = vector.shape_cast %get3A_55 : vector<16xi32> to vector<16xi32>
      %add3A_57 = vector.broadcast %mul3A_0 : i32 to vector<16xi32>
      %add3A_58 = arith.addi %get3A_56, %add3A_57 : vector<16xi32>
      %swap3A_59 = arith.constant 16 : index
      %swap3A_60 = tpu.vector_load %arg10[%swap3A_59] {strides = array<i32>} : memref<128xi32, #tpu.memory_space<vmem>>, vector<16xi32>,
      %swap3A_61 = vector.shape_cast %swap3A_60 : vector<16xi32> to vector<16xi32>
      %swap3A_62 = vector.shape_cast %add3A_58 : vector<16xi32> to vector<16xi32>
      tpu.vector_store %arg10[%swap3A_59], %swap3A_62 {strides = array<i32>} : memref<128xi32, #tpu.memory_space<vmem>>, vector<16xi32>,
      %get3A_63 = arith.constant 32 : index
      %get3A_64 = tpu.vector_load %arg10[%get3A_63] {strides = array<i32>} : memref<128xi32, #tpu.memory_space<vmem>>, vector<16xi32>,
      %get3A_65 = vector.shape_cast %get3A_64 : vector<16xi32> to vector<16xi32>
      %add3A_66 = vector.broadcast %mul3A_0 : i32 to vector<16xi32>
      %add3A_67 = arith.addi %get3A_65, %add3A_66 : vector<16xi32>
      %swap3A_68 = arith.constant 32 : index
      %swap3A_69 = tpu.vector_load %arg10[%swap3A_68] {strides = array<i32>} : memref<128xi32, #tpu.memory_space<vmem>>, vector<16xi32>,
      %swap3A_70 = vector.shape_cast %swap3A_69 : vector<16xi32> to vector<16xi32>
      %swap3A_71 = vector.shape_cast %add3A_67 : vector<16xi32> to vector<16xi32>
      tpu.vector_store %arg10[%swap3A_68], %swap3A_71 {strides = array<i32>} : memref<128xi32, #tpu.memory_space<vmem>>, vector<16xi32>,
      %get3A_72 = arith.constant 48 : index
      %get3A_73 = tpu.vector_load %arg10[%get3A_72] {strides = array<i32>} : memref<128xi32, #tpu.memory_space<vmem>>, vector<16xi32>,
      %get3A_74 = vector.shape_cast %get3A_73 : vector<16xi32> to vector<16xi32>
      %add3A_75 = vector.broadcast %mul3A_0 : i32 to vector<16xi32>
      %add3A_76 = arith.addi %get3A_74, %add3A_75 : vector<16xi32>
      %swap3A_77 = arith.constant 48 : index
      %swap3A_78 = tpu.vector_load %arg10[%swap3A_77] {strides = array<i32>} : memref<128xi32, #tpu.memory_space<vmem>>, vector<16xi32>,
      %swap3A_79 = vector.shape_cast %swap3A_78 : vector<16xi32> to vector<16xi32>
      %swap3A_80 = vector.shape_cast %add3A_76 : vector<16xi32> to vector<16xi32>
      tpu.vector_store %arg10[%swap3A_77], %swap3A_80 {strides = array<i32>} : memref<128xi32, #tpu.memory_space<vmem>>, vector<16xi32>,
      %get3A_81 = arith.constant 64 : index
      %get3A_82 = tpu.vector_load %arg10[%get3A_81] {strides = array<i32>} : memref<128xi32, #tpu.memory_space<vmem>>, vector<16xi32>,
      %get3A_83 = vector.shape_cast %get3A_82 : vector<16xi32> to vector<16xi32>
      %add3A_84 = vector.broadcast %mul3A_0 : i32 to vector<16xi32>
      %add3A_85 = arith.addi %get3A_83, %add3A_84 : vector<16xi32>
      %swap3A_86 = arith.constant 64 : index
      %swap3A_87 = tpu.vector_load %arg10[%swap3A_86] {strides = array<i32>} : memref<128xi32, #tpu.memory_space<vmem>>, vector<16xi32>,
      %swap3A_88 = vector.shape_cast %swap3A_87 : vector<16xi32> to vector<16xi32>
      %swap3A_89 = vector.shape_cast %add3A_85 : vector<16xi32> to vector<16xi32>
      tpu.vector_store %arg10[%swap3A_86], %swap3A_89 {strides = array<i32>} : memref<128xi32, #tpu.memory_space<vmem>>, vector<16xi32>,
      %get3A_90 = arith.constant 80 : index
      %get3A_91 = tpu.vector_load %arg10[%get3A_90] {strides = array<i32>} : memref<128xi32, #tpu.memory_space<vmem>>, vector<16xi32>,
      %get3A_92 = vector.shape_cast %get3A_91 : vector<16xi32> to vector<16xi32>
      %add3A_93 = vector.broadcast %mul3A_0 : i32 to vector<16xi32>
      %add3A_94 = arith.addi %get3A_92, %add3A_93 : vector<16xi32>
      %swap3A_95 = arith.constant 80 : index
      %swap3A_96 = tpu.vector_load %arg10[%swap3A_95] {strides = array<i32>} : memref<128xi32, #tpu.memory_space<vmem>>, vector<16xi32>,
      %swap3A_97 = vector.shape_cast %swap3A_96 : vector<16xi32> to vector<16xi32>
      %swap3A_98 = vector.shape_cast %add3A_94 : vector<16xi32> to vector<16xi32>
      tpu.vector_store %arg10[%swap3A_95], %swap3A_98 {strides = array<i32>} : memref<128xi32, #tpu.memory_space<vmem>>, vector<16xi32>,
      %get3A_99 = arith.constant 96 : index
      %get3A_100 = tpu.vector_load %arg10[%get3A_99] {strides = array<i32>} : memref<128xi32, #tpu.memory_space<vmem>>, vector<16xi32>,
      %get3A_101 = vector.shape_cast %get3A_100 : vector<16xi32> to vector<16xi32>
      %add3A_102 = vector.broadcast %mul3A_0 : i32 to vector<16xi32>
      %add3A_103 = arith.addi %get3A_101, %add3A_102 : vector<16xi32>
      %swap3A_104 = arith.constant 96 : index
      %swap3A_105 = tpu.vector_load %arg10[%swap3A_104] {strides = array<i32>} : memref<128xi32, #tpu.memory_space<vmem>>, vector<16xi32>,
      %swap3A_106 = vector.shape_cast %swap3A_105 : vector<16xi32> to vector<16xi32>
      %swap3A_107 = vector.shape_cast %add3A_103 : vector<16xi32> to vector<16xi32>
      tpu.vector_store %arg10[%swap3A_104], %swap3A_107 {strides = array<i32>} : memref<128xi32, #tpu.memory_space<vmem>>, vector<16xi32>,
      %get3A_108 = arith.constant 112 : index
      %get3A_109 = tpu.vector_load %arg10[%get3A_108] {strides = array<i32>} : memref<128xi32, #tpu.memory_space<vmem>>, vector<16xi32>,
      %get3A_110 = vector.shape_cast %get3A_109 : vector<16xi32> to vector<16xi32>
      %add3A_111 = vector.broadcast %mul3A_0 : i32 to vector<16xi32>
      %add3A_112 = arith.addi %get3A_110, %add3A_111 : vector<16xi32>
      %swap3A_113 = arith.constant 112 : index
      %swap3A_114 = tpu.vector_load %arg10[%swap3A_113] {strides = array<i32>} : memref<128xi32, #tpu.memory_space<vmem>>, vector<16xi32>,
      %swap3A_115 = vector.shape_cast %swap3A_114 : vector<16xi32> to vector<16xi32>
      %swap3A_116 = vector.shape_cast %add3A_112 : vector<16xi32> to vector<16xi32>
      tpu.vector_store %arg10[%swap3A_113], %swap3A_116 {strides = array<i32>} : memref<128xi32, #tpu.memory_space<vmem>>, vector<16xi32>,
      %dma_start3A = arith.constant 0 : i32
      %dma_start3A_117 = arith.constant 0 : i32
      %dma_start3A_118 = tpu.memref_slice %arg3[%dma_start3A, %dma_start3A_117] : memref<20000x128xf32, #tpu.memory_space<hbm>> -> memref<20000x128xf32, #tpu.memory_space<hbm>>
      tpu.enqueue_indirect_dma source(%dma_start3A_118 : memref<20000x128xf32, #tpu.memory_space<hbm>>) target(%arg12 : memref<128x128xf32, #tpu.memory_space<vmem>>) offsets(%arg10 : memref<128xi32, #tpu.memory_space<vmem>>) semaphore(%arg13 : memref<!tpu.dma_semaphore, #tpu.memory_space<semaphore_mem>>)
      %dma_wait3A = arith.constant 0 : i32
      %dma_wait3A_119 = arith.constant 0 : i32
      %dma_wait3A_120 = tpu.memref_slice %arg3[%dma_wait3A, %dma_wait3A_119] : memref<20000x128xf32, #tpu.memory_space<hbm>> -> memref<20000x128xf32, #tpu.memory_space<hbm>>
      tpu.wait_indirect_dma semaphore(%arg13 : memref<!tpu.dma_semaphore, #tpu.memory_space<semaphore_mem>>) src(%dma_wait3A_120 : memref<20000x128xf32, #tpu.memory_space<hbm>>) dst(%arg12 : memref<128x128xf32, #tpu.memory_space<vmem>>)
      %run_scoped3A_121 = arith.constant 1 : i32
      "tpu.region"() ({
        %run_scoped3A_122 = tpu.sem_alloc : memref<!tpu.dma_semaphore, #tpu.memory_space<semaphore_mem>>
        %dma_start3A_123 = arith.constant 0 : i32
        %dma_start3A_124 = tpu.memref_slice %arg5[%run_scoped3A_121, %dma_start3A_123] : memref<2x320000xi32, #tpu.memory_space<hbm>> -> memref<1x320000xi32, #tpu.memory_space<hbm>>
        %dma_start3A_125 = tpu.memref_squeeze %dma_start3A_124 : memref<1x320000xi32, #tpu.memory_space<hbm>> -> memref<320000xi32, #tpu.memory_space<hbm>>
        %dma_start3A_126 = tpu.memref_slice %dma_start3A_125[%multiple_of3A] : memref<320000xi32, #tpu.memory_space<hbm>> -> memref<128xi32, #tpu.memory_space<hbm>>
        %dma_start3A_127 = arith.constant 0 : i32
        %dma_start3A_128 = tpu.memref_slice %arg5[%run_scoped3A_121, %dma_start3A_127] : memref<2x320000xi32, #tpu.memory_space<hbm>> -> memref<1x320000xi32, #tpu.memory_space<hbm>>
        %dma_start3A_129 = tpu.memref_squeeze %dma_start3A_128 : memref<1x320000xi32, #tpu.memory_space<hbm>> -> memref<320000xi32, #tpu.memory_space<hbm>>
        %dma_start3A_130 = tpu.memref_slice %dma_start3A_129[%multiple_of3A] : memref<320000xi32, #tpu.memory_space<hbm>> -> memref<128xi32, #tpu.memory_space<hbm>>
        tpu.enqueue_dma source(%dma_start3A_130 : memref<128xi32, #tpu.memory_space<hbm>>) target(%arg11 : memref<128xi32, #tpu.memory_space<vmem>>) target_semaphore(%run_scoped3A_122 : memref<!tpu.dma_semaphore, #tpu.memory_space<semaphore_mem>>)
        %dma_wait3A_131 = arith.constant 0 : i32
        %dma_wait3A_132 = tpu.memref_slice %arg5[%run_scoped3A_121, %dma_wait3A_131] : memref<2x320000xi32, #tpu.memory_space<hbm>> -> memref<1x320000xi32, #tpu.memory_space<hbm>>
        %dma_wait3A_133 = tpu.memref_squeeze %dma_wait3A_132 : memref<1x320000xi32, #tpu.memory_space<hbm>> -> memref<320000xi32, #tpu.memory_space<hbm>>
        %dma_wait3A_134 = tpu.memref_slice %dma_wait3A_133[%multiple_of3A] : memref<320000xi32, #tpu.memory_space<hbm>> -> memref<128xi32, #tpu.memory_space<hbm>>
        %dma_wait3A_135 = arith.constant 0 : i32
        %dma_wait3A_136 = tpu.memref_slice %arg5[%run_scoped3A_121, %dma_wait3A_135] : memref<2x320000xi32, #tpu.memory_space<hbm>> -> memref<1x320000xi32, #tpu.memory_space<hbm>>
        %dma_wait3A_137 = tpu.memref_squeeze %dma_wait3A_136 : memref<1x320000xi32, #tpu.memory_space<hbm>> -> memref<320000xi32, #tpu.memory_space<hbm>>
        %dma_wait3A_138 = tpu.memref_slice %dma_wait3A_137[%multiple_of3A] : memref<320000xi32, #tpu.memory_space<hbm>> -> memref<128xi32, #tpu.memory_space<hbm>>
        tpu.wait_dma2 semaphore(%run_scoped3A_122 : memref<!tpu.dma_semaphore, #tpu.memory_space<semaphore_mem>>) src(%dma_wait3A_138 : memref<128xi32, #tpu.memory_space<hbm>>) dst(%arg11 : memref<128xi32, #tpu.memory_space<vmem>>)
        tpu.yield
      }) : () -> ()
      "tpu.region"() ({
        %run_scoped3A_122 = tpu.sem_alloc : memref<!tpu.dma_semaphore, #tpu.memory_space<semaphore_mem>>
        %dma_start3A_123 = arith.constant 0 : i32
        %dma_start3A_124 = arith.constant 0 : i32
        %dma_start3A_125 = tpu.memref_slice %arg9[%dma_start3A_123, %dma_start3A_124] : memref<10000x128xf32, #tpu.memory_space<vmem_shared>> -> memref<10000x128xf32, #tpu.memory_space<vmem_shared>>
        tpu.enqueue_indirect_dma source(%arg12 : memref<128x128xf32, #tpu.memory_space<vmem>>) target(%dma_start3A_125 : memref<10000x128xf32, #tpu.memory_space<vmem_shared>>) offsets(%arg11 : memref<128xi32, #tpu.memory_space<vmem>>) semaphore(%run_scoped3A_122 : memref<!tpu.dma_semaphore, #tpu.memory_space<semaphore_mem>>) {add = true}
        %dma_wait3A_126 = arith.constant 0 : i32
        %dma_wait3A_127 = arith.constant 0 : i32
        %dma_wait3A_128 = tpu.memref_slice %arg9[%dma_wait3A_126, %dma_wait3A_127] : memref<10000x128xf32, #tpu.memory_space<vmem_shared>> -> memref<10000x128xf32, #tpu.memory_space<vmem_shared>>
        tpu.wait_indirect_dma semaphore(%run_scoped3A_122 : memref<!tpu.dma_semaphore, #tpu.memory_space<semaphore_mem>>) src(%arg12 : memref<128x128xf32, #tpu.memory_space<vmem>>) dst(%dma_wait3A_128 : memref<10000x128xf32, #tpu.memory_space<vmem_shared>>)
        tpu.yield
      }) : () -> ()
    }
    %while3A_35 = arith.constant 1 : i32
    scf.for %while3A_42 = %while3A_33 to %while3A_29 step %while3A_35  : i32 {
      %mul3A_43 = arith.constant 16 : i32
      %mul3A_44 = arith.muli %while3A_42, %mul3A_43 : i32
      %add3A = arith.addi %mul3A_44, %arg1 : i32
      %mul3A_45 = arith.constant 128 : i32
      %mul3A_46 = arith.muli %add3A, %mul3A_45 : i32
      %multiple_of3A = tpu.assume_multiple %mul3A_46, 128 : i32
      %run_scoped3A = arith.constant 0 : i32
      "tpu.region"() ({
        %run_scoped3A_122 = tpu.sem_alloc : memref<!tpu.dma_semaphore, #tpu.memory_space<semaphore_mem>>
        %dma_start3A_123 = arith.constant 0 : i32
        %dma_start3A_124 = tpu.memref_slice %arg5[%run_scoped3A, %dma_start3A_123] : memref<2x320000xi32, #tpu.memory_space<hbm>> -> memref<1x320000xi32, #tpu.memory_space<hbm>>
        %dma_start3A_125 = tpu.memref_squeeze %dma_start3A_124 : memref<1x320000xi32, #tpu.memory_space<hbm>> -> memref<320000xi32, #tpu.memory_space<hbm>>
        %dma_start3A_126 = tpu.memref_slice %dma_start3A_125[%multiple_of3A] : memref<320000xi32, #tpu.memory_space<hbm>> -> memref<128xi32, #tpu.memory_space<hbm>>
        %dma_start3A_127 = arith.constant 0 : i32
        %dma_start3A_128 = tpu.memref_slice %arg5[%run_scoped3A, %dma_start3A_127] : memref<2x320000xi32, #tpu.memory_space<hbm>> -> memref<1x320000xi32, #tpu.memory_space<hbm>>
        %dma_start3A_129 = tpu.memref_squeeze %dma_start3A_128 : memref<1x320000xi32, #tpu.memory_space<hbm>> -> memref<320000xi32, #tpu.memory_space<hbm>>
        %dma_start3A_130 = tpu.memref_slice %dma_start3A_129[%multiple_of3A] : memref<320000xi32, #tpu.memory_space<hbm>> -> memref<128xi32, #tpu.memory_space<hbm>>
        tpu.enqueue_dma source(%dma_start3A_130 : memref<128xi32, #tpu.memory_space<hbm>>) target(%arg10 : memref<128xi32, #tpu.memory_space<vmem>>) target_semaphore(%run_scoped3A_122 : memref<!tpu.dma_semaphore, #tpu.memory_space<semaphore_mem>>)
        %dma_wait3A_131 = arith.constant 0 : i32
        %dma_wait3A_132 = tpu.memref_slice %arg5[%run_scoped3A, %dma_wait3A_131] : memref<2x320000xi32, #tpu.memory_space<hbm>> -> memref<1x320000xi32, #tpu.memory_space<hbm>>
        %dma_wait3A_133 = tpu.memref_squeeze %dma_wait3A_132 : memref<1x320000xi32, #tpu.memory_space<hbm>> -> memref<320000xi32, #tpu.memory_space<hbm>>
        %dma_wait3A_134 = tpu.memref_slice %dma_wait3A_133[%multiple_of3A] : memref<320000xi32, #tpu.memory_space<hbm>> -> memref<128xi32, #tpu.memory_space<hbm>>
        %dma_wait3A_135 = arith.constant 0 : i32
        %dma_wait3A_136 = tpu.memref_slice %arg5[%run_scoped3A, %dma_wait3A_135] : memref<2x320000xi32, #tpu.memory_space<hbm>> -> memref<1x320000xi32, #tpu.memory_space<hbm>>
        %dma_wait3A_137 = tpu.memref_squeeze %dma_wait3A_136 : memref<1x320000xi32, #tpu.memory_space<hbm>> -> memref<320000xi32, #tpu.memory_space<hbm>>
        %dma_wait3A_138 = tpu.memref_slice %dma_wait3A_137[%multiple_of3A] : memref<320000xi32, #tpu.memory_space<hbm>> -> memref<128xi32, #tpu.memory_space<hbm>>
        tpu.wait_dma2 semaphore(%run_scoped3A_122 : memref<!tpu.dma_semaphore, #tpu.memory_space<semaphore_mem>>) src(%dma_wait3A_138 : memref<128xi32, #tpu.memory_space<hbm>>) dst(%arg10 : memref<128xi32, #tpu.memory_space<vmem>>)
        tpu.yield
      }) : () -> ()
      %get3A = arith.constant 0 : index
      %get3A_47 = tpu.vector_load %arg10[%get3A] {strides = array<i32>} : memref<128xi32, #tpu.memory_space<vmem>>, vector<16xi32>,
      %get3A_48 = vector.shape_cast %get3A_47 : vector<16xi32> to vector<16xi32>
      %add3A_49 = vector.broadcast %mul3A_0 : i32 to vector<16xi32>
      %add3A_50 = arith.addi %get3A_48, %add3A_49 : vector<16xi32>
      %swap3A = arith.constant 0 : index
      %swap3A_51 = tpu.vector_load %arg10[%swap3A] {strides = array<i32>} : memref<128xi32, #tpu.memory_space<vmem>>, vector<16xi32>,
      %swap3A_52 = vector.shape_cast %swap3A_51 : vector<16xi32> to vector<16xi32>
      %swap3A_53 = vector.shape_cast %add3A_50 : vector<16xi32> to vector<16xi32>
      tpu.vector_store %arg10[%swap3A], %swap3A_53 {strides = array<i32>} : memref<128xi32, #tpu.memory_space<vmem>>, vector<16xi32>,
      %get3A_54 = arith.constant 16 : index
      %get3A_55 = tpu.vector_load %arg10[%get3A_54] {strides = array<i32>} : memref<128xi32, #tpu.memory_space<vmem>>, vector<16xi32>,
      %get3A_56 = vector.shape_cast %get3A_55 : vector<16xi32> to vector<16xi32>
      %add3A_57 = vector.broadcast %mul3A_0 : i32 to vector<16xi32>
      %add3A_58 = arith.addi %get3A_56, %add3A_57 : vector<16xi32>
      %swap3A_59 = arith.constant 16 : index
      %swap3A_60 = tpu.vector_load %arg10[%swap3A_59] {strides = array<i32>} : memref<128xi32, #tpu.memory_space<vmem>>, vector<16xi32>,
      %swap3A_61 = vector.shape_cast %swap3A_60 : vector<16xi32> to vector<16xi32>
      %swap3A_62 = vector.shape_cast %add3A_58 : vector<16xi32> to vector<16xi32>
      tpu.vector_store %arg10[%swap3A_59], %swap3A_62 {strides = array<i32>} : memref<128xi32, #tpu.memory_space<vmem>>, vector<16xi32>,
      %get3A_63 = arith.constant 32 : index
      %get3A_64 = tpu.vector_load %arg10[%get3A_63] {strides = array<i32>} : memref<128xi32, #tpu.memory_space<vmem>>, vector<16xi32>,
      %get3A_65 = vector.shape_cast %get3A_64 : vector<16xi32> to vector<16xi32>
      %add3A_66 = vector.broadcast %mul3A_0 : i32 to vector<16xi32>
      %add3A_67 = arith.addi %get3A_65, %add3A_66 : vector<16xi32>
      %swap3A_68 = arith.constant 32 : index
      %swap3A_69 = tpu.vector_load %arg10[%swap3A_68] {strides = array<i32>} : memref<128xi32, #tpu.memory_space<vmem>>, vector<16xi32>,
      %swap3A_70 = vector.shape_cast %swap3A_69 : vector<16xi32> to vector<16xi32>
      %swap3A_71 = vector.shape_cast %add3A_67 : vector<16xi32> to vector<16xi32>
      tpu.vector_store %arg10[%swap3A_68], %swap3A_71 {strides = array<i32>} : memref<128xi32, #tpu.memory_space<vmem>>, vector<16xi32>,
      %get3A_72 = arith.constant 48 : index
      %get3A_73 = tpu.vector_load %arg10[%get3A_72] {strides = array<i32>} : memref<128xi32, #tpu.memory_space<vmem>>, vector<16xi32>,
      %get3A_74 = vector.shape_cast %get3A_73 : vector<16xi32> to vector<16xi32>
      %add3A_75 = vector.broadcast %mul3A_0 : i32 to vector<16xi32>
      %add3A_76 = arith.addi %get3A_74, %add3A_75 : vector<16xi32>
      %swap3A_77 = arith.constant 48 : index
      %swap3A_78 = tpu.vector_load %arg10[%swap3A_77] {strides = array<i32>} : memref<128xi32, #tpu.memory_space<vmem>>, vector<16xi32>,
      %swap3A_79 = vector.shape_cast %swap3A_78 : vector<16xi32> to vector<16xi32>
      %swap3A_80 = vector.shape_cast %add3A_76 : vector<16xi32> to vector<16xi32>
      tpu.vector_store %arg10[%swap3A_77], %swap3A_80 {strides = array<i32>} : memref<128xi32, #tpu.memory_space<vmem>>, vector<16xi32>,
      %get3A_81 = arith.constant 64 : index
      %get3A_82 = tpu.vector_load %arg10[%get3A_81] {strides = array<i32>} : memref<128xi32, #tpu.memory_space<vmem>>, vector<16xi32>,
      %get3A_83 = vector.shape_cast %get3A_82 : vector<16xi32> to vector<16xi32>
      %add3A_84 = vector.broadcast %mul3A_0 : i32 to vector<16xi32>
      %add3A_85 = arith.addi %get3A_83, %add3A_84 : vector<16xi32>
      %swap3A_86 = arith.constant 64 : index
      %swap3A_87 = tpu.vector_load %arg10[%swap3A_86] {strides = array<i32>} : memref<128xi32, #tpu.memory_space<vmem>>, vector<16xi32>,
      %swap3A_88 = vector.shape_cast %swap3A_87 : vector<16xi32> to vector<16xi32>
      %swap3A_89 = vector.shape_cast %add3A_85 : vector<16xi32> to vector<16xi32>
      tpu.vector_store %arg10[%swap3A_86], %swap3A_89 {strides = array<i32>} : memref<128xi32, #tpu.memory_space<vmem>>, vector<16xi32>,
      %get3A_90 = arith.constant 80 : index
      %get3A_91 = tpu.vector_load %arg10[%get3A_90] {strides = array<i32>} : memref<128xi32, #tpu.memory_space<vmem>>, vector<16xi32>,
      %get3A_92 = vector.shape_cast %get3A_91 : vector<16xi32> to vector<16xi32>
      %add3A_93 = vector.broadcast %mul3A_0 : i32 to vector<16xi32>
      %add3A_94 = arith.addi %get3A_92, %add3A_93 : vector<16xi32>
      %swap3A_95 = arith.constant 80 : index
      %swap3A_96 = tpu.vector_load %arg10[%swap3A_95] {strides = array<i32>} : memref<128xi32, #tpu.memory_space<vmem>>, vector<16xi32>,
      %swap3A_97 = vector.shape_cast %swap3A_96 : vector<16xi32> to vector<16xi32>
      %swap3A_98 = vector.shape_cast %add3A_94 : vector<16xi32> to vector<16xi32>
      tpu.vector_store %arg10[%swap3A_95], %swap3A_98 {strides = array<i32>} : memref<128xi32, #tpu.memory_space<vmem>>, vector<16xi32>,
      %get3A_99 = arith.constant 96 : index
      %get3A_100 = tpu.vector_load %arg10[%get3A_99] {strides = array<i32>} : memref<128xi32, #tpu.memory_space<vmem>>, vector<16xi32>,
      %get3A_101 = vector.shape_cast %get3A_100 : vector<16xi32> to vector<16xi32>
      %add3A_102 = vector.broadcast %mul3A_0 : i32 to vector<16xi32>
      %add3A_103 = arith.addi %get3A_101, %add3A_102 : vector<16xi32>
      %swap3A_104 = arith.constant 96 : index
      %swap3A_105 = tpu.vector_load %arg10[%swap3A_104] {strides = array<i32>} : memref<128xi32, #tpu.memory_space<vmem>>, vector<16xi32>,
      %swap3A_106 = vector.shape_cast %swap3A_105 : vector<16xi32> to vector<16xi32>
      %swap3A_107 = vector.shape_cast %add3A_103 : vector<16xi32> to vector<16xi32>
      tpu.vector_store %arg10[%swap3A_104], %swap3A_107 {strides = array<i32>} : memref<128xi32, #tpu.memory_space<vmem>>, vector<16xi32>,
      %get3A_108 = arith.constant 112 : index
      %get3A_109 = tpu.vector_load %arg10[%get3A_108] {strides = array<i32>} : memref<128xi32, #tpu.memory_space<vmem>>, vector<16xi32>,
      %get3A_110 = vector.shape_cast %get3A_109 : vector<16xi32> to vector<16xi32>
      %add3A_111 = vector.broadcast %mul3A_0 : i32 to vector<16xi32>
      %add3A_112 = arith.addi %get3A_110, %add3A_111 : vector<16xi32>
      %swap3A_113 = arith.constant 112 : index
      %swap3A_114 = tpu.vector_load %arg10[%swap3A_113] {strides = array<i32>} : memref<128xi32, #tpu.memory_space<vmem>>, vector<16xi32>,
      %swap3A_115 = vector.shape_cast %swap3A_114 : vector<16xi32> to vector<16xi32>
      %swap3A_116 = vector.shape_cast %add3A_112 : vector<16xi32> to vector<16xi32>
      tpu.vector_store %arg10[%swap3A_113], %swap3A_116 {strides = array<i32>} : memref<128xi32, #tpu.memory_space<vmem>>, vector<16xi32>,
      %dma_start3A = arith.constant 0 : i32
      %dma_start3A_117 = arith.constant 0 : i32
      %dma_start3A_118 = tpu.memref_slice %arg3[%dma_start3A, %dma_start3A_117] : memref<20000x128xf32, #tpu.memory_space<hbm>> -> memref<20000x128xf32, #tpu.memory_space<hbm>>
      tpu.enqueue_indirect_dma source(%dma_start3A_118 : memref<20000x128xf32, #tpu.memory_space<hbm>>) target(%arg12 : memref<128x128xf32, #tpu.memory_space<vmem>>) offsets(%arg10 : memref<128xi32, #tpu.memory_space<vmem>>) semaphore(%arg13 : memref<!tpu.dma_semaphore, #tpu.memory_space<semaphore_mem>>)
      %dma_wait3A = arith.constant 0 : i32
      %dma_wait3A_119 = arith.constant 0 : i32
      %dma_wait3A_120 = tpu.memref_slice %arg3[%dma_wait3A, %dma_wait3A_119] : memref<20000x128xf32, #tpu.memory_space<hbm>> -> memref<20000x128xf32, #tpu.memory_space<hbm>>
      tpu.wait_indirect_dma semaphore(%arg13 : memref<!tpu.dma_semaphore, #tpu.memory_space<semaphore_mem>>) src(%dma_wait3A_120 : memref<20000x128xf32, #tpu.memory_space<hbm>>) dst(%arg12 : memref<128x128xf32, #tpu.memory_space<vmem>>)
      %run_scoped3A_121 = arith.constant 1 : i32
      "tpu.region"() ({
        %run_scoped3A_122 = tpu.sem_alloc : memref<!tpu.dma_semaphore, #tpu.memory_space<semaphore_mem>>
        %dma_start3A_123 = arith.constant 0 : i32
        %dma_start3A_124 = tpu.memref_slice %arg5[%run_scoped3A_121, %dma_start3A_123] : memref<2x320000xi32, #tpu.memory_space<hbm>> -> memref<1x320000xi32, #tpu.memory_space<hbm>>
        %dma_start3A_125 = tpu.memref_squeeze %dma_start3A_124 : memref<1x320000xi32, #tpu.memory_space<hbm>> -> memref<320000xi32, #tpu.memory_space<hbm>>
        %dma_start3A_126 = tpu.memref_slice %dma_start3A_125[%multiple_of3A] : memref<320000xi32, #tpu.memory_space<hbm>> -> memref<128xi32, #tpu.memory_space<hbm>>
        %dma_start3A_127 = arith.constant 0 : i32
        %dma_start3A_128 = tpu.memref_slice %arg5[%run_scoped3A_121, %dma_start3A_127] : memref<2x320000xi32, #tpu.memory_space<hbm>> -> memref<1x320000xi32, #tpu.memory_space<hbm>>
        %dma_start3A_129 = tpu.memref_squeeze %dma_start3A_128 : memref<1x320000xi32, #tpu.memory_space<hbm>> -> memref<320000xi32, #tpu.memory_space<hbm>>
        %dma_start3A_130 = tpu.memref_slice %dma_start3A_129[%multiple_of3A] : memref<320000xi32, #tpu.memory_space<hbm>> -> memref<128xi32, #tpu.memory_space<hbm>>
        tpu.enqueue_dma source(%dma_start3A_130 : memref<128xi32, #tpu.memory_space<hbm>>) target(%arg11 : memref<128xi32, #tpu.memory_space<vmem>>) target_semaphore(%run_scoped3A_122 : memref<!tpu.dma_semaphore, #tpu.memory_space<semaphore_mem>>)
        %dma_wait3A_131 = arith.constant 0 : i32
        %dma_wait3A_132 = tpu.memref_slice %arg5[%run_scoped3A_121, %dma_wait3A_131] : memref<2x320000xi32, #tpu.memory_space<hbm>> -> memref<1x320000xi32, #tpu.memory_space<hbm>>
        %dma_wait3A_133 = tpu.memref_squeeze %dma_wait3A_132 : memref<1x320000xi32, #tpu.memory_space<hbm>> -> memref<320000xi32, #tpu.memory_space<hbm>>
        %dma_wait3A_134 = tpu.memref_slice %dma_wait3A_133[%multiple_of3A] : memref<320000xi32, #tpu.memory_space<hbm>> -> memref<128xi32, #tpu.memory_space<hbm>>
        %dma_wait3A_135 = arith.constant 0 : i32
        %dma_wait3A_136 = tpu.memref_slice %arg5[%run_scoped3A_121, %dma_wait3A_135] : memref<2x320000xi32, #tpu.memory_space<hbm>> -> memref<1x320000xi32, #tpu.memory_space<hbm>>
        %dma_wait3A_137 = tpu.memref_squeeze %dma_wait3A_136 : memref<1x320000xi32, #tpu.memory_space<hbm>> -> memref<320000xi32, #tpu.memory_space<hbm>>
        %dma_wait3A_138 = tpu.memref_slice %dma_wait3A_137[%multiple_of3A] : memref<320000xi32, #tpu.memory_space<hbm>> -> memref<128xi32, #tpu.memory_space<hbm>>
        tpu.wait_dma2 semaphore(%run_scoped3A_122 : memref<!tpu.dma_semaphore, #tpu.memory_space<semaphore_mem>>) src(%dma_wait3A_138 : memref<128xi32, #tpu.memory_space<hbm>>) dst(%arg11 : memref<128xi32, #tpu.memory_space<vmem>>)
        tpu.yield
      }) : () -> ()
      "tpu.region"() ({
        %run_scoped3A_122 = tpu.sem_alloc : memref<!tpu.dma_semaphore, #tpu.memory_space<semaphore_mem>>
        %dma_start3A_123 = arith.constant 0 : i32
        %dma_start3A_124 = arith.constant 0 : i32
        %dma_start3A_125 = tpu.memref_slice %arg9[%dma_start3A_123, %dma_start3A_124] : memref<10000x128xf32, #tpu.memory_space<vmem_shared>> -> memref<10000x128xf32, #tpu.memory_space<vmem_shared>>
        tpu.enqueue_indirect_dma source(%arg12 : memref<128x128xf32, #tpu.memory_space<vmem>>) target(%dma_start3A_125 : memref<10000x128xf32, #tpu.memory_space<vmem_shared>>) offsets(%arg11 : memref<128xi32, #tpu.memory_space<vmem>>) semaphore(%run_scoped3A_122 : memref<!tpu.dma_semaphore, #tpu.memory_space<semaphore_mem>>) {add = true}
        %dma_wait3A_126 = arith.constant 0 : i32
        %dma_wait3A_127 = arith.constant 0 : i32
        %dma_wait3A_128 = tpu.memref_slice %arg9[%dma_wait3A_126, %dma_wait3A_127] : memref<10000x128xf32, #tpu.memory_space<vmem_shared>> -> memref<10000x128xf32, #tpu.memory_space<vmem_shared>>
        tpu.wait_indirect_dma semaphore(%run_scoped3A_122 : memref<!tpu.dma_semaphore, #tpu.memory_space<semaphore_mem>>) src(%arg12 : memref<128x128xf32, #tpu.memory_space<vmem>>) dst(%dma_wait3A_128 : memref<10000x128xf32, #tpu.memory_space<vmem_shared>>)
        tpu.yield
      }) : () -> ()
    }
    %barrier3A_36 = arith.constant 0 : index
    tpu.barrier barrier_id(%barrier3A_36)
    %lt3A_37 = arith.constant 10 : i32
    %lt3A_38 = arith.cmpi slt, %arg1, %lt3A_37 : i32
    %convert_element_type3A_39 = arith.extui %lt3A_38 : i1 to i32
    %cond3A_40 = arith.constant 0 : i32
    %cond3A_41 = arith.cmpi ne, %convert_element_type3A_39, %cond3A_40 : i32
    scf.if %cond3A_41 {
      %mul3A_42 = arith.constant 1000 : i32
      %mul3A_43 = arith.muli %arg1, %mul3A_42 : i32
      %mul3A_44 = arith.constant 1000 : i32
      %mul3A_45 = arith.muli %arg1, %mul3A_44 : i32
      %add3A = arith.addi %mul3A_0, %mul3A_45 : i32
      "tpu.region"() ({
        %run_scoped3A = tpu.sem_alloc : memref<!tpu.dma_semaphore, #tpu.memory_space<semaphore_mem>>
        %dma_start3A = arith.constant 0 : i32
        %dma_start3A_46 = tpu.memref_slice %arg8[%add3A, %dma_start3A] : memref<20000x128xf32, #tpu.memory_space<hbm>> -> memref<1000x128xf32, #tpu.memory_space<hbm>>
        %dma_start3A_47 = arith.constant 0 : i32
        %dma_start3A_48 = tpu.memref_slice %arg9[%mul3A_43, %dma_start3A_47] : memref<10000x128xf32, #tpu.memory_space<vmem_shared>> -> memref<1000x128xf32, #tpu.memory_space<vmem_shared>>
        tpu.enqueue_dma source(%dma_start3A_48 : memref<1000x128xf32, #tpu.memory_space<vmem_shared>>) target(%dma_start3A_46 : memref<1000x128xf32, #tpu.memory_space<hbm>>) target_semaphore(%run_scoped3A : memref<!tpu.dma_semaphore, #tpu.memory_space<semaphore_mem>>)
        %dma_wait3A = arith.constant 0 : i32
        %dma_wait3A_49 = tpu.memref_slice %arg8[%add3A, %dma_wait3A] : memref<20000x128xf32, #tpu.memory_space<hbm>> -> memref<1000x128xf32, #tpu.memory_space<hbm>>
        %dma_wait3A_50 = arith.constant 0 : i32
        %dma_wait3A_51 = tpu.memref_slice %arg9[%mul3A_43, %dma_wait3A_50] : memref<10000x128xf32, #tpu.memory_space<vmem_shared>> -> memref<1000x128xf32, #tpu.memory_space<vmem_shared>>
        tpu.wait_dma2 semaphore(%run_scoped3A : memref<!tpu.dma_semaphore, #tpu.memory_space<semaphore_mem>>) src(%dma_wait3A_51 : memref<1000x128xf32, #tpu.memory_space<vmem_shared>>) dst(%dma_wait3A_49 : memref<1000x128xf32, #tpu.memory_space<hbm>>)
        tpu.yield
      }) : () -> ()
    } else {
    }
    return
  }
}

#map = affine_map<(d0, d1) -> (0, 0)>
#map1 = affine_map<(d0, d1) -> (0)>
module attributes {stable_mosaic.version = 14 : i64} {
  func.func @_deg_body(%arg0: i32, %arg1: i32, %arg2: memref<2x320000xi32, #tpu.memory_space<hbm>>, %arg3: memref<2x320000xi32, #tpu.memory_space<hbm>>, %arg4: memref<10240xf32, #tpu.memory_space<hbm>>, %arg5: memref<20480xf32, #tpu.memory_space<hbm>>, %arg6: memref<10240xf32, #tpu.memory_space<vmem_shared>>, %arg7: memref<128xi32, #tpu.memory_space<vmem>>, %arg8: memref<128xf32, #tpu.memory_space<vmem>>) attributes {dimension_semantics = [#tpu.dimension_semantics<core_parallel>, #tpu.dimension_semantics<subcore_parallel>], iteration_bounds = array<i64: 2, 16>, scalar_prefetch = 0 : i64, scratch_operands = 3 : i64, tpu.core_type = #tpu.core_type<sc_vector_subcore>, window_params = [{transform_indices = #map}, {transform_indices = #map}, {transform_indices = #map1}, {transform_indices = #map1}]} {
    %broadcast_in_dim3A = arith.constant 1.000000e+00 : f32
    %broadcast_in_dim3A_0 = vector.broadcast %broadcast_in_dim3A : f32 to vector<16xf32>
    %swap3A = arith.constant 0 : index
    %swap3A_1 = tpu.vector_load %arg8[%swap3A] {strides = array<i32>} : memref<128xf32, #tpu.memory_space<vmem>>, vector<16xf32>,
    %swap3A_2 = vector.shape_cast %swap3A_1 : vector<16xf32> to vector<16xf32>
    %swap3A_3 = vector.shape_cast %broadcast_in_dim3A_0 : vector<16xf32> to vector<16xf32>
    tpu.vector_store %arg8[%swap3A], %swap3A_3 {strides = array<i32>} : memref<128xf32, #tpu.memory_space<vmem>>, vector<16xf32>,
    %broadcast_in_dim3A_4 = arith.constant 1.000000e+00 : f32
    %broadcast_in_dim3A_5 = vector.broadcast %broadcast_in_dim3A_4 : f32 to vector<16xf32>
    %swap3A_6 = arith.constant 16 : index
    %swap3A_7 = tpu.vector_load %arg8[%swap3A_6] {strides = array<i32>} : memref<128xf32, #tpu.memory_space<vmem>>, vector<16xf32>,
    %swap3A_8 = vector.shape_cast %swap3A_7 : vector<16xf32> to vector<16xf32>
    %swap3A_9 = vector.shape_cast %broadcast_in_dim3A_5 : vector<16xf32> to vector<16xf32>
    tpu.vector_store %arg8[%swap3A_6], %swap3A_9 {strides = array<i32>} : memref<128xf32, #tpu.memory_space<vmem>>, vector<16xf32>,
    %broadcast_in_dim3A_10 = arith.constant 1.000000e+00 : f32
    %broadcast_in_dim3A_11 = vector.broadcast %broadcast_in_dim3A_10 : f32 to vector<16xf32>
    %swap3A_12 = arith.constant 32 : index
    %swap3A_13 = tpu.vector_load %arg8[%swap3A_12] {strides = array<i32>} : memref<128xf32, #tpu.memory_space<vmem>>, vector<16xf32>,
    %swap3A_14 = vector.shape_cast %swap3A_13 : vector<16xf32> to vector<16xf32>
    %swap3A_15 = vector.shape_cast %broadcast_in_dim3A_11 : vector<16xf32> to vector<16xf32>
    tpu.vector_store %arg8[%swap3A_12], %swap3A_15 {strides = array<i32>} : memref<128xf32, #tpu.memory_space<vmem>>, vector<16xf32>,
    %broadcast_in_dim3A_16 = arith.constant 1.000000e+00 : f32
    %broadcast_in_dim3A_17 = vector.broadcast %broadcast_in_dim3A_16 : f32 to vector<16xf32>
    %swap3A_18 = arith.constant 48 : index
    %swap3A_19 = tpu.vector_load %arg8[%swap3A_18] {strides = array<i32>} : memref<128xf32, #tpu.memory_space<vmem>>, vector<16xf32>,
    %swap3A_20 = vector.shape_cast %swap3A_19 : vector<16xf32> to vector<16xf32>
    %swap3A_21 = vector.shape_cast %broadcast_in_dim3A_17 : vector<16xf32> to vector<16xf32>
    tpu.vector_store %arg8[%swap3A_18], %swap3A_21 {strides = array<i32>} : memref<128xf32, #tpu.memory_space<vmem>>, vector<16xf32>,
    %broadcast_in_dim3A_22 = arith.constant 1.000000e+00 : f32
    %broadcast_in_dim3A_23 = vector.broadcast %broadcast_in_dim3A_22 : f32 to vector<16xf32>
    %swap3A_24 = arith.constant 64 : index
    %swap3A_25 = tpu.vector_load %arg8[%swap3A_24] {strides = array<i32>} : memref<128xf32, #tpu.memory_space<vmem>>, vector<16xf32>,
    %swap3A_26 = vector.shape_cast %swap3A_25 : vector<16xf32> to vector<16xf32>
    %swap3A_27 = vector.shape_cast %broadcast_in_dim3A_23 : vector<16xf32> to vector<16xf32>
    tpu.vector_store %arg8[%swap3A_24], %swap3A_27 {strides = array<i32>} : memref<128xf32, #tpu.memory_space<vmem>>, vector<16xf32>,
    %broadcast_in_dim3A_28 = arith.constant 1.000000e+00 : f32
    %broadcast_in_dim3A_29 = vector.broadcast %broadcast_in_dim3A_28 : f32 to vector<16xf32>
    %swap3A_30 = arith.constant 80 : index
    %swap3A_31 = tpu.vector_load %arg8[%swap3A_30] {strides = array<i32>} : memref<128xf32, #tpu.memory_space<vmem>>, vector<16xf32>,
    %swap3A_32 = vector.shape_cast %swap3A_31 : vector<16xf32> to vector<16xf32>
    %swap3A_33 = vector.shape_cast %broadcast_in_dim3A_29 : vector<16xf32> to vector<16xf32>
    tpu.vector_store %arg8[%swap3A_30], %swap3A_33 {strides = array<i32>} : memref<128xf32, #tpu.memory_space<vmem>>, vector<16xf32>,
    %broadcast_in_dim3A_34 = arith.constant 1.000000e+00 : f32
    %broadcast_in_dim3A_35 = vector.broadcast %broadcast_in_dim3A_34 : f32 to vector<16xf32>
    %swap3A_36 = arith.constant 96 : index
    %swap3A_37 = tpu.vector_load %arg8[%swap3A_36] {strides = array<i32>} : memref<128xf32, #tpu.memory_space<vmem>>, vector<16xf32>,
    %swap3A_38 = vector.shape_cast %swap3A_37 : vector<16xf32> to vector<16xf32>
    %swap3A_39 = vector.shape_cast %broadcast_in_dim3A_35 : vector<16xf32> to vector<16xf32>
    tpu.vector_store %arg8[%swap3A_36], %swap3A_39 {strides = array<i32>} : memref<128xf32, #tpu.memory_space<vmem>>, vector<16xf32>,
    %broadcast_in_dim3A_40 = arith.constant 1.000000e+00 : f32
    %broadcast_in_dim3A_41 = vector.broadcast %broadcast_in_dim3A_40 : f32 to vector<16xf32>
    %swap3A_42 = arith.constant 112 : index
    %swap3A_43 = tpu.vector_load %arg8[%swap3A_42] {strides = array<i32>} : memref<128xf32, #tpu.memory_space<vmem>>, vector<16xf32>,
    %swap3A_44 = vector.shape_cast %swap3A_43 : vector<16xf32> to vector<16xf32>
    %swap3A_45 = vector.shape_cast %broadcast_in_dim3A_41 : vector<16xf32> to vector<16xf32>
    tpu.vector_store %arg8[%swap3A_42], %swap3A_45 {strides = array<i32>} : memref<128xf32, #tpu.memory_space<vmem>>, vector<16xf32>,
    %lt3A = arith.constant 10 : i32
    %lt3A_46 = arith.cmpi slt, %arg1, %lt3A : i32
    %convert_element_type3A = arith.extui %lt3A_46 : i1 to i32
    %cond3A = arith.constant 0 : i32
    %cond3A_47 = arith.cmpi ne, %convert_element_type3A, %cond3A : i32
    scf.if %cond3A_47 {
      %mul3A = arith.constant 1024 : i32
      %mul3A_66 = arith.muli %arg1, %mul3A : i32
      %mul3A_67 = arith.constant 1024 : i32
      %mul3A_68 = arith.muli %arg1, %mul3A_67 : i32
      "tpu.region"() ({
        %run_scoped3A = tpu.sem_alloc : memref<!tpu.dma_semaphore, #tpu.memory_space<semaphore_mem>>
        %dma_start3A = tpu.memref_slice %arg6[%mul3A_68] : memref<10240xf32, #tpu.memory_space<vmem_shared>> -> memref<1024xf32, #tpu.memory_space<vmem_shared>>
        %dma_start3A_69 = tpu.memref_slice %arg4[%mul3A_66] : memref<10240xf32, #tpu.memory_space<hbm>> -> memref<1024xf32, #tpu.memory_space<hbm>>
        tpu.enqueue_dma source(%dma_start3A_69 : memref<1024xf32, #tpu.memory_space<hbm>>) target(%dma_start3A : memref<1024xf32, #tpu.memory_space<vmem_shared>>) target_semaphore(%run_scoped3A : memref<!tpu.dma_semaphore, #tpu.memory_space<semaphore_mem>>)
        %dma_wait3A = tpu.memref_slice %arg6[%mul3A_68] : memref<10240xf32, #tpu.memory_space<vmem_shared>> -> memref<1024xf32, #tpu.memory_space<vmem_shared>>
        %dma_wait3A_70 = tpu.memref_slice %arg4[%mul3A_66] : memref<10240xf32, #tpu.memory_space<hbm>> -> memref<1024xf32, #tpu.memory_space<hbm>>
        tpu.wait_dma2 semaphore(%run_scoped3A : memref<!tpu.dma_semaphore, #tpu.memory_space<semaphore_mem>>) src(%dma_wait3A_70 : memref<1024xf32, #tpu.memory_space<hbm>>) dst(%dma_wait3A : memref<1024xf32, #tpu.memory_space<vmem_shared>>)
        tpu.yield
      }) : () -> ()
    } else {
    }
    %barrier3A = arith.constant 0 : index
    tpu.barrier barrier_id(%barrier3A)
    %lt3A_48 = arith.constant 4 : i32
    %lt3A_49 = arith.cmpi slt, %arg1, %lt3A_48 : i32
    %jit3A = arith.constant 157 : i32
    %jit3A_50 = arith.constant 156 : i32
    %select_n3A = arith.select %lt3A_49, %jit3A, %jit3A_50 : i32
    %eq3A = arith.constant 0 : i32
    %eq3A_51 = arith.cmpi eq, %arg0, %eq3A : i32
    %convert_element_type3A_52 = arith.extui %eq3A_51 : i1 to i32
    %cond3A_53 = arith.constant 0 : i32
    %cond3A_54 = arith.cmpi ne, %convert_element_type3A_52, %cond3A_53 : i32
    scf.if %cond3A_54 {
      %while3A = arith.constant 0 : i32
      %while3A_66 = arith.subi %select_n3A, %while3A : i32
      %while3A_67 = arith.addi %while3A, %while3A_66 : i32
      %while3A_68 = arith.constant 1 : i32
      %while3A_69 = arith.divsi %while3A_66, %while3A_68 : i32
      %while3A_70 = arith.muli %while3A_69, %while3A_68 : i32
      %while3A_71 = arith.addi %while3A, %while3A_70 : i32
      %while3A_72 = arith.constant 1 : i32
      scf.for %while3A_74 = %while3A to %while3A_71 step %while3A_72  : i32 {
        %mul3A = arith.constant 16 : i32
        %mul3A_75 = arith.muli %while3A_74, %mul3A : i32
        %add3A = arith.addi %mul3A_75, %arg1 : i32
        %mul3A_76 = arith.constant 128 : i32
        %mul3A_77 = arith.muli %add3A, %mul3A_76 : i32
        %multiple_of3A = tpu.assume_multiple %mul3A_77, 128 : i32
        %run_scoped3A = arith.constant 1 : i32
        "tpu.region"() ({
          %run_scoped3A_78 = tpu.sem_alloc : memref<!tpu.dma_semaphore, #tpu.memory_space<semaphore_mem>>
          %dma_start3A = arith.constant 0 : i32
          %dma_start3A_79 = tpu.memref_slice %arg2[%run_scoped3A, %dma_start3A] : memref<2x320000xi32, #tpu.memory_space<hbm>> -> memref<1x320000xi32, #tpu.memory_space<hbm>>
          %dma_start3A_80 = tpu.memref_squeeze %dma_start3A_79 : memref<1x320000xi32, #tpu.memory_space<hbm>> -> memref<320000xi32, #tpu.memory_space<hbm>>
          %dma_start3A_81 = tpu.memref_slice %dma_start3A_80[%multiple_of3A] : memref<320000xi32, #tpu.memory_space<hbm>> -> memref<128xi32, #tpu.memory_space<hbm>>
          %dma_start3A_82 = arith.constant 0 : i32
          %dma_start3A_83 = tpu.memref_slice %arg2[%run_scoped3A, %dma_start3A_82] : memref<2x320000xi32, #tpu.memory_space<hbm>> -> memref<1x320000xi32, #tpu.memory_space<hbm>>
          %dma_start3A_84 = tpu.memref_squeeze %dma_start3A_83 : memref<1x320000xi32, #tpu.memory_space<hbm>> -> memref<320000xi32, #tpu.memory_space<hbm>>
          %dma_start3A_85 = tpu.memref_slice %dma_start3A_84[%multiple_of3A] : memref<320000xi32, #tpu.memory_space<hbm>> -> memref<128xi32, #tpu.memory_space<hbm>>
          tpu.enqueue_dma source(%dma_start3A_85 : memref<128xi32, #tpu.memory_space<hbm>>) target(%arg7 : memref<128xi32, #tpu.memory_space<vmem>>) target_semaphore(%run_scoped3A_78 : memref<!tpu.dma_semaphore, #tpu.memory_space<semaphore_mem>>)
          %dma_wait3A = arith.constant 0 : i32
          %dma_wait3A_86 = tpu.memref_slice %arg2[%run_scoped3A, %dma_wait3A] : memref<2x320000xi32, #tpu.memory_space<hbm>> -> memref<1x320000xi32, #tpu.memory_space<hbm>>
          %dma_wait3A_87 = tpu.memref_squeeze %dma_wait3A_86 : memref<1x320000xi32, #tpu.memory_space<hbm>> -> memref<320000xi32, #tpu.memory_space<hbm>>
          %dma_wait3A_88 = tpu.memref_slice %dma_wait3A_87[%multiple_of3A] : memref<320000xi32, #tpu.memory_space<hbm>> -> memref<128xi32, #tpu.memory_space<hbm>>
          %dma_wait3A_89 = arith.constant 0 : i32
          %dma_wait3A_90 = tpu.memref_slice %arg2[%run_scoped3A, %dma_wait3A_89] : memref<2x320000xi32, #tpu.memory_space<hbm>> -> memref<1x320000xi32, #tpu.memory_space<hbm>>
          %dma_wait3A_91 = tpu.memref_squeeze %dma_wait3A_90 : memref<1x320000xi32, #tpu.memory_space<hbm>> -> memref<320000xi32, #tpu.memory_space<hbm>>
          %dma_wait3A_92 = tpu.memref_slice %dma_wait3A_91[%multiple_of3A] : memref<320000xi32, #tpu.memory_space<hbm>> -> memref<128xi32, #tpu.memory_space<hbm>>
          tpu.wait_dma2 semaphore(%run_scoped3A_78 : memref<!tpu.dma_semaphore, #tpu.memory_space<semaphore_mem>>) src(%dma_wait3A_92 : memref<128xi32, #tpu.memory_space<hbm>>) dst(%arg7 : memref<128xi32, #tpu.memory_space<vmem>>)
          tpu.yield
        }) : () -> ()
        "tpu.region"() ({
          %run_scoped3A_78 = tpu.sem_alloc : memref<!tpu.dma_semaphore, #tpu.memory_space<semaphore_mem>>
          %dma_start3A = arith.constant 0 : i32
          %dma_start3A_79 = tpu.memref_slice %arg6[%dma_start3A] : memref<10240xf32, #tpu.memory_space<vmem_shared>> -> memref<10240xf32, #tpu.memory_space<vmem_shared>>
          tpu.enqueue_indirect_dma source(%arg8 : memref<128xf32, #tpu.memory_space<vmem>>) target(%dma_start3A_79 : memref<10240xf32, #tpu.memory_space<vmem_shared>>) offsets(%arg7 : memref<128xi32, #tpu.memory_space<vmem>>) semaphore(%run_scoped3A_78 : memref<!tpu.dma_semaphore, #tpu.memory_space<semaphore_mem>>) {add = true}
          %dma_wait3A = arith.constant 0 : i32
          %dma_wait3A_80 = tpu.memref_slice %arg6[%dma_wait3A] : memref<10240xf32, #tpu.memory_space<vmem_shared>> -> memref<10240xf32, #tpu.memory_space<vmem_shared>>
          tpu.wait_indirect_dma semaphore(%run_scoped3A_78 : memref<!tpu.dma_semaphore, #tpu.memory_space<semaphore_mem>>) src(%arg8 : memref<128xf32, #tpu.memory_space<vmem>>) dst(%dma_wait3A_80 : memref<10240xf32, #tpu.memory_space<vmem_shared>>)
          tpu.yield
        }) : () -> ()
      }
      %while3A_73 = arith.constant 1 : i32
      scf.for %while3A_74 = %while3A_71 to %while3A_67 step %while3A_73  : i32 {
        %mul3A = arith.constant 16 : i32
        %mul3A_75 = arith.muli %while3A_74, %mul3A : i32
        %add3A = arith.addi %mul3A_75, %arg1 : i32
        %mul3A_76 = arith.constant 128 : i32
        %mul3A_77 = arith.muli %add3A, %mul3A_76 : i32
        %multiple_of3A = tpu.assume_multiple %mul3A_77, 128 : i32
        %run_scoped3A = arith.constant 1 : i32
        "tpu.region"() ({
          %run_scoped3A_78 = tpu.sem_alloc : memref<!tpu.dma_semaphore, #tpu.memory_space<semaphore_mem>>
          %dma_start3A = arith.constant 0 : i32
          %dma_start3A_79 = tpu.memref_slice %arg2[%run_scoped3A, %dma_start3A] : memref<2x320000xi32, #tpu.memory_space<hbm>> -> memref<1x320000xi32, #tpu.memory_space<hbm>>
          %dma_start3A_80 = tpu.memref_squeeze %dma_start3A_79 : memref<1x320000xi32, #tpu.memory_space<hbm>> -> memref<320000xi32, #tpu.memory_space<hbm>>
          %dma_start3A_81 = tpu.memref_slice %dma_start3A_80[%multiple_of3A] : memref<320000xi32, #tpu.memory_space<hbm>> -> memref<128xi32, #tpu.memory_space<hbm>>
          %dma_start3A_82 = arith.constant 0 : i32
          %dma_start3A_83 = tpu.memref_slice %arg2[%run_scoped3A, %dma_start3A_82] : memref<2x320000xi32, #tpu.memory_space<hbm>> -> memref<1x320000xi32, #tpu.memory_space<hbm>>
          %dma_start3A_84 = tpu.memref_squeeze %dma_start3A_83 : memref<1x320000xi32, #tpu.memory_space<hbm>> -> memref<320000xi32, #tpu.memory_space<hbm>>
          %dma_start3A_85 = tpu.memref_slice %dma_start3A_84[%multiple_of3A] : memref<320000xi32, #tpu.memory_space<hbm>> -> memref<128xi32, #tpu.memory_space<hbm>>
          tpu.enqueue_dma source(%dma_start3A_85 : memref<128xi32, #tpu.memory_space<hbm>>) target(%arg7 : memref<128xi32, #tpu.memory_space<vmem>>) target_semaphore(%run_scoped3A_78 : memref<!tpu.dma_semaphore, #tpu.memory_space<semaphore_mem>>)
          %dma_wait3A = arith.constant 0 : i32
          %dma_wait3A_86 = tpu.memref_slice %arg2[%run_scoped3A, %dma_wait3A] : memref<2x320000xi32, #tpu.memory_space<hbm>> -> memref<1x320000xi32, #tpu.memory_space<hbm>>
          %dma_wait3A_87 = tpu.memref_squeeze %dma_wait3A_86 : memref<1x320000xi32, #tpu.memory_space<hbm>> -> memref<320000xi32, #tpu.memory_space<hbm>>
          %dma_wait3A_88 = tpu.memref_slice %dma_wait3A_87[%multiple_of3A] : memref<320000xi32, #tpu.memory_space<hbm>> -> memref<128xi32, #tpu.memory_space<hbm>>
          %dma_wait3A_89 = arith.constant 0 : i32
          %dma_wait3A_90 = tpu.memref_slice %arg2[%run_scoped3A, %dma_wait3A_89] : memref<2x320000xi32, #tpu.memory_space<hbm>> -> memref<1x320000xi32, #tpu.memory_space<hbm>>
          %dma_wait3A_91 = tpu.memref_squeeze %dma_wait3A_90 : memref<1x320000xi32, #tpu.memory_space<hbm>> -> memref<320000xi32, #tpu.memory_space<hbm>>
          %dma_wait3A_92 = tpu.memref_slice %dma_wait3A_91[%multiple_of3A] : memref<320000xi32, #tpu.memory_space<hbm>> -> memref<128xi32, #tpu.memory_space<hbm>>
          tpu.wait_dma2 semaphore(%run_scoped3A_78 : memref<!tpu.dma_semaphore, #tpu.memory_space<semaphore_mem>>) src(%dma_wait3A_92 : memref<128xi32, #tpu.memory_space<hbm>>) dst(%arg7 : memref<128xi32, #tpu.memory_space<vmem>>)
          tpu.yield
        }) : () -> ()
        "tpu.region"() ({
          %run_scoped3A_78 = tpu.sem_alloc : memref<!tpu.dma_semaphore, #tpu.memory_space<semaphore_mem>>
          %dma_start3A = arith.constant 0 : i32
          %dma_start3A_79 = tpu.memref_slice %arg6[%dma_start3A] : memref<10240xf32, #tpu.memory_space<vmem_shared>> -> memref<10240xf32, #tpu.memory_space<vmem_shared>>
          tpu.enqueue_indirect_dma source(%arg8 : memref<128xf32, #tpu.memory_space<vmem>>) target(%dma_start3A_79 : memref<10240xf32, #tpu.memory_space<vmem_shared>>) offsets(%arg7 : memref<128xi32, #tpu.memory_space<vmem>>) semaphore(%run_scoped3A_78 : memref<!tpu.dma_semaphore, #tpu.memory_space<semaphore_mem>>) {add = true}
          %dma_wait3A = arith.constant 0 : i32
          %dma_wait3A_80 = tpu.memref_slice %arg6[%dma_wait3A] : memref<10240xf32, #tpu.memory_space<vmem_shared>> -> memref<10240xf32, #tpu.memory_space<vmem_shared>>
          tpu.wait_indirect_dma semaphore(%run_scoped3A_78 : memref<!tpu.dma_semaphore, #tpu.memory_space<semaphore_mem>>) src(%arg8 : memref<128xf32, #tpu.memory_space<vmem>>) dst(%dma_wait3A_80 : memref<10240xf32, #tpu.memory_space<vmem_shared>>)
          tpu.yield
        }) : () -> ()
      }
    } else {
    }
    %eq3A_55 = arith.constant 1 : i32
    %eq3A_56 = arith.cmpi eq, %arg0, %eq3A_55 : i32
    %convert_element_type3A_57 = arith.extui %eq3A_56 : i1 to i32
    %cond3A_58 = arith.constant 0 : i32
    %cond3A_59 = arith.cmpi ne, %convert_element_type3A_57, %cond3A_58 : i32
    scf.if %cond3A_59 {
      %while3A = arith.constant 0 : i32
      %while3A_66 = arith.subi %select_n3A, %while3A : i32
      %while3A_67 = arith.addi %while3A, %while3A_66 : i32
      %while3A_68 = arith.constant 1 : i32
      %while3A_69 = arith.divsi %while3A_66, %while3A_68 : i32
      %while3A_70 = arith.muli %while3A_69, %while3A_68 : i32
      %while3A_71 = arith.addi %while3A, %while3A_70 : i32
      %while3A_72 = arith.constant 1 : i32
      scf.for %while3A_74 = %while3A to %while3A_71 step %while3A_72  : i32 {
        %mul3A = arith.constant 16 : i32
        %mul3A_75 = arith.muli %while3A_74, %mul3A : i32
        %add3A = arith.addi %mul3A_75, %arg1 : i32
        %mul3A_76 = arith.constant 128 : i32
        %mul3A_77 = arith.muli %add3A, %mul3A_76 : i32
        %multiple_of3A = tpu.assume_multiple %mul3A_77, 128 : i32
        %run_scoped3A = arith.constant 1 : i32
        "tpu.region"() ({
          %run_scoped3A_78 = tpu.sem_alloc : memref<!tpu.dma_semaphore, #tpu.memory_space<semaphore_mem>>
          %dma_start3A = arith.constant 0 : i32
          %dma_start3A_79 = tpu.memref_slice %arg3[%run_scoped3A, %dma_start3A] : memref<2x320000xi32, #tpu.memory_space<hbm>> -> memref<1x320000xi32, #tpu.memory_space<hbm>>
          %dma_start3A_80 = tpu.memref_squeeze %dma_start3A_79 : memref<1x320000xi32, #tpu.memory_space<hbm>> -> memref<320000xi32, #tpu.memory_space<hbm>>
          %dma_start3A_81 = tpu.memref_slice %dma_start3A_80[%multiple_of3A] : memref<320000xi32, #tpu.memory_space<hbm>> -> memref<128xi32, #tpu.memory_space<hbm>>
          %dma_start3A_82 = arith.constant 0 : i32
          %dma_start3A_83 = tpu.memref_slice %arg3[%run_scoped3A, %dma_start3A_82] : memref<2x320000xi32, #tpu.memory_space<hbm>> -> memref<1x320000xi32, #tpu.memory_space<hbm>>
          %dma_start3A_84 = tpu.memref_squeeze %dma_start3A_83 : memref<1x320000xi32, #tpu.memory_space<hbm>> -> memref<320000xi32, #tpu.memory_space<hbm>>
          %dma_start3A_85 = tpu.memref_slice %dma_start3A_84[%multiple_of3A] : memref<320000xi32, #tpu.memory_space<hbm>> -> memref<128xi32, #tpu.memory_space<hbm>>
          tpu.enqueue_dma source(%dma_start3A_85 : memref<128xi32, #tpu.memory_space<hbm>>) target(%arg7 : memref<128xi32, #tpu.memory_space<vmem>>) target_semaphore(%run_scoped3A_78 : memref<!tpu.dma_semaphore, #tpu.memory_space<semaphore_mem>>)
          %dma_wait3A = arith.constant 0 : i32
          %dma_wait3A_86 = tpu.memref_slice %arg3[%run_scoped3A, %dma_wait3A] : memref<2x320000xi32, #tpu.memory_space<hbm>> -> memref<1x320000xi32, #tpu.memory_space<hbm>>
          %dma_wait3A_87 = tpu.memref_squeeze %dma_wait3A_86 : memref<1x320000xi32, #tpu.memory_space<hbm>> -> memref<320000xi32, #tpu.memory_space<hbm>>
          %dma_wait3A_88 = tpu.memref_slice %dma_wait3A_87[%multiple_of3A] : memref<320000xi32, #tpu.memory_space<hbm>> -> memref<128xi32, #tpu.memory_space<hbm>>
          %dma_wait3A_89 = arith.constant 0 : i32
          %dma_wait3A_90 = tpu.memref_slice %arg3[%run_scoped3A, %dma_wait3A_89] : memref<2x320000xi32, #tpu.memory_space<hbm>> -> memref<1x320000xi32, #tpu.memory_space<hbm>>
          %dma_wait3A_91 = tpu.memref_squeeze %dma_wait3A_90 : memref<1x320000xi32, #tpu.memory_space<hbm>> -> memref<320000xi32, #tpu.memory_space<hbm>>
          %dma_wait3A_92 = tpu.memref_slice %dma_wait3A_91[%multiple_of3A] : memref<320000xi32, #tpu.memory_space<hbm>> -> memref<128xi32, #tpu.memory_space<hbm>>
          tpu.wait_dma2 semaphore(%run_scoped3A_78 : memref<!tpu.dma_semaphore, #tpu.memory_space<semaphore_mem>>) src(%dma_wait3A_92 : memref<128xi32, #tpu.memory_space<hbm>>) dst(%arg7 : memref<128xi32, #tpu.memory_space<vmem>>)
          tpu.yield
        }) : () -> ()
        "tpu.region"() ({
          %run_scoped3A_78 = tpu.sem_alloc : memref<!tpu.dma_semaphore, #tpu.memory_space<semaphore_mem>>
          %dma_start3A = arith.constant 0 : i32
          %dma_start3A_79 = tpu.memref_slice %arg6[%dma_start3A] : memref<10240xf32, #tpu.memory_space<vmem_shared>> -> memref<10240xf32, #tpu.memory_space<vmem_shared>>
          tpu.enqueue_indirect_dma source(%arg8 : memref<128xf32, #tpu.memory_space<vmem>>) target(%dma_start3A_79 : memref<10240xf32, #tpu.memory_space<vmem_shared>>) offsets(%arg7 : memref<128xi32, #tpu.memory_space<vmem>>) semaphore(%run_scoped3A_78 : memref<!tpu.dma_semaphore, #tpu.memory_space<semaphore_mem>>) {add = true}
          %dma_wait3A = arith.constant 0 : i32
          %dma_wait3A_80 = tpu.memref_slice %arg6[%dma_wait3A] : memref<10240xf32, #tpu.memory_space<vmem_shared>> -> memref<10240xf32, #tpu.memory_space<vmem_shared>>
          tpu.wait_indirect_dma semaphore(%run_scoped3A_78 : memref<!tpu.dma_semaphore, #tpu.memory_space<semaphore_mem>>) src(%arg8 : memref<128xf32, #tpu.memory_space<vmem>>) dst(%dma_wait3A_80 : memref<10240xf32, #tpu.memory_space<vmem_shared>>)
          tpu.yield
        }) : () -> ()
      }
      %while3A_73 = arith.constant 1 : i32
      scf.for %while3A_74 = %while3A_71 to %while3A_67 step %while3A_73  : i32 {
        %mul3A = arith.constant 16 : i32
        %mul3A_75 = arith.muli %while3A_74, %mul3A : i32
        %add3A = arith.addi %mul3A_75, %arg1 : i32
        %mul3A_76 = arith.constant 128 : i32
        %mul3A_77 = arith.muli %add3A, %mul3A_76 : i32
        %multiple_of3A = tpu.assume_multiple %mul3A_77, 128 : i32
        %run_scoped3A = arith.constant 1 : i32
        "tpu.region"() ({
          %run_scoped3A_78 = tpu.sem_alloc : memref<!tpu.dma_semaphore, #tpu.memory_space<semaphore_mem>>
          %dma_start3A = arith.constant 0 : i32
          %dma_start3A_79 = tpu.memref_slice %arg3[%run_scoped3A, %dma_start3A] : memref<2x320000xi32, #tpu.memory_space<hbm>> -> memref<1x320000xi32, #tpu.memory_space<hbm>>
          %dma_start3A_80 = tpu.memref_squeeze %dma_start3A_79 : memref<1x320000xi32, #tpu.memory_space<hbm>> -> memref<320000xi32, #tpu.memory_space<hbm>>
          %dma_start3A_81 = tpu.memref_slice %dma_start3A_80[%multiple_of3A] : memref<320000xi32, #tpu.memory_space<hbm>> -> memref<128xi32, #tpu.memory_space<hbm>>
          %dma_start3A_82 = arith.constant 0 : i32
          %dma_start3A_83 = tpu.memref_slice %arg3[%run_scoped3A, %dma_start3A_82] : memref<2x320000xi32, #tpu.memory_space<hbm>> -> memref<1x320000xi32, #tpu.memory_space<hbm>>
          %dma_start3A_84 = tpu.memref_squeeze %dma_start3A_83 : memref<1x320000xi32, #tpu.memory_space<hbm>> -> memref<320000xi32, #tpu.memory_space<hbm>>
          %dma_start3A_85 = tpu.memref_slice %dma_start3A_84[%multiple_of3A] : memref<320000xi32, #tpu.memory_space<hbm>> -> memref<128xi32, #tpu.memory_space<hbm>>
          tpu.enqueue_dma source(%dma_start3A_85 : memref<128xi32, #tpu.memory_space<hbm>>) target(%arg7 : memref<128xi32, #tpu.memory_space<vmem>>) target_semaphore(%run_scoped3A_78 : memref<!tpu.dma_semaphore, #tpu.memory_space<semaphore_mem>>)
          %dma_wait3A = arith.constant 0 : i32
          %dma_wait3A_86 = tpu.memref_slice %arg3[%run_scoped3A, %dma_wait3A] : memref<2x320000xi32, #tpu.memory_space<hbm>> -> memref<1x320000xi32, #tpu.memory_space<hbm>>
          %dma_wait3A_87 = tpu.memref_squeeze %dma_wait3A_86 : memref<1x320000xi32, #tpu.memory_space<hbm>> -> memref<320000xi32, #tpu.memory_space<hbm>>
          %dma_wait3A_88 = tpu.memref_slice %dma_wait3A_87[%multiple_of3A] : memref<320000xi32, #tpu.memory_space<hbm>> -> memref<128xi32, #tpu.memory_space<hbm>>
          %dma_wait3A_89 = arith.constant 0 : i32
          %dma_wait3A_90 = tpu.memref_slice %arg3[%run_scoped3A, %dma_wait3A_89] : memref<2x320000xi32, #tpu.memory_space<hbm>> -> memref<1x320000xi32, #tpu.memory_space<hbm>>
          %dma_wait3A_91 = tpu.memref_squeeze %dma_wait3A_90 : memref<1x320000xi32, #tpu.memory_space<hbm>> -> memref<320000xi32, #tpu.memory_space<hbm>>
          %dma_wait3A_92 = tpu.memref_slice %dma_wait3A_91[%multiple_of3A] : memref<320000xi32, #tpu.memory_space<hbm>> -> memref<128xi32, #tpu.memory_space<hbm>>
          tpu.wait_dma2 semaphore(%run_scoped3A_78 : memref<!tpu.dma_semaphore, #tpu.memory_space<semaphore_mem>>) src(%dma_wait3A_92 : memref<128xi32, #tpu.memory_space<hbm>>) dst(%arg7 : memref<128xi32, #tpu.memory_space<vmem>>)
          tpu.yield
        }) : () -> ()
        "tpu.region"() ({
          %run_scoped3A_78 = tpu.sem_alloc : memref<!tpu.dma_semaphore, #tpu.memory_space<semaphore_mem>>
          %dma_start3A = arith.constant 0 : i32
          %dma_start3A_79 = tpu.memref_slice %arg6[%dma_start3A] : memref<10240xf32, #tpu.memory_space<vmem_shared>> -> memref<10240xf32, #tpu.memory_space<vmem_shared>>
          tpu.enqueue_indirect_dma source(%arg8 : memref<128xf32, #tpu.memory_space<vmem>>) target(%dma_start3A_79 : memref<10240xf32, #tpu.memory_space<vmem_shared>>) offsets(%arg7 : memref<128xi32, #tpu.memory_space<vmem>>) semaphore(%run_scoped3A_78 : memref<!tpu.dma_semaphore, #tpu.memory_space<semaphore_mem>>) {add = true}
          %dma_wait3A = arith.constant 0 : i32
          %dma_wait3A_80 = tpu.memref_slice %arg6[%dma_wait3A] : memref<10240xf32, #tpu.memory_space<vmem_shared>> -> memref<10240xf32, #tpu.memory_space<vmem_shared>>
          tpu.wait_indirect_dma semaphore(%run_scoped3A_78 : memref<!tpu.dma_semaphore, #tpu.memory_space<semaphore_mem>>) src(%arg8 : memref<128xf32, #tpu.memory_space<vmem>>) dst(%dma_wait3A_80 : memref<10240xf32, #tpu.memory_space<vmem_shared>>)
          tpu.yield
        }) : () -> ()
      }
    } else {
    }
    %barrier3A_60 = arith.constant 0 : index
    tpu.barrier barrier_id(%barrier3A_60)
    %lt3A_61 = arith.constant 10 : i32
    %lt3A_62 = arith.cmpi slt, %arg1, %lt3A_61 : i32
    %convert_element_type3A_63 = arith.extui %lt3A_62 : i1 to i32
    %cond3A_64 = arith.constant 0 : i32
    %cond3A_65 = arith.cmpi ne, %convert_element_type3A_63, %cond3A_64 : i32
    scf.if %cond3A_65 {
      %mul3A = arith.constant 1024 : i32
      %mul3A_66 = arith.muli %arg1, %mul3A : i32
      %mul3A_67 = arith.constant 10240 : i32
      %mul3A_68 = arith.muli %arg0, %mul3A_67 : i32
      %mul3A_69 = arith.constant 1024 : i32
      %mul3A_70 = arith.muli %arg1, %mul3A_69 : i32
      %add3A = arith.addi %mul3A_68, %mul3A_70 : i32
      "tpu.region"() ({
        %run_scoped3A = tpu.sem_alloc : memref<!tpu.dma_semaphore, #tpu.memory_space<semaphore_mem>>
        %dma_start3A = tpu.memref_slice %arg5[%add3A] : memref<20480xf32, #tpu.memory_space<hbm>> -> memref<1024xf32, #tpu.memory_space<hbm>>
        %dma_start3A_71 = tpu.memref_slice %arg6[%mul3A_66] : memref<10240xf32, #tpu.memory_space<vmem_shared>> -> memref<1024xf32, #tpu.memory_space<vmem_shared>>
        tpu.enqueue_dma source(%dma_start3A_71 : memref<1024xf32, #tpu.memory_space<vmem_shared>>) target(%dma_start3A : memref<1024xf32, #tpu.memory_space<hbm>>) target_semaphore(%run_scoped3A : memref<!tpu.dma_semaphore, #tpu.memory_space<semaphore_mem>>)
        %dma_wait3A = tpu.memref_slice %arg5[%add3A] : memref<20480xf32, #tpu.memory_space<hbm>> -> memref<1024xf32, #tpu.memory_space<hbm>>
        %dma_wait3A_72 = tpu.memref_slice %arg6[%mul3A_66] : memref<10240xf32, #tpu.memory_space<vmem_shared>> -> memref<1024xf32, #tpu.memory_space<vmem_shared>>
        tpu.wait_dma2 semaphore(%run_scoped3A : memref<!tpu.dma_semaphore, #tpu.memory_space<semaphore_mem>>) src(%dma_wait3A_72 : memref<1024xf32, #tpu.memory_space<vmem_shared>>) dst(%dma_wait3A : memref<1024xf32, #tpu.memory_space<hbm>>)
        tpu.yield
      }) : () -> ()
    } else {
    }
    return
  }
}

#map = affine_map<(d0, d1) -> (0, 0)>
module attributes {stable_mosaic.version = 14 : i64} {
  func.func @_agg_body(%arg0: i32, %arg1: i32, %arg2: memref<20000x128xf32, #tpu.memory_space<hbm>>, %arg3: memref<20000x128xf32, #tpu.memory_space<hbm>>, %arg4: memref<2x320000xi32, #tpu.memory_space<hbm>>, %arg5: memref<2x320000xi32, #tpu.memory_space<hbm>>, %arg6: memref<10000x128xf32, #tpu.memory_space<hbm>>, %arg7: memref<20000x128xf32, #tpu.memory_space<hbm>>, %arg8: memref<20000x128xf32, #tpu.memory_space<hbm>>, %arg9: memref<10000x128xf32, #tpu.memory_space<vmem_shared>>, %arg10: memref<128xi32, #tpu.memory_space<vmem>>, %arg11: memref<128xi32, #tpu.memory_space<vmem>>, %arg12: memref<128x128xf32, #tpu.memory_space<vmem>>, %arg13: memref<!tpu.dma_semaphore, #tpu.memory_space<semaphore_mem>>) attributes {dimension_semantics = [#tpu.dimension_semantics<core_parallel>, #tpu.dimension_semantics<subcore_parallel>], iteration_bounds = array<i64: 2, 16>, scalar_prefetch = 0 : i64, scratch_operands = 5 : i64, tpu.core_type = #tpu.core_type<sc_vector_subcore>, window_params = [{transform_indices = #map}, {transform_indices = #map}, {transform_indices = #map}, {transform_indices = #map}, {transform_indices = #map}, {transform_indices = #map}, {transform_indices = #map}]} {
    %mul3A = arith.constant 10000 : i32
    %mul3A_0 = arith.muli %arg0, %mul3A : i32
    %lt3A = arith.constant 4 : i32
    %lt3A_1 = arith.cmpi slt, %arg1, %lt3A : i32
    %jit3A = arith.constant 157 : i32
    %jit3A_2 = arith.constant 156 : i32
    %select_n3A = arith.select %lt3A_1, %jit3A, %jit3A_2 : i32
    %lt3A_3 = arith.constant 10 : i32
    %lt3A_4 = arith.cmpi slt, %arg1, %lt3A_3 : i32
    %convert_element_type3A = arith.extui %lt3A_4 : i1 to i32
    %cond3A = arith.constant 0 : i32
    %cond3A_5 = arith.cmpi ne, %convert_element_type3A, %cond3A : i32
    scf.if %cond3A_5 {
      %mul3A_42 = arith.constant 1000 : i32
      %mul3A_43 = arith.muli %arg1, %mul3A_42 : i32
      %mul3A_44 = arith.constant 1000 : i32
      %mul3A_45 = arith.muli %arg1, %mul3A_44 : i32
      "tpu.region"() ({
        %run_scoped3A = tpu.sem_alloc : memref<!tpu.dma_semaphore, #tpu.memory_space<semaphore_mem>>
        %dma_start3A = arith.constant 0 : i32
        %dma_start3A_46 = tpu.memref_slice %arg9[%mul3A_45, %dma_start3A] : memref<10000x128xf32, #tpu.memory_space<vmem_shared>> -> memref<1000x128xf32, #tpu.memory_space<vmem_shared>>
        %dma_start3A_47 = arith.constant 0 : i32
        %dma_start3A_48 = tpu.memref_slice %arg6[%mul3A_43, %dma_start3A_47] : memref<10000x128xf32, #tpu.memory_space<hbm>> -> memref<1000x128xf32, #tpu.memory_space<hbm>>
        tpu.enqueue_dma source(%dma_start3A_48 : memref<1000x128xf32, #tpu.memory_space<hbm>>) target(%dma_start3A_46 : memref<1000x128xf32, #tpu.memory_space<vmem_shared>>) target_semaphore(%run_scoped3A : memref<!tpu.dma_semaphore, #tpu.memory_space<semaphore_mem>>)
        %dma_wait3A = arith.constant 0 : i32
        %dma_wait3A_49 = tpu.memref_slice %arg9[%mul3A_45, %dma_wait3A] : memref<10000x128xf32, #tpu.memory_space<vmem_shared>> -> memref<1000x128xf32, #tpu.memory_space<vmem_shared>>
        %dma_wait3A_50 = arith.constant 0 : i32
        %dma_wait3A_51 = tpu.memref_slice %arg6[%mul3A_43, %dma_wait3A_50] : memref<10000x128xf32, #tpu.memory_space<hbm>> -> memref<1000x128xf32, #tpu.memory_space<hbm>>
        tpu.wait_dma2 semaphore(%run_scoped3A : memref<!tpu.dma_semaphore, #tpu.memory_space<semaphore_mem>>) src(%dma_wait3A_51 : memref<1000x128xf32, #tpu.memory_space<hbm>>) dst(%dma_wait3A_49 : memref<1000x128xf32, #tpu.memory_space<vmem_shared>>)
        tpu.yield
      }) : () -> ()
    } else {
    }
    %barrier3A = arith.constant 0 : index
    tpu.barrier barrier_id(%barrier3A)
    %while3A = arith.constant 0 : i32
    %while3A_6 = arith.subi %select_n3A, %while3A : i32
    %while3A_7 = arith.addi %while3A, %while3A_6 : i32
    %while3A_8 = arith.constant 1 : i32
    %while3A_9 = arith.divsi %while3A_6, %while3A_8 : i32
    %while3A_10 = arith.muli %while3A_9, %while3A_8 : i32
    %while3A_11 = arith.addi %while3A, %while3A_10 : i32
    %while3A_12 = arith.constant 1 : i32
    scf.for %while3A_42 = %while3A to %while3A_11 step %while3A_12  : i32 {
      %mul3A_43 = arith.constant 16 : i32
      %mul3A_44 = arith.muli %while3A_42, %mul3A_43 : i32
      %add3A = arith.addi %mul3A_44, %arg1 : i32
      %mul3A_45 = arith.constant 128 : i32
      %mul3A_46 = arith.muli %add3A, %mul3A_45 : i32
      %multiple_of3A = tpu.assume_multiple %mul3A_46, 128 : i32
      %run_scoped3A = arith.constant 0 : i32
      "tpu.region"() ({
        %run_scoped3A_122 = tpu.sem_alloc : memref<!tpu.dma_semaphore, #tpu.memory_space<semaphore_mem>>
        %dma_start3A_123 = arith.constant 0 : i32
        %dma_start3A_124 = tpu.memref_slice %arg4[%run_scoped3A, %dma_start3A_123] : memref<2x320000xi32, #tpu.memory_space<hbm>> -> memref<1x320000xi32, #tpu.memory_space<hbm>>
        %dma_start3A_125 = tpu.memref_squeeze %dma_start3A_124 : memref<1x320000xi32, #tpu.memory_space<hbm>> -> memref<320000xi32, #tpu.memory_space<hbm>>
        %dma_start3A_126 = tpu.memref_slice %dma_start3A_125[%multiple_of3A] : memref<320000xi32, #tpu.memory_space<hbm>> -> memref<128xi32, #tpu.memory_space<hbm>>
        %dma_start3A_127 = arith.constant 0 : i32
        %dma_start3A_128 = tpu.memref_slice %arg4[%run_scoped3A, %dma_start3A_127] : memref<2x320000xi32, #tpu.memory_space<hbm>> -> memref<1x320000xi32, #tpu.memory_space<hbm>>
        %dma_start3A_129 = tpu.memref_squeeze %dma_start3A_128 : memref<1x320000xi32, #tpu.memory_space<hbm>> -> memref<320000xi32, #tpu.memory_space<hbm>>
        %dma_start3A_130 = tpu.memref_slice %dma_start3A_129[%multiple_of3A] : memref<320000xi32, #tpu.memory_space<hbm>> -> memref<128xi32, #tpu.memory_space<hbm>>
        tpu.enqueue_dma source(%dma_start3A_130 : memref<128xi32, #tpu.memory_space<hbm>>) target(%arg10 : memref<128xi32, #tpu.memory_space<vmem>>) target_semaphore(%run_scoped3A_122 : memref<!tpu.dma_semaphore, #tpu.memory_space<semaphore_mem>>)
        %dma_wait3A_131 = arith.constant 0 : i32
        %dma_wait3A_132 = tpu.memref_slice %arg4[%run_scoped3A, %dma_wait3A_131] : memref<2x320000xi32, #tpu.memory_space<hbm>> -> memref<1x320000xi32, #tpu.memory_space<hbm>>
        %dma_wait3A_133 = tpu.memref_squeeze %dma_wait3A_132 : memref<1x320000xi32, #tpu.memory_space<hbm>> -> memref<320000xi32, #tpu.memory_space<hbm>>
        %dma_wait3A_134 = tpu.memref_slice %dma_wait3A_133[%multiple_of3A] : memref<320000xi32, #tpu.memory_space<hbm>> -> memref<128xi32, #tpu.memory_space<hbm>>
        %dma_wait3A_135 = arith.constant 0 : i32
        %dma_wait3A_136 = tpu.memref_slice %arg4[%run_scoped3A, %dma_wait3A_135] : memref<2x320000xi32, #tpu.memory_space<hbm>> -> memref<1x320000xi32, #tpu.memory_space<hbm>>
        %dma_wait3A_137 = tpu.memref_squeeze %dma_wait3A_136 : memref<1x320000xi32, #tpu.memory_space<hbm>> -> memref<320000xi32, #tpu.memory_space<hbm>>
        %dma_wait3A_138 = tpu.memref_slice %dma_wait3A_137[%multiple_of3A] : memref<320000xi32, #tpu.memory_space<hbm>> -> memref<128xi32, #tpu.memory_space<hbm>>
        tpu.wait_dma2 semaphore(%run_scoped3A_122 : memref<!tpu.dma_semaphore, #tpu.memory_space<semaphore_mem>>) src(%dma_wait3A_138 : memref<128xi32, #tpu.memory_space<hbm>>) dst(%arg10 : memref<128xi32, #tpu.memory_space<vmem>>)
        tpu.yield
      }) : () -> ()
      %get3A = arith.constant 0 : index
      %get3A_47 = tpu.vector_load %arg10[%get3A] {strides = array<i32>} : memref<128xi32, #tpu.memory_space<vmem>>, vector<16xi32>,
      %get3A_48 = vector.shape_cast %get3A_47 : vector<16xi32> to vector<16xi32>
      %add3A_49 = vector.broadcast %mul3A_0 : i32 to vector<16xi32>
      %add3A_50 = arith.addi %get3A_48, %add3A_49 : vector<16xi32>
      %swap3A = arith.constant 0 : index
      %swap3A_51 = tpu.vector_load %arg10[%swap3A] {strides = array<i32>} : memref<128xi32, #tpu.memory_space<vmem>>, vector<16xi32>,
      %swap3A_52 = vector.shape_cast %swap3A_51 : vector<16xi32> to vector<16xi32>
      %swap3A_53 = vector.shape_cast %add3A_50 : vector<16xi32> to vector<16xi32>
      tpu.vector_store %arg10[%swap3A], %swap3A_53 {strides = array<i32>} : memref<128xi32, #tpu.memory_space<vmem>>, vector<16xi32>,
      %get3A_54 = arith.constant 16 : index
      %get3A_55 = tpu.vector_load %arg10[%get3A_54] {strides = array<i32>} : memref<128xi32, #tpu.memory_space<vmem>>, vector<16xi32>,
      %get3A_56 = vector.shape_cast %get3A_55 : vector<16xi32> to vector<16xi32>
      %add3A_57 = vector.broadcast %mul3A_0 : i32 to vector<16xi32>
      %add3A_58 = arith.addi %get3A_56, %add3A_57 : vector<16xi32>
      %swap3A_59 = arith.constant 16 : index
      %swap3A_60 = tpu.vector_load %arg10[%swap3A_59] {strides = array<i32>} : memref<128xi32, #tpu.memory_space<vmem>>, vector<16xi32>,
      %swap3A_61 = vector.shape_cast %swap3A_60 : vector<16xi32> to vector<16xi32>
      %swap3A_62 = vector.shape_cast %add3A_58 : vector<16xi32> to vector<16xi32>
      tpu.vector_store %arg10[%swap3A_59], %swap3A_62 {strides = array<i32>} : memref<128xi32, #tpu.memory_space<vmem>>, vector<16xi32>,
      %get3A_63 = arith.constant 32 : index
      %get3A_64 = tpu.vector_load %arg10[%get3A_63] {strides = array<i32>} : memref<128xi32, #tpu.memory_space<vmem>>, vector<16xi32>,
      %get3A_65 = vector.shape_cast %get3A_64 : vector<16xi32> to vector<16xi32>
      %add3A_66 = vector.broadcast %mul3A_0 : i32 to vector<16xi32>
      %add3A_67 = arith.addi %get3A_65, %add3A_66 : vector<16xi32>
      %swap3A_68 = arith.constant 32 : index
      %swap3A_69 = tpu.vector_load %arg10[%swap3A_68] {strides = array<i32>} : memref<128xi32, #tpu.memory_space<vmem>>, vector<16xi32>,
      %swap3A_70 = vector.shape_cast %swap3A_69 : vector<16xi32> to vector<16xi32>
      %swap3A_71 = vector.shape_cast %add3A_67 : vector<16xi32> to vector<16xi32>
      tpu.vector_store %arg10[%swap3A_68], %swap3A_71 {strides = array<i32>} : memref<128xi32, #tpu.memory_space<vmem>>, vector<16xi32>,
      %get3A_72 = arith.constant 48 : index
      %get3A_73 = tpu.vector_load %arg10[%get3A_72] {strides = array<i32>} : memref<128xi32, #tpu.memory_space<vmem>>, vector<16xi32>,
      %get3A_74 = vector.shape_cast %get3A_73 : vector<16xi32> to vector<16xi32>
      %add3A_75 = vector.broadcast %mul3A_0 : i32 to vector<16xi32>
      %add3A_76 = arith.addi %get3A_74, %add3A_75 : vector<16xi32>
      %swap3A_77 = arith.constant 48 : index
      %swap3A_78 = tpu.vector_load %arg10[%swap3A_77] {strides = array<i32>} : memref<128xi32, #tpu.memory_space<vmem>>, vector<16xi32>,
      %swap3A_79 = vector.shape_cast %swap3A_78 : vector<16xi32> to vector<16xi32>
      %swap3A_80 = vector.shape_cast %add3A_76 : vector<16xi32> to vector<16xi32>
      tpu.vector_store %arg10[%swap3A_77], %swap3A_80 {strides = array<i32>} : memref<128xi32, #tpu.memory_space<vmem>>, vector<16xi32>,
      %get3A_81 = arith.constant 64 : index
      %get3A_82 = tpu.vector_load %arg10[%get3A_81] {strides = array<i32>} : memref<128xi32, #tpu.memory_space<vmem>>, vector<16xi32>,
      %get3A_83 = vector.shape_cast %get3A_82 : vector<16xi32> to vector<16xi32>
      %add3A_84 = vector.broadcast %mul3A_0 : i32 to vector<16xi32>
      %add3A_85 = arith.addi %get3A_83, %add3A_84 : vector<16xi32>
      %swap3A_86 = arith.constant 64 : index
      %swap3A_87 = tpu.vector_load %arg10[%swap3A_86] {strides = array<i32>} : memref<128xi32, #tpu.memory_space<vmem>>, vector<16xi32>,
      %swap3A_88 = vector.shape_cast %swap3A_87 : vector<16xi32> to vector<16xi32>
      %swap3A_89 = vector.shape_cast %add3A_85 : vector<16xi32> to vector<16xi32>
      tpu.vector_store %arg10[%swap3A_86], %swap3A_89 {strides = array<i32>} : memref<128xi32, #tpu.memory_space<vmem>>, vector<16xi32>,
      %get3A_90 = arith.constant 80 : index
      %get3A_91 = tpu.vector_load %arg10[%get3A_90] {strides = array<i32>} : memref<128xi32, #tpu.memory_space<vmem>>, vector<16xi32>,
      %get3A_92 = vector.shape_cast %get3A_91 : vector<16xi32> to vector<16xi32>
      %add3A_93 = vector.broadcast %mul3A_0 : i32 to vector<16xi32>
      %add3A_94 = arith.addi %get3A_92, %add3A_93 : vector<16xi32>
      %swap3A_95 = arith.constant 80 : index
      %swap3A_96 = tpu.vector_load %arg10[%swap3A_95] {strides = array<i32>} : memref<128xi32, #tpu.memory_space<vmem>>, vector<16xi32>,
      %swap3A_97 = vector.shape_cast %swap3A_96 : vector<16xi32> to vector<16xi32>
      %swap3A_98 = vector.shape_cast %add3A_94 : vector<16xi32> to vector<16xi32>
      tpu.vector_store %arg10[%swap3A_95], %swap3A_98 {strides = array<i32>} : memref<128xi32, #tpu.memory_space<vmem>>, vector<16xi32>,
      %get3A_99 = arith.constant 96 : index
      %get3A_100 = tpu.vector_load %arg10[%get3A_99] {strides = array<i32>} : memref<128xi32, #tpu.memory_space<vmem>>, vector<16xi32>,
      %get3A_101 = vector.shape_cast %get3A_100 : vector<16xi32> to vector<16xi32>
      %add3A_102 = vector.broadcast %mul3A_0 : i32 to vector<16xi32>
      %add3A_103 = arith.addi %get3A_101, %add3A_102 : vector<16xi32>
      %swap3A_104 = arith.constant 96 : index
      %swap3A_105 = tpu.vector_load %arg10[%swap3A_104] {strides = array<i32>} : memref<128xi32, #tpu.memory_space<vmem>>, vector<16xi32>,
      %swap3A_106 = vector.shape_cast %swap3A_105 : vector<16xi32> to vector<16xi32>
      %swap3A_107 = vector.shape_cast %add3A_103 : vector<16xi32> to vector<16xi32>
      tpu.vector_store %arg10[%swap3A_104], %swap3A_107 {strides = array<i32>} : memref<128xi32, #tpu.memory_space<vmem>>, vector<16xi32>,
      %get3A_108 = arith.constant 112 : index
      %get3A_109 = tpu.vector_load %arg10[%get3A_108] {strides = array<i32>} : memref<128xi32, #tpu.memory_space<vmem>>, vector<16xi32>,
      %get3A_110 = vector.shape_cast %get3A_109 : vector<16xi32> to vector<16xi32>
      %add3A_111 = vector.broadcast %mul3A_0 : i32 to vector<16xi32>
      %add3A_112 = arith.addi %get3A_110, %add3A_111 : vector<16xi32>
      %swap3A_113 = arith.constant 112 : index
      %swap3A_114 = tpu.vector_load %arg10[%swap3A_113] {strides = array<i32>} : memref<128xi32, #tpu.memory_space<vmem>>, vector<16xi32>,
      %swap3A_115 = vector.shape_cast %swap3A_114 : vector<16xi32> to vector<16xi32>
      %swap3A_116 = vector.shape_cast %add3A_112 : vector<16xi32> to vector<16xi32>
      tpu.vector_store %arg10[%swap3A_113], %swap3A_116 {strides = array<i32>} : memref<128xi32, #tpu.memory_space<vmem>>, vector<16xi32>,
      %dma_start3A = arith.constant 0 : i32
      %dma_start3A_117 = arith.constant 0 : i32
      %dma_start3A_118 = tpu.memref_slice %arg2[%dma_start3A, %dma_start3A_117] : memref<20000x128xf32, #tpu.memory_space<hbm>> -> memref<20000x128xf32, #tpu.memory_space<hbm>>
      tpu.enqueue_indirect_dma source(%dma_start3A_118 : memref<20000x128xf32, #tpu.memory_space<hbm>>) target(%arg12 : memref<128x128xf32, #tpu.memory_space<vmem>>) offsets(%arg10 : memref<128xi32, #tpu.memory_space<vmem>>) semaphore(%arg13 : memref<!tpu.dma_semaphore, #tpu.memory_space<semaphore_mem>>)
      %dma_wait3A = arith.constant 0 : i32
      %dma_wait3A_119 = arith.constant 0 : i32
      %dma_wait3A_120 = tpu.memref_slice %arg2[%dma_wait3A, %dma_wait3A_119] : memref<20000x128xf32, #tpu.memory_space<hbm>> -> memref<20000x128xf32, #tpu.memory_space<hbm>>
      tpu.wait_indirect_dma semaphore(%arg13 : memref<!tpu.dma_semaphore, #tpu.memory_space<semaphore_mem>>) src(%dma_wait3A_120 : memref<20000x128xf32, #tpu.memory_space<hbm>>) dst(%arg12 : memref<128x128xf32, #tpu.memory_space<vmem>>)
      %run_scoped3A_121 = arith.constant 1 : i32
      "tpu.region"() ({
        %run_scoped3A_122 = tpu.sem_alloc : memref<!tpu.dma_semaphore, #tpu.memory_space<semaphore_mem>>
        %dma_start3A_123 = arith.constant 0 : i32
        %dma_start3A_124 = tpu.memref_slice %arg4[%run_scoped3A_121, %dma_start3A_123] : memref<2x320000xi32, #tpu.memory_space<hbm>> -> memref<1x320000xi32, #tpu.memory_space<hbm>>
        %dma_start3A_125 = tpu.memref_squeeze %dma_start3A_124 : memref<1x320000xi32, #tpu.memory_space<hbm>> -> memref<320000xi32, #tpu.memory_space<hbm>>
        %dma_start3A_126 = tpu.memref_slice %dma_start3A_125[%multiple_of3A] : memref<320000xi32, #tpu.memory_space<hbm>> -> memref<128xi32, #tpu.memory_space<hbm>>
        %dma_start3A_127 = arith.constant 0 : i32
        %dma_start3A_128 = tpu.memref_slice %arg4[%run_scoped3A_121, %dma_start3A_127] : memref<2x320000xi32, #tpu.memory_space<hbm>> -> memref<1x320000xi32, #tpu.memory_space<hbm>>
        %dma_start3A_129 = tpu.memref_squeeze %dma_start3A_128 : memref<1x320000xi32, #tpu.memory_space<hbm>> -> memref<320000xi32, #tpu.memory_space<hbm>>
        %dma_start3A_130 = tpu.memref_slice %dma_start3A_129[%multiple_of3A] : memref<320000xi32, #tpu.memory_space<hbm>> -> memref<128xi32, #tpu.memory_space<hbm>>
        tpu.enqueue_dma source(%dma_start3A_130 : memref<128xi32, #tpu.memory_space<hbm>>) target(%arg11 : memref<128xi32, #tpu.memory_space<vmem>>) target_semaphore(%run_scoped3A_122 : memref<!tpu.dma_semaphore, #tpu.memory_space<semaphore_mem>>)
        %dma_wait3A_131 = arith.constant 0 : i32
        %dma_wait3A_132 = tpu.memref_slice %arg4[%run_scoped3A_121, %dma_wait3A_131] : memref<2x320000xi32, #tpu.memory_space<hbm>> -> memref<1x320000xi32, #tpu.memory_space<hbm>>
        %dma_wait3A_133 = tpu.memref_squeeze %dma_wait3A_132 : memref<1x320000xi32, #tpu.memory_space<hbm>> -> memref<320000xi32, #tpu.memory_space<hbm>>
        %dma_wait3A_134 = tpu.memref_slice %dma_wait3A_133[%multiple_of3A] : memref<320000xi32, #tpu.memory_space<hbm>> -> memref<128xi32, #tpu.memory_space<hbm>>
        %dma_wait3A_135 = arith.constant 0 : i32
        %dma_wait3A_136 = tpu.memref_slice %arg4[%run_scoped3A_121, %dma_wait3A_135] : memref<2x320000xi32, #tpu.memory_space<hbm>> -> memref<1x320000xi32, #tpu.memory_space<hbm>>
        %dma_wait3A_137 = tpu.memref_squeeze %dma_wait3A_136 : memref<1x320000xi32, #tpu.memory_space<hbm>> -> memref<320000xi32, #tpu.memory_space<hbm>>
        %dma_wait3A_138 = tpu.memref_slice %dma_wait3A_137[%multiple_of3A] : memref<320000xi32, #tpu.memory_space<hbm>> -> memref<128xi32, #tpu.memory_space<hbm>>
        tpu.wait_dma2 semaphore(%run_scoped3A_122 : memref<!tpu.dma_semaphore, #tpu.memory_space<semaphore_mem>>) src(%dma_wait3A_138 : memref<128xi32, #tpu.memory_space<hbm>>) dst(%arg11 : memref<128xi32, #tpu.memory_space<vmem>>)
        tpu.yield
      }) : () -> ()
      "tpu.region"() ({
        %run_scoped3A_122 = tpu.sem_alloc : memref<!tpu.dma_semaphore, #tpu.memory_space<semaphore_mem>>
        %dma_start3A_123 = arith.constant 0 : i32
        %dma_start3A_124 = arith.constant 0 : i32
        %dma_start3A_125 = tpu.memref_slice %arg9[%dma_start3A_123, %dma_start3A_124] : memref<10000x128xf32, #tpu.memory_space<vmem_shared>> -> memref<10000x128xf32, #tpu.memory_space<vmem_shared>>
        tpu.enqueue_indirect_dma source(%arg12 : memref<128x128xf32, #tpu.memory_space<vmem>>) target(%dma_start3A_125 : memref<10000x128xf32, #tpu.memory_space<vmem_shared>>) offsets(%arg11 : memref<128xi32, #tpu.memory_space<vmem>>) semaphore(%run_scoped3A_122 : memref<!tpu.dma_semaphore, #tpu.memory_space<semaphore_mem>>) {add = true}
        %dma_wait3A_126 = arith.constant 0 : i32
        %dma_wait3A_127 = arith.constant 0 : i32
        %dma_wait3A_128 = tpu.memref_slice %arg9[%dma_wait3A_126, %dma_wait3A_127] : memref<10000x128xf32, #tpu.memory_space<vmem_shared>> -> memref<10000x128xf32, #tpu.memory_space<vmem_shared>>
        tpu.wait_indirect_dma semaphore(%run_scoped3A_122 : memref<!tpu.dma_semaphore, #tpu.memory_space<semaphore_mem>>) src(%arg12 : memref<128x128xf32, #tpu.memory_space<vmem>>) dst(%dma_wait3A_128 : memref<10000x128xf32, #tpu.memory_space<vmem_shared>>)
        tpu.yield
      }) : () -> ()
    }
    %while3A_13 = arith.constant 1 : i32
    scf.for %while3A_42 = %while3A_11 to %while3A_7 step %while3A_13  : i32 {
      %mul3A_43 = arith.constant 16 : i32
      %mul3A_44 = arith.muli %while3A_42, %mul3A_43 : i32
      %add3A = arith.addi %mul3A_44, %arg1 : i32
      %mul3A_45 = arith.constant 128 : i32
      %mul3A_46 = arith.muli %add3A, %mul3A_45 : i32
      %multiple_of3A = tpu.assume_multiple %mul3A_46, 128 : i32
      %run_scoped3A = arith.constant 0 : i32
      "tpu.region"() ({
        %run_scoped3A_122 = tpu.sem_alloc : memref<!tpu.dma_semaphore, #tpu.memory_space<semaphore_mem>>
        %dma_start3A_123 = arith.constant 0 : i32
        %dma_start3A_124 = tpu.memref_slice %arg4[%run_scoped3A, %dma_start3A_123] : memref<2x320000xi32, #tpu.memory_space<hbm>> -> memref<1x320000xi32, #tpu.memory_space<hbm>>
        %dma_start3A_125 = tpu.memref_squeeze %dma_start3A_124 : memref<1x320000xi32, #tpu.memory_space<hbm>> -> memref<320000xi32, #tpu.memory_space<hbm>>
        %dma_start3A_126 = tpu.memref_slice %dma_start3A_125[%multiple_of3A] : memref<320000xi32, #tpu.memory_space<hbm>> -> memref<128xi32, #tpu.memory_space<hbm>>
        %dma_start3A_127 = arith.constant 0 : i32
        %dma_start3A_128 = tpu.memref_slice %arg4[%run_scoped3A, %dma_start3A_127] : memref<2x320000xi32, #tpu.memory_space<hbm>> -> memref<1x320000xi32, #tpu.memory_space<hbm>>
        %dma_start3A_129 = tpu.memref_squeeze %dma_start3A_128 : memref<1x320000xi32, #tpu.memory_space<hbm>> -> memref<320000xi32, #tpu.memory_space<hbm>>
        %dma_start3A_130 = tpu.memref_slice %dma_start3A_129[%multiple_of3A] : memref<320000xi32, #tpu.memory_space<hbm>> -> memref<128xi32, #tpu.memory_space<hbm>>
        tpu.enqueue_dma source(%dma_start3A_130 : memref<128xi32, #tpu.memory_space<hbm>>) target(%arg10 : memref<128xi32, #tpu.memory_space<vmem>>) target_semaphore(%run_scoped3A_122 : memref<!tpu.dma_semaphore, #tpu.memory_space<semaphore_mem>>)
        %dma_wait3A_131 = arith.constant 0 : i32
        %dma_wait3A_132 = tpu.memref_slice %arg4[%run_scoped3A, %dma_wait3A_131] : memref<2x320000xi32, #tpu.memory_space<hbm>> -> memref<1x320000xi32, #tpu.memory_space<hbm>>
        %dma_wait3A_133 = tpu.memref_squeeze %dma_wait3A_132 : memref<1x320000xi32, #tpu.memory_space<hbm>> -> memref<320000xi32, #tpu.memory_space<hbm>>
        %dma_wait3A_134 = tpu.memref_slice %dma_wait3A_133[%multiple_of3A] : memref<320000xi32, #tpu.memory_space<hbm>> -> memref<128xi32, #tpu.memory_space<hbm>>
        %dma_wait3A_135 = arith.constant 0 : i32
        %dma_wait3A_136 = tpu.memref_slice %arg4[%run_scoped3A, %dma_wait3A_135] : memref<2x320000xi32, #tpu.memory_space<hbm>> -> memref<1x320000xi32, #tpu.memory_space<hbm>>
        %dma_wait3A_137 = tpu.memref_squeeze %dma_wait3A_136 : memref<1x320000xi32, #tpu.memory_space<hbm>> -> memref<320000xi32, #tpu.memory_space<hbm>>
        %dma_wait3A_138 = tpu.memref_slice %dma_wait3A_137[%multiple_of3A] : memref<320000xi32, #tpu.memory_space<hbm>> -> memref<128xi32, #tpu.memory_space<hbm>>
        tpu.wait_dma2 semaphore(%run_scoped3A_122 : memref<!tpu.dma_semaphore, #tpu.memory_space<semaphore_mem>>) src(%dma_wait3A_138 : memref<128xi32, #tpu.memory_space<hbm>>) dst(%arg10 : memref<128xi32, #tpu.memory_space<vmem>>)
        tpu.yield
      }) : () -> ()
      %get3A = arith.constant 0 : index
      %get3A_47 = tpu.vector_load %arg10[%get3A] {strides = array<i32>} : memref<128xi32, #tpu.memory_space<vmem>>, vector<16xi32>,
      %get3A_48 = vector.shape_cast %get3A_47 : vector<16xi32> to vector<16xi32>
      %add3A_49 = vector.broadcast %mul3A_0 : i32 to vector<16xi32>
      %add3A_50 = arith.addi %get3A_48, %add3A_49 : vector<16xi32>
      %swap3A = arith.constant 0 : index
      %swap3A_51 = tpu.vector_load %arg10[%swap3A] {strides = array<i32>} : memref<128xi32, #tpu.memory_space<vmem>>, vector<16xi32>,
      %swap3A_52 = vector.shape_cast %swap3A_51 : vector<16xi32> to vector<16xi32>
      %swap3A_53 = vector.shape_cast %add3A_50 : vector<16xi32> to vector<16xi32>
      tpu.vector_store %arg10[%swap3A], %swap3A_53 {strides = array<i32>} : memref<128xi32, #tpu.memory_space<vmem>>, vector<16xi32>,
      %get3A_54 = arith.constant 16 : index
      %get3A_55 = tpu.vector_load %arg10[%get3A_54] {strides = array<i32>} : memref<128xi32, #tpu.memory_space<vmem>>, vector<16xi32>,
      %get3A_56 = vector.shape_cast %get3A_55 : vector<16xi32> to vector<16xi32>
      %add3A_57 = vector.broadcast %mul3A_0 : i32 to vector<16xi32>
      %add3A_58 = arith.addi %get3A_56, %add3A_57 : vector<16xi32>
      %swap3A_59 = arith.constant 16 : index
      %swap3A_60 = tpu.vector_load %arg10[%swap3A_59] {strides = array<i32>} : memref<128xi32, #tpu.memory_space<vmem>>, vector<16xi32>,
      %swap3A_61 = vector.shape_cast %swap3A_60 : vector<16xi32> to vector<16xi32>
      %swap3A_62 = vector.shape_cast %add3A_58 : vector<16xi32> to vector<16xi32>
      tpu.vector_store %arg10[%swap3A_59], %swap3A_62 {strides = array<i32>} : memref<128xi32, #tpu.memory_space<vmem>>, vector<16xi32>,
      %get3A_63 = arith.constant 32 : index
      %get3A_64 = tpu.vector_load %arg10[%get3A_63] {strides = array<i32>} : memref<128xi32, #tpu.memory_space<vmem>>, vector<16xi32>,
      %get3A_65 = vector.shape_cast %get3A_64 : vector<16xi32> to vector<16xi32>
      %add3A_66 = vector.broadcast %mul3A_0 : i32 to vector<16xi32>
      %add3A_67 = arith.addi %get3A_65, %add3A_66 : vector<16xi32>
      %swap3A_68 = arith.constant 32 : index
      %swap3A_69 = tpu.vector_load %arg10[%swap3A_68] {strides = array<i32>} : memref<128xi32, #tpu.memory_space<vmem>>, vector<16xi32>,
      %swap3A_70 = vector.shape_cast %swap3A_69 : vector<16xi32> to vector<16xi32>
      %swap3A_71 = vector.shape_cast %add3A_67 : vector<16xi32> to vector<16xi32>
      tpu.vector_store %arg10[%swap3A_68], %swap3A_71 {strides = array<i32>} : memref<128xi32, #tpu.memory_space<vmem>>, vector<16xi32>,
      %get3A_72 = arith.constant 48 : index
      %get3A_73 = tpu.vector_load %arg10[%get3A_72] {strides = array<i32>} : memref<128xi32, #tpu.memory_space<vmem>>, vector<16xi32>,
      %get3A_74 = vector.shape_cast %get3A_73 : vector<16xi32> to vector<16xi32>
      %add3A_75 = vector.broadcast %mul3A_0 : i32 to vector<16xi32>
      %add3A_76 = arith.addi %get3A_74, %add3A_75 : vector<16xi32>
      %swap3A_77 = arith.constant 48 : index
      %swap3A_78 = tpu.vector_load %arg10[%swap3A_77] {strides = array<i32>} : memref<128xi32, #tpu.memory_space<vmem>>, vector<16xi32>,
      %swap3A_79 = vector.shape_cast %swap3A_78 : vector<16xi32> to vector<16xi32>
      %swap3A_80 = vector.shape_cast %add3A_76 : vector<16xi32> to vector<16xi32>
      tpu.vector_store %arg10[%swap3A_77], %swap3A_80 {strides = array<i32>} : memref<128xi32, #tpu.memory_space<vmem>>, vector<16xi32>,
      %get3A_81 = arith.constant 64 : index
      %get3A_82 = tpu.vector_load %arg10[%get3A_81] {strides = array<i32>} : memref<128xi32, #tpu.memory_space<vmem>>, vector<16xi32>,
      %get3A_83 = vector.shape_cast %get3A_82 : vector<16xi32> to vector<16xi32>
      %add3A_84 = vector.broadcast %mul3A_0 : i32 to vector<16xi32>
      %add3A_85 = arith.addi %get3A_83, %add3A_84 : vector<16xi32>
      %swap3A_86 = arith.constant 64 : index
      %swap3A_87 = tpu.vector_load %arg10[%swap3A_86] {strides = array<i32>} : memref<128xi32, #tpu.memory_space<vmem>>, vector<16xi32>,
      %swap3A_88 = vector.shape_cast %swap3A_87 : vector<16xi32> to vector<16xi32>
      %swap3A_89 = vector.shape_cast %add3A_85 : vector<16xi32> to vector<16xi32>
      tpu.vector_store %arg10[%swap3A_86], %swap3A_89 {strides = array<i32>} : memref<128xi32, #tpu.memory_space<vmem>>, vector<16xi32>,
      %get3A_90 = arith.constant 80 : index
      %get3A_91 = tpu.vector_load %arg10[%get3A_90] {strides = array<i32>} : memref<128xi32, #tpu.memory_space<vmem>>, vector<16xi32>,
      %get3A_92 = vector.shape_cast %get3A_91 : vector<16xi32> to vector<16xi32>
      %add3A_93 = vector.broadcast %mul3A_0 : i32 to vector<16xi32>
      %add3A_94 = arith.addi %get3A_92, %add3A_93 : vector<16xi32>
      %swap3A_95 = arith.constant 80 : index
      %swap3A_96 = tpu.vector_load %arg10[%swap3A_95] {strides = array<i32>} : memref<128xi32, #tpu.memory_space<vmem>>, vector<16xi32>,
      %swap3A_97 = vector.shape_cast %swap3A_96 : vector<16xi32> to vector<16xi32>
      %swap3A_98 = vector.shape_cast %add3A_94 : vector<16xi32> to vector<16xi32>
      tpu.vector_store %arg10[%swap3A_95], %swap3A_98 {strides = array<i32>} : memref<128xi32, #tpu.memory_space<vmem>>, vector<16xi32>,
      %get3A_99 = arith.constant 96 : index
      %get3A_100 = tpu.vector_load %arg10[%get3A_99] {strides = array<i32>} : memref<128xi32, #tpu.memory_space<vmem>>, vector<16xi32>,
      %get3A_101 = vector.shape_cast %get3A_100 : vector<16xi32> to vector<16xi32>
      %add3A_102 = vector.broadcast %mul3A_0 : i32 to vector<16xi32>
      %add3A_103 = arith.addi %get3A_101, %add3A_102 : vector<16xi32>
      %swap3A_104 = arith.constant 96 : index
      %swap3A_105 = tpu.vector_load %arg10[%swap3A_104] {strides = array<i32>} : memref<128xi32, #tpu.memory_space<vmem>>, vector<16xi32>,
      %swap3A_106 = vector.shape_cast %swap3A_105 : vector<16xi32> to vector<16xi32>
      %swap3A_107 = vector.shape_cast %add3A_103 : vector<16xi32> to vector<16xi32>
      tpu.vector_store %arg10[%swap3A_104], %swap3A_107 {strides = array<i32>} : memref<128xi32, #tpu.memory_space<vmem>>, vector<16xi32>,
      %get3A_108 = arith.constant 112 : index
      %get3A_109 = tpu.vector_load %arg10[%get3A_108] {strides = array<i32>} : memref<128xi32, #tpu.memory_space<vmem>>, vector<16xi32>,
      %get3A_110 = vector.shape_cast %get3A_109 : vector<16xi32> to vector<16xi32>
      %add3A_111 = vector.broadcast %mul3A_0 : i32 to vector<16xi32>
      %add3A_112 = arith.addi %get3A_110, %add3A_111 : vector<16xi32>
      %swap3A_113 = arith.constant 112 : index
      %swap3A_114 = tpu.vector_load %arg10[%swap3A_113] {strides = array<i32>} : memref<128xi32, #tpu.memory_space<vmem>>, vector<16xi32>,
      %swap3A_115 = vector.shape_cast %swap3A_114 : vector<16xi32> to vector<16xi32>
      %swap3A_116 = vector.shape_cast %add3A_112 : vector<16xi32> to vector<16xi32>
      tpu.vector_store %arg10[%swap3A_113], %swap3A_116 {strides = array<i32>} : memref<128xi32, #tpu.memory_space<vmem>>, vector<16xi32>,
      %dma_start3A = arith.constant 0 : i32
      %dma_start3A_117 = arith.constant 0 : i32
      %dma_start3A_118 = tpu.memref_slice %arg2[%dma_start3A, %dma_start3A_117] : memref<20000x128xf32, #tpu.memory_space<hbm>> -> memref<20000x128xf32, #tpu.memory_space<hbm>>
      tpu.enqueue_indirect_dma source(%dma_start3A_118 : memref<20000x128xf32, #tpu.memory_space<hbm>>) target(%arg12 : memref<128x128xf32, #tpu.memory_space<vmem>>) offsets(%arg10 : memref<128xi32, #tpu.memory_space<vmem>>) semaphore(%arg13 : memref<!tpu.dma_semaphore, #tpu.memory_space<semaphore_mem>>)
      %dma_wait3A = arith.constant 0 : i32
      %dma_wait3A_119 = arith.constant 0 : i32
      %dma_wait3A_120 = tpu.memref_slice %arg2[%dma_wait3A, %dma_wait3A_119] : memref<20000x128xf32, #tpu.memory_space<hbm>> -> memref<20000x128xf32, #tpu.memory_space<hbm>>
      tpu.wait_indirect_dma semaphore(%arg13 : memref<!tpu.dma_semaphore, #tpu.memory_space<semaphore_mem>>) src(%dma_wait3A_120 : memref<20000x128xf32, #tpu.memory_space<hbm>>) dst(%arg12 : memref<128x128xf32, #tpu.memory_space<vmem>>)
      %run_scoped3A_121 = arith.constant 1 : i32
      "tpu.region"() ({
        %run_scoped3A_122 = tpu.sem_alloc : memref<!tpu.dma_semaphore, #tpu.memory_space<semaphore_mem>>
        %dma_start3A_123 = arith.constant 0 : i32
        %dma_start3A_124 = tpu.memref_slice %arg4[%run_scoped3A_121, %dma_start3A_123] : memref<2x320000xi32, #tpu.memory_space<hbm>> -> memref<1x320000xi32, #tpu.memory_space<hbm>>
        %dma_start3A_125 = tpu.memref_squeeze %dma_start3A_124 : memref<1x320000xi32, #tpu.memory_space<hbm>> -> memref<320000xi32, #tpu.memory_space<hbm>>
        %dma_start3A_126 = tpu.memref_slice %dma_start3A_125[%multiple_of3A] : memref<320000xi32, #tpu.memory_space<hbm>> -> memref<128xi32, #tpu.memory_space<hbm>>
        %dma_start3A_127 = arith.constant 0 : i32
        %dma_start3A_128 = tpu.memref_slice %arg4[%run_scoped3A_121, %dma_start3A_127] : memref<2x320000xi32, #tpu.memory_space<hbm>> -> memref<1x320000xi32, #tpu.memory_space<hbm>>
        %dma_start3A_129 = tpu.memref_squeeze %dma_start3A_128 : memref<1x320000xi32, #tpu.memory_space<hbm>> -> memref<320000xi32, #tpu.memory_space<hbm>>
        %dma_start3A_130 = tpu.memref_slice %dma_start3A_129[%multiple_of3A] : memref<320000xi32, #tpu.memory_space<hbm>> -> memref<128xi32, #tpu.memory_space<hbm>>
        tpu.enqueue_dma source(%dma_start3A_130 : memref<128xi32, #tpu.memory_space<hbm>>) target(%arg11 : memref<128xi32, #tpu.memory_space<vmem>>) target_semaphore(%run_scoped3A_122 : memref<!tpu.dma_semaphore, #tpu.memory_space<semaphore_mem>>)
        %dma_wait3A_131 = arith.constant 0 : i32
        %dma_wait3A_132 = tpu.memref_slice %arg4[%run_scoped3A_121, %dma_wait3A_131] : memref<2x320000xi32, #tpu.memory_space<hbm>> -> memref<1x320000xi32, #tpu.memory_space<hbm>>
        %dma_wait3A_133 = tpu.memref_squeeze %dma_wait3A_132 : memref<1x320000xi32, #tpu.memory_space<hbm>> -> memref<320000xi32, #tpu.memory_space<hbm>>
        %dma_wait3A_134 = tpu.memref_slice %dma_wait3A_133[%multiple_of3A] : memref<320000xi32, #tpu.memory_space<hbm>> -> memref<128xi32, #tpu.memory_space<hbm>>
        %dma_wait3A_135 = arith.constant 0 : i32
        %dma_wait3A_136 = tpu.memref_slice %arg4[%run_scoped3A_121, %dma_wait3A_135] : memref<2x320000xi32, #tpu.memory_space<hbm>> -> memref<1x320000xi32, #tpu.memory_space<hbm>>
        %dma_wait3A_137 = tpu.memref_squeeze %dma_wait3A_136 : memref<1x320000xi32, #tpu.memory_space<hbm>> -> memref<320000xi32, #tpu.memory_space<hbm>>
        %dma_wait3A_138 = tpu.memref_slice %dma_wait3A_137[%multiple_of3A] : memref<320000xi32, #tpu.memory_space<hbm>> -> memref<128xi32, #tpu.memory_space<hbm>>
        tpu.wait_dma2 semaphore(%run_scoped3A_122 : memref<!tpu.dma_semaphore, #tpu.memory_space<semaphore_mem>>) src(%dma_wait3A_138 : memref<128xi32, #tpu.memory_space<hbm>>) dst(%arg11 : memref<128xi32, #tpu.memory_space<vmem>>)
        tpu.yield
      }) : () -> ()
      "tpu.region"() ({
        %run_scoped3A_122 = tpu.sem_alloc : memref<!tpu.dma_semaphore, #tpu.memory_space<semaphore_mem>>
        %dma_start3A_123 = arith.constant 0 : i32
        %dma_start3A_124 = arith.constant 0 : i32
        %dma_start3A_125 = tpu.memref_slice %arg9[%dma_start3A_123, %dma_start3A_124] : memref<10000x128xf32, #tpu.memory_space<vmem_shared>> -> memref<10000x128xf32, #tpu.memory_space<vmem_shared>>
        tpu.enqueue_indirect_dma source(%arg12 : memref<128x128xf32, #tpu.memory_space<vmem>>) target(%dma_start3A_125 : memref<10000x128xf32, #tpu.memory_space<vmem_shared>>) offsets(%arg11 : memref<128xi32, #tpu.memory_space<vmem>>) semaphore(%run_scoped3A_122 : memref<!tpu.dma_semaphore, #tpu.memory_space<semaphore_mem>>) {add = true}
        %dma_wait3A_126 = arith.constant 0 : i32
        %dma_wait3A_127 = arith.constant 0 : i32
        %dma_wait3A_128 = tpu.memref_slice %arg9[%dma_wait3A_126, %dma_wait3A_127] : memref<10000x128xf32, #tpu.memory_space<vmem_shared>> -> memref<10000x128xf32, #tpu.memory_space<vmem_shared>>
        tpu.wait_indirect_dma semaphore(%run_scoped3A_122 : memref<!tpu.dma_semaphore, #tpu.memory_space<semaphore_mem>>) src(%arg12 : memref<128x128xf32, #tpu.memory_space<vmem>>) dst(%dma_wait3A_128 : memref<10000x128xf32, #tpu.memory_space<vmem_shared>>)
        tpu.yield
      }) : () -> ()
    }
    %barrier3A_14 = arith.constant 0 : index
    tpu.barrier barrier_id(%barrier3A_14)
    %lt3A_15 = arith.constant 10 : i32
    %lt3A_16 = arith.cmpi slt, %arg1, %lt3A_15 : i32
    %convert_element_type3A_17 = arith.extui %lt3A_16 : i1 to i32
    %cond3A_18 = arith.constant 0 : i32
    %cond3A_19 = arith.cmpi ne, %convert_element_type3A_17, %cond3A_18 : i32
    scf.if %cond3A_19 {
      %mul3A_42 = arith.constant 1000 : i32
      %mul3A_43 = arith.muli %arg1, %mul3A_42 : i32
      %mul3A_44 = arith.constant 1000 : i32
      %mul3A_45 = arith.muli %arg1, %mul3A_44 : i32
      %add3A = arith.addi %mul3A_0, %mul3A_45 : i32
      "tpu.region"() ({
        %run_scoped3A = tpu.sem_alloc : memref<!tpu.dma_semaphore, #tpu.memory_space<semaphore_mem>>
        %dma_start3A = arith.constant 0 : i32
        %dma_start3A_46 = tpu.memref_slice %arg7[%add3A, %dma_start3A] : memref<20000x128xf32, #tpu.memory_space<hbm>> -> memref<1000x128xf32, #tpu.memory_space<hbm>>
        %dma_start3A_47 = arith.constant 0 : i32
        %dma_start3A_48 = tpu.memref_slice %arg9[%mul3A_43, %dma_start3A_47] : memref<10000x128xf32, #tpu.memory_space<vmem_shared>> -> memref<1000x128xf32, #tpu.memory_space<vmem_shared>>
        tpu.enqueue_dma source(%dma_start3A_48 : memref<1000x128xf32, #tpu.memory_space<vmem_shared>>) target(%dma_start3A_46 : memref<1000x128xf32, #tpu.memory_space<hbm>>) target_semaphore(%run_scoped3A : memref<!tpu.dma_semaphore, #tpu.memory_space<semaphore_mem>>)
        %dma_wait3A = arith.constant 0 : i32
        %dma_wait3A_49 = tpu.memref_slice %arg7[%add3A, %dma_wait3A] : memref<20000x128xf32, #tpu.memory_space<hbm>> -> memref<1000x128xf32, #tpu.memory_space<hbm>>
        %dma_wait3A_50 = arith.constant 0 : i32
        %dma_wait3A_51 = tpu.memref_slice %arg9[%mul3A_43, %dma_wait3A_50] : memref<10000x128xf32, #tpu.memory_space<vmem_shared>> -> memref<1000x128xf32, #tpu.memory_space<vmem_shared>>
        tpu.wait_dma2 semaphore(%run_scoped3A : memref<!tpu.dma_semaphore, #tpu.memory_space<semaphore_mem>>) src(%dma_wait3A_51 : memref<1000x128xf32, #tpu.memory_space<vmem_shared>>) dst(%dma_wait3A_49 : memref<1000x128xf32, #tpu.memory_space<hbm>>)
        tpu.yield
      }) : () -> ()
    } else {
    }
    %barrier3A_20 = arith.constant 0 : index
    tpu.barrier barrier_id(%barrier3A_20)
    %lt3A_21 = arith.constant 10 : i32
    %lt3A_22 = arith.cmpi slt, %arg1, %lt3A_21 : i32
    %convert_element_type3A_23 = arith.extui %lt3A_22 : i1 to i32
    %cond3A_24 = arith.constant 0 : i32
    %cond3A_25 = arith.cmpi ne, %convert_element_type3A_23, %cond3A_24 : i32
    scf.if %cond3A_25 {
      %mul3A_42 = arith.constant 1000 : i32
      %mul3A_43 = arith.muli %arg1, %mul3A_42 : i32
      %mul3A_44 = arith.constant 1000 : i32
      %mul3A_45 = arith.muli %arg1, %mul3A_44 : i32
      "tpu.region"() ({
        %run_scoped3A = tpu.sem_alloc : memref<!tpu.dma_semaphore, #tpu.memory_space<semaphore_mem>>
        %dma_start3A = arith.constant 0 : i32
        %dma_start3A_46 = tpu.memref_slice %arg9[%mul3A_45, %dma_start3A] : memref<10000x128xf32, #tpu.memory_space<vmem_shared>> -> memref<1000x128xf32, #tpu.memory_space<vmem_shared>>
        %dma_start3A_47 = arith.constant 0 : i32
        %dma_start3A_48 = tpu.memref_slice %arg6[%mul3A_43, %dma_start3A_47] : memref<10000x128xf32, #tpu.memory_space<hbm>> -> memref<1000x128xf32, #tpu.memory_space<hbm>>
        tpu.enqueue_dma source(%dma_start3A_48 : memref<1000x128xf32, #tpu.memory_space<hbm>>) target(%dma_start3A_46 : memref<1000x128xf32, #tpu.memory_space<vmem_shared>>) target_semaphore(%run_scoped3A : memref<!tpu.dma_semaphore, #tpu.memory_space<semaphore_mem>>)
        %dma_wait3A = arith.constant 0 : i32
        %dma_wait3A_49 = tpu.memref_slice %arg9[%mul3A_45, %dma_wait3A] : memref<10000x128xf32, #tpu.memory_space<vmem_shared>> -> memref<1000x128xf32, #tpu.memory_space<vmem_shared>>
        %dma_wait3A_50 = arith.constant 0 : i32
        %dma_wait3A_51 = tpu.memref_slice %arg6[%mul3A_43, %dma_wait3A_50] : memref<10000x128xf32, #tpu.memory_space<hbm>> -> memref<1000x128xf32, #tpu.memory_space<hbm>>
        tpu.wait_dma2 semaphore(%run_scoped3A : memref<!tpu.dma_semaphore, #tpu.memory_space<semaphore_mem>>) src(%dma_wait3A_51 : memref<1000x128xf32, #tpu.memory_space<hbm>>) dst(%dma_wait3A_49 : memref<1000x128xf32, #tpu.memory_space<vmem_shared>>)
        tpu.yield
      }) : () -> ()
    } else {
    }
    %barrier3A_26 = arith.constant 0 : index
    tpu.barrier barrier_id(%barrier3A_26)
    %while3A_27 = arith.constant 0 : i32
    %while3A_28 = arith.subi %select_n3A, %while3A_27 : i32
    %while3A_29 = arith.addi %while3A_27, %while3A_28 : i32
    %while3A_30 = arith.constant 1 : i32
    %while3A_31 = arith.divsi %while3A_28, %while3A_30 : i32
    %while3A_32 = arith.muli %while3A_31, %while3A_30 : i32
    %while3A_33 = arith.addi %while3A_27, %while3A_32 : i32
    %while3A_34 = arith.constant 1 : i32
    scf.for %while3A_42 = %while3A_27 to %while3A_33 step %while3A_34  : i32 {
      %mul3A_43 = arith.constant 16 : i32
      %mul3A_44 = arith.muli %while3A_42, %mul3A_43 : i32
      %add3A = arith.addi %mul3A_44, %arg1 : i32
      %mul3A_45 = arith.constant 128 : i32
      %mul3A_46 = arith.muli %add3A, %mul3A_45 : i32
      %multiple_of3A = tpu.assume_multiple %mul3A_46, 128 : i32
      %run_scoped3A = arith.constant 0 : i32
      "tpu.region"() ({
        %run_scoped3A_122 = tpu.sem_alloc : memref<!tpu.dma_semaphore, #tpu.memory_space<semaphore_mem>>
        %dma_start3A_123 = arith.constant 0 : i32
        %dma_start3A_124 = tpu.memref_slice %arg5[%run_scoped3A, %dma_start3A_123] : memref<2x320000xi32, #tpu.memory_space<hbm>> -> memref<1x320000xi32, #tpu.memory_space<hbm>>
        %dma_start3A_125 = tpu.memref_squeeze %dma_start3A_124 : memref<1x320000xi32, #tpu.memory_space<hbm>> -> memref<320000xi32, #tpu.memory_space<hbm>>
        %dma_start3A_126 = tpu.memref_slice %dma_start3A_125[%multiple_of3A] : memref<320000xi32, #tpu.memory_space<hbm>> -> memref<128xi32, #tpu.memory_space<hbm>>
        %dma_start3A_127 = arith.constant 0 : i32
        %dma_start3A_128 = tpu.memref_slice %arg5[%run_scoped3A, %dma_start3A_127] : memref<2x320000xi32, #tpu.memory_space<hbm>> -> memref<1x320000xi32, #tpu.memory_space<hbm>>
        %dma_start3A_129 = tpu.memref_squeeze %dma_start3A_128 : memref<1x320000xi32, #tpu.memory_space<hbm>> -> memref<320000xi32, #tpu.memory_space<hbm>>
        %dma_start3A_130 = tpu.memref_slice %dma_start3A_129[%multiple_of3A] : memref<320000xi32, #tpu.memory_space<hbm>> -> memref<128xi32, #tpu.memory_space<hbm>>
        tpu.enqueue_dma source(%dma_start3A_130 : memref<128xi32, #tpu.memory_space<hbm>>) target(%arg10 : memref<128xi32, #tpu.memory_space<vmem>>) target_semaphore(%run_scoped3A_122 : memref<!tpu.dma_semaphore, #tpu.memory_space<semaphore_mem>>)
        %dma_wait3A_131 = arith.constant 0 : i32
        %dma_wait3A_132 = tpu.memref_slice %arg5[%run_scoped3A, %dma_wait3A_131] : memref<2x320000xi32, #tpu.memory_space<hbm>> -> memref<1x320000xi32, #tpu.memory_space<hbm>>
        %dma_wait3A_133 = tpu.memref_squeeze %dma_wait3A_132 : memref<1x320000xi32, #tpu.memory_space<hbm>> -> memref<320000xi32, #tpu.memory_space<hbm>>
        %dma_wait3A_134 = tpu.memref_slice %dma_wait3A_133[%multiple_of3A] : memref<320000xi32, #tpu.memory_space<hbm>> -> memref<128xi32, #tpu.memory_space<hbm>>
        %dma_wait3A_135 = arith.constant 0 : i32
        %dma_wait3A_136 = tpu.memref_slice %arg5[%run_scoped3A, %dma_wait3A_135] : memref<2x320000xi32, #tpu.memory_space<hbm>> -> memref<1x320000xi32, #tpu.memory_space<hbm>>
        %dma_wait3A_137 = tpu.memref_squeeze %dma_wait3A_136 : memref<1x320000xi32, #tpu.memory_space<hbm>> -> memref<320000xi32, #tpu.memory_space<hbm>>
        %dma_wait3A_138 = tpu.memref_slice %dma_wait3A_137[%multiple_of3A] : memref<320000xi32, #tpu.memory_space<hbm>> -> memref<128xi32, #tpu.memory_space<hbm>>
        tpu.wait_dma2 semaphore(%run_scoped3A_122 : memref<!tpu.dma_semaphore, #tpu.memory_space<semaphore_mem>>) src(%dma_wait3A_138 : memref<128xi32, #tpu.memory_space<hbm>>) dst(%arg10 : memref<128xi32, #tpu.memory_space<vmem>>)
        tpu.yield
      }) : () -> ()
      %get3A = arith.constant 0 : index
      %get3A_47 = tpu.vector_load %arg10[%get3A] {strides = array<i32>} : memref<128xi32, #tpu.memory_space<vmem>>, vector<16xi32>,
      %get3A_48 = vector.shape_cast %get3A_47 : vector<16xi32> to vector<16xi32>
      %add3A_49 = vector.broadcast %mul3A_0 : i32 to vector<16xi32>
      %add3A_50 = arith.addi %get3A_48, %add3A_49 : vector<16xi32>
      %swap3A = arith.constant 0 : index
      %swap3A_51 = tpu.vector_load %arg10[%swap3A] {strides = array<i32>} : memref<128xi32, #tpu.memory_space<vmem>>, vector<16xi32>,
      %swap3A_52 = vector.shape_cast %swap3A_51 : vector<16xi32> to vector<16xi32>
      %swap3A_53 = vector.shape_cast %add3A_50 : vector<16xi32> to vector<16xi32>
      tpu.vector_store %arg10[%swap3A], %swap3A_53 {strides = array<i32>} : memref<128xi32, #tpu.memory_space<vmem>>, vector<16xi32>,
      %get3A_54 = arith.constant 16 : index
      %get3A_55 = tpu.vector_load %arg10[%get3A_54] {strides = array<i32>} : memref<128xi32, #tpu.memory_space<vmem>>, vector<16xi32>,
      %get3A_56 = vector.shape_cast %get3A_55 : vector<16xi32> to vector<16xi32>
      %add3A_57 = vector.broadcast %mul3A_0 : i32 to vector<16xi32>
      %add3A_58 = arith.addi %get3A_56, %add3A_57 : vector<16xi32>
      %swap3A_59 = arith.constant 16 : index
      %swap3A_60 = tpu.vector_load %arg10[%swap3A_59] {strides = array<i32>} : memref<128xi32, #tpu.memory_space<vmem>>, vector<16xi32>,
      %swap3A_61 = vector.shape_cast %swap3A_60 : vector<16xi32> to vector<16xi32>
      %swap3A_62 = vector.shape_cast %add3A_58 : vector<16xi32> to vector<16xi32>
      tpu.vector_store %arg10[%swap3A_59], %swap3A_62 {strides = array<i32>} : memref<128xi32, #tpu.memory_space<vmem>>, vector<16xi32>,
      %get3A_63 = arith.constant 32 : index
      %get3A_64 = tpu.vector_load %arg10[%get3A_63] {strides = array<i32>} : memref<128xi32, #tpu.memory_space<vmem>>, vector<16xi32>,
      %get3A_65 = vector.shape_cast %get3A_64 : vector<16xi32> to vector<16xi32>
      %add3A_66 = vector.broadcast %mul3A_0 : i32 to vector<16xi32>
      %add3A_67 = arith.addi %get3A_65, %add3A_66 : vector<16xi32>
      %swap3A_68 = arith.constant 32 : index
      %swap3A_69 = tpu.vector_load %arg10[%swap3A_68] {strides = array<i32>} : memref<128xi32, #tpu.memory_space<vmem>>, vector<16xi32>,
      %swap3A_70 = vector.shape_cast %swap3A_69 : vector<16xi32> to vector<16xi32>
      %swap3A_71 = vector.shape_cast %add3A_67 : vector<16xi32> to vector<16xi32>
      tpu.vector_store %arg10[%swap3A_68], %swap3A_71 {strides = array<i32>} : memref<128xi32, #tpu.memory_space<vmem>>, vector<16xi32>,
      %get3A_72 = arith.constant 48 : index
      %get3A_73 = tpu.vector_load %arg10[%get3A_72] {strides = array<i32>} : memref<128xi32, #tpu.memory_space<vmem>>, vector<16xi32>,
      %get3A_74 = vector.shape_cast %get3A_73 : vector<16xi32> to vector<16xi32>
      %add3A_75 = vector.broadcast %mul3A_0 : i32 to vector<16xi32>
      %add3A_76 = arith.addi %get3A_74, %add3A_75 : vector<16xi32>
      %swap3A_77 = arith.constant 48 : index
      %swap3A_78 = tpu.vector_load %arg10[%swap3A_77] {strides = array<i32>} : memref<128xi32, #tpu.memory_space<vmem>>, vector<16xi32>,
      %swap3A_79 = vector.shape_cast %swap3A_78 : vector<16xi32> to vector<16xi32>
      %swap3A_80 = vector.shape_cast %add3A_76 : vector<16xi32> to vector<16xi32>
      tpu.vector_store %arg10[%swap3A_77], %swap3A_80 {strides = array<i32>} : memref<128xi32, #tpu.memory_space<vmem>>, vector<16xi32>,
      %get3A_81 = arith.constant 64 : index
      %get3A_82 = tpu.vector_load %arg10[%get3A_81] {strides = array<i32>} : memref<128xi32, #tpu.memory_space<vmem>>, vector<16xi32>,
      %get3A_83 = vector.shape_cast %get3A_82 : vector<16xi32> to vector<16xi32>
      %add3A_84 = vector.broadcast %mul3A_0 : i32 to vector<16xi32>
      %add3A_85 = arith.addi %get3A_83, %add3A_84 : vector<16xi32>
      %swap3A_86 = arith.constant 64 : index
      %swap3A_87 = tpu.vector_load %arg10[%swap3A_86] {strides = array<i32>} : memref<128xi32, #tpu.memory_space<vmem>>, vector<16xi32>,
      %swap3A_88 = vector.shape_cast %swap3A_87 : vector<16xi32> to vector<16xi32>
      %swap3A_89 = vector.shape_cast %add3A_85 : vector<16xi32> to vector<16xi32>
      tpu.vector_store %arg10[%swap3A_86], %swap3A_89 {strides = array<i32>} : memref<128xi32, #tpu.memory_space<vmem>>, vector<16xi32>,
      %get3A_90 = arith.constant 80 : index
      %get3A_91 = tpu.vector_load %arg10[%get3A_90] {strides = array<i32>} : memref<128xi32, #tpu.memory_space<vmem>>, vector<16xi32>,
      %get3A_92 = vector.shape_cast %get3A_91 : vector<16xi32> to vector<16xi32>
      %add3A_93 = vector.broadcast %mul3A_0 : i32 to vector<16xi32>
      %add3A_94 = arith.addi %get3A_92, %add3A_93 : vector<16xi32>
      %swap3A_95 = arith.constant 80 : index
      %swap3A_96 = tpu.vector_load %arg10[%swap3A_95] {strides = array<i32>} : memref<128xi32, #tpu.memory_space<vmem>>, vector<16xi32>,
      %swap3A_97 = vector.shape_cast %swap3A_96 : vector<16xi32> to vector<16xi32>
      %swap3A_98 = vector.shape_cast %add3A_94 : vector<16xi32> to vector<16xi32>
      tpu.vector_store %arg10[%swap3A_95], %swap3A_98 {strides = array<i32>} : memref<128xi32, #tpu.memory_space<vmem>>, vector<16xi32>,
      %get3A_99 = arith.constant 96 : index
      %get3A_100 = tpu.vector_load %arg10[%get3A_99] {strides = array<i32>} : memref<128xi32, #tpu.memory_space<vmem>>, vector<16xi32>,
      %get3A_101 = vector.shape_cast %get3A_100 : vector<16xi32> to vector<16xi32>
      %add3A_102 = vector.broadcast %mul3A_0 : i32 to vector<16xi32>
      %add3A_103 = arith.addi %get3A_101, %add3A_102 : vector<16xi32>
      %swap3A_104 = arith.constant 96 : index
      %swap3A_105 = tpu.vector_load %arg10[%swap3A_104] {strides = array<i32>} : memref<128xi32, #tpu.memory_space<vmem>>, vector<16xi32>,
      %swap3A_106 = vector.shape_cast %swap3A_105 : vector<16xi32> to vector<16xi32>
      %swap3A_107 = vector.shape_cast %add3A_103 : vector<16xi32> to vector<16xi32>
      tpu.vector_store %arg10[%swap3A_104], %swap3A_107 {strides = array<i32>} : memref<128xi32, #tpu.memory_space<vmem>>, vector<16xi32>,
      %get3A_108 = arith.constant 112 : index
      %get3A_109 = tpu.vector_load %arg10[%get3A_108] {strides = array<i32>} : memref<128xi32, #tpu.memory_space<vmem>>, vector<16xi32>,
      %get3A_110 = vector.shape_cast %get3A_109 : vector<16xi32> to vector<16xi32>
      %add3A_111 = vector.broadcast %mul3A_0 : i32 to vector<16xi32>
      %add3A_112 = arith.addi %get3A_110, %add3A_111 : vector<16xi32>
      %swap3A_113 = arith.constant 112 : index
      %swap3A_114 = tpu.vector_load %arg10[%swap3A_113] {strides = array<i32>} : memref<128xi32, #tpu.memory_space<vmem>>, vector<16xi32>,
      %swap3A_115 = vector.shape_cast %swap3A_114 : vector<16xi32> to vector<16xi32>
      %swap3A_116 = vector.shape_cast %add3A_112 : vector<16xi32> to vector<16xi32>
      tpu.vector_store %arg10[%swap3A_113], %swap3A_116 {strides = array<i32>} : memref<128xi32, #tpu.memory_space<vmem>>, vector<16xi32>,
      %dma_start3A = arith.constant 0 : i32
      %dma_start3A_117 = arith.constant 0 : i32
      %dma_start3A_118 = tpu.memref_slice %arg3[%dma_start3A, %dma_start3A_117] : memref<20000x128xf32, #tpu.memory_space<hbm>> -> memref<20000x128xf32, #tpu.memory_space<hbm>>
      tpu.enqueue_indirect_dma source(%dma_start3A_118 : memref<20000x128xf32, #tpu.memory_space<hbm>>) target(%arg12 : memref<128x128xf32, #tpu.memory_space<vmem>>) offsets(%arg10 : memref<128xi32, #tpu.memory_space<vmem>>) semaphore(%arg13 : memref<!tpu.dma_semaphore, #tpu.memory_space<semaphore_mem>>)
      %dma_wait3A = arith.constant 0 : i32
      %dma_wait3A_119 = arith.constant 0 : i32
      %dma_wait3A_120 = tpu.memref_slice %arg3[%dma_wait3A, %dma_wait3A_119] : memref<20000x128xf32, #tpu.memory_space<hbm>> -> memref<20000x128xf32, #tpu.memory_space<hbm>>
      tpu.wait_indirect_dma semaphore(%arg13 : memref<!tpu.dma_semaphore, #tpu.memory_space<semaphore_mem>>) src(%dma_wait3A_120 : memref<20000x128xf32, #tpu.memory_space<hbm>>) dst(%arg12 : memref<128x128xf32, #tpu.memory_space<vmem>>)
      %run_scoped3A_121 = arith.constant 1 : i32
      "tpu.region"() ({
        %run_scoped3A_122 = tpu.sem_alloc : memref<!tpu.dma_semaphore, #tpu.memory_space<semaphore_mem>>
        %dma_start3A_123 = arith.constant 0 : i32
        %dma_start3A_124 = tpu.memref_slice %arg5[%run_scoped3A_121, %dma_start3A_123] : memref<2x320000xi32, #tpu.memory_space<hbm>> -> memref<1x320000xi32, #tpu.memory_space<hbm>>
        %dma_start3A_125 = tpu.memref_squeeze %dma_start3A_124 : memref<1x320000xi32, #tpu.memory_space<hbm>> -> memref<320000xi32, #tpu.memory_space<hbm>>
        %dma_start3A_126 = tpu.memref_slice %dma_start3A_125[%multiple_of3A] : memref<320000xi32, #tpu.memory_space<hbm>> -> memref<128xi32, #tpu.memory_space<hbm>>
        %dma_start3A_127 = arith.constant 0 : i32
        %dma_start3A_128 = tpu.memref_slice %arg5[%run_scoped3A_121, %dma_start3A_127] : memref<2x320000xi32, #tpu.memory_space<hbm>> -> memref<1x320000xi32, #tpu.memory_space<hbm>>
        %dma_start3A_129 = tpu.memref_squeeze %dma_start3A_128 : memref<1x320000xi32, #tpu.memory_space<hbm>> -> memref<320000xi32, #tpu.memory_space<hbm>>
        %dma_start3A_130 = tpu.memref_slice %dma_start3A_129[%multiple_of3A] : memref<320000xi32, #tpu.memory_space<hbm>> -> memref<128xi32, #tpu.memory_space<hbm>>
        tpu.enqueue_dma source(%dma_start3A_130 : memref<128xi32, #tpu.memory_space<hbm>>) target(%arg11 : memref<128xi32, #tpu.memory_space<vmem>>) target_semaphore(%run_scoped3A_122 : memref<!tpu.dma_semaphore, #tpu.memory_space<semaphore_mem>>)
        %dma_wait3A_131 = arith.constant 0 : i32
        %dma_wait3A_132 = tpu.memref_slice %arg5[%run_scoped3A_121, %dma_wait3A_131] : memref<2x320000xi32, #tpu.memory_space<hbm>> -> memref<1x320000xi32, #tpu.memory_space<hbm>>
        %dma_wait3A_133 = tpu.memref_squeeze %dma_wait3A_132 : memref<1x320000xi32, #tpu.memory_space<hbm>> -> memref<320000xi32, #tpu.memory_space<hbm>>
        %dma_wait3A_134 = tpu.memref_slice %dma_wait3A_133[%multiple_of3A] : memref<320000xi32, #tpu.memory_space<hbm>> -> memref<128xi32, #tpu.memory_space<hbm>>
        %dma_wait3A_135 = arith.constant 0 : i32
        %dma_wait3A_136 = tpu.memref_slice %arg5[%run_scoped3A_121, %dma_wait3A_135] : memref<2x320000xi32, #tpu.memory_space<hbm>> -> memref<1x320000xi32, #tpu.memory_space<hbm>>
        %dma_wait3A_137 = tpu.memref_squeeze %dma_wait3A_136 : memref<1x320000xi32, #tpu.memory_space<hbm>> -> memref<320000xi32, #tpu.memory_space<hbm>>
        %dma_wait3A_138 = tpu.memref_slice %dma_wait3A_137[%multiple_of3A] : memref<320000xi32, #tpu.memory_space<hbm>> -> memref<128xi32, #tpu.memory_space<hbm>>
        tpu.wait_dma2 semaphore(%run_scoped3A_122 : memref<!tpu.dma_semaphore, #tpu.memory_space<semaphore_mem>>) src(%dma_wait3A_138 : memref<128xi32, #tpu.memory_space<hbm>>) dst(%arg11 : memref<128xi32, #tpu.memory_space<vmem>>)
        tpu.yield
      }) : () -> ()
      "tpu.region"() ({
        %run_scoped3A_122 = tpu.sem_alloc : memref<!tpu.dma_semaphore, #tpu.memory_space<semaphore_mem>>
        %dma_start3A_123 = arith.constant 0 : i32
        %dma_start3A_124 = arith.constant 0 : i32
        %dma_start3A_125 = tpu.memref_slice %arg9[%dma_start3A_123, %dma_start3A_124] : memref<10000x128xf32, #tpu.memory_space<vmem_shared>> -> memref<10000x128xf32, #tpu.memory_space<vmem_shared>>
        tpu.enqueue_indirect_dma source(%arg12 : memref<128x128xf32, #tpu.memory_space<vmem>>) target(%dma_start3A_125 : memref<10000x128xf32, #tpu.memory_space<vmem_shared>>) offsets(%arg11 : memref<128xi32, #tpu.memory_space<vmem>>) semaphore(%run_scoped3A_122 : memref<!tpu.dma_semaphore, #tpu.memory_space<semaphore_mem>>) {add = true}
        %dma_wait3A_126 = arith.constant 0 : i32
        %dma_wait3A_127 = arith.constant 0 : i32
        %dma_wait3A_128 = tpu.memref_slice %arg9[%dma_wait3A_126, %dma_wait3A_127] : memref<10000x128xf32, #tpu.memory_space<vmem_shared>> -> memref<10000x128xf32, #tpu.memory_space<vmem_shared>>
        tpu.wait_indirect_dma semaphore(%run_scoped3A_122 : memref<!tpu.dma_semaphore, #tpu.memory_space<semaphore_mem>>) src(%arg12 : memref<128x128xf32, #tpu.memory_space<vmem>>) dst(%dma_wait3A_128 : memref<10000x128xf32, #tpu.memory_space<vmem_shared>>)
        tpu.yield
      }) : () -> ()
    }
    %while3A_35 = arith.constant 1 : i32
    scf.for %while3A_42 = %while3A_33 to %while3A_29 step %while3A_35  : i32 {
      %mul3A_43 = arith.constant 16 : i32
      %mul3A_44 = arith.muli %while3A_42, %mul3A_43 : i32
      %add3A = arith.addi %mul3A_44, %arg1 : i32
      %mul3A_45 = arith.constant 128 : i32
      %mul3A_46 = arith.muli %add3A, %mul3A_45 : i32
      %multiple_of3A = tpu.assume_multiple %mul3A_46, 128 : i32
      %run_scoped3A = arith.constant 0 : i32
      "tpu.region"() ({
        %run_scoped3A_122 = tpu.sem_alloc : memref<!tpu.dma_semaphore, #tpu.memory_space<semaphore_mem>>
        %dma_start3A_123 = arith.constant 0 : i32
        %dma_start3A_124 = tpu.memref_slice %arg5[%run_scoped3A, %dma_start3A_123] : memref<2x320000xi32, #tpu.memory_space<hbm>> -> memref<1x320000xi32, #tpu.memory_space<hbm>>
        %dma_start3A_125 = tpu.memref_squeeze %dma_start3A_124 : memref<1x320000xi32, #tpu.memory_space<hbm>> -> memref<320000xi32, #tpu.memory_space<hbm>>
        %dma_start3A_126 = tpu.memref_slice %dma_start3A_125[%multiple_of3A] : memref<320000xi32, #tpu.memory_space<hbm>> -> memref<128xi32, #tpu.memory_space<hbm>>
        %dma_start3A_127 = arith.constant 0 : i32
        %dma_start3A_128 = tpu.memref_slice %arg5[%run_scoped3A, %dma_start3A_127] : memref<2x320000xi32, #tpu.memory_space<hbm>> -> memref<1x320000xi32, #tpu.memory_space<hbm>>
        %dma_start3A_129 = tpu.memref_squeeze %dma_start3A_128 : memref<1x320000xi32, #tpu.memory_space<hbm>> -> memref<320000xi32, #tpu.memory_space<hbm>>
        %dma_start3A_130 = tpu.memref_slice %dma_start3A_129[%multiple_of3A] : memref<320000xi32, #tpu.memory_space<hbm>> -> memref<128xi32, #tpu.memory_space<hbm>>
        tpu.enqueue_dma source(%dma_start3A_130 : memref<128xi32, #tpu.memory_space<hbm>>) target(%arg10 : memref<128xi32, #tpu.memory_space<vmem>>) target_semaphore(%run_scoped3A_122 : memref<!tpu.dma_semaphore, #tpu.memory_space<semaphore_mem>>)
        %dma_wait3A_131 = arith.constant 0 : i32
        %dma_wait3A_132 = tpu.memref_slice %arg5[%run_scoped3A, %dma_wait3A_131] : memref<2x320000xi32, #tpu.memory_space<hbm>> -> memref<1x320000xi32, #tpu.memory_space<hbm>>
        %dma_wait3A_133 = tpu.memref_squeeze %dma_wait3A_132 : memref<1x320000xi32, #tpu.memory_space<hbm>> -> memref<320000xi32, #tpu.memory_space<hbm>>
        %dma_wait3A_134 = tpu.memref_slice %dma_wait3A_133[%multiple_of3A] : memref<320000xi32, #tpu.memory_space<hbm>> -> memref<128xi32, #tpu.memory_space<hbm>>
        %dma_wait3A_135 = arith.constant 0 : i32
        %dma_wait3A_136 = tpu.memref_slice %arg5[%run_scoped3A, %dma_wait3A_135] : memref<2x320000xi32, #tpu.memory_space<hbm>> -> memref<1x320000xi32, #tpu.memory_space<hbm>>
        %dma_wait3A_137 = tpu.memref_squeeze %dma_wait3A_136 : memref<1x320000xi32, #tpu.memory_space<hbm>> -> memref<320000xi32, #tpu.memory_space<hbm>>
        %dma_wait3A_138 = tpu.memref_slice %dma_wait3A_137[%multiple_of3A] : memref<320000xi32, #tpu.memory_space<hbm>> -> memref<128xi32, #tpu.memory_space<hbm>>
        tpu.wait_dma2 semaphore(%run_scoped3A_122 : memref<!tpu.dma_semaphore, #tpu.memory_space<semaphore_mem>>) src(%dma_wait3A_138 : memref<128xi32, #tpu.memory_space<hbm>>) dst(%arg10 : memref<128xi32, #tpu.memory_space<vmem>>)
        tpu.yield
      }) : () -> ()
      %get3A = arith.constant 0 : index
      %get3A_47 = tpu.vector_load %arg10[%get3A] {strides = array<i32>} : memref<128xi32, #tpu.memory_space<vmem>>, vector<16xi32>,
      %get3A_48 = vector.shape_cast %get3A_47 : vector<16xi32> to vector<16xi32>
      %add3A_49 = vector.broadcast %mul3A_0 : i32 to vector<16xi32>
      %add3A_50 = arith.addi %get3A_48, %add3A_49 : vector<16xi32>
      %swap3A = arith.constant 0 : index
      %swap3A_51 = tpu.vector_load %arg10[%swap3A] {strides = array<i32>} : memref<128xi32, #tpu.memory_space<vmem>>, vector<16xi32>,
      %swap3A_52 = vector.shape_cast %swap3A_51 : vector<16xi32> to vector<16xi32>
      %swap3A_53 = vector.shape_cast %add3A_50 : vector<16xi32> to vector<16xi32>
      tpu.vector_store %arg10[%swap3A], %swap3A_53 {strides = array<i32>} : memref<128xi32, #tpu.memory_space<vmem>>, vector<16xi32>,
      %get3A_54 = arith.constant 16 : index
      %get3A_55 = tpu.vector_load %arg10[%get3A_54] {strides = array<i32>} : memref<128xi32, #tpu.memory_space<vmem>>, vector<16xi32>,
      %get3A_56 = vector.shape_cast %get3A_55 : vector<16xi32> to vector<16xi32>
      %add3A_57 = vector.broadcast %mul3A_0 : i32 to vector<16xi32>
      %add3A_58 = arith.addi %get3A_56, %add3A_57 : vector<16xi32>
      %swap3A_59 = arith.constant 16 : index
      %swap3A_60 = tpu.vector_load %arg10[%swap3A_59] {strides = array<i32>} : memref<128xi32, #tpu.memory_space<vmem>>, vector<16xi32>,
      %swap3A_61 = vector.shape_cast %swap3A_60 : vector<16xi32> to vector<16xi32>
      %swap3A_62 = vector.shape_cast %add3A_58 : vector<16xi32> to vector<16xi32>
      tpu.vector_store %arg10[%swap3A_59], %swap3A_62 {strides = array<i32>} : memref<128xi32, #tpu.memory_space<vmem>>, vector<16xi32>,
      %get3A_63 = arith.constant 32 : index
      %get3A_64 = tpu.vector_load %arg10[%get3A_63] {strides = array<i32>} : memref<128xi32, #tpu.memory_space<vmem>>, vector<16xi32>,
      %get3A_65 = vector.shape_cast %get3A_64 : vector<16xi32> to vector<16xi32>
      %add3A_66 = vector.broadcast %mul3A_0 : i32 to vector<16xi32>
      %add3A_67 = arith.addi %get3A_65, %add3A_66 : vector<16xi32>
      %swap3A_68 = arith.constant 32 : index
      %swap3A_69 = tpu.vector_load %arg10[%swap3A_68] {strides = array<i32>} : memref<128xi32, #tpu.memory_space<vmem>>, vector<16xi32>,
      %swap3A_70 = vector.shape_cast %swap3A_69 : vector<16xi32> to vector<16xi32>
      %swap3A_71 = vector.shape_cast %add3A_67 : vector<16xi32> to vector<16xi32>
      tpu.vector_store %arg10[%swap3A_68], %swap3A_71 {strides = array<i32>} : memref<128xi32, #tpu.memory_space<vmem>>, vector<16xi32>,
      %get3A_72 = arith.constant 48 : index
      %get3A_73 = tpu.vector_load %arg10[%get3A_72] {strides = array<i32>} : memref<128xi32, #tpu.memory_space<vmem>>, vector<16xi32>,
      %get3A_74 = vector.shape_cast %get3A_73 : vector<16xi32> to vector<16xi32>
      %add3A_75 = vector.broadcast %mul3A_0 : i32 to vector<16xi32>
      %add3A_76 = arith.addi %get3A_74, %add3A_75 : vector<16xi32>
      %swap3A_77 = arith.constant 48 : index
      %swap3A_78 = tpu.vector_load %arg10[%swap3A_77] {strides = array<i32>} : memref<128xi32, #tpu.memory_space<vmem>>, vector<16xi32>,
      %swap3A_79 = vector.shape_cast %swap3A_78 : vector<16xi32> to vector<16xi32>
      %swap3A_80 = vector.shape_cast %add3A_76 : vector<16xi32> to vector<16xi32>
      tpu.vector_store %arg10[%swap3A_77], %swap3A_80 {strides = array<i32>} : memref<128xi32, #tpu.memory_space<vmem>>, vector<16xi32>,
      %get3A_81 = arith.constant 64 : index
      %get3A_82 = tpu.vector_load %arg10[%get3A_81] {strides = array<i32>} : memref<128xi32, #tpu.memory_space<vmem>>, vector<16xi32>,
      %get3A_83 = vector.shape_cast %get3A_82 : vector<16xi32> to vector<16xi32>
      %add3A_84 = vector.broadcast %mul3A_0 : i32 to vector<16xi32>
      %add3A_85 = arith.addi %get3A_83, %add3A_84 : vector<16xi32>
      %swap3A_86 = arith.constant 64 : index
      %swap3A_87 = tpu.vector_load %arg10[%swap3A_86] {strides = array<i32>} : memref<128xi32, #tpu.memory_space<vmem>>, vector<16xi32>,
      %swap3A_88 = vector.shape_cast %swap3A_87 : vector<16xi32> to vector<16xi32>
      %swap3A_89 = vector.shape_cast %add3A_85 : vector<16xi32> to vector<16xi32>
      tpu.vector_store %arg10[%swap3A_86], %swap3A_89 {strides = array<i32>} : memref<128xi32, #tpu.memory_space<vmem>>, vector<16xi32>,
      %get3A_90 = arith.constant 80 : index
      %get3A_91 = tpu.vector_load %arg10[%get3A_90] {strides = array<i32>} : memref<128xi32, #tpu.memory_space<vmem>>, vector<16xi32>,
      %get3A_92 = vector.shape_cast %get3A_91 : vector<16xi32> to vector<16xi32>
      %add3A_93 = vector.broadcast %mul3A_0 : i32 to vector<16xi32>
      %add3A_94 = arith.addi %get3A_92, %add3A_93 : vector<16xi32>
      %swap3A_95 = arith.constant 80 : index
      %swap3A_96 = tpu.vector_load %arg10[%swap3A_95] {strides = array<i32>} : memref<128xi32, #tpu.memory_space<vmem>>, vector<16xi32>,
      %swap3A_97 = vector.shape_cast %swap3A_96 : vector<16xi32> to vector<16xi32>
      %swap3A_98 = vector.shape_cast %add3A_94 : vector<16xi32> to vector<16xi32>
      tpu.vector_store %arg10[%swap3A_95], %swap3A_98 {strides = array<i32>} : memref<128xi32, #tpu.memory_space<vmem>>, vector<16xi32>,
      %get3A_99 = arith.constant 96 : index
      %get3A_100 = tpu.vector_load %arg10[%get3A_99] {strides = array<i32>} : memref<128xi32, #tpu.memory_space<vmem>>, vector<16xi32>,
      %get3A_101 = vector.shape_cast %get3A_100 : vector<16xi32> to vector<16xi32>
      %add3A_102 = vector.broadcast %mul3A_0 : i32 to vector<16xi32>
      %add3A_103 = arith.addi %get3A_101, %add3A_102 : vector<16xi32>
      %swap3A_104 = arith.constant 96 : index
      %swap3A_105 = tpu.vector_load %arg10[%swap3A_104] {strides = array<i32>} : memref<128xi32, #tpu.memory_space<vmem>>, vector<16xi32>,
      %swap3A_106 = vector.shape_cast %swap3A_105 : vector<16xi32> to vector<16xi32>
      %swap3A_107 = vector.shape_cast %add3A_103 : vector<16xi32> to vector<16xi32>
      tpu.vector_store %arg10[%swap3A_104], %swap3A_107 {strides = array<i32>} : memref<128xi32, #tpu.memory_space<vmem>>, vector<16xi32>,
      %get3A_108 = arith.constant 112 : index
      %get3A_109 = tpu.vector_load %arg10[%get3A_108] {strides = array<i32>} : memref<128xi32, #tpu.memory_space<vmem>>, vector<16xi32>,
      %get3A_110 = vector.shape_cast %get3A_109 : vector<16xi32> to vector<16xi32>
      %add3A_111 = vector.broadcast %mul3A_0 : i32 to vector<16xi32>
      %add3A_112 = arith.addi %get3A_110, %add3A_111 : vector<16xi32>
      %swap3A_113 = arith.constant 112 : index
      %swap3A_114 = tpu.vector_load %arg10[%swap3A_113] {strides = array<i32>} : memref<128xi32, #tpu.memory_space<vmem>>, vector<16xi32>,
      %swap3A_115 = vector.shape_cast %swap3A_114 : vector<16xi32> to vector<16xi32>
      %swap3A_116 = vector.shape_cast %add3A_112 : vector<16xi32> to vector<16xi32>
      tpu.vector_store %arg10[%swap3A_113], %swap3A_116 {strides = array<i32>} : memref<128xi32, #tpu.memory_space<vmem>>, vector<16xi32>,
      %dma_start3A = arith.constant 0 : i32
      %dma_start3A_117 = arith.constant 0 : i32
      %dma_start3A_118 = tpu.memref_slice %arg3[%dma_start3A, %dma_start3A_117] : memref<20000x128xf32, #tpu.memory_space<hbm>> -> memref<20000x128xf32, #tpu.memory_space<hbm>>
      tpu.enqueue_indirect_dma source(%dma_start3A_118 : memref<20000x128xf32, #tpu.memory_space<hbm>>) target(%arg12 : memref<128x128xf32, #tpu.memory_space<vmem>>) offsets(%arg10 : memref<128xi32, #tpu.memory_space<vmem>>) semaphore(%arg13 : memref<!tpu.dma_semaphore, #tpu.memory_space<semaphore_mem>>)
      %dma_wait3A = arith.constant 0 : i32
      %dma_wait3A_119 = arith.constant 0 : i32
      %dma_wait3A_120 = tpu.memref_slice %arg3[%dma_wait3A, %dma_wait3A_119] : memref<20000x128xf32, #tpu.memory_space<hbm>> -> memref<20000x128xf32, #tpu.memory_space<hbm>>
      tpu.wait_indirect_dma semaphore(%arg13 : memref<!tpu.dma_semaphore, #tpu.memory_space<semaphore_mem>>) src(%dma_wait3A_120 : memref<20000x128xf32, #tpu.memory_space<hbm>>) dst(%arg12 : memref<128x128xf32, #tpu.memory_space<vmem>>)
      %run_scoped3A_121 = arith.constant 1 : i32
      "tpu.region"() ({
        %run_scoped3A_122 = tpu.sem_alloc : memref<!tpu.dma_semaphore, #tpu.memory_space<semaphore_mem>>
        %dma_start3A_123 = arith.constant 0 : i32
        %dma_start3A_124 = tpu.memref_slice %arg5[%run_scoped3A_121, %dma_start3A_123] : memref<2x320000xi32, #tpu.memory_space<hbm>> -> memref<1x320000xi32, #tpu.memory_space<hbm>>
        %dma_start3A_125 = tpu.memref_squeeze %dma_start3A_124 : memref<1x320000xi32, #tpu.memory_space<hbm>> -> memref<320000xi32, #tpu.memory_space<hbm>>
        %dma_start3A_126 = tpu.memref_slice %dma_start3A_125[%multiple_of3A] : memref<320000xi32, #tpu.memory_space<hbm>> -> memref<128xi32, #tpu.memory_space<hbm>>
        %dma_start3A_127 = arith.constant 0 : i32
        %dma_start3A_128 = tpu.memref_slice %arg5[%run_scoped3A_121, %dma_start3A_127] : memref<2x320000xi32, #tpu.memory_space<hbm>> -> memref<1x320000xi32, #tpu.memory_space<hbm>>
        %dma_start3A_129 = tpu.memref_squeeze %dma_start3A_128 : memref<1x320000xi32, #tpu.memory_space<hbm>> -> memref<320000xi32, #tpu.memory_space<hbm>>
        %dma_start3A_130 = tpu.memref_slice %dma_start3A_129[%multiple_of3A] : memref<320000xi32, #tpu.memory_space<hbm>> -> memref<128xi32, #tpu.memory_space<hbm>>
        tpu.enqueue_dma source(%dma_start3A_130 : memref<128xi32, #tpu.memory_space<hbm>>) target(%arg11 : memref<128xi32, #tpu.memory_space<vmem>>) target_semaphore(%run_scoped3A_122 : memref<!tpu.dma_semaphore, #tpu.memory_space<semaphore_mem>>)
        %dma_wait3A_131 = arith.constant 0 : i32
        %dma_wait3A_132 = tpu.memref_slice %arg5[%run_scoped3A_121, %dma_wait3A_131] : memref<2x320000xi32, #tpu.memory_space<hbm>> -> memref<1x320000xi32, #tpu.memory_space<hbm>>
        %dma_wait3A_133 = tpu.memref_squeeze %dma_wait3A_132 : memref<1x320000xi32, #tpu.memory_space<hbm>> -> memref<320000xi32, #tpu.memory_space<hbm>>
        %dma_wait3A_134 = tpu.memref_slice %dma_wait3A_133[%multiple_of3A] : memref<320000xi32, #tpu.memory_space<hbm>> -> memref<128xi32, #tpu.memory_space<hbm>>
        %dma_wait3A_135 = arith.constant 0 : i32
        %dma_wait3A_136 = tpu.memref_slice %arg5[%run_scoped3A_121, %dma_wait3A_135] : memref<2x320000xi32, #tpu.memory_space<hbm>> -> memref<1x320000xi32, #tpu.memory_space<hbm>>
        %dma_wait3A_137 = tpu.memref_squeeze %dma_wait3A_136 : memref<1x320000xi32, #tpu.memory_space<hbm>> -> memref<320000xi32, #tpu.memory_space<hbm>>
        %dma_wait3A_138 = tpu.memref_slice %dma_wait3A_137[%multiple_of3A] : memref<320000xi32, #tpu.memory_space<hbm>> -> memref<128xi32, #tpu.memory_space<hbm>>
        tpu.wait_dma2 semaphore(%run_scoped3A_122 : memref<!tpu.dma_semaphore, #tpu.memory_space<semaphore_mem>>) src(%dma_wait3A_138 : memref<128xi32, #tpu.memory_space<hbm>>) dst(%arg11 : memref<128xi32, #tpu.memory_space<vmem>>)
        tpu.yield
      }) : () -> ()
      "tpu.region"() ({
        %run_scoped3A_122 = tpu.sem_alloc : memref<!tpu.dma_semaphore, #tpu.memory_space<semaphore_mem>>
        %dma_start3A_123 = arith.constant 0 : i32
        %dma_start3A_124 = arith.constant 0 : i32
        %dma_start3A_125 = tpu.memref_slice %arg9[%dma_start3A_123, %dma_start3A_124] : memref<10000x128xf32, #tpu.memory_space<vmem_shared>> -> memref<10000x128xf32, #tpu.memory_space<vmem_shared>>
        tpu.enqueue_indirect_dma source(%arg12 : memref<128x128xf32, #tpu.memory_space<vmem>>) target(%dma_start3A_125 : memref<10000x128xf32, #tpu.memory_space<vmem_shared>>) offsets(%arg11 : memref<128xi32, #tpu.memory_space<vmem>>) semaphore(%run_scoped3A_122 : memref<!tpu.dma_semaphore, #tpu.memory_space<semaphore_mem>>) {add = true}
        %dma_wait3A_126 = arith.constant 0 : i32
        %dma_wait3A_127 = arith.constant 0 : i32
        %dma_wait3A_128 = tpu.memref_slice %arg9[%dma_wait3A_126, %dma_wait3A_127] : memref<10000x128xf32, #tpu.memory_space<vmem_shared>> -> memref<10000x128xf32, #tpu.memory_space<vmem_shared>>
        tpu.wait_indirect_dma semaphore(%run_scoped3A_122 : memref<!tpu.dma_semaphore, #tpu.memory_space<semaphore_mem>>) src(%arg12 : memref<128x128xf32, #tpu.memory_space<vmem>>) dst(%dma_wait3A_128 : memref<10000x128xf32, #tpu.memory_space<vmem_shared>>)
        tpu.yield
      }) : () -> ()
    }
    %barrier3A_36 = arith.constant 0 : index
    tpu.barrier barrier_id(%barrier3A_36)
    %lt3A_37 = arith.constant 10 : i32
    %lt3A_38 = arith.cmpi slt, %arg1, %lt3A_37 : i32
    %convert_element_type3A_39 = arith.extui %lt3A_38 : i1 to i32
    %cond3A_40 = arith.constant 0 : i32
    %cond3A_41 = arith.cmpi ne, %convert_element_type3A_39, %cond3A_40 : i32
    scf.if %cond3A_41 {
      %mul3A_42 = arith.constant 1000 : i32
      %mul3A_43 = arith.muli %arg1, %mul3A_42 : i32
      %mul3A_44 = arith.constant 1000 : i32
      %mul3A_45 = arith.muli %arg1, %mul3A_44 : i32
      %add3A = arith.addi %mul3A_0, %mul3A_45 : i32
      "tpu.region"() ({
        %run_scoped3A = tpu.sem_alloc : memref<!tpu.dma_semaphore, #tpu.memory_space<semaphore_mem>>
        %dma_start3A = arith.constant 0 : i32
        %dma_start3A_46 = tpu.memref_slice %arg8[%add3A, %dma_start3A] : memref<20000x128xf32, #tpu.memory_space<hbm>> -> memref<1000x128xf32, #tpu.memory_space<hbm>>
        %dma_start3A_47 = arith.constant 0 : i32
        %dma_start3A_48 = tpu.memref_slice %arg9[%mul3A_43, %dma_start3A_47] : memref<10000x128xf32, #tpu.memory_space<vmem_shared>> -> memref<1000x128xf32, #tpu.memory_space<vmem_shared>>
        tpu.enqueue_dma source(%dma_start3A_48 : memref<1000x128xf32, #tpu.memory_space<vmem_shared>>) target(%dma_start3A_46 : memref<1000x128xf32, #tpu.memory_space<hbm>>) target_semaphore(%run_scoped3A : memref<!tpu.dma_semaphore, #tpu.memory_space<semaphore_mem>>)
        %dma_wait3A = arith.constant 0 : i32
        %dma_wait3A_49 = tpu.memref_slice %arg8[%add3A, %dma_wait3A] : memref<20000x128xf32, #tpu.memory_space<hbm>> -> memref<1000x128xf32, #tpu.memory_space<hbm>>
        %dma_wait3A_50 = arith.constant 0 : i32
        %dma_wait3A_51 = tpu.memref_slice %arg9[%mul3A_43, %dma_wait3A_50] : memref<10000x128xf32, #tpu.memory_space<vmem_shared>> -> memref<1000x128xf32, #tpu.memory_space<vmem_shared>>
        tpu.wait_dma2 semaphore(%run_scoped3A : memref<!tpu.dma_semaphore, #tpu.memory_space<semaphore_mem>>) src(%dma_wait3A_51 : memref<1000x128xf32, #tpu.memory_space<vmem_shared>>) dst(%dma_wait3A_49 : memref<1000x128xf32, #tpu.memory_space<hbm>>)
        tpu.yield
      }) : () -> ()
    } else {
    }
    return
  }
}

#map = affine_map<(d0, d1) -> (0, 0)>
#map1 = affine_map<(d0, d1) -> (0)>
module attributes {stable_mosaic.version = 14 : i64} {
  func.func @_pool_body(%arg0: i32, %arg1: i32, %arg2: memref<20000x128xf32, #tpu.memory_space<hbm>>, %arg3: memref<10000xi32, #tpu.memory_space<hbm>>, %arg4: memref<10000xi32, #tpu.memory_space<hbm>>, %arg5: memref<2000x128xf32, #tpu.memory_space<hbm>>, %arg6: memref<10240xf32, #tpu.memory_space<hbm>>, %arg7: memref<2000x128xf32, #tpu.memory_space<hbm>>, %arg8: memref<2000x128xf32, #tpu.memory_space<hbm>>, %arg9: memref<2048xf32, #tpu.memory_space<hbm>>, %arg10: memref<1000x128xf32, #tpu.memory_space<vmem_shared>>, %arg11: memref<1000x128xf32, #tpu.memory_space<vmem_shared>>, %arg12: memref<1024xf32, #tpu.memory_space<vmem_shared>>, %arg13: memref<128x128xf32, #tpu.memory_space<vmem>>, %arg14: memref<16x128xf32, #tpu.memory_space<vmem>>, %arg15: memref<128xi32, #tpu.memory_space<vmem>>, %arg16: memref<128xi32, #tpu.memory_space<vmem>>, %arg17: memref<16xi32, #tpu.memory_space<vmem>>, %arg18: memref<16xi32, #tpu.memory_space<vmem>>, %arg19: memref<128xf32, #tpu.memory_space<vmem>>, %arg20: memref<16xf32, #tpu.memory_space<vmem>>) attributes {dimension_semantics = [#tpu.dimension_semantics<core_parallel>, #tpu.dimension_semantics<subcore_parallel>], iteration_bounds = array<i64: 2, 16>, scalar_prefetch = 0 : i64, scratch_operands = 11 : i64, tpu.core_type = #tpu.core_type<sc_vector_subcore>, window_params = [{transform_indices = #map}, {transform_indices = #map1}, {transform_indices = #map1}, {transform_indices = #map}, {transform_indices = #map1}, {transform_indices = #map}, {transform_indices = #map}, {transform_indices = #map1}]} {
    %broadcast_in_dim3A = arith.constant 1.000000e+00 : f32
    %broadcast_in_dim3A_0 = vector.broadcast %broadcast_in_dim3A : f32 to vector<16xf32>
    %swap3A = arith.constant 0 : index
    %swap3A_1 = tpu.vector_load %arg19[%swap3A] {strides = array<i32>} : memref<128xf32, #tpu.memory_space<vmem>>, vector<16xf32>,
    %swap3A_2 = vector.shape_cast %swap3A_1 : vector<16xf32> to vector<16xf32>
    %swap3A_3 = vector.shape_cast %broadcast_in_dim3A_0 : vector<16xf32> to vector<16xf32>
    tpu.vector_store %arg19[%swap3A], %swap3A_3 {strides = array<i32>} : memref<128xf32, #tpu.memory_space<vmem>>, vector<16xf32>,
    %broadcast_in_dim3A_4 = arith.constant 1.000000e+00 : f32
    %broadcast_in_dim3A_5 = vector.broadcast %broadcast_in_dim3A_4 : f32 to vector<16xf32>
    %swap3A_6 = arith.constant 16 : index
    %swap3A_7 = tpu.vector_load %arg19[%swap3A_6] {strides = array<i32>} : memref<128xf32, #tpu.memory_space<vmem>>, vector<16xf32>,
    %swap3A_8 = vector.shape_cast %swap3A_7 : vector<16xf32> to vector<16xf32>
    %swap3A_9 = vector.shape_cast %broadcast_in_dim3A_5 : vector<16xf32> to vector<16xf32>
    tpu.vector_store %arg19[%swap3A_6], %swap3A_9 {strides = array<i32>} : memref<128xf32, #tpu.memory_space<vmem>>, vector<16xf32>,
    %broadcast_in_dim3A_10 = arith.constant 1.000000e+00 : f32
    %broadcast_in_dim3A_11 = vector.broadcast %broadcast_in_dim3A_10 : f32 to vector<16xf32>
    %swap3A_12 = arith.constant 32 : index
    %swap3A_13 = tpu.vector_load %arg19[%swap3A_12] {strides = array<i32>} : memref<128xf32, #tpu.memory_space<vmem>>, vector<16xf32>,
    %swap3A_14 = vector.shape_cast %swap3A_13 : vector<16xf32> to vector<16xf32>
    %swap3A_15 = vector.shape_cast %broadcast_in_dim3A_11 : vector<16xf32> to vector<16xf32>
    tpu.vector_store %arg19[%swap3A_12], %swap3A_15 {strides = array<i32>} : memref<128xf32, #tpu.memory_space<vmem>>, vector<16xf32>,
    %broadcast_in_dim3A_16 = arith.constant 1.000000e+00 : f32
    %broadcast_in_dim3A_17 = vector.broadcast %broadcast_in_dim3A_16 : f32 to vector<16xf32>
    %swap3A_18 = arith.constant 48 : index
    %swap3A_19 = tpu.vector_load %arg19[%swap3A_18] {strides = array<i32>} : memref<128xf32, #tpu.memory_space<vmem>>, vector<16xf32>,
    %swap3A_20 = vector.shape_cast %swap3A_19 : vector<16xf32> to vector<16xf32>
    %swap3A_21 = vector.shape_cast %broadcast_in_dim3A_17 : vector<16xf32> to vector<16xf32>
    tpu.vector_store %arg19[%swap3A_18], %swap3A_21 {strides = array<i32>} : memref<128xf32, #tpu.memory_space<vmem>>, vector<16xf32>,
    %broadcast_in_dim3A_22 = arith.constant 1.000000e+00 : f32
    %broadcast_in_dim3A_23 = vector.broadcast %broadcast_in_dim3A_22 : f32 to vector<16xf32>
    %swap3A_24 = arith.constant 64 : index
    %swap3A_25 = tpu.vector_load %arg19[%swap3A_24] {strides = array<i32>} : memref<128xf32, #tpu.memory_space<vmem>>, vector<16xf32>,
    %swap3A_26 = vector.shape_cast %swap3A_25 : vector<16xf32> to vector<16xf32>
    %swap3A_27 = vector.shape_cast %broadcast_in_dim3A_23 : vector<16xf32> to vector<16xf32>
    tpu.vector_store %arg19[%swap3A_24], %swap3A_27 {strides = array<i32>} : memref<128xf32, #tpu.memory_space<vmem>>, vector<16xf32>,
    %broadcast_in_dim3A_28 = arith.constant 1.000000e+00 : f32
    %broadcast_in_dim3A_29 = vector.broadcast %broadcast_in_dim3A_28 : f32 to vector<16xf32>
    %swap3A_30 = arith.constant 80 : index
    %swap3A_31 = tpu.vector_load %arg19[%swap3A_30] {strides = array<i32>} : memref<128xf32, #tpu.memory_space<vmem>>, vector<16xf32>,
    %swap3A_32 = vector.shape_cast %swap3A_31 : vector<16xf32> to vector<16xf32>
    %swap3A_33 = vector.shape_cast %broadcast_in_dim3A_29 : vector<16xf32> to vector<16xf32>
    tpu.vector_store %arg19[%swap3A_30], %swap3A_33 {strides = array<i32>} : memref<128xf32, #tpu.memory_space<vmem>>, vector<16xf32>,
    %broadcast_in_dim3A_34 = arith.constant 1.000000e+00 : f32
    %broadcast_in_dim3A_35 = vector.broadcast %broadcast_in_dim3A_34 : f32 to vector<16xf32>
    %swap3A_36 = arith.constant 96 : index
    %swap3A_37 = tpu.vector_load %arg19[%swap3A_36] {strides = array<i32>} : memref<128xf32, #tpu.memory_space<vmem>>, vector<16xf32>,
    %swap3A_38 = vector.shape_cast %swap3A_37 : vector<16xf32> to vector<16xf32>
    %swap3A_39 = vector.shape_cast %broadcast_in_dim3A_35 : vector<16xf32> to vector<16xf32>
    tpu.vector_store %arg19[%swap3A_36], %swap3A_39 {strides = array<i32>} : memref<128xf32, #tpu.memory_space<vmem>>, vector<16xf32>,
    %broadcast_in_dim3A_40 = arith.constant 1.000000e+00 : f32
    %broadcast_in_dim3A_41 = vector.broadcast %broadcast_in_dim3A_40 : f32 to vector<16xf32>
    %swap3A_42 = arith.constant 112 : index
    %swap3A_43 = tpu.vector_load %arg19[%swap3A_42] {strides = array<i32>} : memref<128xf32, #tpu.memory_space<vmem>>, vector<16xf32>,
    %swap3A_44 = vector.shape_cast %swap3A_43 : vector<16xf32> to vector<16xf32>
    %swap3A_45 = vector.shape_cast %broadcast_in_dim3A_41 : vector<16xf32> to vector<16xf32>
    tpu.vector_store %arg19[%swap3A_42], %swap3A_45 {strides = array<i32>} : memref<128xf32, #tpu.memory_space<vmem>>, vector<16xf32>,
    %broadcast_in_dim3A_46 = arith.constant 1.000000e+00 : f32
    %broadcast_in_dim3A_47 = vector.broadcast %broadcast_in_dim3A_46 : f32 to vector<16xf32>
    %swap3A_48 = arith.constant 0 : index
    %swap3A_49 = tpu.vector_load %arg20[%swap3A_48] {strides = array<i32>} : memref<16xf32, #tpu.memory_space<vmem>>, vector<16xf32>,
    %swap3A_50 = vector.shape_cast %swap3A_49 : vector<16xf32> to vector<16xf32>
    %swap3A_51 = vector.shape_cast %broadcast_in_dim3A_47 : vector<16xf32> to vector<16xf32>
    tpu.vector_store %arg20[%swap3A_48], %swap3A_51 {strides = array<i32>} : memref<16xf32, #tpu.memory_space<vmem>>, vector<16xf32>,
    %lt3A = arith.constant 5 : i32
    %lt3A_52 = arith.cmpi slt, %arg1, %lt3A : i32
    %convert_element_type3A = arith.extui %lt3A_52 : i1 to i32
    %cond3A = arith.constant 0 : i32
    %cond3A_53 = arith.cmpi ne, %convert_element_type3A, %cond3A : i32
    scf.if %cond3A_53 {
      %mul3A = arith.constant 200 : i32
      %mul3A_99 = arith.muli %arg1, %mul3A : i32
      %mul3A_100 = arith.constant 200 : i32
      %mul3A_101 = arith.muli %arg1, %mul3A_100 : i32
      "tpu.region"() ({
        %run_scoped3A = tpu.sem_alloc : memref<!tpu.dma_semaphore, #tpu.memory_space<semaphore_mem>>
        %dma_start3A = arith.constant 0 : i32
        %dma_start3A_102 = tpu.memref_slice %arg10[%mul3A_101, %dma_start3A] : memref<1000x128xf32, #tpu.memory_space<vmem_shared>> -> memref<200x128xf32, #tpu.memory_space<vmem_shared>>
        %dma_start3A_103 = arith.constant 0 : i32
        %dma_start3A_104 = tpu.memref_slice %arg5[%mul3A_99, %dma_start3A_103] : memref<2000x128xf32, #tpu.memory_space<hbm>> -> memref<200x128xf32, #tpu.memory_space<hbm>>
        tpu.enqueue_dma source(%dma_start3A_104 : memref<200x128xf32, #tpu.memory_space<hbm>>) target(%dma_start3A_102 : memref<200x128xf32, #tpu.memory_space<vmem_shared>>) target_semaphore(%run_scoped3A : memref<!tpu.dma_semaphore, #tpu.memory_space<semaphore_mem>>)
        %dma_wait3A = arith.constant 0 : i32
        %dma_wait3A_105 = tpu.memref_slice %arg10[%mul3A_101, %dma_wait3A] : memref<1000x128xf32, #tpu.memory_space<vmem_shared>> -> memref<200x128xf32, #tpu.memory_space<vmem_shared>>
        %dma_wait3A_106 = arith.constant 0 : i32
        %dma_wait3A_107 = tpu.memref_slice %arg5[%mul3A_99, %dma_wait3A_106] : memref<2000x128xf32, #tpu.memory_space<hbm>> -> memref<200x128xf32, #tpu.memory_space<hbm>>
        tpu.wait_dma2 semaphore(%run_scoped3A : memref<!tpu.dma_semaphore, #tpu.memory_space<semaphore_mem>>) src(%dma_wait3A_107 : memref<200x128xf32, #tpu.memory_space<hbm>>) dst(%dma_wait3A_105 : memref<200x128xf32, #tpu.memory_space<vmem_shared>>)
        tpu.yield
      }) : () -> ()
    } else {
    }
    %ge3A = arith.constant 5 : i32
    %ge3A_54 = arith.cmpi sge, %arg1, %ge3A : i32
    %lt3A_55 = arith.constant 10 : i32
    %lt3A_56 = arith.cmpi slt, %arg1, %lt3A_55 : i32
    %and3A = arith.andi %ge3A_54, %lt3A_56 : i1
    %convert_element_type3A_57 = arith.extui %and3A : i1 to i32
    %cond3A_58 = arith.constant 0 : i32
    %cond3A_59 = arith.cmpi ne, %convert_element_type3A_57, %cond3A_58 : i32
    scf.if %cond3A_59 {
      %sub3A = arith.constant 5 : i32
      %sub3A_99 = arith.subi %arg1, %sub3A : i32
      %mul3A = arith.constant 200 : i32
      %mul3A_100 = arith.muli %sub3A_99, %mul3A : i32
      %sub3A_101 = arith.constant 5 : i32
      %sub3A_102 = arith.subi %arg1, %sub3A_101 : i32
      %mul3A_103 = arith.constant 200 : i32
      %mul3A_104 = arith.muli %sub3A_102, %mul3A_103 : i32
      "tpu.region"() ({
        %run_scoped3A = tpu.sem_alloc : memref<!tpu.dma_semaphore, #tpu.memory_space<semaphore_mem>>
        %dma_start3A = arith.constant 0 : i32
        %dma_start3A_105 = tpu.memref_slice %arg11[%mul3A_104, %dma_start3A] : memref<1000x128xf32, #tpu.memory_space<vmem_shared>> -> memref<200x128xf32, #tpu.memory_space<vmem_shared>>
        %dma_start3A_106 = arith.constant 0 : i32
        %dma_start3A_107 = tpu.memref_slice %arg5[%mul3A_100, %dma_start3A_106] : memref<2000x128xf32, #tpu.memory_space<hbm>> -> memref<200x128xf32, #tpu.memory_space<hbm>>
        tpu.enqueue_dma source(%dma_start3A_107 : memref<200x128xf32, #tpu.memory_space<hbm>>) target(%dma_start3A_105 : memref<200x128xf32, #tpu.memory_space<vmem_shared>>) target_semaphore(%run_scoped3A : memref<!tpu.dma_semaphore, #tpu.memory_space<semaphore_mem>>)
        %dma_wait3A = arith.constant 0 : i32
        %dma_wait3A_108 = tpu.memref_slice %arg11[%mul3A_104, %dma_wait3A] : memref<1000x128xf32, #tpu.memory_space<vmem_shared>> -> memref<200x128xf32, #tpu.memory_space<vmem_shared>>
        %dma_wait3A_109 = arith.constant 0 : i32
        %dma_wait3A_110 = tpu.memref_slice %arg5[%mul3A_100, %dma_wait3A_109] : memref<2000x128xf32, #tpu.memory_space<hbm>> -> memref<200x128xf32, #tpu.memory_space<hbm>>
        tpu.wait_dma2 semaphore(%run_scoped3A : memref<!tpu.dma_semaphore, #tpu.memory_space<semaphore_mem>>) src(%dma_wait3A_110 : memref<200x128xf32, #tpu.memory_space<hbm>>) dst(%dma_wait3A_108 : memref<200x128xf32, #tpu.memory_space<vmem_shared>>)
        tpu.yield
      }) : () -> ()
    } else {
    }
    %eq3A = arith.constant 10 : i32
    %eq3A_60 = arith.cmpi eq, %arg1, %eq3A : i32
    %convert_element_type3A_61 = arith.extui %eq3A_60 : i1 to i32
    %cond3A_62 = arith.constant 0 : i32
    %cond3A_63 = arith.cmpi ne, %convert_element_type3A_61, %cond3A_62 : i32
    scf.if %cond3A_63 {
      "tpu.region"() ({
        %run_scoped3A = tpu.sem_alloc : memref<!tpu.dma_semaphore, #tpu.memory_space<semaphore_mem>>
        %dma_start3A = arith.constant 0 : i32
        %dma_start3A_99 = tpu.memref_slice %arg6[%dma_start3A] : memref<10240xf32, #tpu.memory_space<hbm>> -> memref<1024xf32, #tpu.memory_space<hbm>>
        tpu.enqueue_dma source(%dma_start3A_99 : memref<1024xf32, #tpu.memory_space<hbm>>) target(%arg12 : memref<1024xf32, #tpu.memory_space<vmem_shared>>) target_semaphore(%run_scoped3A : memref<!tpu.dma_semaphore, #tpu.memory_space<semaphore_mem>>)
        %dma_wait3A = arith.constant 0 : i32
        %dma_wait3A_100 = tpu.memref_slice %arg6[%dma_wait3A] : memref<10240xf32, #tpu.memory_space<hbm>> -> memref<1024xf32, #tpu.memory_space<hbm>>
        tpu.wait_dma2 semaphore(%run_scoped3A : memref<!tpu.dma_semaphore, #tpu.memory_space<semaphore_mem>>) src(%dma_wait3A_100 : memref<1024xf32, #tpu.memory_space<hbm>>) dst(%arg12 : memref<1024xf32, #tpu.memory_space<vmem_shared>>)
        tpu.yield
      }) : () -> ()
    } else {
    }
    %barrier3A = arith.constant 0 : index
    tpu.barrier barrier_id(%barrier3A)
    %lt3A_64 = arith.constant 14 : i32
    %lt3A_65 = arith.cmpi slt, %arg1, %lt3A_64 : i32
    %jit3A = arith.constant 5 : i32
    %jit3A_66 = arith.constant 4 : i32
    %select_n3A = arith.select %lt3A_65, %jit3A, %jit3A_66 : i32
    %while3A = arith.constant 0 : i32
    %while3A_67 = arith.subi %select_n3A, %while3A : i32
    %while3A_68 = arith.addi %while3A, %while3A_67 : i32
    %while3A_69 = arith.constant 1 : i32
    %while3A_70 = arith.divsi %while3A_67, %while3A_69 : i32
    %while3A_71 = arith.muli %while3A_70, %while3A_69 : i32
    %while3A_72 = arith.addi %while3A, %while3A_71 : i32
    %while3A_73 = arith.constant 1 : i32
    scf.for %while3A_99 = %while3A to %while3A_72 step %while3A_73  : i32 {
      %mul3A = arith.constant 16 : i32
      %mul3A_100 = arith.muli %while3A_99, %mul3A : i32
      %add3A = arith.addi %mul3A_100, %arg1 : i32
      %mul3A_101 = arith.constant 128 : i32
      %mul3A_102 = arith.muli %add3A, %mul3A_101 : i32
      %multiple_of3A = tpu.assume_multiple %mul3A_102, 128 : i32
      %mul3A_103 = arith.constant 10000 : i32
      %mul3A_104 = arith.muli %arg0, %mul3A_103 : i32
      %add3A_105 = arith.addi %mul3A_104, %multiple_of3A : i32
      "tpu.region"() ({
        %run_scoped3A = tpu.sem_alloc : memref<!tpu.dma_semaphore, #tpu.memory_space<semaphore_mem>>
        %dma_start3A = arith.constant 0 : i32
        %dma_start3A_116 = tpu.memref_slice %arg2[%add3A_105, %dma_start3A] : memref<20000x128xf32, #tpu.memory_space<hbm>> -> memref<128x128xf32, #tpu.memory_space<hbm>>
        %dma_start3A_117 = arith.constant 0 : i32
        %dma_start3A_118 = tpu.memref_slice %arg2[%add3A_105, %dma_start3A_117] : memref<20000x128xf32, #tpu.memory_space<hbm>> -> memref<128x128xf32, #tpu.memory_space<hbm>>
        tpu.enqueue_dma source(%dma_start3A_118 : memref<128x128xf32, #tpu.memory_space<hbm>>) target(%arg13 : memref<128x128xf32, #tpu.memory_space<vmem>>) target_semaphore(%run_scoped3A : memref<!tpu.dma_semaphore, #tpu.memory_space<semaphore_mem>>)
        %dma_wait3A = arith.constant 0 : i32
        %dma_wait3A_119 = tpu.memref_slice %arg2[%add3A_105, %dma_wait3A] : memref<20000x128xf32, #tpu.memory_space<hbm>> -> memref<128x128xf32, #tpu.memory_space<hbm>>
        %dma_wait3A_120 = arith.constant 0 : i32
        %dma_wait3A_121 = tpu.memref_slice %arg2[%add3A_105, %dma_wait3A_120] : memref<20000x128xf32, #tpu.memory_space<hbm>> -> memref<128x128xf32, #tpu.memory_space<hbm>>
        tpu.wait_dma2 semaphore(%run_scoped3A : memref<!tpu.dma_semaphore, #tpu.memory_space<semaphore_mem>>) src(%dma_wait3A_121 : memref<128x128xf32, #tpu.memory_space<hbm>>) dst(%arg13 : memref<128x128xf32, #tpu.memory_space<vmem>>)
        tpu.yield
      }) : () -> ()
      "tpu.region"() ({
        %run_scoped3A = tpu.sem_alloc : memref<!tpu.dma_semaphore, #tpu.memory_space<semaphore_mem>>
        %dma_start3A = tpu.memref_slice %arg3[%multiple_of3A] : memref<10000xi32, #tpu.memory_space<hbm>> -> memref<128xi32, #tpu.memory_space<hbm>>
        %dma_start3A_116 = tpu.memref_slice %arg3[%multiple_of3A] : memref<10000xi32, #tpu.memory_space<hbm>> -> memref<128xi32, #tpu.memory_space<hbm>>
        tpu.enqueue_dma source(%dma_start3A_116 : memref<128xi32, #tpu.memory_space<hbm>>) target(%arg15 : memref<128xi32, #tpu.memory_space<vmem>>) target_semaphore(%run_scoped3A : memref<!tpu.dma_semaphore, #tpu.memory_space<semaphore_mem>>)
        %dma_wait3A = tpu.memref_slice %arg3[%multiple_of3A] : memref<10000xi32, #tpu.memory_space<hbm>> -> memref<128xi32, #tpu.memory_space<hbm>>
        %dma_wait3A_117 = tpu.memref_slice %arg3[%multiple_of3A] : memref<10000xi32, #tpu.memory_space<hbm>> -> memref<128xi32, #tpu.memory_space<hbm>>
        tpu.wait_dma2 semaphore(%run_scoped3A : memref<!tpu.dma_semaphore, #tpu.memory_space<semaphore_mem>>) src(%dma_wait3A_117 : memref<128xi32, #tpu.memory_space<hbm>>) dst(%arg15 : memref<128xi32, #tpu.memory_space<vmem>>)
        tpu.yield
      }) : () -> ()
      "tpu.region"() ({
        %run_scoped3A = tpu.sem_alloc : memref<!tpu.dma_semaphore, #tpu.memory_space<semaphore_mem>>
        %dma_start3A = tpu.memref_slice %arg4[%multiple_of3A] : memref<10000xi32, #tpu.memory_space<hbm>> -> memref<128xi32, #tpu.memory_space<hbm>>
        %dma_start3A_116 = tpu.memref_slice %arg4[%multiple_of3A] : memref<10000xi32, #tpu.memory_space<hbm>> -> memref<128xi32, #tpu.memory_space<hbm>>
        tpu.enqueue_dma source(%dma_start3A_116 : memref<128xi32, #tpu.memory_space<hbm>>) target(%arg16 : memref<128xi32, #tpu.memory_space<vmem>>) target_semaphore(%run_scoped3A : memref<!tpu.dma_semaphore, #tpu.memory_space<semaphore_mem>>)
        %dma_wait3A = tpu.memref_slice %arg4[%multiple_of3A] : memref<10000xi32, #tpu.memory_space<hbm>> -> memref<128xi32, #tpu.memory_space<hbm>>
        %dma_wait3A_117 = tpu.memref_slice %arg4[%multiple_of3A] : memref<10000xi32, #tpu.memory_space<hbm>> -> memref<128xi32, #tpu.memory_space<hbm>>
        tpu.wait_dma2 semaphore(%run_scoped3A : memref<!tpu.dma_semaphore, #tpu.memory_space<semaphore_mem>>) src(%dma_wait3A_117 : memref<128xi32, #tpu.memory_space<hbm>>) dst(%arg16 : memref<128xi32, #tpu.memory_space<vmem>>)
        tpu.yield
      }) : () -> ()
      "tpu.region"() ({
        %run_scoped3A = tpu.sem_alloc : memref<!tpu.dma_semaphore, #tpu.memory_space<semaphore_mem>>
        %dma_start3A = arith.constant 0 : i32
        %dma_start3A_116 = arith.constant 0 : i32
        %dma_start3A_117 = tpu.memref_slice %arg10[%dma_start3A, %dma_start3A_116] : memref<1000x128xf32, #tpu.memory_space<vmem_shared>> -> memref<1000x128xf32, #tpu.memory_space<vmem_shared>>
        tpu.enqueue_indirect_dma source(%arg13 : memref<128x128xf32, #tpu.memory_space<vmem>>) target(%dma_start3A_117 : memref<1000x128xf32, #tpu.memory_space<vmem_shared>>) offsets(%arg15 : memref<128xi32, #tpu.memory_space<vmem>>) semaphore(%run_scoped3A : memref<!tpu.dma_semaphore, #tpu.memory_space<semaphore_mem>>) {add = true}
        %dma_wait3A = arith.constant 0 : i32
        %dma_wait3A_118 = arith.constant 0 : i32
        %dma_wait3A_119 = tpu.memref_slice %arg10[%dma_wait3A, %dma_wait3A_118] : memref<1000x128xf32, #tpu.memory_space<vmem_shared>> -> memref<1000x128xf32, #tpu.memory_space<vmem_shared>>
        tpu.wait_indirect_dma semaphore(%run_scoped3A : memref<!tpu.dma_semaphore, #tpu.memory_space<semaphore_mem>>) src(%arg13 : memref<128x128xf32, #tpu.memory_space<vmem>>) dst(%dma_wait3A_119 : memref<1000x128xf32, #tpu.memory_space<vmem_shared>>)
        tpu.yield
      }) : () -> ()
      "tpu.region"() ({
        %run_scoped3A = tpu.sem_alloc : memref<!tpu.dma_semaphore, #tpu.memory_space<semaphore_mem>>
        %dma_start3A = arith.constant 0 : i32
        %dma_start3A_116 = arith.constant 0 : i32
        %dma_start3A_117 = tpu.memref_slice %arg11[%dma_start3A, %dma_start3A_116] : memref<1000x128xf32, #tpu.memory_space<vmem_shared>> -> memref<1000x128xf32, #tpu.memory_space<vmem_shared>>
        tpu.enqueue_indirect_dma source(%arg13 : memref<128x128xf32, #tpu.memory_space<vmem>>) target(%dma_start3A_117 : memref<1000x128xf32, #tpu.memory_space<vmem_shared>>) offsets(%arg16 : memref<128xi32, #tpu.memory_space<vmem>>) semaphore(%run_scoped3A : memref<!tpu.dma_semaphore, #tpu.memory_space<semaphore_mem>>) {add = true}
        %dma_wait3A = arith.constant 0 : i32
        %dma_wait3A_118 = arith.constant 0 : i32
        %dma_wait3A_119 = tpu.memref_slice %arg11[%dma_wait3A, %dma_wait3A_118] : memref<1000x128xf32, #tpu.memory_space<vmem_shared>> -> memref<1000x128xf32, #tpu.memory_space<vmem_shared>>
        tpu.wait_indirect_dma semaphore(%run_scoped3A : memref<!tpu.dma_semaphore, #tpu.memory_space<semaphore_mem>>) src(%arg13 : memref<128x128xf32, #tpu.memory_space<vmem>>) dst(%dma_wait3A_119 : memref<1000x128xf32, #tpu.memory_space<vmem_shared>>)
        tpu.yield
      }) : () -> ()
      %eq3A_106 = arith.constant 0 : i32
      %eq3A_107 = arith.cmpi eq, %arg0, %eq3A_106 : i32
      %convert_element_type3A_108 = arith.extui %eq3A_107 : i1 to i32
      %cond3A_109 = arith.constant 0 : i32
      %cond3A_110 = arith.cmpi ne, %convert_element_type3A_108, %cond3A_109 : i32
      scf.if %cond3A_110 {
        "tpu.region"() ({
          %run_scoped3A = tpu.sem_alloc : memref<!tpu.dma_semaphore, #tpu.memory_space<semaphore_mem>>
          %dma_start3A = arith.constant 0 : i32
          %dma_start3A_116 = tpu.memref_slice %arg12[%dma_start3A] : memref<1024xf32, #tpu.memory_space<vmem_shared>> -> memref<1024xf32, #tpu.memory_space<vmem_shared>>
          tpu.enqueue_indirect_dma source(%arg19 : memref<128xf32, #tpu.memory_space<vmem>>) target(%dma_start3A_116 : memref<1024xf32, #tpu.memory_space<vmem_shared>>) offsets(%arg15 : memref<128xi32, #tpu.memory_space<vmem>>) semaphore(%run_scoped3A : memref<!tpu.dma_semaphore, #tpu.memory_space<semaphore_mem>>) {add = true}
          %dma_wait3A = arith.constant 0 : i32
          %dma_wait3A_117 = tpu.memref_slice %arg12[%dma_wait3A] : memref<1024xf32, #tpu.memory_space<vmem_shared>> -> memref<1024xf32, #tpu.memory_space<vmem_shared>>
          tpu.wait_indirect_dma semaphore(%run_scoped3A : memref<!tpu.dma_semaphore, #tpu.memory_space<semaphore_mem>>) src(%arg19 : memref<128xf32, #tpu.memory_space<vmem>>) dst(%dma_wait3A_117 : memref<1024xf32, #tpu.memory_space<vmem_shared>>)
          tpu.yield
        }) : () -> ()
      } else {
      }
      %eq3A_111 = arith.constant 1 : i32
      %eq3A_112 = arith.cmpi eq, %arg0, %eq3A_111 : i32
      %convert_element_type3A_113 = arith.extui %eq3A_112 : i1 to i32
      %cond3A_114 = arith.constant 0 : i32
      %cond3A_115 = arith.cmpi ne, %convert_element_type3A_113, %cond3A_114 : i32
      scf.if %cond3A_115 {
        "tpu.region"() ({
          %run_scoped3A = tpu.sem_alloc : memref<!tpu.dma_semaphore, #tpu.memory_space<semaphore_mem>>
          %dma_start3A = arith.constant 0 : i32
          %dma_start3A_116 = tpu.memref_slice %arg12[%dma_start3A] : memref<1024xf32, #tpu.memory_space<vmem_shared>> -> memref<1024xf32, #tpu.memory_space<vmem_shared>>
          tpu.enqueue_indirect_dma source(%arg19 : memref<128xf32, #tpu.memory_space<vmem>>) target(%dma_start3A_116 : memref<1024xf32, #tpu.memory_space<vmem_shared>>) offsets(%arg16 : memref<128xi32, #tpu.memory_space<vmem>>) semaphore(%run_scoped3A : memref<!tpu.dma_semaphore, #tpu.memory_space<semaphore_mem>>) {add = true}
          %dma_wait3A = arith.constant 0 : i32
          %dma_wait3A_117 = tpu.memref_slice %arg12[%dma_wait3A] : memref<1024xf32, #tpu.memory_space<vmem_shared>> -> memref<1024xf32, #tpu.memory_space<vmem_shared>>
          tpu.wait_indirect_dma semaphore(%run_scoped3A : memref<!tpu.dma_semaphore, #tpu.memory_space<semaphore_mem>>) src(%arg19 : memref<128xf32, #tpu.memory_space<vmem>>) dst(%dma_wait3A_117 : memref<1024xf32, #tpu.memory_space<vmem_shared>>)
          tpu.yield
        }) : () -> ()
      } else {
      }
    }
    %while3A_74 = arith.constant 1 : i32
    scf.for %while3A_99 = %while3A_72 to %while3A_68 step %while3A_74  : i32 {
      %mul3A = arith.constant 16 : i32
      %mul3A_100 = arith.muli %while3A_99, %mul3A : i32
      %add3A = arith.addi %mul3A_100, %arg1 : i32
      %mul3A_101 = arith.constant 128 : i32
      %mul3A_102 = arith.muli %add3A, %mul3A_101 : i32
      %multiple_of3A = tpu.assume_multiple %mul3A_102, 128 : i32
      %mul3A_103 = arith.constant 10000 : i32
      %mul3A_104 = arith.muli %arg0, %mul3A_103 : i32
      %add3A_105 = arith.addi %mul3A_104, %multiple_of3A : i32
      "tpu.region"() ({
        %run_scoped3A = tpu.sem_alloc : memref<!tpu.dma_semaphore, #tpu.memory_space<semaphore_mem>>
        %dma_start3A = arith.constant 0 : i32
        %dma_start3A_116 = tpu.memref_slice %arg2[%add3A_105, %dma_start3A] : memref<20000x128xf32, #tpu.memory_space<hbm>> -> memref<128x128xf32, #tpu.memory_space<hbm>>
        %dma_start3A_117 = arith.constant 0 : i32
        %dma_start3A_118 = tpu.memref_slice %arg2[%add3A_105, %dma_start3A_117] : memref<20000x128xf32, #tpu.memory_space<hbm>> -> memref<128x128xf32, #tpu.memory_space<hbm>>
        tpu.enqueue_dma source(%dma_start3A_118 : memref<128x128xf32, #tpu.memory_space<hbm>>) target(%arg13 : memref<128x128xf32, #tpu.memory_space<vmem>>) target_semaphore(%run_scoped3A : memref<!tpu.dma_semaphore, #tpu.memory_space<semaphore_mem>>)
        %dma_wait3A = arith.constant 0 : i32
        %dma_wait3A_119 = tpu.memref_slice %arg2[%add3A_105, %dma_wait3A] : memref<20000x128xf32, #tpu.memory_space<hbm>> -> memref<128x128xf32, #tpu.memory_space<hbm>>
        %dma_wait3A_120 = arith.constant 0 : i32
        %dma_wait3A_121 = tpu.memref_slice %arg2[%add3A_105, %dma_wait3A_120] : memref<20000x128xf32, #tpu.memory_space<hbm>> -> memref<128x128xf32, #tpu.memory_space<hbm>>
        tpu.wait_dma2 semaphore(%run_scoped3A : memref<!tpu.dma_semaphore, #tpu.memory_space<semaphore_mem>>) src(%dma_wait3A_121 : memref<128x128xf32, #tpu.memory_space<hbm>>) dst(%arg13 : memref<128x128xf32, #tpu.memory_space<vmem>>)
        tpu.yield
      }) : () -> ()
      "tpu.region"() ({
        %run_scoped3A = tpu.sem_alloc : memref<!tpu.dma_semaphore, #tpu.memory_space<semaphore_mem>>
        %dma_start3A = tpu.memref_slice %arg3[%multiple_of3A] : memref<10000xi32, #tpu.memory_space<hbm>> -> memref<128xi32, #tpu.memory_space<hbm>>
        %dma_start3A_116 = tpu.memref_slice %arg3[%multiple_of3A] : memref<10000xi32, #tpu.memory_space<hbm>> -> memref<128xi32, #tpu.memory_space<hbm>>
        tpu.enqueue_dma source(%dma_start3A_116 : memref<128xi32, #tpu.memory_space<hbm>>) target(%arg15 : memref<128xi32, #tpu.memory_space<vmem>>) target_semaphore(%run_scoped3A : memref<!tpu.dma_semaphore, #tpu.memory_space<semaphore_mem>>)
        %dma_wait3A = tpu.memref_slice %arg3[%multiple_of3A] : memref<10000xi32, #tpu.memory_space<hbm>> -> memref<128xi32, #tpu.memory_space<hbm>>
        %dma_wait3A_117 = tpu.memref_slice %arg3[%multiple_of3A] : memref<10000xi32, #tpu.memory_space<hbm>> -> memref<128xi32, #tpu.memory_space<hbm>>
        tpu.wait_dma2 semaphore(%run_scoped3A : memref<!tpu.dma_semaphore, #tpu.memory_space<semaphore_mem>>) src(%dma_wait3A_117 : memref<128xi32, #tpu.memory_space<hbm>>) dst(%arg15 : memref<128xi32, #tpu.memory_space<vmem>>)
        tpu.yield
      }) : () -> ()
      "tpu.region"() ({
        %run_scoped3A = tpu.sem_alloc : memref<!tpu.dma_semaphore, #tpu.memory_space<semaphore_mem>>
        %dma_start3A = tpu.memref_slice %arg4[%multiple_of3A] : memref<10000xi32, #tpu.memory_space<hbm>> -> memref<128xi32, #tpu.memory_space<hbm>>
        %dma_start3A_116 = tpu.memref_slice %arg4[%multiple_of3A] : memref<10000xi32, #tpu.memory_space<hbm>> -> memref<128xi32, #tpu.memory_space<hbm>>
        tpu.enqueue_dma source(%dma_start3A_116 : memref<128xi32, #tpu.memory_space<hbm>>) target(%arg16 : memref<128xi32, #tpu.memory_space<vmem>>) target_semaphore(%run_scoped3A : memref<!tpu.dma_semaphore, #tpu.memory_space<semaphore_mem>>)
        %dma_wait3A = tpu.memref_slice %arg4[%multiple_of3A] : memref<10000xi32, #tpu.memory_space<hbm>> -> memref<128xi32, #tpu.memory_space<hbm>>
        %dma_wait3A_117 = tpu.memref_slice %arg4[%multiple_of3A] : memref<10000xi32, #tpu.memory_space<hbm>> -> memref<128xi32, #tpu.memory_space<hbm>>
        tpu.wait_dma2 semaphore(%run_scoped3A : memref<!tpu.dma_semaphore, #tpu.memory_space<semaphore_mem>>) src(%dma_wait3A_117 : memref<128xi32, #tpu.memory_space<hbm>>) dst(%arg16 : memref<128xi32, #tpu.memory_space<vmem>>)
        tpu.yield
      }) : () -> ()
      "tpu.region"() ({
        %run_scoped3A = tpu.sem_alloc : memref<!tpu.dma_semaphore, #tpu.memory_space<semaphore_mem>>
        %dma_start3A = arith.constant 0 : i32
        %dma_start3A_116 = arith.constant 0 : i32
        %dma_start3A_117 = tpu.memref_slice %arg10[%dma_start3A, %dma_start3A_116] : memref<1000x128xf32, #tpu.memory_space<vmem_shared>> -> memref<1000x128xf32, #tpu.memory_space<vmem_shared>>
        tpu.enqueue_indirect_dma source(%arg13 : memref<128x128xf32, #tpu.memory_space<vmem>>) target(%dma_start3A_117 : memref<1000x128xf32, #tpu.memory_space<vmem_shared>>) offsets(%arg15 : memref<128xi32, #tpu.memory_space<vmem>>) semaphore(%run_scoped3A : memref<!tpu.dma_semaphore, #tpu.memory_space<semaphore_mem>>) {add = true}
        %dma_wait3A = arith.constant 0 : i32
        %dma_wait3A_118 = arith.constant 0 : i32
        %dma_wait3A_119 = tpu.memref_slice %arg10[%dma_wait3A, %dma_wait3A_118] : memref<1000x128xf32, #tpu.memory_space<vmem_shared>> -> memref<1000x128xf32, #tpu.memory_space<vmem_shared>>
        tpu.wait_indirect_dma semaphore(%run_scoped3A : memref<!tpu.dma_semaphore, #tpu.memory_space<semaphore_mem>>) src(%arg13 : memref<128x128xf32, #tpu.memory_space<vmem>>) dst(%dma_wait3A_119 : memref<1000x128xf32, #tpu.memory_space<vmem_shared>>)
        tpu.yield
      }) : () -> ()
      "tpu.region"() ({
        %run_scoped3A = tpu.sem_alloc : memref<!tpu.dma_semaphore, #tpu.memory_space<semaphore_mem>>
        %dma_start3A = arith.constant 0 : i32
        %dma_start3A_116 = arith.constant 0 : i32
        %dma_start3A_117 = tpu.memref_slice %arg11[%dma_start3A, %dma_start3A_116] : memref<1000x128xf32, #tpu.memory_space<vmem_shared>> -> memref<1000x128xf32, #tpu.memory_space<vmem_shared>>
        tpu.enqueue_indirect_dma source(%arg13 : memref<128x128xf32, #tpu.memory_space<vmem>>) target(%dma_start3A_117 : memref<1000x128xf32, #tpu.memory_space<vmem_shared>>) offsets(%arg16 : memref<128xi32, #tpu.memory_space<vmem>>) semaphore(%run_scoped3A : memref<!tpu.dma_semaphore, #tpu.memory_space<semaphore_mem>>) {add = true}
        %dma_wait3A = arith.constant 0 : i32
        %dma_wait3A_118 = arith.constant 0 : i32
        %dma_wait3A_119 = tpu.memref_slice %arg11[%dma_wait3A, %dma_wait3A_118] : memref<1000x128xf32, #tpu.memory_space<vmem_shared>> -> memref<1000x128xf32, #tpu.memory_space<vmem_shared>>
        tpu.wait_indirect_dma semaphore(%run_scoped3A : memref<!tpu.dma_semaphore, #tpu.memory_space<semaphore_mem>>) src(%arg13 : memref<128x128xf32, #tpu.memory_space<vmem>>) dst(%dma_wait3A_119 : memref<1000x128xf32, #tpu.memory_space<vmem_shared>>)
        tpu.yield
      }) : () -> ()
      %eq3A_106 = arith.constant 0 : i32
      %eq3A_107 = arith.cmpi eq, %arg0, %eq3A_106 : i32
      %convert_element_type3A_108 = arith.extui %eq3A_107 : i1 to i32
      %cond3A_109 = arith.constant 0 : i32
      %cond3A_110 = arith.cmpi ne, %convert_element_type3A_108, %cond3A_109 : i32
      scf.if %cond3A_110 {
        "tpu.region"() ({
          %run_scoped3A = tpu.sem_alloc : memref<!tpu.dma_semaphore, #tpu.memory_space<semaphore_mem>>
          %dma_start3A = arith.constant 0 : i32
          %dma_start3A_116 = tpu.memref_slice %arg12[%dma_start3A] : memref<1024xf32, #tpu.memory_space<vmem_shared>> -> memref<1024xf32, #tpu.memory_space<vmem_shared>>
          tpu.enqueue_indirect_dma source(%arg19 : memref<128xf32, #tpu.memory_space<vmem>>) target(%dma_start3A_116 : memref<1024xf32, #tpu.memory_space<vmem_shared>>) offsets(%arg15 : memref<128xi32, #tpu.memory_space<vmem>>) semaphore(%run_scoped3A : memref<!tpu.dma_semaphore, #tpu.memory_space<semaphore_mem>>) {add = true}
          %dma_wait3A = arith.constant 0 : i32
          %dma_wait3A_117 = tpu.memref_slice %arg12[%dma_wait3A] : memref<1024xf32, #tpu.memory_space<vmem_shared>> -> memref<1024xf32, #tpu.memory_space<vmem_shared>>
          tpu.wait_indirect_dma semaphore(%run_scoped3A : memref<!tpu.dma_semaphore, #tpu.memory_space<semaphore_mem>>) src(%arg19 : memref<128xf32, #tpu.memory_space<vmem>>) dst(%dma_wait3A_117 : memref<1024xf32, #tpu.memory_space<vmem_shared>>)
          tpu.yield
        }) : () -> ()
      } else {
      }
      %eq3A_111 = arith.constant 1 : i32
      %eq3A_112 = arith.cmpi eq, %arg0, %eq3A_111 : i32
      %convert_element_type3A_113 = arith.extui %eq3A_112 : i1 to i32
      %cond3A_114 = arith.constant 0 : i32
      %cond3A_115 = arith.cmpi ne, %convert_element_type3A_113, %cond3A_114 : i32
      scf.if %cond3A_115 {
        "tpu.region"() ({
          %run_scoped3A = tpu.sem_alloc : memref<!tpu.dma_semaphore, #tpu.memory_space<semaphore_mem>>
          %dma_start3A = arith.constant 0 : i32
          %dma_start3A_116 = tpu.memref_slice %arg12[%dma_start3A] : memref<1024xf32, #tpu.memory_space<vmem_shared>> -> memref<1024xf32, #tpu.memory_space<vmem_shared>>
          tpu.enqueue_indirect_dma source(%arg19 : memref<128xf32, #tpu.memory_space<vmem>>) target(%dma_start3A_116 : memref<1024xf32, #tpu.memory_space<vmem_shared>>) offsets(%arg16 : memref<128xi32, #tpu.memory_space<vmem>>) semaphore(%run_scoped3A : memref<!tpu.dma_semaphore, #tpu.memory_space<semaphore_mem>>) {add = true}
          %dma_wait3A = arith.constant 0 : i32
          %dma_wait3A_117 = tpu.memref_slice %arg12[%dma_wait3A] : memref<1024xf32, #tpu.memory_space<vmem_shared>> -> memref<1024xf32, #tpu.memory_space<vmem_shared>>
          tpu.wait_indirect_dma semaphore(%run_scoped3A : memref<!tpu.dma_semaphore, #tpu.memory_space<semaphore_mem>>) src(%arg19 : memref<128xf32, #tpu.memory_space<vmem>>) dst(%dma_wait3A_117 : memref<1024xf32, #tpu.memory_space<vmem_shared>>)
          tpu.yield
        }) : () -> ()
      } else {
      }
    }
    %eq3A_75 = arith.constant 15 : i32
    %eq3A_76 = arith.cmpi eq, %arg1, %eq3A_75 : i32
    %convert_element_type3A_77 = arith.extui %eq3A_76 : i1 to i32
    %cond3A_78 = arith.constant 0 : i32
    %cond3A_79 = arith.cmpi ne, %convert_element_type3A_77, %cond3A_78 : i32
    scf.if %cond3A_79 {
      %mul3A = arith.constant 10000 : i32
      %mul3A_99 = arith.muli %arg0, %mul3A : i32
      %add3A = arith.constant 9984 : i32
      %add3A_100 = arith.addi %mul3A_99, %add3A : i32
      "tpu.region"() ({
        %run_scoped3A = tpu.sem_alloc : memref<!tpu.dma_semaphore, #tpu.memory_space<semaphore_mem>>
        %dma_start3A = arith.constant 0 : i32
        %dma_start3A_111 = tpu.memref_slice %arg2[%add3A_100, %dma_start3A] : memref<20000x128xf32, #tpu.memory_space<hbm>> -> memref<16x128xf32, #tpu.memory_space<hbm>>
        %dma_start3A_112 = arith.constant 0 : i32
        %dma_start3A_113 = tpu.memref_slice %arg2[%add3A_100, %dma_start3A_112] : memref<20000x128xf32, #tpu.memory_space<hbm>> -> memref<16x128xf32, #tpu.memory_space<hbm>>
        tpu.enqueue_dma source(%dma_start3A_113 : memref<16x128xf32, #tpu.memory_space<hbm>>) target(%arg14 : memref<16x128xf32, #tpu.memory_space<vmem>>) target_semaphore(%run_scoped3A : memref<!tpu.dma_semaphore, #tpu.memory_space<semaphore_mem>>)
        %dma_wait3A = arith.constant 0 : i32
        %dma_wait3A_114 = tpu.memref_slice %arg2[%add3A_100, %dma_wait3A] : memref<20000x128xf32, #tpu.memory_space<hbm>> -> memref<16x128xf32, #tpu.memory_space<hbm>>
        %dma_wait3A_115 = arith.constant 0 : i32
        %dma_wait3A_116 = tpu.memref_slice %arg2[%add3A_100, %dma_wait3A_115] : memref<20000x128xf32, #tpu.memory_space<hbm>> -> memref<16x128xf32, #tpu.memory_space<hbm>>
        tpu.wait_dma2 semaphore(%run_scoped3A : memref<!tpu.dma_semaphore, #tpu.memory_space<semaphore_mem>>) src(%dma_wait3A_116 : memref<16x128xf32, #tpu.memory_space<hbm>>) dst(%arg14 : memref<16x128xf32, #tpu.memory_space<vmem>>)
        tpu.yield
      }) : () -> ()
      "tpu.region"() ({
        %run_scoped3A = tpu.sem_alloc : memref<!tpu.dma_semaphore, #tpu.memory_space<semaphore_mem>>
        %dma_start3A = arith.constant 9984 : i32
        %dma_start3A_111 = tpu.memref_slice %arg3[%dma_start3A] : memref<10000xi32, #tpu.memory_space<hbm>> -> memref<16xi32, #tpu.memory_space<hbm>>
        %dma_start3A_112 = arith.constant 9984 : i32
        %dma_start3A_113 = tpu.memref_slice %arg3[%dma_start3A_112] : memref<10000xi32, #tpu.memory_space<hbm>> -> memref<16xi32, #tpu.memory_space<hbm>>
        tpu.enqueue_dma source(%dma_start3A_113 : memref<16xi32, #tpu.memory_space<hbm>>) target(%arg17 : memref<16xi32, #tpu.memory_space<vmem>>) target_semaphore(%run_scoped3A : memref<!tpu.dma_semaphore, #tpu.memory_space<semaphore_mem>>)
        %dma_wait3A = arith.constant 9984 : i32
        %dma_wait3A_114 = tpu.memref_slice %arg3[%dma_wait3A] : memref<10000xi32, #tpu.memory_space<hbm>> -> memref<16xi32, #tpu.memory_space<hbm>>
        %dma_wait3A_115 = arith.constant 9984 : i32
        %dma_wait3A_116 = tpu.memref_slice %arg3[%dma_wait3A_115] : memref<10000xi32, #tpu.memory_space<hbm>> -> memref<16xi32, #tpu.memory_space<hbm>>
        tpu.wait_dma2 semaphore(%run_scoped3A : memref<!tpu.dma_semaphore, #tpu.memory_space<semaphore_mem>>) src(%dma_wait3A_116 : memref<16xi32, #tpu.memory_space<hbm>>) dst(%arg17 : memref<16xi32, #tpu.memory_space<vmem>>)
        tpu.yield
      }) : () -> ()
      "tpu.region"() ({
        %run_scoped3A = tpu.sem_alloc : memref<!tpu.dma_semaphore, #tpu.memory_space<semaphore_mem>>
        %dma_start3A = arith.constant 9984 : i32
        %dma_start3A_111 = tpu.memref_slice %arg4[%dma_start3A] : memref<10000xi32, #tpu.memory_space<hbm>> -> memref<16xi32, #tpu.memory_space<hbm>>
        %dma_start3A_112 = arith.constant 9984 : i32
        %dma_start3A_113 = tpu.memref_slice %arg4[%dma_start3A_112] : memref<10000xi32, #tpu.memory_space<hbm>> -> memref<16xi32, #tpu.memory_space<hbm>>
        tpu.enqueue_dma source(%dma_start3A_113 : memref<16xi32, #tpu.memory_space<hbm>>) target(%arg18 : memref<16xi32, #tpu.memory_space<vmem>>) target_semaphore(%run_scoped3A : memref<!tpu.dma_semaphore, #tpu.memory_space<semaphore_mem>>)
        %dma_wait3A = arith.constant 9984 : i32
        %dma_wait3A_114 = tpu.memref_slice %arg4[%dma_wait3A] : memref<10000xi32, #tpu.memory_space<hbm>> -> memref<16xi32, #tpu.memory_space<hbm>>
        %dma_wait3A_115 = arith.constant 9984 : i32
        %dma_wait3A_116 = tpu.memref_slice %arg4[%dma_wait3A_115] : memref<10000xi32, #tpu.memory_space<hbm>> -> memref<16xi32, #tpu.memory_space<hbm>>
        tpu.wait_dma2 semaphore(%run_scoped3A : memref<!tpu.dma_semaphore, #tpu.memory_space<semaphore_mem>>) src(%dma_wait3A_116 : memref<16xi32, #tpu.memory_space<hbm>>) dst(%arg18 : memref<16xi32, #tpu.memory_space<vmem>>)
        tpu.yield
      }) : () -> ()
      "tpu.region"() ({
        %run_scoped3A = tpu.sem_alloc : memref<!tpu.dma_semaphore, #tpu.memory_space<semaphore_mem>>
        %dma_start3A = arith.constant 0 : i32
        %dma_start3A_111 = arith.constant 0 : i32
        %dma_start3A_112 = tpu.memref_slice %arg10[%dma_start3A, %dma_start3A_111] : memref<1000x128xf32, #tpu.memory_space<vmem_shared>> -> memref<1000x128xf32, #tpu.memory_space<vmem_shared>>
        tpu.enqueue_indirect_dma source(%arg14 : memref<16x128xf32, #tpu.memory_space<vmem>>) target(%dma_start3A_112 : memref<1000x128xf32, #tpu.memory_space<vmem_shared>>) offsets(%arg17 : memref<16xi32, #tpu.memory_space<vmem>>) semaphore(%run_scoped3A : memref<!tpu.dma_semaphore, #tpu.memory_space<semaphore_mem>>) {add = true}
        %dma_wait3A = arith.constant 0 : i32
        %dma_wait3A_113 = arith.constant 0 : i32
        %dma_wait3A_114 = tpu.memref_slice %arg10[%dma_wait3A, %dma_wait3A_113] : memref<1000x128xf32, #tpu.memory_space<vmem_shared>> -> memref<1000x128xf32, #tpu.memory_space<vmem_shared>>
        tpu.wait_indirect_dma semaphore(%run_scoped3A : memref<!tpu.dma_semaphore, #tpu.memory_space<semaphore_mem>>) src(%arg14 : memref<16x128xf32, #tpu.memory_space<vmem>>) dst(%dma_wait3A_114 : memref<1000x128xf32, #tpu.memory_space<vmem_shared>>)
        tpu.yield
      }) : () -> ()
      "tpu.region"() ({
        %run_scoped3A = tpu.sem_alloc : memref<!tpu.dma_semaphore, #tpu.memory_space<semaphore_mem>>
        %dma_start3A = arith.constant 0 : i32
        %dma_start3A_111 = arith.constant 0 : i32
        %dma_start3A_112 = tpu.memref_slice %arg11[%dma_start3A, %dma_start3A_111] : memref<1000x128xf32, #tpu.memory_space<vmem_shared>> -> memref<1000x128xf32, #tpu.memory_space<vmem_shared>>
        tpu.enqueue_indirect_dma source(%arg14 : memref<16x128xf32, #tpu.memory_space<vmem>>) target(%dma_start3A_112 : memref<1000x128xf32, #tpu.memory_space<vmem_shared>>) offsets(%arg18 : memref<16xi32, #tpu.memory_space<vmem>>) semaphore(%run_scoped3A : memref<!tpu.dma_semaphore, #tpu.memory_space<semaphore_mem>>) {add = true}
        %dma_wait3A = arith.constant 0 : i32
        %dma_wait3A_113 = arith.constant 0 : i32
        %dma_wait3A_114 = tpu.memref_slice %arg11[%dma_wait3A, %dma_wait3A_113] : memref<1000x128xf32, #tpu.memory_space<vmem_shared>> -> memref<1000x128xf32, #tpu.memory_space<vmem_shared>>
        tpu.wait_indirect_dma semaphore(%run_scoped3A : memref<!tpu.dma_semaphore, #tpu.memory_space<semaphore_mem>>) src(%arg14 : memref<16x128xf32, #tpu.memory_space<vmem>>) dst(%dma_wait3A_114 : memref<1000x128xf32, #tpu.memory_space<vmem_shared>>)
        tpu.yield
      }) : () -> ()
      %eq3A_101 = arith.constant 0 : i32
      %eq3A_102 = arith.cmpi eq, %arg0, %eq3A_101 : i32
      %convert_element_type3A_103 = arith.extui %eq3A_102 : i1 to i32
      %cond3A_104 = arith.constant 0 : i32
      %cond3A_105 = arith.cmpi ne, %convert_element_type3A_103, %cond3A_104 : i32
      scf.if %cond3A_105 {
        "tpu.region"() ({
          %run_scoped3A = tpu.sem_alloc : memref<!tpu.dma_semaphore, #tpu.memory_space<semaphore_mem>>
          %dma_start3A = arith.constant 0 : i32
          %dma_start3A_111 = tpu.memref_slice %arg12[%dma_start3A] : memref<1024xf32, #tpu.memory_space<vmem_shared>> -> memref<1024xf32, #tpu.memory_space<vmem_shared>>
          tpu.enqueue_indirect_dma source(%arg20 : memref<16xf32, #tpu.memory_space<vmem>>) target(%dma_start3A_111 : memref<1024xf32, #tpu.memory_space<vmem_shared>>) offsets(%arg17 : memref<16xi32, #tpu.memory_space<vmem>>) semaphore(%run_scoped3A : memref<!tpu.dma_semaphore, #tpu.memory_space<semaphore_mem>>) {add = true}
          %dma_wait3A = arith.constant 0 : i32
          %dma_wait3A_112 = tpu.memref_slice %arg12[%dma_wait3A] : memref<1024xf32, #tpu.memory_space<vmem_shared>> -> memref<1024xf32, #tpu.memory_space<vmem_shared>>
          tpu.wait_indirect_dma semaphore(%run_scoped3A : memref<!tpu.dma_semaphore, #tpu.memory_space<semaphore_mem>>) src(%arg20 : memref<16xf32, #tpu.memory_space<vmem>>) dst(%dma_wait3A_112 : memref<1024xf32, #tpu.memory_space<vmem_shared>>)
          tpu.yield
        }) : () -> ()
      } else {
      }
      %eq3A_106 = arith.constant 1 : i32
      %eq3A_107 = arith.cmpi eq, %arg0, %eq3A_106 : i32
      %convert_element_type3A_108 = arith.extui %eq3A_107 : i1 to i32
      %cond3A_109 = arith.constant 0 : i32
      %cond3A_110 = arith.cmpi ne, %convert_element_type3A_108, %cond3A_109 : i32
      scf.if %cond3A_110 {
        "tpu.region"() ({
          %run_scoped3A = tpu.sem_alloc : memref<!tpu.dma_semaphore, #tpu.memory_space<semaphore_mem>>
          %dma_start3A = arith.constant 0 : i32
          %dma_start3A_111 = tpu.memref_slice %arg12[%dma_start3A] : memref<1024xf32, #tpu.memory_space<vmem_shared>> -> memref<1024xf32, #tpu.memory_space<vmem_shared>>
          tpu.enqueue_indirect_dma source(%arg20 : memref<16xf32, #tpu.memory_space<vmem>>) target(%dma_start3A_111 : memref<1024xf32, #tpu.memory_space<vmem_shared>>) offsets(%arg18 : memref<16xi32, #tpu.memory_space<vmem>>) semaphore(%run_scoped3A : memref<!tpu.dma_semaphore, #tpu.memory_space<semaphore_mem>>) {add = true}
          %dma_wait3A = arith.constant 0 : i32
          %dma_wait3A_112 = tpu.memref_slice %arg12[%dma_wait3A] : memref<1024xf32, #tpu.memory_space<vmem_shared>> -> memref<1024xf32, #tpu.memory_space<vmem_shared>>
          tpu.wait_indirect_dma semaphore(%run_scoped3A : memref<!tpu.dma_semaphore, #tpu.memory_space<semaphore_mem>>) src(%arg20 : memref<16xf32, #tpu.memory_space<vmem>>) dst(%dma_wait3A_112 : memref<1024xf32, #tpu.memory_space<vmem_shared>>)
          tpu.yield
        }) : () -> ()
      } else {
      }
    } else {
    }
    %barrier3A_80 = arith.constant 0 : index
    tpu.barrier barrier_id(%barrier3A_80)
    %lt3A_81 = arith.constant 5 : i32
    %lt3A_82 = arith.cmpi slt, %arg1, %lt3A_81 : i32
    %convert_element_type3A_83 = arith.extui %lt3A_82 : i1 to i32
    %cond3A_84 = arith.constant 0 : i32
    %cond3A_85 = arith.cmpi ne, %convert_element_type3A_83, %cond3A_84 : i32
    scf.if %cond3A_85 {
      %mul3A = arith.constant 200 : i32
      %mul3A_99 = arith.muli %arg1, %mul3A : i32
      %mul3A_100 = arith.constant 1000 : i32
      %mul3A_101 = arith.muli %arg0, %mul3A_100 : i32
      %mul3A_102 = arith.constant 200 : i32
      %mul3A_103 = arith.muli %arg1, %mul3A_102 : i32
      %add3A = arith.addi %mul3A_101, %mul3A_103 : i32
      "tpu.region"() ({
        %run_scoped3A = tpu.sem_alloc : memref<!tpu.dma_semaphore, #tpu.memory_space<semaphore_mem>>
        %dma_start3A = arith.constant 0 : i32
        %dma_start3A_104 = tpu.memref_slice %arg7[%add3A, %dma_start3A] : memref<2000x128xf32, #tpu.memory_space<hbm>> -> memref<200x128xf32, #tpu.memory_space<hbm>>
        %dma_start3A_105 = arith.constant 0 : i32
        %dma_start3A_106 = tpu.memref_slice %arg10[%mul3A_99, %dma_start3A_105] : memref<1000x128xf32, #tpu.memory_space<vmem_shared>> -> memref<200x128xf32, #tpu.memory_space<vmem_shared>>
        tpu.enqueue_dma source(%dma_start3A_106 : memref<200x128xf32, #tpu.memory_space<vmem_shared>>) target(%dma_start3A_104 : memref<200x128xf32, #tpu.memory_space<hbm>>) target_semaphore(%run_scoped3A : memref<!tpu.dma_semaphore, #tpu.memory_space<semaphore_mem>>)
        %dma_wait3A = arith.constant 0 : i32
        %dma_wait3A_107 = tpu.memref_slice %arg7[%add3A, %dma_wait3A] : memref<2000x128xf32, #tpu.memory_space<hbm>> -> memref<200x128xf32, #tpu.memory_space<hbm>>
        %dma_wait3A_108 = arith.constant 0 : i32
        %dma_wait3A_109 = tpu.memref_slice %arg10[%mul3A_99, %dma_wait3A_108] : memref<1000x128xf32, #tpu.memory_space<vmem_shared>> -> memref<200x128xf32, #tpu.memory_space<vmem_shared>>
        tpu.wait_dma2 semaphore(%run_scoped3A : memref<!tpu.dma_semaphore, #tpu.memory_space<semaphore_mem>>) src(%dma_wait3A_109 : memref<200x128xf32, #tpu.memory_space<vmem_shared>>) dst(%dma_wait3A_107 : memref<200x128xf32, #tpu.memory_space<hbm>>)
        tpu.yield
      }) : () -> ()
    } else {
    }
    %ge3A_86 = arith.constant 5 : i32
    %ge3A_87 = arith.cmpi sge, %arg1, %ge3A_86 : i32
    %lt3A_88 = arith.constant 10 : i32
    %lt3A_89 = arith.cmpi slt, %arg1, %lt3A_88 : i32
    %and3A_90 = arith.andi %ge3A_87, %lt3A_89 : i1
    %convert_element_type3A_91 = arith.extui %and3A_90 : i1 to i32
    %cond3A_92 = arith.constant 0 : i32
    %cond3A_93 = arith.cmpi ne, %convert_element_type3A_91, %cond3A_92 : i32
    scf.if %cond3A_93 {
      %sub3A = arith.constant 5 : i32
      %sub3A_99 = arith.subi %arg1, %sub3A : i32
      %mul3A = arith.constant 200 : i32
      %mul3A_100 = arith.muli %sub3A_99, %mul3A : i32
      %mul3A_101 = arith.constant 1000 : i32
      %mul3A_102 = arith.muli %arg0, %mul3A_101 : i32
      %sub3A_103 = arith.constant 5 : i32
      %sub3A_104 = arith.subi %arg1, %sub3A_103 : i32
      %mul3A_105 = arith.constant 200 : i32
      %mul3A_106 = arith.muli %sub3A_104, %mul3A_105 : i32
      %add3A = arith.addi %mul3A_102, %mul3A_106 : i32
      "tpu.region"() ({
        %run_scoped3A = tpu.sem_alloc : memref<!tpu.dma_semaphore, #tpu.memory_space<semaphore_mem>>
        %dma_start3A = arith.constant 0 : i32
        %dma_start3A_107 = tpu.memref_slice %arg8[%add3A, %dma_start3A] : memref<2000x128xf32, #tpu.memory_space<hbm>> -> memref<200x128xf32, #tpu.memory_space<hbm>>
        %dma_start3A_108 = arith.constant 0 : i32
        %dma_start3A_109 = tpu.memref_slice %arg11[%mul3A_100, %dma_start3A_108] : memref<1000x128xf32, #tpu.memory_space<vmem_shared>> -> memref<200x128xf32, #tpu.memory_space<vmem_shared>>
        tpu.enqueue_dma source(%dma_start3A_109 : memref<200x128xf32, #tpu.memory_space<vmem_shared>>) target(%dma_start3A_107 : memref<200x128xf32, #tpu.memory_space<hbm>>) target_semaphore(%run_scoped3A : memref<!tpu.dma_semaphore, #tpu.memory_space<semaphore_mem>>)
        %dma_wait3A = arith.constant 0 : i32
        %dma_wait3A_110 = tpu.memref_slice %arg8[%add3A, %dma_wait3A] : memref<2000x128xf32, #tpu.memory_space<hbm>> -> memref<200x128xf32, #tpu.memory_space<hbm>>
        %dma_wait3A_111 = arith.constant 0 : i32
        %dma_wait3A_112 = tpu.memref_slice %arg11[%mul3A_100, %dma_wait3A_111] : memref<1000x128xf32, #tpu.memory_space<vmem_shared>> -> memref<200x128xf32, #tpu.memory_space<vmem_shared>>
        tpu.wait_dma2 semaphore(%run_scoped3A : memref<!tpu.dma_semaphore, #tpu.memory_space<semaphore_mem>>) src(%dma_wait3A_112 : memref<200x128xf32, #tpu.memory_space<vmem_shared>>) dst(%dma_wait3A_110 : memref<200x128xf32, #tpu.memory_space<hbm>>)
        tpu.yield
      }) : () -> ()
    } else {
    }
    %eq3A_94 = arith.constant 10 : i32
    %eq3A_95 = arith.cmpi eq, %arg1, %eq3A_94 : i32
    %convert_element_type3A_96 = arith.extui %eq3A_95 : i1 to i32
    %cond3A_97 = arith.constant 0 : i32
    %cond3A_98 = arith.cmpi ne, %convert_element_type3A_96, %cond3A_97 : i32
    scf.if %cond3A_98 {
      %mul3A = arith.constant 1024 : i32
      %mul3A_99 = arith.muli %arg0, %mul3A : i32
      "tpu.region"() ({
        %run_scoped3A = tpu.sem_alloc : memref<!tpu.dma_semaphore, #tpu.memory_space<semaphore_mem>>
        %dma_start3A = tpu.memref_slice %arg9[%mul3A_99] : memref<2048xf32, #tpu.memory_space<hbm>> -> memref<1024xf32, #tpu.memory_space<hbm>>
        tpu.enqueue_dma source(%arg12 : memref<1024xf32, #tpu.memory_space<vmem_shared>>) target(%dma_start3A : memref<1024xf32, #tpu.memory_space<hbm>>) target_semaphore(%run_scoped3A : memref<!tpu.dma_semaphore, #tpu.memory_space<semaphore_mem>>)
        %dma_wait3A = tpu.memref_slice %arg9[%mul3A_99] : memref<2048xf32, #tpu.memory_space<hbm>> -> memref<1024xf32, #tpu.memory_space<hbm>>
        tpu.wait_dma2 semaphore(%run_scoped3A : memref<!tpu.dma_semaphore, #tpu.memory_space<semaphore_mem>>) src(%arg12 : memref<1024xf32, #tpu.memory_space<vmem_shared>>) dst(%dma_wait3A : memref<1024xf32, #tpu.memory_space<hbm>>)
        tpu.yield
      }) : () -> ()
    } else {
    }
    return
  }
}

module attributes {stable_mosaic.version = 14 : i64} {
  func.func @_phase1_body(%arg0: i32, %arg1: memref<1000x128xf32, #tpu.memory_space<vmem>>, %arg2: memref<1000x1xf32, #tpu.memory_space<vmem>>, %arg3: memref<1000x1xf32, #tpu.memory_space<vmem>>, %arg4: memref<128x256xf32, #tpu.memory_space<vmem>>, %arg5: memref<128x256xf32, #tpu.memory_space<vmem>>, %arg6: memref<2x1000x128xf32, #tpu.memory_space<vmem>>, %arg7: memref<2x1000x128xf32, #tpu.memory_space<vmem>>, %arg8: memref<1000x1xf32, #tpu.memory_space<vmem>>, %arg9: memref<1000x1xf32, #tpu.memory_space<vmem>>) attributes {dimension_semantics = [#tpu.dimension_semantics<arbitrary>], iteration_bounds = array<i64: 10>, scalar_prefetch = 0 : i64, scratch_operands = 0 : i64, tpu.core_type = #tpu.core_type<tc>, window_params = [{transform_indices = @transform_0, window_bounds = array<i64: 1000, 128>}, {transform_indices = @transform_1, window_bounds = array<i64: 1000, 1>}, {transform_indices = @transform_2, window_bounds = array<i64: 1000, 1>}, {pipeline_mode = #tpu.pipeline_mode<synchronous>, transform_indices = @transform_3, window_bounds = array<i64: 128, 256>}, {pipeline_mode = #tpu.pipeline_mode<synchronous>, transform_indices = @transform_4, window_bounds = array<i64: 128, 256>}, {transform_indices = @transform_5, window_bounds = array<i64: 2, 1000, 128>}, {transform_indices = @transform_6, window_bounds = array<i64: 2, 1000, 128>}, {transform_indices = @transform_7, window_bounds = array<i64: 1000, 1>}, {transform_indices = @transform_8, window_bounds = array<i64: 1000, 1>}]} {
    %get3A = arith.constant 0 : index
    %get3A_0 = arith.constant 0 : index
    %get3A_1 = vector.load %arg2[%get3A, %get3A_0] : memref<1000x1xf32, #tpu.memory_space<vmem>>, vector<1000x1xf32>
    %add3A = arith.constant 1.000000e+00 : f32
    %add3A_2 = vector.broadcast %add3A : f32 to vector<1000x1xf32>
    %add3A_3 = arith.addf %get3A_1, %add3A_2 : vector<1000x1xf32>
    %rsqrt3A = math.rsqrt %add3A_3 : vector<1000x1xf32>
    %get3A_4 = arith.constant 0 : index
    %get3A_5 = arith.constant 0 : index
    %get3A_6 = vector.load %arg3[%get3A_4, %get3A_5] : memref<1000x1xf32, #tpu.memory_space<vmem>>, vector<1000x1xf32>
    %add3A_7 = arith.constant 1.000000e+00 : f32
    %add3A_8 = vector.broadcast %add3A_7 : f32 to vector<1000x1xf32>
    %add3A_9 = arith.addf %get3A_6, %add3A_8 : vector<1000x1xf32>
    %rsqrt3A_10 = math.rsqrt %add3A_9 : vector<1000x1xf32>
    %get3A_11 = arith.constant 0 : index
    %get3A_12 = arith.constant 0 : index
    %get3A_13 = vector.load %arg1[%get3A_11, %get3A_12] : memref<1000x128xf32, #tpu.memory_space<vmem>>, vector<1000x128xf32>
    %get3A_14 = arith.constant 0 : index
    %get3A_15 = arith.constant 0 : index
    %get3A_16 = vector.load %arg4[%get3A_14, %get3A_15] : memref<128x256xf32, #tpu.memory_space<vmem>>, vector<128x256xf32>
    %dot_general3A = arith.constant dense<0.000000e+00> : vector<1000x256xf32>
    %dot_general3A_17 = tpu.matmul %get3A_13, %get3A_16, %dot_general3A {dimension_numbers = #tpu.dot_dimension_numbers<[1], [0], [0], [1], [0, 0, 1, 1], [], []>, transpose_lhs_hint = false} : vector<1000x128xf32>, vector<128x256xf32>, vector<1000x256xf32> -> vector<1000x256xf32>
    %mul3A = vector.broadcast %rsqrt3A : vector<1000x1xf32> to vector<1000x256xf32>
    %mul3A_18 = arith.mulf %dot_general3A_17, %mul3A : vector<1000x256xf32>
    %get3A_19 = arith.constant 0 : index
    %get3A_20 = arith.constant 0 : index
    %get3A_21 = vector.load %arg1[%get3A_19, %get3A_20] : memref<1000x128xf32, #tpu.memory_space<vmem>>, vector<1000x128xf32>
    %get3A_22 = arith.constant 0 : index
    %get3A_23 = arith.constant 0 : index
    %get3A_24 = vector.load %arg5[%get3A_22, %get3A_23] : memref<128x256xf32, #tpu.memory_space<vmem>>, vector<128x256xf32>
    %dot_general3A_25 = arith.constant dense<0.000000e+00> : vector<1000x256xf32>
    %dot_general3A_26 = tpu.matmul %get3A_21, %get3A_24, %dot_general3A_25 {dimension_numbers = #tpu.dot_dimension_numbers<[1], [0], [0], [1], [0, 0, 1, 1], [], []>, transpose_lhs_hint = false} : vector<1000x128xf32>, vector<128x256xf32>, vector<1000x256xf32> -> vector<1000x256xf32>
    %mul3A_27 = vector.broadcast %rsqrt3A_10 : vector<1000x1xf32> to vector<1000x256xf32>
    %mul3A_28 = arith.mulf %dot_general3A_26, %mul3A_27 : vector<1000x256xf32>
    %slice3A = vector.extract_strided_slice %mul3A_18 {offsets = [0, 0], sizes = [1000, 128], strides = [1, 1]} : vector<1000x256xf32> to vector<1000x128xf32>
    %swap3A = arith.constant 0 : index
    %swap3A_29 = arith.constant 0 : index
    %swap3A_30 = arith.constant 0 : index
    %swap3A_31 = vector.load %arg6[%swap3A, %swap3A_29, %swap3A_30] : memref<2x1000x128xf32, #tpu.memory_space<vmem>>, vector<1x1000x128xf32>
    %swap3A_32 = vector.shape_cast %swap3A_31 : vector<1x1000x128xf32> to vector<1000x128xf32>
    %swap3A_33 = vector.shape_cast %slice3A : vector<1000x128xf32> to vector<1x1000x128xf32>
    tpu.vector_store %arg6[%swap3A, %swap3A_29, %swap3A_30], %swap3A_33 {strides = array<i32>} : memref<2x1000x128xf32, #tpu.memory_space<vmem>>, vector<1x1000x128xf32>,
    %slice3A_34 = vector.extract_strided_slice %mul3A_18 {offsets = [0, 128], sizes = [1000, 128], strides = [1, 1]} : vector<1000x256xf32> to vector<1000x128xf32>
    %swap3A_35 = arith.constant 1 : index
    %swap3A_36 = arith.constant 0 : index
    %swap3A_37 = arith.constant 0 : index
    %swap3A_38 = vector.load %arg6[%swap3A_35, %swap3A_36, %swap3A_37] : memref<2x1000x128xf32, #tpu.memory_space<vmem>>, vector<1x1000x128xf32>
    %swap3A_39 = vector.shape_cast %swap3A_38 : vector<1x1000x128xf32> to vector<1000x128xf32>
    %swap3A_40 = vector.shape_cast %slice3A_34 : vector<1000x128xf32> to vector<1x1000x128xf32>
    tpu.vector_store %arg6[%swap3A_35, %swap3A_36, %swap3A_37], %swap3A_40 {strides = array<i32>} : memref<2x1000x128xf32, #tpu.memory_space<vmem>>, vector<1x1000x128xf32>,
    %slice3A_41 = vector.extract_strided_slice %mul3A_28 {offsets = [0, 0], sizes = [1000, 128], strides = [1, 1]} : vector<1000x256xf32> to vector<1000x128xf32>
    %swap3A_42 = arith.constant 0 : index
    %swap3A_43 = arith.constant 0 : index
    %swap3A_44 = arith.constant 0 : index
    %swap3A_45 = vector.load %arg7[%swap3A_42, %swap3A_43, %swap3A_44] : memref<2x1000x128xf32, #tpu.memory_space<vmem>>, vector<1x1000x128xf32>
    %swap3A_46 = vector.shape_cast %swap3A_45 : vector<1x1000x128xf32> to vector<1000x128xf32>
    %swap3A_47 = vector.shape_cast %slice3A_41 : vector<1000x128xf32> to vector<1x1000x128xf32>
    tpu.vector_store %arg7[%swap3A_42, %swap3A_43, %swap3A_44], %swap3A_47 {strides = array<i32>} : memref<2x1000x128xf32, #tpu.memory_space<vmem>>, vector<1x1000x128xf32>,
    %slice3A_48 = vector.extract_strided_slice %mul3A_28 {offsets = [0, 128], sizes = [1000, 128], strides = [1, 1]} : vector<1000x256xf32> to vector<1000x128xf32>
    %swap3A_49 = arith.constant 1 : index
    %swap3A_50 = arith.constant 0 : index
    %swap3A_51 = arith.constant 0 : index
    %swap3A_52 = vector.load %arg7[%swap3A_49, %swap3A_50, %swap3A_51] : memref<2x1000x128xf32, #tpu.memory_space<vmem>>, vector<1x1000x128xf32>
    %swap3A_53 = vector.shape_cast %swap3A_52 : vector<1x1000x128xf32> to vector<1000x128xf32>
    %swap3A_54 = vector.shape_cast %slice3A_48 : vector<1000x128xf32> to vector<1x1000x128xf32>
    tpu.vector_store %arg7[%swap3A_49, %swap3A_50, %swap3A_51], %swap3A_54 {strides = array<i32>} : memref<2x1000x128xf32, #tpu.memory_space<vmem>>, vector<1x1000x128xf32>,
    %swap3A_55 = arith.constant 0 : index
    %swap3A_56 = arith.constant 0 : index
    %swap3A_57 = vector.load %arg8[%swap3A_55, %swap3A_56] : memref<1000x1xf32, #tpu.memory_space<vmem>>, vector<1000x1xf32>
    tpu.vector_store %arg8[%swap3A_55, %swap3A_56], %rsqrt3A {strides = array<i32>} : memref<1000x1xf32, #tpu.memory_space<vmem>>, vector<1000x1xf32>,
    %swap3A_58 = arith.constant 0 : index
    %swap3A_59 = arith.constant 0 : index
    %swap3A_60 = vector.load %arg9[%swap3A_58, %swap3A_59] : memref<1000x1xf32, #tpu.memory_space<vmem>>, vector<1000x1xf32>
    tpu.vector_store %arg9[%swap3A_58, %swap3A_59], %rsqrt3A_10 {strides = array<i32>} : memref<1000x1xf32, #tpu.memory_space<vmem>>, vector<1000x1xf32>,
    return
  }
  func.func @transform_0(%arg0: i32) -> (i32, i32) {
    %c0_i32 = arith.constant 0 : i32
    %c0_i32_0 = arith.constant 0 : i32
    return %arg0, %c0_i32 : i32, i32
  }
  func.func @transform_1(%arg0: i32) -> (i32, i32) {
    %c0_i32 = arith.constant 0 : i32
    %c0_i32_0 = arith.constant 0 : i32
    return %arg0, %c0_i32 : i32, i32
  }
  func.func @transform_2(%arg0: i32) -> (i32, i32) {
    %c0_i32 = arith.constant 0 : i32
    %c0_i32_0 = arith.constant 0 : i32
    return %arg0, %c0_i32 : i32, i32
  }
  func.func @transform_3(%arg0: i32) -> (i32, i32) {
    %c0_i32 = arith.constant 0 : i32
    %c0_i32_0 = arith.constant 0 : i32
    %c0_i32_1 = arith.constant 0 : i32
    return %c0_i32, %c0_i32_0 : i32, i32
  }
  func.func @transform_4(%arg0: i32) -> (i32, i32) {
    %c0_i32 = arith.constant 0 : i32
    %c0_i32_0 = arith.constant 0 : i32
    %c0_i32_1 = arith.constant 0 : i32
    return %c0_i32, %c0_i32_0 : i32, i32
  }
  func.func @transform_5(%arg0: i32) -> (i32, i32, i32) {
    %c0_i32 = arith.constant 0 : i32
    %c0_i32_0 = arith.constant 0 : i32
    %c0_i32_1 = arith.constant 0 : i32
    return %c0_i32, %arg0, %c0_i32_0 : i32, i32, i32
  }
  func.func @transform_6(%arg0: i32) -> (i32, i32, i32) {
    %c0_i32 = arith.constant 0 : i32
    %c0_i32_0 = arith.constant 0 : i32
    %c0_i32_1 = arith.constant 0 : i32
    return %c0_i32, %arg0, %c0_i32_0 : i32, i32, i32
  }
  func.func @transform_7(%arg0: i32) -> (i32, i32) {
    %c0_i32 = arith.constant 0 : i32
    %c0_i32_0 = arith.constant 0 : i32
    return %arg0, %c0_i32 : i32, i32
  }
  func.func @transform_8(%arg0: i32) -> (i32, i32) {
    %c0_i32 = arith.constant 0 : i32
    %c0_i32_0 = arith.constant 0 : i32
    return %arg0, %c0_i32 : i32, i32
  }
}

module attributes {stable_mosaic.version = 14 : i64} {
  func.func @_phase3_body(%arg0: i32, %arg1: memref<2x1000x128xf32, #tpu.memory_space<vmem>>, %arg2: memref<2x1000x128xf32, #tpu.memory_space<vmem>>, %arg3: memref<2x1000x128xf32, #tpu.memory_space<vmem>>, %arg4: memref<2x1000x128xf32, #tpu.memory_space<vmem>>, %arg5: memref<1000x1xf32, #tpu.memory_space<vmem>>, %arg6: memref<1000x1xf32, #tpu.memory_space<vmem>>, %arg7: memref<1x256xf32, #tpu.memory_space<vmem>>, %arg8: memref<1x256xf32, #tpu.memory_space<vmem>>, %arg9: memref<512x256xf32, #tpu.memory_space<vmem>>, %arg10: memref<1x256xf32, #tpu.memory_space<vmem>>, %arg11: memref<256x256xf32, #tpu.memory_space<vmem>>, %arg12: memref<1x256xf32, #tpu.memory_space<vmem>>, %arg13: memref<256x256xf32, #tpu.memory_space<vmem>>, %arg14: memref<256x256xf32, #tpu.memory_space<vmem>>, %arg15: memref<2x1000x128xf32, #tpu.memory_space<vmem>>, %arg16: memref<2x1000x128xf32, #tpu.memory_space<vmem>>) attributes {dimension_semantics = [#tpu.dimension_semantics<arbitrary>], iteration_bounds = array<i64: 10>, scalar_prefetch = 0 : i64, scratch_operands = 0 : i64, tpu.core_type = #tpu.core_type<tc>, window_params = [{transform_indices = @transform_0, window_bounds = array<i64: 2, 1000, 128>}, {transform_indices = @transform_1, window_bounds = array<i64: 2, 1000, 128>}, {transform_indices = @transform_2, window_bounds = array<i64: 2, 1000, 128>}, {transform_indices = @transform_3, window_bounds = array<i64: 2, 1000, 128>}, {transform_indices = @transform_4, window_bounds = array<i64: 1000, 1>}, {transform_indices = @transform_5, window_bounds = array<i64: 1000, 1>}, {pipeline_mode = #tpu.pipeline_mode<synchronous>, transform_indices = @transform_6, window_bounds = array<i64: 1, 256>}, {pipeline_mode = #tpu.pipeline_mode<synchronous>, transform_indices = @transform_7, window_bounds = array<i64: 1, 256>}, {pipeline_mode = #tpu.pipeline_mode<synchronous>, transform_indices = @transform_8, window_bounds = array<i64: 512, 256>}, {pipeline_mode = #tpu.pipeline_mode<synchronous>, transform_indices = @transform_9, window_bounds = array<i64: 1, 256>}, {pipeline_mode = #tpu.pipeline_mode<synchronous>, transform_indices = @transform_10, window_bounds = array<i64: 256, 256>}, {pipeline_mode = #tpu.pipeline_mode<synchronous>, transform_indices = @transform_11, window_bounds = array<i64: 1, 256>}, {pipeline_mode = #tpu.pipeline_mode<synchronous>, transform_indices = @transform_12, window_bounds = array<i64: 256, 256>}, {pipeline_mode = #tpu.pipeline_mode<synchronous>, transform_indices = @transform_13, window_bounds = array<i64: 256, 256>}, {transform_indices = @transform_14, window_bounds = array<i64: 2, 1000, 128>}, {transform_indices = @transform_15, window_bounds = array<i64: 2, 1000, 128>}]} {
    %get3A = arith.constant 0 : index
    %get3A_0 = arith.constant 0 : index
    %get3A_1 = arith.constant 0 : index
    %get3A_2 = vector.load %arg1[%get3A, %get3A_0, %get3A_1] : memref<2x1000x128xf32, #tpu.memory_space<vmem>>, vector<1x1000x128xf32>
    %get3A_3 = vector.shape_cast %get3A_2 : vector<1x1000x128xf32> to vector<1000x128xf32>
    %get3A_4 = arith.constant 0 : index
    %get3A_5 = arith.constant 0 : index
    %get3A_6 = arith.constant 0 : index
    %get3A_7 = vector.load %arg3[%get3A_4, %get3A_5, %get3A_6] : memref<2x1000x128xf32, #tpu.memory_space<vmem>>, vector<1x1000x128xf32>
    %get3A_8 = vector.shape_cast %get3A_7 : vector<1x1000x128xf32> to vector<1000x128xf32>
    %add3A = arith.addf %get3A_3, %get3A_8 : vector<1000x128xf32>
    %get3A_9 = arith.constant 1 : index
    %get3A_10 = arith.constant 0 : index
    %get3A_11 = arith.constant 0 : index
    %get3A_12 = vector.load %arg1[%get3A_9, %get3A_10, %get3A_11] : memref<2x1000x128xf32, #tpu.memory_space<vmem>>, vector<1x1000x128xf32>
    %get3A_13 = vector.shape_cast %get3A_12 : vector<1x1000x128xf32> to vector<1000x128xf32>
    %get3A_14 = arith.constant 1 : index
    %get3A_15 = arith.constant 0 : index
    %get3A_16 = arith.constant 0 : index
    %get3A_17 = vector.load %arg3[%get3A_14, %get3A_15, %get3A_16] : memref<2x1000x128xf32, #tpu.memory_space<vmem>>, vector<1x1000x128xf32>
    %get3A_18 = vector.shape_cast %get3A_17 : vector<1x1000x128xf32> to vector<1000x128xf32>
    %add3A_19 = arith.addf %get3A_13, %get3A_18 : vector<1000x128xf32>
    %concatenate3A = tpu.concatenate %add3A, %add3A_19 in 1 : vector<1000x128xf32>, vector<1000x128xf32> -> vector<1000x256xf32>
    %get3A_20 = arith.constant 0 : index
    %get3A_21 = arith.constant 0 : index
    %get3A_22 = vector.load %arg5[%get3A_20, %get3A_21] : memref<1000x1xf32, #tpu.memory_space<vmem>>, vector<1000x1xf32>
    %mul3A = vector.broadcast %get3A_22 : vector<1000x1xf32> to vector<1000x256xf32>
    %mul3A_23 = arith.mulf %concatenate3A, %mul3A : vector<1000x256xf32>
    %get3A_24 = arith.constant 0 : index
    %get3A_25 = arith.constant 0 : index
    %get3A_26 = vector.load %arg7[%get3A_24, %get3A_25] : memref<1x256xf32, #tpu.memory_space<vmem>>, vector<1x256xf32>
    %add3A_27 = vector.broadcast %get3A_26 : vector<1x256xf32> to vector<1000x256xf32>
    %add3A_28 = arith.addf %mul3A_23, %add3A_27 : vector<1000x256xf32>
    %max3A = arith.constant 0.000000e+00 : f32
    %max3A_29 = vector.broadcast %max3A : f32 to vector<1000x256xf32>
    %max3A_30 = arith.maximumf %add3A_28, %max3A_29 : vector<1000x256xf32>
    %get3A_31 = arith.constant 0 : index
    %get3A_32 = arith.constant 0 : index
    %get3A_33 = arith.constant 0 : index
    %get3A_34 = vector.load %arg2[%get3A_31, %get3A_32, %get3A_33] : memref<2x1000x128xf32, #tpu.memory_space<vmem>>, vector<1x1000x128xf32>
    %get3A_35 = vector.shape_cast %get3A_34 : vector<1x1000x128xf32> to vector<1000x128xf32>
    %get3A_36 = arith.constant 0 : index
    %get3A_37 = arith.constant 0 : index
    %get3A_38 = arith.constant 0 : index
    %get3A_39 = vector.load %arg4[%get3A_36, %get3A_37, %get3A_38] : memref<2x1000x128xf32, #tpu.memory_space<vmem>>, vector<1x1000x128xf32>
    %get3A_40 = vector.shape_cast %get3A_39 : vector<1x1000x128xf32> to vector<1000x128xf32>
    %add3A_41 = arith.addf %get3A_35, %get3A_40 : vector<1000x128xf32>
    %get3A_42 = arith.constant 1 : index
    %get3A_43 = arith.constant 0 : index
    %get3A_44 = arith.constant 0 : index
    %get3A_45 = vector.load %arg2[%get3A_42, %get3A_43, %get3A_44] : memref<2x1000x128xf32, #tpu.memory_space<vmem>>, vector<1x1000x128xf32>
    %get3A_46 = vector.shape_cast %get3A_45 : vector<1x1000x128xf32> to vector<1000x128xf32>
    %get3A_47 = arith.constant 1 : index
    %get3A_48 = arith.constant 0 : index
    %get3A_49 = arith.constant 0 : index
    %get3A_50 = vector.load %arg4[%get3A_47, %get3A_48, %get3A_49] : memref<2x1000x128xf32, #tpu.memory_space<vmem>>, vector<1x1000x128xf32>
    %get3A_51 = vector.shape_cast %get3A_50 : vector<1x1000x128xf32> to vector<1000x128xf32>
    %add3A_52 = arith.addf %get3A_46, %get3A_51 : vector<1000x128xf32>
    %concatenate3A_53 = tpu.concatenate %add3A_41, %add3A_52 in 1 : vector<1000x128xf32>, vector<1000x128xf32> -> vector<1000x256xf32>
    %get3A_54 = arith.constant 0 : index
    %get3A_55 = arith.constant 0 : index
    %get3A_56 = vector.load %arg6[%get3A_54, %get3A_55] : memref<1000x1xf32, #tpu.memory_space<vmem>>, vector<1000x1xf32>
    %mul3A_57 = vector.broadcast %get3A_56 : vector<1000x1xf32> to vector<1000x256xf32>
    %mul3A_58 = arith.mulf %concatenate3A_53, %mul3A_57 : vector<1000x256xf32>
    %get3A_59 = arith.constant 0 : index
    %get3A_60 = arith.constant 0 : index
    %get3A_61 = vector.load %arg8[%get3A_59, %get3A_60] : memref<1x256xf32, #tpu.memory_space<vmem>>, vector<1x256xf32>
    %add3A_62 = vector.broadcast %get3A_61 : vector<1x256xf32> to vector<1000x256xf32>
    %add3A_63 = arith.addf %mul3A_58, %add3A_62 : vector<1000x256xf32>
    %max3A_64 = arith.constant 0.000000e+00 : f32
    %max3A_65 = vector.broadcast %max3A_64 : f32 to vector<1000x256xf32>
    %max3A_66 = arith.maximumf %add3A_63, %max3A_65 : vector<1000x256xf32>
    %concatenate3A_67 = tpu.concatenate %max3A_30, %max3A_66 in 1 : vector<1000x256xf32>, vector<1000x256xf32> -> vector<1000x512xf32>
    %get3A_68 = arith.constant 0 : index
    %get3A_69 = arith.constant 0 : index
    %get3A_70 = vector.load %arg9[%get3A_68, %get3A_69] : memref<512x256xf32, #tpu.memory_space<vmem>>, vector<512x256xf32>
    %dot_general3A = arith.constant dense<0.000000e+00> : vector<1000x256xf32>
    %dot_general3A_71 = tpu.matmul %concatenate3A_67, %get3A_70, %dot_general3A {dimension_numbers = #tpu.dot_dimension_numbers<[1], [0], [0], [1], [0, 0, 1, 1], [], []>, transpose_lhs_hint = false} : vector<1000x512xf32>, vector<512x256xf32>, vector<1000x256xf32> -> vector<1000x256xf32>
    %get3A_72 = arith.constant 0 : index
    %get3A_73 = arith.constant 0 : index
    %get3A_74 = vector.load %arg10[%get3A_72, %get3A_73] : memref<1x256xf32, #tpu.memory_space<vmem>>, vector<1x256xf32>
    %add3A_75 = vector.broadcast %get3A_74 : vector<1x256xf32> to vector<1000x256xf32>
    %add3A_76 = arith.addf %dot_general3A_71, %add3A_75 : vector<1000x256xf32>
    %max3A_77 = arith.constant 0.000000e+00 : f32
    %max3A_78 = vector.broadcast %max3A_77 : f32 to vector<1000x256xf32>
    %max3A_79 = arith.maximumf %add3A_76, %max3A_78 : vector<1000x256xf32>
    %get3A_80 = arith.constant 0 : index
    %get3A_81 = arith.constant 0 : index
    %get3A_82 = vector.load %arg11[%get3A_80, %get3A_81] : memref<256x256xf32, #tpu.memory_space<vmem>>, vector<256x256xf32>
    %dot_general3A_83 = arith.constant dense<0.000000e+00> : vector<1000x256xf32>
    %dot_general3A_84 = tpu.matmul %max3A_79, %get3A_82, %dot_general3A_83 {dimension_numbers = #tpu.dot_dimension_numbers<[1], [0], [0], [1], [0, 0, 1, 1], [], []>, transpose_lhs_hint = false} : vector<1000x256xf32>, vector<256x256xf32>, vector<1000x256xf32> -> vector<1000x256xf32>
    %get3A_85 = arith.constant 0 : index
    %get3A_86 = arith.constant 0 : index
    %get3A_87 = vector.load %arg12[%get3A_85, %get3A_86] : memref<1x256xf32, #tpu.memory_space<vmem>>, vector<1x256xf32>
    %add3A_88 = vector.broadcast %get3A_87 : vector<1x256xf32> to vector<1000x256xf32>
    %add3A_89 = arith.addf %dot_general3A_84, %add3A_88 : vector<1000x256xf32>
    %get3A_90 = arith.constant 0 : index
    %get3A_91 = arith.constant 0 : index
    %get3A_92 = vector.load %arg13[%get3A_90, %get3A_91] : memref<256x256xf32, #tpu.memory_space<vmem>>, vector<256x256xf32>
    %dot_general3A_93 = arith.constant dense<0.000000e+00> : vector<1000x256xf32>
    %dot_general3A_94 = tpu.matmul %add3A_89, %get3A_92, %dot_general3A_93 {dimension_numbers = #tpu.dot_dimension_numbers<[1], [0], [0], [1], [0, 0, 1, 1], [], []>, transpose_lhs_hint = false} : vector<1000x256xf32>, vector<256x256xf32>, vector<1000x256xf32> -> vector<1000x256xf32>
    %get3A_95 = arith.constant 0 : index
    %get3A_96 = arith.constant 0 : index
    %get3A_97 = vector.load %arg5[%get3A_95, %get3A_96] : memref<1000x1xf32, #tpu.memory_space<vmem>>, vector<1000x1xf32>
    %mul3A_98 = vector.broadcast %get3A_97 : vector<1000x1xf32> to vector<1000x256xf32>
    %mul3A_99 = arith.mulf %dot_general3A_94, %mul3A_98 : vector<1000x256xf32>
    %get3A_100 = arith.constant 0 : index
    %get3A_101 = arith.constant 0 : index
    %get3A_102 = vector.load %arg14[%get3A_100, %get3A_101] : memref<256x256xf32, #tpu.memory_space<vmem>>, vector<256x256xf32>
    %dot_general3A_103 = arith.constant dense<0.000000e+00> : vector<1000x256xf32>
    %dot_general3A_104 = tpu.matmul %add3A_89, %get3A_102, %dot_general3A_103 {dimension_numbers = #tpu.dot_dimension_numbers<[1], [0], [0], [1], [0, 0, 1, 1], [], []>, transpose_lhs_hint = false} : vector<1000x256xf32>, vector<256x256xf32>, vector<1000x256xf32> -> vector<1000x256xf32>
    %get3A_105 = arith.constant 0 : index
    %get3A_106 = arith.constant 0 : index
    %get3A_107 = vector.load %arg6[%get3A_105, %get3A_106] : memref<1000x1xf32, #tpu.memory_space<vmem>>, vector<1000x1xf32>
    %mul3A_108 = vector.broadcast %get3A_107 : vector<1000x1xf32> to vector<1000x256xf32>
    %mul3A_109 = arith.mulf %dot_general3A_104, %mul3A_108 : vector<1000x256xf32>
    %slice3A = vector.extract_strided_slice %mul3A_99 {offsets = [0, 0], sizes = [1000, 128], strides = [1, 1]} : vector<1000x256xf32> to vector<1000x128xf32>
    %swap3A = arith.constant 0 : index
    %swap3A_110 = arith.constant 0 : index
    %swap3A_111 = arith.constant 0 : index
    %swap3A_112 = vector.load %arg15[%swap3A, %swap3A_110, %swap3A_111] : memref<2x1000x128xf32, #tpu.memory_space<vmem>>, vector<1x1000x128xf32>
    %swap3A_113 = vector.shape_cast %swap3A_112 : vector<1x1000x128xf32> to vector<1000x128xf32>
    %swap3A_114 = vector.shape_cast %slice3A : vector<1000x128xf32> to vector<1x1000x128xf32>
    tpu.vector_store %arg15[%swap3A, %swap3A_110, %swap3A_111], %swap3A_114 {strides = array<i32>} : memref<2x1000x128xf32, #tpu.memory_space<vmem>>, vector<1x1000x128xf32>,
    %slice3A_115 = vector.extract_strided_slice %mul3A_99 {offsets = [0, 128], sizes = [1000, 128], strides = [1, 1]} : vector<1000x256xf32> to vector<1000x128xf32>
    %swap3A_116 = arith.constant 1 : index
    %swap3A_117 = arith.constant 0 : index
    %swap3A_118 = arith.constant 0 : index
    %swap3A_119 = vector.load %arg15[%swap3A_116, %swap3A_117, %swap3A_118] : memref<2x1000x128xf32, #tpu.memory_space<vmem>>, vector<1x1000x128xf32>
    %swap3A_120 = vector.shape_cast %swap3A_119 : vector<1x1000x128xf32> to vector<1000x128xf32>
    %swap3A_121 = vector.shape_cast %slice3A_115 : vector<1000x128xf32> to vector<1x1000x128xf32>
    tpu.vector_store %arg15[%swap3A_116, %swap3A_117, %swap3A_118], %swap3A_121 {strides = array<i32>} : memref<2x1000x128xf32, #tpu.memory_space<vmem>>, vector<1x1000x128xf32>,
    %slice3A_122 = vector.extract_strided_slice %mul3A_109 {offsets = [0, 0], sizes = [1000, 128], strides = [1, 1]} : vector<1000x256xf32> to vector<1000x128xf32>
    %swap3A_123 = arith.constant 0 : index
    %swap3A_124 = arith.constant 0 : index
    %swap3A_125 = arith.constant 0 : index
    %swap3A_126 = vector.load %arg16[%swap3A_123, %swap3A_124, %swap3A_125] : memref<2x1000x128xf32, #tpu.memory_space<vmem>>, vector<1x1000x128xf32>
    %swap3A_127 = vector.shape_cast %swap3A_126 : vector<1x1000x128xf32> to vector<1000x128xf32>
    %swap3A_128 = vector.shape_cast %slice3A_122 : vector<1000x128xf32> to vector<1x1000x128xf32>
    tpu.vector_store %arg16[%swap3A_123, %swap3A_124, %swap3A_125], %swap3A_128 {strides = array<i32>} : memref<2x1000x128xf32, #tpu.memory_space<vmem>>, vector<1x1000x128xf32>,
    %slice3A_129 = vector.extract_strided_slice %mul3A_109 {offsets = [0, 128], sizes = [1000, 128], strides = [1, 1]} : vector<1000x256xf32> to vector<1000x128xf32>
    %swap3A_130 = arith.constant 1 : index
    %swap3A_131 = arith.constant 0 : index
    %swap3A_132 = arith.constant 0 : index
    %swap3A_133 = vector.load %arg16[%swap3A_130, %swap3A_131, %swap3A_132] : memref<2x1000x128xf32, #tpu.memory_space<vmem>>, vector<1x1000x128xf32>
    %swap3A_134 = vector.shape_cast %swap3A_133 : vector<1x1000x128xf32> to vector<1000x128xf32>
    %swap3A_135 = vector.shape_cast %slice3A_129 : vector<1000x128xf32> to vector<1x1000x128xf32>
    tpu.vector_store %arg16[%swap3A_130, %swap3A_131, %swap3A_132], %swap3A_135 {strides = array<i32>} : memref<2x1000x128xf32, #tpu.memory_space<vmem>>, vector<1x1000x128xf32>,
    return
  }
  func.func @transform_0(%arg0: i32) -> (i32, i32, i32) {
    %c0_i32 = arith.constant 0 : i32
    %c0_i32_0 = arith.constant 0 : i32
    %c0_i32_1 = arith.constant 0 : i32
    return %c0_i32, %arg0, %c0_i32_0 : i32, i32, i32
  }
  func.func @transform_1(%arg0: i32) -> (i32, i32, i32) {
    %c0_i32 = arith.constant 0 : i32
    %c0_i32_0 = arith.constant 0 : i32
    %c0_i32_1 = arith.constant 0 : i32
    return %c0_i32, %arg0, %c0_i32_0 : i32, i32, i32
  }
  func.func @transform_2(%arg0: i32) -> (i32, i32, i32) {
    %c0_i32 = arith.constant 0 : i32
    %c0_i32_0 = arith.constant 0 : i32
    %c0_i32_1 = arith.constant 0 : i32
    return %c0_i32, %arg0, %c0_i32_0 : i32, i32, i32
  }
  func.func @transform_3(%arg0: i32) -> (i32, i32, i32) {
    %c0_i32 = arith.constant 0 : i32
    %c0_i32_0 = arith.constant 0 : i32
    %c0_i32_1 = arith.constant 0 : i32
    return %c0_i32, %arg0, %c0_i32_0 : i32, i32, i32
  }
  func.func @transform_4(%arg0: i32) -> (i32, i32) {
    %c0_i32 = arith.constant 0 : i32
    %c0_i32_0 = arith.constant 0 : i32
    return %arg0, %c0_i32 : i32, i32
  }
  func.func @transform_5(%arg0: i32) -> (i32, i32) {
    %c0_i32 = arith.constant 0 : i32
    %c0_i32_0 = arith.constant 0 : i32
    return %arg0, %c0_i32 : i32, i32
  }
  func.func @transform_6(%arg0: i32) -> (i32, i32) {
    %c0_i32 = arith.constant 0 : i32
    %c0_i32_0 = arith.constant 0 : i32
    %c0_i32_1 = arith.constant 0 : i32
    return %c0_i32, %c0_i32_0 : i32, i32
  }
  func.func @transform_7(%arg0: i32) -> (i32, i32) {
    %c0_i32 = arith.constant 0 : i32
    %c0_i32_0 = arith.constant 0 : i32
    %c0_i32_1 = arith.constant 0 : i32
    return %c0_i32, %c0_i32_0 : i32, i32
  }
  func.func @transform_8(%arg0: i32) -> (i32, i32) {
    %c0_i32 = arith.constant 0 : i32
    %c0_i32_0 = arith.constant 0 : i32
    %c0_i32_1 = arith.constant 0 : i32
    return %c0_i32, %c0_i32_0 : i32, i32
  }
  func.func @transform_9(%arg0: i32) -> (i32, i32) {
    %c0_i32 = arith.constant 0 : i32
    %c0_i32_0 = arith.constant 0 : i32
    %c0_i32_1 = arith.constant 0 : i32
    return %c0_i32, %c0_i32_0 : i32, i32
  }
  func.func @transform_10(%arg0: i32) -> (i32, i32) {
    %c0_i32 = arith.constant 0 : i32
    %c0_i32_0 = arith.constant 0 : i32
    %c0_i32_1 = arith.constant 0 : i32
    return %c0_i32, %c0_i32_0 : i32, i32
  }
  func.func @transform_11(%arg0: i32) -> (i32, i32) {
    %c0_i32 = arith.constant 0 : i32
    %c0_i32_0 = arith.constant 0 : i32
    %c0_i32_1 = arith.constant 0 : i32
    return %c0_i32, %c0_i32_0 : i32, i32
  }
  func.func @transform_12(%arg0: i32) -> (i32, i32) {
    %c0_i32 = arith.constant 0 : i32
    %c0_i32_0 = arith.constant 0 : i32
    %c0_i32_1 = arith.constant 0 : i32
    return %c0_i32, %c0_i32_0 : i32, i32
  }
  func.func @transform_13(%arg0: i32) -> (i32, i32) {
    %c0_i32 = arith.constant 0 : i32
    %c0_i32_0 = arith.constant 0 : i32
    %c0_i32_1 = arith.constant 0 : i32
    return %c0_i32, %c0_i32_0 : i32, i32
  }
  func.func @transform_14(%arg0: i32) -> (i32, i32, i32) {
    %c0_i32 = arith.constant 0 : i32
    %c0_i32_0 = arith.constant 0 : i32
    %c0_i32_1 = arith.constant 0 : i32
    return %c0_i32, %arg0, %c0_i32_0 : i32, i32, i32
  }
  func.func @transform_15(%arg0: i32) -> (i32, i32, i32) {
    %c0_i32 = arith.constant 0 : i32
    %c0_i32_0 = arith.constant 0 : i32
    %c0_i32_1 = arith.constant 0 : i32
    return %c0_i32, %arg0, %c0_i32_0 : i32, i32, i32
  }
}

module attributes {stable_mosaic.version = 14 : i64} {
  func.func @_phase5_body(%arg0: i32, %arg1: memref<2x1000x128xf32, #tpu.memory_space<vmem>>, %arg2: memref<2x1000x128xf32, #tpu.memory_space<vmem>>, %arg3: memref<2x1000x128xf32, #tpu.memory_space<vmem>>, %arg4: memref<2x1000x128xf32, #tpu.memory_space<vmem>>, %arg5: memref<1000x1xf32, #tpu.memory_space<vmem>>, %arg6: memref<1000x1xf32, #tpu.memory_space<vmem>>, %arg7: memref<1x256xf32, #tpu.memory_space<vmem>>, %arg8: memref<1x256xf32, #tpu.memory_space<vmem>>, %arg9: memref<512x256xf32, #tpu.memory_space<vmem>>, %arg10: memref<1x256xf32, #tpu.memory_space<vmem>>, %arg11: memref<256x256xf32, #tpu.memory_space<vmem>>, %arg12: memref<1x256xf32, #tpu.memory_space<vmem>>, %arg13: memref<2x1000x128xf32, #tpu.memory_space<vmem>>) attributes {dimension_semantics = [#tpu.dimension_semantics<arbitrary>], iteration_bounds = array<i64: 10>, scalar_prefetch = 0 : i64, scratch_operands = 0 : i64, tpu.core_type = #tpu.core_type<tc>, window_params = [{transform_indices = @transform_0, window_bounds = array<i64: 2, 1000, 128>}, {transform_indices = @transform_1, window_bounds = array<i64: 2, 1000, 128>}, {transform_indices = @transform_2, window_bounds = array<i64: 2, 1000, 128>}, {transform_indices = @transform_3, window_bounds = array<i64: 2, 1000, 128>}, {transform_indices = @transform_4, window_bounds = array<i64: 1000, 1>}, {transform_indices = @transform_5, window_bounds = array<i64: 1000, 1>}, {pipeline_mode = #tpu.pipeline_mode<synchronous>, transform_indices = @transform_6, window_bounds = array<i64: 1, 256>}, {pipeline_mode = #tpu.pipeline_mode<synchronous>, transform_indices = @transform_7, window_bounds = array<i64: 1, 256>}, {pipeline_mode = #tpu.pipeline_mode<synchronous>, transform_indices = @transform_8, window_bounds = array<i64: 512, 256>}, {pipeline_mode = #tpu.pipeline_mode<synchronous>, transform_indices = @transform_9, window_bounds = array<i64: 1, 256>}, {pipeline_mode = #tpu.pipeline_mode<synchronous>, transform_indices = @transform_10, window_bounds = array<i64: 256, 256>}, {pipeline_mode = #tpu.pipeline_mode<synchronous>, transform_indices = @transform_11, window_bounds = array<i64: 1, 256>}, {transform_indices = @transform_12, window_bounds = array<i64: 2, 1000, 128>}]} {
    %get3A = arith.constant 0 : index
    %get3A_0 = arith.constant 0 : index
    %get3A_1 = arith.constant 0 : index
    %get3A_2 = vector.load %arg1[%get3A, %get3A_0, %get3A_1] : memref<2x1000x128xf32, #tpu.memory_space<vmem>>, vector<1x1000x128xf32>
    %get3A_3 = vector.shape_cast %get3A_2 : vector<1x1000x128xf32> to vector<1000x128xf32>
    %get3A_4 = arith.constant 0 : index
    %get3A_5 = arith.constant 0 : index
    %get3A_6 = arith.constant 0 : index
    %get3A_7 = vector.load %arg3[%get3A_4, %get3A_5, %get3A_6] : memref<2x1000x128xf32, #tpu.memory_space<vmem>>, vector<1x1000x128xf32>
    %get3A_8 = vector.shape_cast %get3A_7 : vector<1x1000x128xf32> to vector<1000x128xf32>
    %add3A = arith.addf %get3A_3, %get3A_8 : vector<1000x128xf32>
    %get3A_9 = arith.constant 1 : index
    %get3A_10 = arith.constant 0 : index
    %get3A_11 = arith.constant 0 : index
    %get3A_12 = vector.load %arg1[%get3A_9, %get3A_10, %get3A_11] : memref<2x1000x128xf32, #tpu.memory_space<vmem>>, vector<1x1000x128xf32>
    %get3A_13 = vector.shape_cast %get3A_12 : vector<1x1000x128xf32> to vector<1000x128xf32>
    %get3A_14 = arith.constant 1 : index
    %get3A_15 = arith.constant 0 : index
    %get3A_16 = arith.constant 0 : index
    %get3A_17 = vector.load %arg3[%get3A_14, %get3A_15, %get3A_16] : memref<2x1000x128xf32, #tpu.memory_space<vmem>>, vector<1x1000x128xf32>
    %get3A_18 = vector.shape_cast %get3A_17 : vector<1x1000x128xf32> to vector<1000x128xf32>
    %add3A_19 = arith.addf %get3A_13, %get3A_18 : vector<1000x128xf32>
    %concatenate3A = tpu.concatenate %add3A, %add3A_19 in 1 : vector<1000x128xf32>, vector<1000x128xf32> -> vector<1000x256xf32>
    %get3A_20 = arith.constant 0 : index
    %get3A_21 = arith.constant 0 : index
    %get3A_22 = vector.load %arg5[%get3A_20, %get3A_21] : memref<1000x1xf32, #tpu.memory_space<vmem>>, vector<1000x1xf32>
    %mul3A = vector.broadcast %get3A_22 : vector<1000x1xf32> to vector<1000x256xf32>
    %mul3A_23 = arith.mulf %concatenate3A, %mul3A : vector<1000x256xf32>
    %get3A_24 = arith.constant 0 : index
    %get3A_25 = arith.constant 0 : index
    %get3A_26 = vector.load %arg7[%get3A_24, %get3A_25] : memref<1x256xf32, #tpu.memory_space<vmem>>, vector<1x256xf32>
    %add3A_27 = vector.broadcast %get3A_26 : vector<1x256xf32> to vector<1000x256xf32>
    %add3A_28 = arith.addf %mul3A_23, %add3A_27 : vector<1000x256xf32>
    %max3A = arith.constant 0.000000e+00 : f32
    %max3A_29 = vector.broadcast %max3A : f32 to vector<1000x256xf32>
    %max3A_30 = arith.maximumf %add3A_28, %max3A_29 : vector<1000x256xf32>
    %get3A_31 = arith.constant 0 : index
    %get3A_32 = arith.constant 0 : index
    %get3A_33 = arith.constant 0 : index
    %get3A_34 = vector.load %arg2[%get3A_31, %get3A_32, %get3A_33] : memref<2x1000x128xf32, #tpu.memory_space<vmem>>, vector<1x1000x128xf32>
    %get3A_35 = vector.shape_cast %get3A_34 : vector<1x1000x128xf32> to vector<1000x128xf32>
    %get3A_36 = arith.constant 0 : index
    %get3A_37 = arith.constant 0 : index
    %get3A_38 = arith.constant 0 : index
    %get3A_39 = vector.load %arg4[%get3A_36, %get3A_37, %get3A_38] : memref<2x1000x128xf32, #tpu.memory_space<vmem>>, vector<1x1000x128xf32>
    %get3A_40 = vector.shape_cast %get3A_39 : vector<1x1000x128xf32> to vector<1000x128xf32>
    %add3A_41 = arith.addf %get3A_35, %get3A_40 : vector<1000x128xf32>
    %get3A_42 = arith.constant 1 : index
    %get3A_43 = arith.constant 0 : index
    %get3A_44 = arith.constant 0 : index
    %get3A_45 = vector.load %arg2[%get3A_42, %get3A_43, %get3A_44] : memref<2x1000x128xf32, #tpu.memory_space<vmem>>, vector<1x1000x128xf32>
    %get3A_46 = vector.shape_cast %get3A_45 : vector<1x1000x128xf32> to vector<1000x128xf32>
    %get3A_47 = arith.constant 1 : index
    %get3A_48 = arith.constant 0 : index
    %get3A_49 = arith.constant 0 : index
    %get3A_50 = vector.load %arg4[%get3A_47, %get3A_48, %get3A_49] : memref<2x1000x128xf32, #tpu.memory_space<vmem>>, vector<1x1000x128xf32>
    %get3A_51 = vector.shape_cast %get3A_50 : vector<1x1000x128xf32> to vector<1000x128xf32>
    %add3A_52 = arith.addf %get3A_46, %get3A_51 : vector<1000x128xf32>
    %concatenate3A_53 = tpu.concatenate %add3A_41, %add3A_52 in 1 : vector<1000x128xf32>, vector<1000x128xf32> -> vector<1000x256xf32>
    %get3A_54 = arith.constant 0 : index
    %get3A_55 = arith.constant 0 : index
    %get3A_56 = vector.load %arg6[%get3A_54, %get3A_55] : memref<1000x1xf32, #tpu.memory_space<vmem>>, vector<1000x1xf32>
    %mul3A_57 = vector.broadcast %get3A_56 : vector<1000x1xf32> to vector<1000x256xf32>
    %mul3A_58 = arith.mulf %concatenate3A_53, %mul3A_57 : vector<1000x256xf32>
    %get3A_59 = arith.constant 0 : index
    %get3A_60 = arith.constant 0 : index
    %get3A_61 = vector.load %arg8[%get3A_59, %get3A_60] : memref<1x256xf32, #tpu.memory_space<vmem>>, vector<1x256xf32>
    %add3A_62 = vector.broadcast %get3A_61 : vector<1x256xf32> to vector<1000x256xf32>
    %add3A_63 = arith.addf %mul3A_58, %add3A_62 : vector<1000x256xf32>
    %max3A_64 = arith.constant 0.000000e+00 : f32
    %max3A_65 = vector.broadcast %max3A_64 : f32 to vector<1000x256xf32>
    %max3A_66 = arith.maximumf %add3A_63, %max3A_65 : vector<1000x256xf32>
    %concatenate3A_67 = tpu.concatenate %max3A_30, %max3A_66 in 1 : vector<1000x256xf32>, vector<1000x256xf32> -> vector<1000x512xf32>
    %get3A_68 = arith.constant 0 : index
    %get3A_69 = arith.constant 0 : index
    %get3A_70 = vector.load %arg9[%get3A_68, %get3A_69] : memref<512x256xf32, #tpu.memory_space<vmem>>, vector<512x256xf32>
    %dot_general3A = arith.constant dense<0.000000e+00> : vector<1000x256xf32>
    %dot_general3A_71 = tpu.matmul %concatenate3A_67, %get3A_70, %dot_general3A {dimension_numbers = #tpu.dot_dimension_numbers<[1], [0], [0], [1], [0, 0, 1, 1], [], []>, transpose_lhs_hint = false} : vector<1000x512xf32>, vector<512x256xf32>, vector<1000x256xf32> -> vector<1000x256xf32>
    %get3A_72 = arith.constant 0 : index
    %get3A_73 = arith.constant 0 : index
    %get3A_74 = vector.load %arg10[%get3A_72, %get3A_73] : memref<1x256xf32, #tpu.memory_space<vmem>>, vector<1x256xf32>
    %add3A_75 = vector.broadcast %get3A_74 : vector<1x256xf32> to vector<1000x256xf32>
    %add3A_76 = arith.addf %dot_general3A_71, %add3A_75 : vector<1000x256xf32>
    %max3A_77 = arith.constant 0.000000e+00 : f32
    %max3A_78 = vector.broadcast %max3A_77 : f32 to vector<1000x256xf32>
    %max3A_79 = arith.maximumf %add3A_76, %max3A_78 : vector<1000x256xf32>
    %get3A_80 = arith.constant 0 : index
    %get3A_81 = arith.constant 0 : index
    %get3A_82 = vector.load %arg11[%get3A_80, %get3A_81] : memref<256x256xf32, #tpu.memory_space<vmem>>, vector<256x256xf32>
    %dot_general3A_83 = arith.constant dense<0.000000e+00> : vector<1000x256xf32>
    %dot_general3A_84 = tpu.matmul %max3A_79, %get3A_82, %dot_general3A_83 {dimension_numbers = #tpu.dot_dimension_numbers<[1], [0], [0], [1], [0, 0, 1, 1], [], []>, transpose_lhs_hint = false} : vector<1000x256xf32>, vector<256x256xf32>, vector<1000x256xf32> -> vector<1000x256xf32>
    %get3A_85 = arith.constant 0 : index
    %get3A_86 = arith.constant 0 : index
    %get3A_87 = vector.load %arg12[%get3A_85, %get3A_86] : memref<1x256xf32, #tpu.memory_space<vmem>>, vector<1x256xf32>
    %add3A_88 = vector.broadcast %get3A_87 : vector<1x256xf32> to vector<1000x256xf32>
    %add3A_89 = arith.addf %dot_general3A_84, %add3A_88 : vector<1000x256xf32>
    %slice3A = vector.extract_strided_slice %add3A_89 {offsets = [0, 0], sizes = [1000, 128], strides = [1, 1]} : vector<1000x256xf32> to vector<1000x128xf32>
    %swap3A = arith.constant 0 : index
    %swap3A_90 = arith.constant 0 : index
    %swap3A_91 = arith.constant 0 : index
    %swap3A_92 = vector.load %arg13[%swap3A, %swap3A_90, %swap3A_91] : memref<2x1000x128xf32, #tpu.memory_space<vmem>>, vector<1x1000x128xf32>
    %swap3A_93 = vector.shape_cast %swap3A_92 : vector<1x1000x128xf32> to vector<1000x128xf32>
    %swap3A_94 = vector.shape_cast %slice3A : vector<1000x128xf32> to vector<1x1000x128xf32>
    tpu.vector_store %arg13[%swap3A, %swap3A_90, %swap3A_91], %swap3A_94 {strides = array<i32>} : memref<2x1000x128xf32, #tpu.memory_space<vmem>>, vector<1x1000x128xf32>,
    %slice3A_95 = vector.extract_strided_slice %add3A_89 {offsets = [0, 128], sizes = [1000, 128], strides = [1, 1]} : vector<1000x256xf32> to vector<1000x128xf32>
    %swap3A_96 = arith.constant 1 : index
    %swap3A_97 = arith.constant 0 : index
    %swap3A_98 = arith.constant 0 : index
    %swap3A_99 = vector.load %arg13[%swap3A_96, %swap3A_97, %swap3A_98] : memref<2x1000x128xf32, #tpu.memory_space<vmem>>, vector<1x1000x128xf32>
    %swap3A_100 = vector.shape_cast %swap3A_99 : vector<1x1000x128xf32> to vector<1000x128xf32>
    %swap3A_101 = vector.shape_cast %slice3A_95 : vector<1000x128xf32> to vector<1x1000x128xf32>
    tpu.vector_store %arg13[%swap3A_96, %swap3A_97, %swap3A_98], %swap3A_101 {strides = array<i32>} : memref<2x1000x128xf32, #tpu.memory_space<vmem>>, vector<1x1000x128xf32>,
    return
  }
  func.func @transform_0(%arg0: i32) -> (i32, i32, i32) {
    %c0_i32 = arith.constant 0 : i32
    %c0_i32_0 = arith.constant 0 : i32
    %c0_i32_1 = arith.constant 0 : i32
    return %c0_i32, %arg0, %c0_i32_0 : i32, i32, i32
  }
  func.func @transform_1(%arg0: i32) -> (i32, i32, i32) {
    %c0_i32 = arith.constant 0 : i32
    %c0_i32_0 = arith.constant 0 : i32
    %c0_i32_1 = arith.constant 0 : i32
    return %c0_i32, %arg0, %c0_i32_0 : i32, i32, i32
  }
  func.func @transform_2(%arg0: i32) -> (i32, i32, i32) {
    %c0_i32 = arith.constant 0 : i32
    %c0_i32_0 = arith.constant 0 : i32
    %c0_i32_1 = arith.constant 0 : i32
    return %c0_i32, %arg0, %c0_i32_0 : i32, i32, i32
  }
  func.func @transform_3(%arg0: i32) -> (i32, i32, i32) {
    %c0_i32 = arith.constant 0 : i32
    %c0_i32_0 = arith.constant 0 : i32
    %c0_i32_1 = arith.constant 0 : i32
    return %c0_i32, %arg0, %c0_i32_0 : i32, i32, i32
  }
  func.func @transform_4(%arg0: i32) -> (i32, i32) {
    %c0_i32 = arith.constant 0 : i32
    %c0_i32_0 = arith.constant 0 : i32
    return %arg0, %c0_i32 : i32, i32
  }
  func.func @transform_5(%arg0: i32) -> (i32, i32) {
    %c0_i32 = arith.constant 0 : i32
    %c0_i32_0 = arith.constant 0 : i32
    return %arg0, %c0_i32 : i32, i32
  }
  func.func @transform_6(%arg0: i32) -> (i32, i32) {
    %c0_i32 = arith.constant 0 : i32
    %c0_i32_0 = arith.constant 0 : i32
    %c0_i32_1 = arith.constant 0 : i32
    return %c0_i32, %c0_i32_0 : i32, i32
  }
  func.func @transform_7(%arg0: i32) -> (i32, i32) {
    %c0_i32 = arith.constant 0 : i32
    %c0_i32_0 = arith.constant 0 : i32
    %c0_i32_1 = arith.constant 0 : i32
    return %c0_i32, %c0_i32_0 : i32, i32
  }
  func.func @transform_8(%arg0: i32) -> (i32, i32) {
    %c0_i32 = arith.constant 0 : i32
    %c0_i32_0 = arith.constant 0 : i32
    %c0_i32_1 = arith.constant 0 : i32
    return %c0_i32, %c0_i32_0 : i32, i32
  }
  func.func @transform_9(%arg0: i32) -> (i32, i32) {
    %c0_i32 = arith.constant 0 : i32
    %c0_i32_0 = arith.constant 0 : i32
    %c0_i32_1 = arith.constant 0 : i32
    return %c0_i32, %c0_i32_0 : i32, i32
  }
  func.func @transform_10(%arg0: i32) -> (i32, i32) {
    %c0_i32 = arith.constant 0 : i32
    %c0_i32_0 = arith.constant 0 : i32
    %c0_i32_1 = arith.constant 0 : i32
    return %c0_i32, %c0_i32_0 : i32, i32
  }
  func.func @transform_11(%arg0: i32) -> (i32, i32) {
    %c0_i32 = arith.constant 0 : i32
    %c0_i32_0 = arith.constant 0 : i32
    %c0_i32_1 = arith.constant 0 : i32
    return %c0_i32, %c0_i32_0 : i32, i32
  }
  func.func @transform_12(%arg0: i32) -> (i32, i32, i32) {
    %c0_i32 = arith.constant 0 : i32
    %c0_i32_0 = arith.constant 0 : i32
    %c0_i32_1 = arith.constant 0 : i32
    return %c0_i32, %arg0, %c0_i32_0 : i32, i32, i32
  }
}

module attributes {stable_mosaic.version = 14 : i64} {
  func.func @_phase7_body(%arg0: memref<2x1000x128xf32, #tpu.memory_space<vmem>>, %arg1: memref<2x1000x128xf32, #tpu.memory_space<vmem>>, %arg2: memref<1000x1xf32, #tpu.memory_space<vmem>>, %arg3: memref<1000x1xf32, #tpu.memory_space<vmem>>, %arg4: memref<512x256xf32, #tpu.memory_space<vmem>>, %arg5: memref<1x256xf32, #tpu.memory_space<vmem>>, %arg6: memref<256x128xf32, #tpu.memory_space<vmem>>, %arg7: memref<1x128xf32, #tpu.memory_space<vmem>>, %arg8: memref<1000x128xf32, #tpu.memory_space<vmem>>) attributes {dimension_semantics = [], scalar_prefetch = 0 : i64, scratch_operands = 0 : i64, tpu.core_type = #tpu.core_type<tc>} {
    %get3A = arith.constant 0 : index
    %get3A_0 = arith.constant 0 : index
    %get3A_1 = arith.constant 0 : index
    %get3A_2 = vector.load %arg0[%get3A, %get3A_0, %get3A_1] : memref<2x1000x128xf32, #tpu.memory_space<vmem>>, vector<1x1000x128xf32>
    %get3A_3 = vector.shape_cast %get3A_2 : vector<1x1000x128xf32> to vector<1000x128xf32>
    %get3A_4 = arith.constant 1 : index
    %get3A_5 = arith.constant 0 : index
    %get3A_6 = arith.constant 0 : index
    %get3A_7 = vector.load %arg0[%get3A_4, %get3A_5, %get3A_6] : memref<2x1000x128xf32, #tpu.memory_space<vmem>>, vector<1x1000x128xf32>
    %get3A_8 = vector.shape_cast %get3A_7 : vector<1x1000x128xf32> to vector<1000x128xf32>
    %concatenate3A = tpu.concatenate %get3A_3, %get3A_8 in 1 : vector<1000x128xf32>, vector<1000x128xf32> -> vector<1000x256xf32>
    %get3A_9 = arith.constant 0 : index
    %get3A_10 = arith.constant 0 : index
    %get3A_11 = vector.load %arg2[%get3A_9, %get3A_10] : memref<1000x1xf32, #tpu.memory_space<vmem>>, vector<1000x1xf32>
    %div3A = vector.broadcast %get3A_11 : vector<1000x1xf32> to vector<1000x256xf32>
    %div3A_12 = arith.divf %concatenate3A, %div3A : vector<1000x256xf32>
    %get3A_13 = arith.constant 0 : index
    %get3A_14 = arith.constant 0 : index
    %get3A_15 = arith.constant 0 : index
    %get3A_16 = vector.load %arg1[%get3A_13, %get3A_14, %get3A_15] : memref<2x1000x128xf32, #tpu.memory_space<vmem>>, vector<1x1000x128xf32>
    %get3A_17 = vector.shape_cast %get3A_16 : vector<1x1000x128xf32> to vector<1000x128xf32>
    %get3A_18 = arith.constant 1 : index
    %get3A_19 = arith.constant 0 : index
    %get3A_20 = arith.constant 0 : index
    %get3A_21 = vector.load %arg1[%get3A_18, %get3A_19, %get3A_20] : memref<2x1000x128xf32, #tpu.memory_space<vmem>>, vector<1x1000x128xf32>
    %get3A_22 = vector.shape_cast %get3A_21 : vector<1x1000x128xf32> to vector<1000x128xf32>
    %concatenate3A_23 = tpu.concatenate %get3A_17, %get3A_22 in 1 : vector<1000x128xf32>, vector<1000x128xf32> -> vector<1000x256xf32>
    %get3A_24 = arith.constant 0 : index
    %get3A_25 = arith.constant 0 : index
    %get3A_26 = vector.load %arg3[%get3A_24, %get3A_25] : memref<1000x1xf32, #tpu.memory_space<vmem>>, vector<1000x1xf32>
    %div3A_27 = vector.broadcast %get3A_26 : vector<1000x1xf32> to vector<1000x256xf32>
    %div3A_28 = arith.divf %concatenate3A_23, %div3A_27 : vector<1000x256xf32>
    %concatenate3A_29 = tpu.concatenate %div3A_12, %div3A_28 in 1 : vector<1000x256xf32>, vector<1000x256xf32> -> vector<1000x512xf32>
    %get3A_30 = arith.constant 0 : index
    %get3A_31 = arith.constant 0 : index
    %get3A_32 = vector.load %arg4[%get3A_30, %get3A_31] : memref<512x256xf32, #tpu.memory_space<vmem>>, vector<512x256xf32>
    %dot_general3A = arith.constant dense<0.000000e+00> : vector<1000x256xf32>
    %dot_general3A_33 = tpu.matmul %concatenate3A_29, %get3A_32, %dot_general3A {dimension_numbers = #tpu.dot_dimension_numbers<[1], [0], [0], [1], [0, 0, 1, 1], [], []>, transpose_lhs_hint = false} : vector<1000x512xf32>, vector<512x256xf32>, vector<1000x256xf32> -> vector<1000x256xf32>
    %get3A_34 = arith.constant 0 : index
    %get3A_35 = arith.constant 0 : index
    %get3A_36 = vector.load %arg5[%get3A_34, %get3A_35] : memref<1x256xf32, #tpu.memory_space<vmem>>, vector<1x256xf32>
    %add3A = vector.broadcast %get3A_36 : vector<1x256xf32> to vector<1000x256xf32>
    %add3A_37 = arith.addf %dot_general3A_33, %add3A : vector<1000x256xf32>
    %max3A = arith.constant 0.000000e+00 : f32
    %max3A_38 = vector.broadcast %max3A : f32 to vector<1000x256xf32>
    %max3A_39 = arith.maximumf %add3A_37, %max3A_38 : vector<1000x256xf32>
    %get3A_40 = arith.constant 0 : index
    %get3A_41 = arith.constant 0 : index
    %get3A_42 = vector.load %arg6[%get3A_40, %get3A_41] : memref<256x128xf32, #tpu.memory_space<vmem>>, vector<256x128xf32>
    %dot_general3A_43 = arith.constant dense<0.000000e+00> : vector<1000x128xf32>
    %dot_general3A_44 = tpu.matmul %max3A_39, %get3A_42, %dot_general3A_43 {dimension_numbers = #tpu.dot_dimension_numbers<[1], [0], [0], [1], [0, 0, 1, 1], [], []>, transpose_lhs_hint = false} : vector<1000x256xf32>, vector<256x128xf32>, vector<1000x128xf32> -> vector<1000x128xf32>
    %get3A_45 = arith.constant 0 : index
    %get3A_46 = arith.constant 0 : index
    %get3A_47 = vector.load %arg7[%get3A_45, %get3A_46] : memref<1x128xf32, #tpu.memory_space<vmem>>, vector<1x128xf32>
    %add3A_48 = vector.broadcast %get3A_47 : vector<1x128xf32> to vector<1000x128xf32>
    %add3A_49 = arith.addf %dot_general3A_44, %add3A_48 : vector<1000x128xf32>
    %reduce_max3A = arith.constant dense<0xFF800000> : vector<1000xf32>
    %reduce_max3A_50 = vector.multi_reduction <maximumf>, %add3A_49, %reduce_max3A [1] : vector<1000x128xf32> to vector<1000xf32>
    %broadcast_in_dim3A = vector.shape_cast %reduce_max3A_50 : vector<1000xf32> to vector<1000x1xf32>
    %sub3A = vector.broadcast %broadcast_in_dim3A : vector<1000x1xf32> to vector<1000x128xf32>
    %sub3A_51 = arith.subf %add3A_49, %sub3A : vector<1000x128xf32>
    %exp3A = math.exp %sub3A_51 : vector<1000x128xf32>
    %reduce_sum3A = arith.constant dense<0.000000e+00> : vector<1000xf32>
    %reduce_sum3A_52 = vector.multi_reduction <add>, %exp3A, %reduce_sum3A [1] : vector<1000x128xf32> to vector<1000xf32>
    %broadcast_in_dim3A_53 = vector.shape_cast %reduce_sum3A_52 : vector<1000xf32> to vector<1000x1xf32>
    %log3A = math.log %broadcast_in_dim3A_53 : vector<1000x1xf32>
    %sub3A_54 = vector.broadcast %broadcast_in_dim3A : vector<1000x1xf32> to vector<1000x128xf32>
    %sub3A_55 = arith.subf %add3A_49, %sub3A_54 : vector<1000x128xf32>
    %sub3A_56 = vector.broadcast %log3A : vector<1000x1xf32> to vector<1000x128xf32>
    %sub3A_57 = arith.subf %sub3A_55, %sub3A_56 : vector<1000x128xf32>
    %swap3A = arith.constant 0 : index
    %swap3A_58 = arith.constant 0 : index
    %swap3A_59 = vector.load %arg8[%swap3A, %swap3A_58] : memref<1000x128xf32, #tpu.memory_space<vmem>>, vector<1000x128xf32>
    tpu.vector_store %arg8[%swap3A, %swap3A_58], %sub3A_57 {strides = array<i32>} : memref<1000x128xf32, #tpu.memory_space<vmem>>, vector<1000x128xf32>,
    return
  }
}

</mosaic_0001>

<sc_bundles>
// kernel: kernel.10.cloned.1.call-start
scs
__scs_entry_jumppad:
0x0: {  	(pc) =	sbr.rel $0x88, $3  }
0x1: {  	(tag) =	ssettag $0x0;
	lr =	simm.s32 $0x1  }
0x2: {  	[smem:$0x3F88] =	sst lr;
	_ =	strace $0xD0000000  }
0x3: {  	_ = 	snop  }
0x4: {  	_ = 	snop  }
0x5: {  	_ = 	snop  }
0x6: {  	_ = 	snop  }
0x7: {  	_ = 	snop  }
__scs_overlays_trampoline_lowered:
0x8: {  	[smem:$0x3F97] =	sst s0  }
0x9: {  	[smem:$0x3F98] =	sst s1  }
0xa: {  	[smem:$0x3F99] =	sst s2  }
0xb: {  	[smem:$0x3F9A] =	sst s3  }
0xc: {  	[smem:$0x3F9B] =	sst s4  }
0xd: {  	[smem:$0x3F9C] =	sst s5  }
0xe: {  	[smem:$0x3F9D] =	sst s6  }
0xf: {  	[smem:$0x3F9E] =	sst s7  }
0x10: {  	[smem:$0x3F9F] =	sst s8  }
0x11: {  	[smem:$0x3FA0] =	sst s9;
	s0 =	simm.s32 @!p0 $0x0  }
0x12: {  	s1 =	sld [smem:$0x3F86];
	s0 =	simm.s32 @p0 $0x1  }
0x13: {  	[smem:$0x3FA1] =	sst s0;
	s0 =	simm.s32 @!p1 $0x0  }
0x14: {  	s2 =	sld [smem:$0x3F85];
	s0 =	simm.s32 @p1 $0x1  }
0x15: {  	[smem:$0x3FA2] =	sst s0;
	s0 =	simm.s32 @!p2 $0x0  }
0x16: {  	s3 =	sld [smem:$0x3FDB];
	s0 =	simm.s32 @p2 $0x1  }
0x17: {  	s4 =	simm.s32 $0x1BF5;
	[smem:$0x3FA4] =	sst s0  }
0x18: {  	s0 =	sld [smem:$0x3F87];
	_ =	swait.ge [sflag:s4], $0x0  }
0x19: {  	s7 =	sld [smem:$0x3F88]  }
0x1a: {  	s8 =	sadd.s32 $0xFFFFE003, lr  }
0x1b: {  	s9 =	sadd.s32 $0xFFFFFEF7, lr;
	s5 =	simm.s32 $0xFFFFFFFF;
	p2 =	slt.u32 s8, $0xFFFFF086  }
0x1c: {  	p1 =	slt.u32 s9, $0xF7A;
	s5 =	simm.s32 @!p2 $0x0  }
0x1d: {  	s5 =	simm.s32 @p1 $0x1;
	p0 =	seq.s32 s7, s2  }
0x1e: {  	s7 =	smul.u32 @!p0 $0xF7A, s2;
	p2 =	seq.s32 @!p0 s5, $0x0  }
0x1f: {  	s9 =	smul.u32 $0xF7A, s1;
	s8 =	simm.s32 @!p0 $0x1BF5;
	p2 =	por !p2, p0  }
0x20: {  	[sflag:s8] =	ssyncset.s32 @!p0 $0xFFFFF086;
	s6 =	sadd.s32 @!p0 s3, s7;
	s7 =	simm.s32 @!p0 $0x108  }
0x21: {  	s3 =	sadd.s32 s3, s9;
	s6 =	sadd.s32 @!p0 $0x88, s6;
	s7 =	simm.s32 @p2 $0x1082  }
0x22: {  	[simem:s7], [sflag:s8] =	dma.local @!p0 [hbm:s6], $0xF7A  }
0x23: {  	s9 =	sor.u32 $0xD0000000, s2;
	s6 =	simm.s32 $0x108;
	_ =	swait.ge @!p0 [sflag:s8], $0x0  }
0x24: {  	s3 =	sadd.s32 $0x88, s3;
	s6 =	simm.s32 @!p1 $0x1082;
	[sflag:s4] =	ssyncset.s32 $0xFFFFF086  }
0x25: {  	[simem:s6], [sflag:s4] =	dma.local [hbm:s3], $0xF7A  }
0x26: {  	[smem:$0x3F88] =	sst s1;
	(tag) =	ssettag s2;
	_ =	strace s9  }
0x27: {  	s1 =	sld [smem:$0x3F98]  }
0x28: {  	s2 =	sld [smem:$0x3F99]  }
0x29: {  	s4 =	sld [smem:$0x3F9B]  }
0x2a: {  	p0 =	seq.s32 s5, $0x0;
	s5 =	sld [smem:$0x3F9C]  }
0x2b: {  	s6 =	sld [smem:$0x3F9D]  }
0x2c: {  	s7 =	sld [smem:$0x3F9E]  }
0x2d: {  	s3 =	simm.s32 $0x108;
	s8 =	sld [smem:$0x3F9F]  }
0x2e: {  	s3 =	simm.s32 @!p0 $0x1082;
	s9 =	sld [smem:$0x3FA0]  }
0x2f: {  	lr =	sadd.s32 s0, s3;
	s0 =	sld [smem:$0x3F97]  }
0x30: {  	s3 =	sld [smem:$0x3F9A]  }
0x31: {  	[smem:$0x3FA3] =	sst s10  }
0x32: {  	s10 =	sld [smem:$0x3FA1];
	_ =	sdelay $0x3  }
0x33: {  	p0 =	seq.s32 s10, $0x1;
	s10 =	sld [smem:$0x3FA3];
	_ =	sdelay $0x3  }
0x34: {  	[smem:$0x3FA3] =	sst s10  }
0x35: {  	s10 =	sld [smem:$0x3FA2];
	_ =	sdelay $0x3  }
0x36: {  	p1 =	seq.s32 s10, $0x1;
	s10 =	sld [smem:$0x3FA3];
	_ =	sdelay $0x3  }
0x37: {  	[smem:$0x3FA3] =	sst s10  }
0x38: {  	s10 =	sld [smem:$0x3FA4]  }
0x39: {  	_ = 	snop;
	(pc) =	sbr.ind lr, $3  }
0x3a: {  	_ = 	snop  }
0x3b: {  	_ = 	snop  }
0x3c: {  	p2 =	seq.s32 s10, $0x1;
	s10 =	sld [smem:$0x3FA3]  }
0x3d: {  	_ =	shalt  }
0x3e: {  	_ =	shalt  }
0x3f: {  	_ =	shalt  }
0x40: {  	_ =	shalt  }
0x41: {  	_ =	shalt  }
0x42: {  	_ =	shalt  }
0x43: {  	_ =	shalt  }
0x44: {  	_ =	shalt  }
0x45: {  	_ =	shalt  }
0x46: {  	_ =	shalt  }
0x47: {  	_ =	shalt  }
0x48: {  	_ =	shalt  }
0x49: {  	_ =	shalt  }
0x4a: {  	_ =	shalt  }
0x4b: {  	_ =	shalt  }
0x4c: {  	_ =	shalt  }
0x4d: {  	_ =	shalt  }
0x4e: {  	_ =	shalt  }
0x4f: {  	_ =	shalt  }
0x50: {  	_ =	shalt  }
0x51: {  	_ =	shalt  }
0x52: {  	_ =	shalt  }
0x53: {  	_ =	shalt  }
0x54: {  	_ =	shalt  }
0x55: {  	_ =	shalt  }
0x56: {  	_ =	shalt  }
0x57: {  	_ =	shalt  }
0x58: {  	_ =	shalt  }
0x59: {  	_ =	shalt  }
0x5a: {  	_ =	shalt  }
0x5b: {  	_ =	shalt  }
0x5c: {  	_ =	shalt  }
0x5d: {  	_ =	shalt  }
0x5e: {  	_ =	shalt  }
0x5f: {  	_ =	shalt  }
0x60: {  	_ =	shalt  }
0x61: {  	_ =	shalt  }
0x62: {  	_ =	shalt  }
0x63: {  	_ =	shalt  }
0x64: {  	_ =	shalt  }
0x65: {  	_ =	shalt  }
0x66: {  	_ =	shalt  }
0x67: {  	_ =	shalt  }
0x68: {  	_ =	shalt  }
0x69: {  	_ =	shalt  }
0x6a: {  	_ =	shalt  }
0x6b: {  	_ =	shalt  }
0x6c: {  	_ =	shalt  }
0x6d: {  	_ =	shalt  }
0x6e: {  	_ =	shalt  }
0x6f: {  	_ =	shalt  }
0x70: {  	_ =	shalt  }
0x71: {  	_ =	shalt  }
0x72: {  	_ =	shalt  }
0x73: {  	_ =	shalt  }
0x74: {  	_ =	shalt  }
0x75: {  	_ =	shalt  }
0x76: {  	_ =	shalt  }
0x77: {  	_ =	shalt  }
0x78: {  	_ =	shalt  }
0x79: {  	_ =	shalt  }
0x7a: {  	_ =	shalt  }
0x7b: {  	_ =	shalt  }
0x7c: {  	_ =	shalt  }
0x7d: {  	_ =	shalt  }
0x7e: {  	_ =	shalt  }
0x7f: {  	_ =	shalt  }
0x80: {  	_ =	shalt  }
0x81: {  	_ =	shalt  }
0x82: {  	_ =	shalt  }
0x83: {  	_ =	shalt  }
0x84: {  	_ =	shalt  }
0x85: {  	_ =	shalt  }
0x86: {  	_ =	shalt  }
0x87: {  	_ =	shalt  }
.Lfunc_end0:
.L_simem_size_0:
called_computation_lowered:
.L_overlay_start_0:
0x88: {  	s2 =	sld [smem:$0x3FD9]  }
0x89: {  	s3 =	sld [smem:$0x3FFE];
	_ =	sdelay $0x1  }
0x8a: {  	s1 =	srdreg.scid  }
0x8b: {  	s0 =	sand.u32 $0x1, s1  }
0x8c: {  	s17 =	sshll.u32 s0, $0xA;
	s2 =	sadd.s32 s3, s2  }
0x8d: {  	s2 =	sadd.s32 s2, s17  }
0x8e: {  	[smem:$0x3FAF] =	sst s2  }
0x8f: {  	_ = 	snop  }
0x90: {  	s2 =	sld [smem:$0x3FC8]  }
0x91: {  	s18 =	sld [smem:$0x3FC7];
	(tm) =	ssettm $0x1  }
0x92: {  	s4 =	sld [smem:$0x3FFB];
	_ =	sdelay $0x3  }
0x93: {  	_ =	strace s4  }
0x94: {  	s4 =	sld [smem:$0x3FFC];
	_ =	sdelay $0x3  }
0x95: {  	_ =	strace s4  }
0x96: {  	s4 =	sld [smem:$0x3FFD];
	_ =	sdelay $0x3  }
0x97: {  	_ =	strace s4  }
0x98: {  	_ =	strace $0x8FFFFFFF  }
0x99: {  	s19 =	sld [smem:$0x3FDB];
	_ =	sdelay $0x1  }
0x9a: {  	s5 =	simm.s32 $_scs_section_size  }
0x9b: {  	s6 =	simm.s32 $_size__tile_overlayer_lowered;
	s7 =	simm.s32 $_tile_overlayer_lowered  }
0x9c: {  	s22 =	simm.s32 $0x1BFF;
	s21 =	sshll.u32 s7, $0x1;
	s4 =	sadd.s32 s5, s19  }
0x9d: {  	s8 =	simm.s32 $0x0;
	s20 =	sshll.u32 s6, $0x1;
	s6 =	sadd.s32 s21, s4  }
0x9e: {  	[timem:s8], [sflag:s22] =	dma.local [hbm:s6], s20  }
0x9f: {  	_ =	swait.ge [sflag:s22], s20  }
0xa0: {  	s5 =	ssub.s32 $0x0, s20;
	[sflag:s22] =	ssyncset.done $0x0  }
0xa1: {  	[sflag:s22] =	ssyncadd.s32 s5;
	_ =	sdelay $0x1  }
0xa2: {  	s23 =	simm.s32 $0x1B8B  }
0xa3: {  	_ =	swait.ge [sflag:s23], $0x1  }
0xa4: {  	[sflag:s23] =	ssyncset.done $0x0  }
0xa5: {  	s25 =	simm.s32 $0x1B8E;
	s24 =	sld [smem:$0x3FFE];
	[sflag:s23] =	ssyncadd.s32 $0xFFFFFFFF  }
0xa6: {  	s26 =	simm.s32 $execute0_lowered;
	[smem:$0x3FD2] =	sst s25  }
0xa7: {  	s6 =	sshll.u32 s26, $0x1;
	_ =	strace $0x80000046;
	[dreg:$0x1] =	wrdreg $0xFFFFFFFF  }
0xa8: {  	s28 =	simm.s32 $_size_execute0_lowered;
	s4 =	sadd.s32 s4, s6;
	[dreg:$0x0] =	wrdreg $0x0  }
0xa9: {  	s6 =	sshll.u32 s28, $0x1;
	[dreg:$0x2] =	wrdreg s4  }
0xaa: {  	[dreg:$0x3] =	wrdreg s6  }
0xab: {  	[dreg:$0x4] =	wrdreg $0xC0  }
0xac: {  	_ =	task [dreg:s8], $0x5FFFF  }
0xad: {  	[dreg:$0x1] =	wrdreg $0xFFFFFFFF  }
0xae: {  	[dreg:$0x0] =	wrdreg $0x60  }
0xaf: {  	[dreg:$0x2] =	wrdreg s2  }
0xb0: {  	[dreg:$0x3] =	wrdreg s18  }
0xb1: {  	[dreg:$0x4] =	wrdreg s24  }
0xb2: {  	[dreg:$0x5] =	wrdreg $0x0  }
0xb3: {  	[dreg:$0x6] =	wrdreg $0x9  }
0xb4: {  	_ =	task.clear_ibuf [dreg:s8], $0x7FFFF;
	_ =	strace $0x90000046  }
0xb5: {  	s29 =	simm.s32 $0x9;
	_ =	strace $0x80000048  }
0xb6: {  	_ =	swait.ge [sflag:s29], $0x1  }
0xb7: {  	[sflag:s29] =	ssyncadd.s32 $0xFFFFFFFF  }
0xb8: {  	_ =	strace $0x90000048  }
0xb9: {  	_ =	sfence  }
0xba: {  	s30 =	sld [smem:$0x0];
	_ =	sdelay $0x2  }
0xbb: {  	s31 =	sshll.u32 s1, $0xD;
	s1 =	sshrl.u32 s1, $0x2  }
0xbc: {  	s3 =	sand.u32 $0x4000, s31;
	s1 =	sadd.s32 s1, s30  }
0xbd: {  	s0 =	sor.u32 s3, s0;
	s1 =	sshll.u32 s1, $0x11  }
0xbe: {  	s0 =	sor.u32 s1, s0  }
0xbf: {  	s0 =	sadd.s32 $0x8F2B, s0  }
0xc0: {  	[sflag:s0] =	ssyncadd.remote.s32 $0x1  }
0xc1: {  	_ =	sfence.sel $0xFFFF  }
0xc2: {  	[dreg:$0x0] =	wrdreg $0xFFFFFFFF;
	(pc) =	sbr.abs _section_cstart, $3  }
0xc3: {  	[dreg:$0x1] =	wrdreg $0xFFFFFFFF  }
0xc4: {  	_ =	task.clear_ibuf [dreg:s8], $0x2FFFF;
	_ =	strace $0x9FFFFFFF  }
0xc5: {  	(tm) =	ssettm $0x7FFFFFFF  }
tec
execute0_lowered:
.L_overlay_start_1:
0x0: {  	(tag) =	ssettag $0x1  }
0x1: {  	s6 =	rddreg [dreg:$0x0]  }
0x2: {  	s7 =	rddreg [dreg:$0x1]  }
0x3: {  	s4 =	rddreg [dreg:$0x2]  }
0x4: {  	s1 =	rddreg [dreg:$0x3]  }
0x5: {  	s0 =	rddreg [dreg:$0x4]  }
0x6: {  	s3 =	simm.s32 $0x0;
	s2 =	srdreg.scid;
	s14 =	simm.s32 $0x300  }
0x7: {  	[smem:$0x7FF] =	sst s3;
	s8 =	sand.u32 $0x1, s2;
	s2 =	stileid.u32  }
0x8: {  	s15 =	sadd.s32 $0x10, s6;
	s31 =	sadd.s32 $0x10, s7;
	s5 =	smul.u32 $0x2800, s8  }
0x9: {  	_ =	strace $0x80000047;
	s9 =	sshll.u32 s2, $0xA;
	s10 =	sshll.u32 s2, $0x7  }
0xa: {  	s11 =	ssub.s32 $0x2, s8;
	p0 =	slt.u32 s2, $0x4;
	p1 =	sgt.u32 s2, $0x9  }
0xb: {  	s16 =	sshll.u32 s2, $0x5;
	s10 =	sadd.s32 s10, s4;
	s12 =	sshrl.u32 s11, $0x1  }
0xc: {  	s15 =	sadd.s32 s15, s16;
	s5 =	sadd.s32 s9, s5;
	s11 =	ssub.s32 s11, s12  }
0xd: {  	s9 =	sadd.s32 s9, s1;
	s12 =	simm.s32 $0x1;
	s5 =	sshrl.u32 s5, $0x3  }
.Ltmp0:
0xe: {  	s7 =	smax.u32 s11, $0x1;
	s9 =	sshrl.u32 @!p1 s9, $0x3;
	(pc) =	sbr.rel .LBB2_1-.Ltmp0, $4  }
0xf: {  	s11 =	simm.s32 $0x280;
	s13 =	sadd.s32 s5, s4;
	s4 =	sadd.s32 $0x5C00, s10  }
0x10: {  	s5 =	simm.s32 $0x9D;
	s10 =	sadd.s32 s31, s16;
	s16 =	simm.s32 $0x0  }
0x11: {  	s5 =	simm.s32 @!p0 $0x9C;
	p0 =	seq.s32 s8, $0x1;
	s8 =	sshll.u32 @!p1 s2, $0x6  }
0x12: {  	v0 =	vimm.f32 $1.000000000e+00;
	s6 =	sadd.s32 $0x6200, s13;
	s13 =	simm.s32 $0x80;
	s8 =	sor.u32 @!p1 $0x1C01, s8  }
.LBB2_4:
0x13: {  	[sflag:s12] =	ssyncadd.s32 $0xFFFFFF80  }
.LBB2_8:
0x14: {  	s16 =	sadd.s32 $0x1, s16  }
0x15: {  	p2 =	sne.s32 s16, s7  }
.Ltmp1:
0x16: {  	[bflag:$0x0] =	sbarrier.arrive $0xFFFF;
	s17 =	simm.s32 @!p1 $0x1;
	(pc) =	sbr.rel @!p2 .LBB2_9-.Ltmp1, $4  }
0x17: {  	[hbm:s6], [sflag:s8] =	dma.local @!p1 [spmem:s9], $0x80  }
0x18: {  	_ =	swait.ge @!p1 [sflag:s17], $0x80  }
0x19: {  	[sflag:s17] =	ssyncset.done @!p1 $0x0  }
0x1a: {  	[sflag:s17] =	ssyncadd.s32 @!p1 $0xFFFFFF80  }
.LBB2_1:
0x1b: {  	[tilespmem:$0x300] =	vst v0  }
0x1c: {  	[tilespmem:$0x310] =	vst v0  }
0x1d: {  	[tilespmem:$0x320] =	vst v0  }
0x1e: {  	[tilespmem:$0x330] =	vst v0  }
0x1f: {  	[tilespmem:$0x340] =	vst v0  }
0x20: {  	[tilespmem:$0x350] =	vst v0  }
0x21: {  	[tilespmem:$0x360] =	vst v0  }
0x22: {  	[tilespmem:$0x370] =	vst v0;
	s17 =	simm.s32 @!p1 $0x1  }
0x23: {  	[spmem:s9], [sflag:s8] =	dma.local @!p1 [hbm:s4], $0x80  }
.Ltmp2:
0x24: {  	_ =	swait.ge @!p1 [sflag:s17], $0x80;
	(pc) =	sbr.rel @!p0 .LBB2_2-.Ltmp2, $3  }
0x25: {  	[sflag:s17] =	ssyncset.done @!p1 $0x0  }
0x26: {  	[sflag:s17] =	ssyncadd.s32 @!p1 $0xFFFFFF80  }
0x27: {  	[bflag:$0x0] =	sbarrier.arrive $0xFFFF;
	_ =	sdelay $0x1  }
0x28: {  	[tilespmem:s11], [sflag:$0x1] =	stream.linear.gather [hbm4b:s10+s3], $0x80, $0x38;
	[tilespmem:$0x380] =	vst v63  }
0x29: {  	p2 =	sne.s32 s5, $0x1;
	_ =	swait.ge [sflag:s12], $0x80  }
.Ltmp3:
0x2a: {  	[sflag:s12] =	ssyncset.done $0x0;
	(pc) =	sbr.rel @!p2 .LBB2_7-.Ltmp3, $4  }
0x2b: {  	[sflag:s12] =	ssyncadd.s32 $0xFFFFFF80  }
0x2c: {  	[spmem:s1] =	stream.indirect.scatter.add.f32 [tilespmem:s14], [sflag:$0x1], $0x1, s11, s13, $0xb8;
	[tilespmem:$0x380] =	vst v63  }
0x2d: {  	_ =	swait.ge [sflag:s12], $0x80  }
0x2e: {  	s17 =	sadd.s32 $0xFFFFFFFF, s5;
	s18 =	smov.u32 s10;
	[sflag:s12] =	ssyncset.done $0x0  }
.LBB2_6:
0x2f: {  	p2 =	sne.s32 s17, $0x1;
	[sflag:s12] =	ssyncadd.s32 $0xFFFFFF80;
	s18 =	sadd.s32 $0x200, s18  }
0x30: {  	[tilespmem:s11], [sflag:$0x1] =	stream.linear.gather [hbm4b:s18+s3], $0x80, $0x38;
	[tilespmem:$0x380] =	vst v63  }
0x31: {  	s17 =	sadd.s32 $0xFFFFFFFF, s17;
	_ =	swait.ge [sflag:s12], $0x80  }
.Ltmp4:
0x32: {  	[sflag:s12] =	ssyncset.done $0x0;
	(pc) =	sbr.rel @p2 .LBB2_6-.Ltmp4, $4  }
0x33: {  	[sflag:s12] =	ssyncadd.s32 $0xFFFFFF80  }
0x34: {  	[spmem:s1] =	stream.indirect.scatter.add.f32 [tilespmem:s14], [sflag:$0x1], $0x1, s11, s13, $0xb8;
	[tilespmem:$0x380] =	vst v63  }
0x35: {  	_ =	swait.ge [sflag:s12], $0x80  }
0x36: {  	[sflag:s12] =	ssyncset.done $0x0  }
.LBB2_7:
.Ltmp5:
0x37: {  	(pc) =	sbr.rel .LBB2_8-.Ltmp5, $2  }
0x38: {  	_ =	sdelay $0x2  }
0x39: {  	[sflag:s12] =	ssyncadd.s32 $0xFFFFFF80  }
.LBB2_2:
0x3a: {  	[tilespmem:s11], [sflag:$0x1] =	stream.linear.gather [hbm4b:s15+s3], $0x80, $0x38;
	[tilespmem:$0x380] =	vst v63  }
0x3b: {  	p2 =	seq.s32 s5, $0x1;
	_ =	swait.ge [sflag:s12], $0x80  }
.Ltmp6:
0x3c: {  	[sflag:s12] =	ssyncset.done $0x0;
	(pc) =	sbr.rel @p2 .LBB2_4-.Ltmp6, $4  }
0x3d: {  	[sflag:s12] =	ssyncadd.s32 $0xFFFFFF80  }
0x3e: {  	[spmem:s1] =	stream.indirect.scatter.add.f32 [tilespmem:s14], [sflag:$0x1], $0x1, s11, s13, $0xb8;
	[tilespmem:$0x380] =	vst v63  }
0x3f: {  	_ =	swait.ge [sflag:s12], $0x80  }
0x40: {  	s17 =	sadd.s32 $0xFFFFFFFF, s5;
	s18 =	smov.u32 s15;
	[sflag:s12] =	ssyncset.done $0x0  }
.LBB2_3:
0x41: {  	p2 =	seq.s32 s17, $0x1;
	[sflag:s12] =	ssyncadd.s32 $0xFFFFFF80;
	s18 =	sadd.s32 $0x200, s18  }
0x42: {  	[tilespmem:s11], [sflag:$0x1] =	stream.linear.gather [hbm4b:s18+s3], $0x80, $0x38;
	[tilespmem:$0x380] =	vst v63  }
0x43: {  	s17 =	sadd.s32 $0xFFFFFFFF, s17;
	_ =	swait.ge [sflag:s12], $0x80  }
.Ltmp7:
0x44: {  	[sflag:s12] =	ssyncset.done $0x0;
	(pc) =	sbr.rel @!p2 .LBB2_3-.Ltmp7, $4  }
0x45: {  	[sflag:s12] =	ssyncadd.s32 $0xFFFFFF80  }
0x46: {  	[spmem:s1] =	stream.indirect.scatter.add.f32 [tilespmem:s14], [sflag:$0x1], $0x1, s11, s13, $0xb8;
	[tilespmem:$0x380] =	vst v63  }
0x47: {  	_ =	swait.ge [sflag:s12], $0x80  }
0x48: {  	[sflag:s12] =	ssyncset.done $0x0  }
.Ltmp8:
0x49: {  	_ = 	snop;
	(pc) =	sbr.rel .LBB2_4-.Ltmp8, $1  }
0x4a: {  	_ =	sdelay $0x3  }
.LBB2_9:
0x4b: {  	_ =	sfence.sel $0x180000  }
0x4c: {  	[bflag:$0x0] =	sbarrier.arrive $0xFFFF  }
0x4d: {  	p0 =	sne.s32 s2, $0x0;
	_ =	strace $0x90000047  }
0x4e: {  	s0 =	sadd.s32 @!p0 $0x100000, s0;
	[bflag:$0x2] =	sbarrier.arrive $0xFFFF  }
0x4f: {  	[sflag:s0] =	ssyncadd.tile.s32 @!p0 $0x1;
	_ =	shalt  }
.Lfunc_end2:
_tile_overlayer_lowered:
.L_overlay_start_2:
0x50: {  	(tag) =	ssettag $0x2  }
0x51: {  	s0 =	rddreg [dreg:$0x0];
	s2 =	stileid.u32  }
0x52: {  	s1 =	rddreg [dreg:$0x1];
	p0 =	sne.s32 s2, $0x0  }
0x53: {  	s3 =	rddreg [dreg:$0x2];
	[bflag:$0x3] =	sbarrier.arrive $0xFFFF;
	s2 =	simm.s32 @!p0 $0x1C01  }
0x54: {  	[timem:s3], [sflag:s2] =	dma.local @!p0 [hbm:s0], s1  }
0x55: {  	s0 =	simm.s32 @!p0 $0x1  }
0x56: {  	_ =	swait.ge @!p0 [sflag:s0], s1  }
0x57: {  	s1 =	ssub.s32 @!p0 $0x0, s1;
	[sflag:s0] =	ssyncset.done @!p0 $0x0  }
0x58: {  	[sflag:s0] =	ssyncadd.s32 @!p0 s1  }
0x59: {  	[bflag:$0x3] =	sbarrier.arrive $0xFFFF  }
0x5a: {  	_ =	shalt  }

// kernel: kernel.13.cloned.1.call-start
scs
__scs_entry_jumppad:
0x0: {  	(pc) =	sbr.rel $0x88, $3  }
0x1: {  	(tag) =	ssettag $0x0;
	lr =	simm.s32 $0x1  }
0x2: {  	[smem:$0x3F88] =	sst lr;
	_ =	strace $0xD0000000  }
0x3: {  	_ = 	snop  }
0x4: {  	_ = 	snop  }
0x5: {  	_ = 	snop  }
0x6: {  	_ = 	snop  }
0x7: {  	_ = 	snop  }
__scs_overlays_trampoline_lowered:
0x8: {  	[smem:$0x3F97] =	sst s0  }
0x9: {  	[smem:$0x3F98] =	sst s1  }
0xa: {  	[smem:$0x3F99] =	sst s2  }
0xb: {  	[smem:$0x3F9A] =	sst s3  }
0xc: {  	[smem:$0x3F9B] =	sst s4  }
0xd: {  	[smem:$0x3F9C] =	sst s5  }
0xe: {  	[smem:$0x3F9D] =	sst s6  }
0xf: {  	[smem:$0x3F9E] =	sst s7  }
0x10: {  	[smem:$0x3F9F] =	sst s8  }
0x11: {  	[smem:$0x3FA0] =	sst s9;
	s0 =	simm.s32 @!p0 $0x0  }
0x12: {  	s1 =	sld [smem:$0x3F86];
	s0 =	simm.s32 @p0 $0x1  }
0x13: {  	[smem:$0x3FA1] =	sst s0;
	s0 =	simm.s32 @!p1 $0x0  }
0x14: {  	s2 =	sld [smem:$0x3F85];
	s0 =	simm.s32 @p1 $0x1  }
0x15: {  	[smem:$0x3FA2] =	sst s0;
	s0 =	simm.s32 @!p2 $0x0  }
0x16: {  	s3 =	sld [smem:$0x3FDB];
	s0 =	simm.s32 @p2 $0x1  }
0x17: {  	s4 =	simm.s32 $0x1BF5;
	[smem:$0x3FA4] =	sst s0  }
0x18: {  	s0 =	sld [smem:$0x3F87];
	_ =	swait.ge [sflag:s4], $0x0  }
0x19: {  	s7 =	sld [smem:$0x3F88]  }
0x1a: {  	s8 =	sadd.s32 $0xFFFFE003, lr  }
0x1b: {  	s9 =	sadd.s32 $0xFFFFFEF7, lr;
	s5 =	simm.s32 $0xFFFFFFFF;
	p2 =	slt.u32 s8, $0xFFFFF086  }
0x1c: {  	p1 =	slt.u32 s9, $0xF7A;
	s5 =	simm.s32 @!p2 $0x0  }
0x1d: {  	s5 =	simm.s32 @p1 $0x1;
	p0 =	seq.s32 s7, s2  }
0x1e: {  	s7 =	smul.u32 @!p0 $0xF7A, s2;
	p2 =	seq.s32 @!p0 s5, $0x0  }
0x1f: {  	s9 =	smul.u32 $0xF7A, s1;
	s8 =	simm.s32 @!p0 $0x1BF5;
	p2 =	por !p2, p0  }
0x20: {  	[sflag:s8] =	ssyncset.s32 @!p0 $0xFFFFF086;
	s6 =	sadd.s32 @!p0 s3, s7;
	s7 =	simm.s32 @!p0 $0x108  }
0x21: {  	s3 =	sadd.s32 s3, s9;
	s6 =	sadd.s32 @!p0 $0x88, s6;
	s7 =	simm.s32 @p2 $0x1082  }
0x22: {  	[simem:s7], [sflag:s8] =	dma.local @!p0 [hbm:s6], $0xF7A  }
0x23: {  	s9 =	sor.u32 $0xD0000000, s2;
	s6 =	simm.s32 $0x108;
	_ =	swait.ge @!p0 [sflag:s8], $0x0  }
0x24: {  	s3 =	sadd.s32 $0x88, s3;
	s6 =	simm.s32 @!p1 $0x1082;
	[sflag:s4] =	ssyncset.s32 $0xFFFFF086  }
0x25: {  	[simem:s6], [sflag:s4] =	dma.local [hbm:s3], $0xF7A  }
0x26: {  	[smem:$0x3F88] =	sst s1;
	(tag) =	ssettag s2;
	_ =	strace s9  }
0x27: {  	s1 =	sld [smem:$0x3F98]  }
0x28: {  	s2 =	sld [smem:$0x3F99]  }
0x29: {  	s4 =	sld [smem:$0x3F9B]  }
0x2a: {  	p0 =	seq.s32 s5, $0x0;
	s5 =	sld [smem:$0x3F9C]  }
0x2b: {  	s6 =	sld [smem:$0x3F9D]  }
0x2c: {  	s7 =	sld [smem:$0x3F9E]  }
0x2d: {  	s3 =	simm.s32 $0x108;
	s8 =	sld [smem:$0x3F9F]  }
0x2e: {  	s3 =	simm.s32 @!p0 $0x1082;
	s9 =	sld [smem:$0x3FA0]  }
0x2f: {  	lr =	sadd.s32 s0, s3;
	s0 =	sld [smem:$0x3F97]  }
0x30: {  	s3 =	sld [smem:$0x3F9A]  }
0x31: {  	[smem:$0x3FA3] =	sst s10  }
0x32: {  	s10 =	sld [smem:$0x3FA1];
	_ =	sdelay $0x3  }
0x33: {  	p0 =	seq.s32 s10, $0x1;
	s10 =	sld [smem:$0x3FA3];
	_ =	sdelay $0x3  }
0x34: {  	[smem:$0x3FA3] =	sst s10  }
0x35: {  	s10 =	sld [smem:$0x3FA2];
	_ =	sdelay $0x3  }
0x36: {  	p1 =	seq.s32 s10, $0x1;
	s10 =	sld [smem:$0x3FA3];
	_ =	sdelay $0x3  }
0x37: {  	[smem:$0x3FA3] =	sst s10  }
0x38: {  	s10 =	sld [smem:$0x3FA4]  }
0x39: {  	_ = 	snop;
	(pc) =	sbr.ind lr, $3  }
0x3a: {  	_ = 	snop  }
0x3b: {  	_ = 	snop  }
0x3c: {  	p2 =	seq.s32 s10, $0x1;
	s10 =	sld [smem:$0x3FA3]  }
0x3d: {  	_ =	shalt  }
0x3e: {  	_ =	shalt  }
0x3f: {  	_ =	shalt  }
0x40: {  	_ =	shalt  }
0x41: {  	_ =	shalt  }
0x42: {  	_ =	shalt  }
0x43: {  	_ =	shalt  }
0x44: {  	_ =	shalt  }
0x45: {  	_ =	shalt  }
0x46: {  	_ =	shalt  }
0x47: {  	_ =	shalt  }
0x48: {  	_ =	shalt  }
0x49: {  	_ =	shalt  }
0x4a: {  	_ =	shalt  }
0x4b: {  	_ =	shalt  }
0x4c: {  	_ =	shalt  }
0x4d: {  	_ =	shalt  }
0x4e: {  	_ =	shalt  }
0x4f: {  	_ =	shalt  }
0x50: {  	_ =	shalt  }
0x51: {  	_ =	shalt  }
0x52: {  	_ =	shalt  }
0x53: {  	_ =	shalt  }
0x54: {  	_ =	shalt  }
0x55: {  	_ =	shalt  }
0x56: {  	_ =	shalt  }
0x57: {  	_ =	shalt  }
0x58: {  	_ =	shalt  }
0x59: {  	_ =	shalt  }
0x5a: {  	_ =	shalt  }
0x5b: {  	_ =	shalt  }
0x5c: {  	_ =	shalt  }
0x5d: {  	_ =	shalt  }
0x5e: {  	_ =	shalt  }
0x5f: {  	_ =	shalt  }
0x60: {  	_ =	shalt  }
0x61: {  	_ =	shalt  }
0x62: {  	_ =	shalt  }
0x63: {  	_ =	shalt  }
0x64: {  	_ =	shalt  }
0x65: {  	_ =	shalt  }
0x66: {  	_ =	shalt  }
0x67: {  	_ =	shalt  }
0x68: {  	_ =	shalt  }
0x69: {  	_ =	shalt  }
0x6a: {  	_ =	shalt  }
0x6b: {  	_ =	shalt  }
0x6c: {  	_ =	shalt  }
0x6d: {  	_ =	shalt  }
0x6e: {  	_ =	shalt  }
0x6f: {  	_ =	shalt  }
0x70: {  	_ =	shalt  }
0x71: {  	_ =	shalt  }
0x72: {  	_ =	shalt  }
0x73: {  	_ =	shalt  }
0x74: {  	_ =	shalt  }
0x75: {  	_ =	shalt  }
0x76: {  	_ =	shalt  }
0x77: {  	_ =	shalt  }
0x78: {  	_ =	shalt  }
0x79: {  	_ =	shalt  }
0x7a: {  	_ =	shalt  }
0x7b: {  	_ =	shalt  }
0x7c: {  	_ =	shalt  }
0x7d: {  	_ =	shalt  }
0x7e: {  	_ =	shalt  }
0x7f: {  	_ =	shalt  }
0x80: {  	_ =	shalt  }
0x81: {  	_ =	shalt  }
0x82: {  	_ =	shalt  }
0x83: {  	_ =	shalt  }
0x84: {  	_ =	shalt  }
0x85: {  	_ =	shalt  }
0x86: {  	_ =	shalt  }
0x87: {  	_ =	shalt  }
.Lfunc_end0:
.L_simem_size_0:
called_computation.1_lowered:
.L_overlay_start_0:
0x88: {  	s2 =	sld [smem:$0x3FD9]  }
0x89: {  	s3 =	sld [smem:$0x3FFE];
	_ =	sdelay $0x1  }
0x8a: {  	s1 =	srdreg.scid  }
0x8b: {  	s0 =	sand.u32 $0x1, s1  }
0x8c: {  	s17 =	sshll.u32 s0, $0xA;
	s2 =	sadd.s32 s3, s2  }
0x8d: {  	s2 =	sadd.s32 s2, s17  }
0x8e: {  	[smem:$0x3FAF] =	sst s2  }
0x8f: {  	_ = 	snop  }
0x90: {  	s2 =	sld [smem:$0x3FC8]  }
0x91: {  	s18 =	sld [smem:$0x3FC7];
	(tm) =	ssettm $0x1  }
0x92: {  	s4 =	sld [smem:$0x3FFB];
	_ =	sdelay $0x3  }
0x93: {  	_ =	strace s4  }
0x94: {  	s4 =	sld [smem:$0x3FFC];
	_ =	sdelay $0x3  }
0x95: {  	_ =	strace s4  }
0x96: {  	s4 =	sld [smem:$0x3FFD];
	_ =	sdelay $0x3  }
0x97: {  	_ =	strace s4  }
0x98: {  	_ =	strace $0x8FFFFFFF  }
0x99: {  	s19 =	sld [smem:$0x3FDB];
	_ =	sdelay $0x1  }
0x9a: {  	s5 =	simm.s32 $_scs_section_size  }
0x9b: {  	s6 =	simm.s32 $_size__tile_overlayer_lowered;
	s7 =	simm.s32 $_tile_overlayer_lowered  }
0x9c: {  	s22 =	simm.s32 $0x1BFF;
	s21 =	sshll.u32 s7, $0x1;
	s4 =	sadd.s32 s5, s19  }
0x9d: {  	s8 =	simm.s32 $0x0;
	s20 =	sshll.u32 s6, $0x1;
	s6 =	sadd.s32 s21, s4  }
0x9e: {  	[timem:s8], [sflag:s22] =	dma.local [hbm:s6], s20  }
0x9f: {  	_ =	swait.ge [sflag:s22], s20  }
0xa0: {  	s5 =	ssub.s32 $0x0, s20;
	[sflag:s22] =	ssyncset.done $0x0  }
0xa1: {  	[sflag:s22] =	ssyncadd.s32 s5;
	_ =	sdelay $0x1  }
0xa2: {  	s23 =	simm.s32 $0x1B8B  }
0xa3: {  	_ =	swait.ge [sflag:s23], $0x1  }
0xa4: {  	[sflag:s23] =	ssyncset.done $0x0  }
0xa5: {  	s25 =	simm.s32 $0x1B8E;
	s24 =	sld [smem:$0x3FFE];
	[sflag:s23] =	ssyncadd.s32 $0xFFFFFFFF  }
0xa6: {  	s26 =	simm.s32 $execute0_lowered;
	[smem:$0x3FD2] =	sst s25  }
0xa7: {  	s6 =	sshll.u32 s26, $0x1;
	_ =	strace $0x80000049;
	[dreg:$0x1] =	wrdreg $0xFFFFFFFF  }
0xa8: {  	s28 =	simm.s32 $_size_execute0_lowered;
	s4 =	sadd.s32 s4, s6;
	[dreg:$0x0] =	wrdreg $0x0  }
0xa9: {  	s6 =	sshll.u32 s28, $0x1;
	[dreg:$0x2] =	wrdreg s4  }
0xaa: {  	[dreg:$0x3] =	wrdreg s6  }
0xab: {  	[dreg:$0x4] =	wrdreg $0xC0  }
0xac: {  	_ =	task [dreg:s8], $0x5FFFF  }
0xad: {  	[dreg:$0x1] =	wrdreg $0xFFFFFFFF  }
0xae: {  	[dreg:$0x0] =	wrdreg $0x60  }
0xaf: {  	[dreg:$0x2] =	wrdreg s24  }
0xb0: {  	[dreg:$0x3] =	wrdreg s2  }
0xb1: {  	[dreg:$0x4] =	wrdreg s18  }
0xb2: {  	[dreg:$0x5] =	wrdreg $0x0  }
0xb3: {  	[dreg:$0x6] =	wrdreg $0x9  }
0xb4: {  	_ =	task.clear_ibuf [dreg:s8], $0x7FFFF;
	_ =	strace $0x90000049  }
0xb5: {  	s29 =	simm.s32 $0x9;
	_ =	strace $0x8000004B  }
0xb6: {  	_ =	swait.ge [sflag:s29], $0x1  }
0xb7: {  	[sflag:s29] =	ssyncadd.s32 $0xFFFFFFFF  }
0xb8: {  	_ =	strace $0x9000004B  }
0xb9: {  	_ =	sfence  }
0xba: {  	s30 =	sld [smem:$0x0];
	_ =	sdelay $0x2  }
0xbb: {  	s31 =	sshll.u32 s1, $0xD;
	s1 =	sshrl.u32 s1, $0x2  }
0xbc: {  	s3 =	sand.u32 $0x4000, s31;
	s1 =	sadd.s32 s1, s30  }
0xbd: {  	s0 =	sor.u32 s3, s0;
	s1 =	sshll.u32 s1, $0x11  }
0xbe: {  	s0 =	sor.u32 s1, s0  }
0xbf: {  	s0 =	sadd.s32 $0x8F2B, s0  }
0xc0: {  	[sflag:s0] =	ssyncadd.remote.s32 $0x1  }
0xc1: {  	_ =	sfence.sel $0xFFFF  }
0xc2: {  	[dreg:$0x0] =	wrdreg $0xFFFFFFFF;
	(pc) =	sbr.abs _section_cstart, $3  }
0xc3: {  	[dreg:$0x1] =	wrdreg $0xFFFFFFFF  }
0xc4: {  	_ =	task.clear_ibuf [dreg:s8], $0x2FFFF;
	_ =	strace $0x9FFFFFFF  }
0xc5: {  	(tm) =	ssettm $0x7FFFFFFF  }
tec
execute0_lowered:
.L_overlay_start_1:
0x0: {  	(tag) =	ssettag $0x1  }
0x1: {  	s8 =	rddreg [dreg:$0x0]  }
0x2: {  	s1 =	rddreg [dreg:$0x1]  }
0x3: {  	s2 =	rddreg [dreg:$0x2]  }
0x4: {  	s3 =	rddreg [dreg:$0x3];
	s4 =	srdreg.scid  }
0x5: {  	s0 =	rddreg [dreg:$0x4];
	s5 =	simm.s32 $0x0;
	s18 =	simm.s32 $0x13880  }
0x6: {  	s19 =	simm.s32 $0x2;
	s20 =	simm.s32 $0x80;
	s21 =	simm.s32 $0x13980  }
0x7: {  	s23 =	simm.s32 $0x13900;
	s9 =	sand.u32 $0x1, s4;
	s4 =	stileid.u32  }
0x8: {  	s24 =	simm.s32 $0x0;
	[smem:$0x7FF] =	sst s5;
	s22 =	smul.u32 $0x2710, s9  }
0x9: {  	s6 =	sadd.s32 $0x2D400, s8;
	s7 =	sadd.s32 $0x7B600, s8;
	s10 =	smul.u32 $0x3E8, s4  }
0xa: {  	_ =	strace $0x8000004A;
	s11 =	smul.u32 $0x3E80, s4;
	s9 =	ssub.s32 $0x2, s9  }
0xb: {  	s12 =	smul.u32 $0x7D000, s4;
	p0 =	slt.u32 s4, $0x4;
	s15 =	sshll.u32 s4, $0x5  }
0xc: {  	s31 =	sshrl.u32 s9, $0x1;
	s10 =	sadd.s32 s10, s22;
	s11 =	sadd.s32 s11, s8  }
0xd: {  	s12 =	sshrl.u32 s12, $0x2;
	s14 =	ssub.s32 s9, s31;
	v0 =	vmov s22;
	s22 =	simm.s32 $0x1  }
0xe: {  	s10 =	sshll.u32 s10, $0x4;
	s17 =	sadd.s32 s12, s3;
	s9 =	sadd.s32 $0x6200, s11  }
0xf: {  	s12 =	sadd.s32 $0x10, s2;
	s13 =	sadd.s32 s10, s8;
	s8 =	simm.s32 $0x9D  }
0x10: {  	s14 =	smax.u32 s14, $0x1;
	s8 =	simm.s32 @!p0 $0x9C;
	p0 =	sgt.u32 s4, $0x9  }
0x11: {  	s10 =	sadd.s32 $0x10, s1;
	s11 =	sadd.s32 $0xC9800, s13;
	s16 =	sshll.u32 @!p0 s4, $0x6  }
0x12: {  	s13 =	sadd.s32 $0x117A00, s13;
	s17 =	sshrl.u32 @!p0 s17, $0x3;
	s16 =	sor.u32 @!p0 $0x1C02, s16  }
.LBB2_1:
0x13: {  	[spmem:s17], [sflag:s16] =	dma.local @!p0 [hbm:s9], $0x3E80  }
0x14: {  	s25 =	simm.s32 @!p0 $0x2  }
0x15: {  	_ =	swait.ge @!p0 [sflag:s25], $0x3E80  }
0x16: {  	[sflag:s25] =	ssyncset.done @!p0 $0x0  }
0x17: {  	[sflag:s25] =	ssyncadd.s32 @!p0 $0xFFFFC180  }
0x18: {  	s26 =	sadd.s32 s15, s1;
	[bflag:$0x0] =	sbarrier.arrive $0xFFFF  }
0x19: {  	[tilespmem:s18], [sflag:$0x2] =	stream.linear.gather [hbm4b:s26+s5], $0x80, $0x38;
	[tilespmem:$0x17980] =	vst v63  }
0x1a: {  	_ =	swait.ge [sflag:s19], $0x80  }
0x1b: {  	[sflag:s19] =	ssyncset.done $0x0  }
0x1c: {  	[sflag:s19] =	ssyncadd.s32 $0xFFFFFF80  }
0x1d: {  	v1 =	vld [tilespmem:$0x138F0]  }
0x1e: {  	v2 =	vld [tilespmem:$0x138B0]  }
0x1f: {  	v3 =	vld [tilespmem:$0x138D0]  }
0x20: {  	v5 =	vld [tilespmem:$0x138A0]  }
0x21: {  	v4 =	vld [tilespmem:$0x138E0]  }
0x22: {  	v6 =	vld [tilespmem:$0x13890];
	v1 =	vadd.s32 v0, v1  }
0x23: {  	v7 =	vld [tilespmem:$0x138C0];
	v2 =	vadd.s32 v0, v2;
	[tilespmem:$0x138F0] =	vst v1  }
0x24: {  	v1 =	vld [tilespmem:$0x13880];
	[tilespmem:$0x138B0] =	vst v2;
	v2 =	vadd.s32 v0, v3  }
0x25: {  	v3 =	vadd.s32 v0, v5;
	[tilespmem:$0x138D0] =	vst v2  }
0x26: {  	v2 =	vadd.s32 v0, v4;
	[tilespmem:$0x138A0] =	vst v3  }
0x27: {  	[tilespmem:$0x138E0] =	vst v2;
	v2 =	vadd.s32 v0, v6  }
0x28: {  	[tilespmem:$0x13890] =	vst v2;
	v2 =	vadd.s32 v0, v7  }
0x29: {  	p1 =	sne.s32 s8, $0x1;
	[tilespmem:$0x138C0] =	vst v2;
	v1 =	vadd.s32 v0, v1  }
.Ltmp0:
0x2a: {  	[tilespmem:$0x13880] =	vst v1;
	(pc) =	sbr.rel @!p1 .LBB2_3-.Ltmp0, $4  }
0x2b: {  	[tilespmem:s21], [sflag:$0x1] =	stream.indirect.gather [hbm4b:s6+s20], $0x80, s18, s20, $0xb8;
	[tilespmem:$0x17980] =	vst v63  }
0x2c: {  	_ =	swait.ge [sflag:s22], $0x4000  }
0x2d: {  	s29 =	sadd.s32 s15, s10;
	[sflag:s22] =	ssyncset.done $0x0  }
0x2e: {  	s28 =	sadd.s32 $0x200, s15;
	s26 =	sadd.s32 $0xFFFFFFFF, s8;
	[sflag:s22] =	ssyncadd.s32 $0xFFFFC000  }
.LBB2_2:
0x2f: {  	[tilespmem:s23], [sflag:$0x2] =	stream.linear.gather [hbm4b:s29+s5], $0x80, $0x38;
	[tilespmem:$0x17980] =	vst v63  }
0x30: {  	p2 =	sne.s32 s26, $0x1;
	s26 =	sadd.s32 $0xFFFFFFFF, s26;
	_ =	swait.ge [sflag:s19], $0x80  }
0x31: {  	[sflag:s19] =	ssyncset.done $0x0  }
0x32: {  	[sflag:s19] =	ssyncadd.s32 $0xFFFFFF80  }
0x33: {  	[spmem:s3] =	stream.indirect.scatter.add.f32 [tilespmem:s21], [sflag:$0x2], $0x80, s23, s20, $0xb8;
	[tilespmem:$0x17980] =	vst v63  }
0x34: {  	_ =	swait.ge [sflag:s19], $0x4000  }
0x35: {  	[sflag:s19] =	ssyncset.done $0x0  }
0x36: {  	s29 =	sadd.s32 s28, s1;
	[sflag:s19] =	ssyncadd.s32 $0xFFFFC000  }
0x37: {  	[tilespmem:s18], [sflag:$0x2] =	stream.linear.gather [hbm4b:s29+s5], $0x80, $0x38;
	[tilespmem:$0x17980] =	vst v63  }
0x38: {  	_ =	swait.ge [sflag:s19], $0x80  }
0x39: {  	[sflag:s19] =	ssyncset.done $0x0  }
0x3a: {  	[sflag:s19] =	ssyncadd.s32 $0xFFFFFF80  }
0x3b: {  	v1 =	vld [tilespmem:$0x138F0]  }
0x3c: {  	v2 =	vld [tilespmem:$0x138B0]  }
0x3d: {  	v3 =	vld [tilespmem:$0x138D0]  }
0x3e: {  	v4 =	vld [tilespmem:$0x138E0]  }
0x3f: {  	v5 =	vld [tilespmem:$0x138A0]  }
0x40: {  	v6 =	vld [tilespmem:$0x13890];
	v1 =	vadd.s32 v0, v1  }
0x41: {  	v2 =	vadd.s32 v0, v2;
	v7 =	vld [tilespmem:$0x138C0];
	[tilespmem:$0x138F0] =	vst v1  }
0x42: {  	v1 =	vld [tilespmem:$0x13880];
	[tilespmem:$0x138B0] =	vst v2;
	v2 =	vadd.s32 v0, v3  }
0x43: {  	[tilespmem:$0x138D0] =	vst v2;
	v2 =	vadd.s32 v0, v4  }
0x44: {  	v3 =	vadd.s32 v0, v5;
	[tilespmem:$0x138E0] =	vst v2  }
0x45: {  	v2 =	vadd.s32 v0, v6;
	[tilespmem:$0x138A0] =	vst v3  }
0x46: {  	[tilespmem:$0x13890] =	vst v2;
	v2 =	vadd.s32 v0, v7  }
0x47: {  	v1 =	vadd.s32 v0, v1;
	[tilespmem:$0x138C0] =	vst v2  }
.Ltmp1:
0x48: {  	[tilespmem:$0x13880] =	vst v1;
	(pc) =	sbr.rel @p2 .LBB2_2-.Ltmp1, $4  }
0x49: {  	[tilespmem:s21], [sflag:$0x1] =	stream.indirect.gather [hbm4b:s6+s20], $0x80, s18, s20, $0xb8;
	[tilespmem:$0x17980] =	vst v63  }
0x4a: {  	_ =	swait.ge [sflag:s22], $0x4000  }
0x4b: {  	[sflag:s22] =	ssyncset.done $0x0  }
0x4c: {  	s29 =	sadd.s32 s28, s10;
	s28 =	sadd.s32 $0x200, s28;
	[sflag:s22] =	ssyncadd.s32 $0xFFFFC000  }
.LBB2_3:
0x4d: {  	[tilespmem:s23], [sflag:$0x2] =	stream.linear.gather [hbm4b:s29+s5], $0x80, $0x38;
	[tilespmem:$0x17980] =	vst v63  }
0x4e: {  	_ =	swait.ge [sflag:s19], $0x80  }
0x4f: {  	[sflag:s19] =	ssyncset.done $0x0  }
0x50: {  	[sflag:s19] =	ssyncadd.s32 $0xFFFFFF80  }
0x51: {  	[spmem:s3] =	stream.indirect.scatter.add.f32 [tilespmem:s21], [sflag:$0x2], $0x80, s23, s20, $0xb8;
	[tilespmem:$0x17980] =	vst v63  }
0x52: {  	_ =	swait.ge [sflag:s19], $0x4000  }
0x53: {  	[sflag:s19] =	ssyncset.done $0x0  }
0x54: {  	[sflag:s19] =	ssyncadd.s32 $0xFFFFC000  }
0x55: {  	[bflag:$0x0] =	sbarrier.arrive $0xFFFF  }
0x56: {  	[bflag:$0x0] =	sbarrier.arrive @p0 $0xFFFF  }
0x57: {  	[hbm:s11], [sflag:s16] =	dma.local @!p0 [spmem:s17], $0x3E80  }
0x58: {  	_ =	swait.ge @!p0 [sflag:s25], $0x3E80  }
0x59: {  	[sflag:s25] =	ssyncset.done @!p0 $0x0  }
0x5a: {  	[sflag:s25] =	ssyncadd.s32 @!p0 $0xFFFFC180  }
0x5b: {  	[bflag:$0x0] =	sbarrier.arrive @!p0 $0xFFFF  }
0x5c: {  	[spmem:s17], [sflag:s16] =	dma.local @!p0 [hbm:s9], $0x3E80  }
0x5d: {  	_ =	swait.ge @!p0 [sflag:s25], $0x3E80  }
0x5e: {  	[sflag:s25] =	ssyncset.done @!p0 $0x0  }
0x5f: {  	[sflag:s25] =	ssyncadd.s32 @!p0 $0xFFFFC180  }
0x60: {  	s31 =	sadd.s32 s15, s2;
	[bflag:$0x0] =	sbarrier.arrive $0xFFFF  }
0x61: {  	[tilespmem:s18], [sflag:$0x2] =	stream.linear.gather [hbm4b:s31+s5], $0x80, $0x38;
	[tilespmem:$0x17980] =	vst v63  }
0x62: {  	_ =	swait.ge [sflag:s19], $0x80  }
0x63: {  	[sflag:s19] =	ssyncset.done $0x0  }
0x64: {  	[sflag:s19] =	ssyncadd.s32 $0xFFFFFF80  }
0x65: {  	v1 =	vld [tilespmem:$0x138F0]  }
0x66: {  	v2 =	vld [tilespmem:$0x138B0]  }
0x67: {  	v3 =	vld [tilespmem:$0x138D0]  }
0x68: {  	v5 =	vld [tilespmem:$0x138A0]  }
0x69: {  	v4 =	vld [tilespmem:$0x138E0]  }
0x6a: {  	v6 =	vld [tilespmem:$0x13890];
	v1 =	vadd.s32 v0, v1  }
0x6b: {  	v7 =	vld [tilespmem:$0x138C0];
	v2 =	vadd.s32 v0, v2;
	[tilespmem:$0x138F0] =	vst v1  }
0x6c: {  	v1 =	vld [tilespmem:$0x13880];
	[tilespmem:$0x138B0] =	vst v2;
	v2 =	vadd.s32 v0, v3  }
0x6d: {  	v3 =	vadd.s32 v0, v5;
	[tilespmem:$0x138D0] =	vst v2  }
0x6e: {  	v2 =	vadd.s32 v0, v4;
	[tilespmem:$0x138A0] =	vst v3  }
0x6f: {  	[tilespmem:$0x138E0] =	vst v2;
	v2 =	vadd.s32 v0, v6  }
0x70: {  	[tilespmem:$0x13890] =	vst v2;
	v2 =	vadd.s32 v0, v7  }
0x71: {  	[tilespmem:$0x138C0] =	vst v2;
	v1 =	vadd.s32 v0, v1  }
.Ltmp2:
0x72: {  	[tilespmem:$0x13880] =	vst v1;
	(pc) =	sbr.rel @!p1 .LBB2_5-.Ltmp2, $4  }
0x73: {  	[tilespmem:s21], [sflag:$0x1] =	stream.indirect.gather [hbm4b:s7+s20], $0x80, s18, s20, $0xb8;
	[tilespmem:$0x17980] =	vst v63  }
0x74: {  	_ =	swait.ge [sflag:s22], $0x4000  }
0x75: {  	s28 =	sadd.s32 s15, s12;
	[sflag:s22] =	ssyncset.done $0x0  }
0x76: {  	s26 =	sadd.s32 $0x200, s15;
	s25 =	sadd.s32 $0xFFFFFFFF, s8;
	[sflag:s22] =	ssyncadd.s32 $0xFFFFC000  }
.LBB2_4:
0x77: {  	[tilespmem:s23], [sflag:$0x2] =	stream.linear.gather [hbm4b:s28+s5], $0x80, $0x38;
	[tilespmem:$0x17980] =	vst v63  }
0x78: {  	p1 =	sne.s32 s25, $0x1;
	s25 =	sadd.s32 $0xFFFFFFFF, s25;
	_ =	swait.ge [sflag:s19], $0x80  }
0x79: {  	[sflag:s19] =	ssyncset.done $0x0  }
0x7a: {  	[sflag:s19] =	ssyncadd.s32 $0xFFFFFF80  }
0x7b: {  	[spmem:s3] =	stream.indirect.scatter.add.f32 [tilespmem:s21], [sflag:$0x2], $0x80, s23, s20, $0xb8;
	[tilespmem:$0x17980] =	vst v63  }
0x7c: {  	_ =	swait.ge [sflag:s19], $0x4000  }
0x7d: {  	[sflag:s19] =	ssyncset.done $0x0  }
0x7e: {  	s28 =	sadd.s32 s26, s2;
	[sflag:s19] =	ssyncadd.s32 $0xFFFFC000  }
0x7f: {  	[tilespmem:s18], [sflag:$0x2] =	stream.linear.gather [hbm4b:s28+s5], $0x80, $0x38;
	[tilespmem:$0x17980] =	vst v63  }
0x80: {  	_ =	swait.ge [sflag:s19], $0x80  }
0x81: {  	[sflag:s19] =	ssyncset.done $0x0  }
0x82: {  	[sflag:s19] =	ssyncadd.s32 $0xFFFFFF80  }
0x83: {  	v1 =	vld [tilespmem:$0x138F0]  }
0x84: {  	v2 =	vld [tilespmem:$0x138B0]  }
0x85: {  	v3 =	vld [tilespmem:$0x138D0]  }
0x86: {  	v4 =	vld [tilespmem:$0x138E0]  }
0x87: {  	v5 =	vld [tilespmem:$0x138A0]  }
0x88: {  	v6 =	vld [tilespmem:$0x13890];
	v1 =	vadd.s32 v0, v1  }
0x89: {  	v2 =	vadd.s32 v0, v2;
	v7 =	vld [tilespmem:$0x138C0];
	[tilespmem:$0x138F0] =	vst v1  }
0x8a: {  	v1 =	vld [tilespmem:$0x13880];
	[tilespmem:$0x138B0] =	vst v2;
	v2 =	vadd.s32 v0, v3  }
0x8b: {  	[tilespmem:$0x138D0] =	vst v2;
	v2 =	vadd.s32 v0, v4  }
0x8c: {  	v3 =	vadd.s32 v0, v5;
	[tilespmem:$0x138E0] =	vst v2  }
0x8d: {  	v2 =	vadd.s32 v0, v6;
	[tilespmem:$0x138A0] =	vst v3  }
0x8e: {  	[tilespmem:$0x13890] =	vst v2;
	v2 =	vadd.s32 v0, v7  }
0x8f: {  	v1 =	vadd.s32 v0, v1;
	[tilespmem:$0x138C0] =	vst v2  }
.Ltmp3:
0x90: {  	[tilespmem:$0x13880] =	vst v1;
	(pc) =	sbr.rel @p1 .LBB2_4-.Ltmp3, $4  }
0x91: {  	[tilespmem:s21], [sflag:$0x1] =	stream.indirect.gather [hbm4b:s7+s20], $0x80, s18, s20, $0xb8;
	[tilespmem:$0x17980] =	vst v63  }
0x92: {  	_ =	swait.ge [sflag:s22], $0x4000  }
0x93: {  	[sflag:s22] =	ssyncset.done $0x0  }
0x94: {  	s28 =	sadd.s32 s26, s12;
	s26 =	sadd.s32 $0x200, s26;
	[sflag:s22] =	ssyncadd.s32 $0xFFFFC000  }
.LBB2_5:
0x95: {  	[tilespmem:s23], [sflag:$0x2] =	stream.linear.gather [hbm4b:s28+s5], $0x80, $0x38;
	[tilespmem:$0x17980] =	vst v63  }
0x96: {  	_ =	swait.ge [sflag:s19], $0x80  }
0x97: {  	[sflag:s19] =	ssyncset.done $0x0  }
0x98: {  	[sflag:s19] =	ssyncadd.s32 $0xFFFFFF80  }
0x99: {  	[spmem:s3] =	stream.indirect.scatter.add.f32 [tilespmem:s21], [sflag:$0x2], $0x80, s23, s20, $0xb8;
	[tilespmem:$0x17980] =	vst v63  }
0x9a: {  	_ =	swait.ge [sflag:s19], $0x4000  }
0x9b: {  	s24 =	sadd.s32 $0x1, s24;
	[sflag:s19] =	ssyncset.done $0x0  }
0x9c: {  	p1 =	sne.s32 s24, s14;
	[sflag:s19] =	ssyncadd.s32 $0xFFFFC000  }
.Ltmp4:
0x9d: {  	s25 =	simm.s32 @!p0 $0x2;
	[bflag:$0x0] =	sbarrier.arrive $0xFFFF;
	(pc) =	sbr.rel @p1 .LBB2_1-.Ltmp4, $4  }
0x9e: {  	[hbm:s13], [sflag:s16] =	dma.local @!p0 [spmem:s17], $0x3E80  }
0x9f: {  	_ =	swait.ge @!p0 [sflag:s25], $0x3E80  }
0xa0: {  	[sflag:s25] =	ssyncset.done @!p0 $0x0  }
0xa1: {  	[sflag:s25] =	ssyncadd.s32 @!p0 $0xFFFFC180  }
0xa2: {  	_ =	sfence.sel $0x180000  }
0xa3: {  	[bflag:$0x0] =	sbarrier.arrive $0xFFFF  }
0xa4: {  	p0 =	sne.s32 s4, $0x0;
	_ =	strace $0x9000004A  }
0xa5: {  	s0 =	sadd.s32 @!p0 $0x100000, s0;
	[bflag:$0x2] =	sbarrier.arrive $0xFFFF  }
0xa6: {  	[sflag:s0] =	ssyncadd.tile.s32 @!p0 $0x1;
	_ =	shalt  }
.Lfunc_end2:
_tile_overlayer_lowered:
.L_overlay_start_2:
0xa7: {  	(tag) =	ssettag $0x2  }
0xa8: {  	s0 =	rddreg [dreg:$0x0];
	s2 =	stileid.u32  }
0xa9: {  	s1 =	rddreg [dreg:$0x1];
	p0 =	sne.s32 s2, $0x0  }
0xaa: {  	s3 =	rddreg [dreg:$0x2];
	[bflag:$0x3] =	sbarrier.arrive $0xFFFF;
	s2 =	simm.s32 @!p0 $0x1C02  }
0xab: {  	[timem:s3], [sflag:s2] =	dma.local @!p0 [hbm:s0], s1  }
0xac: {  	s0 =	simm.s32 @!p0 $0x2  }
0xad: {  	_ =	swait.ge @!p0 [sflag:s0], s1  }
0xae: {  	s1 =	ssub.s32 @!p0 $0x0, s1;
	[sflag:s0] =	ssyncset.done @!p0 $0x0  }
0xaf: {  	[sflag:s0] =	ssyncadd.s32 @!p0 s1  }
0xb0: {  	[bflag:$0x3] =	sbarrier.arrive $0xFFFF  }
0xb1: {  	_ =	shalt  }

// kernel: kernel.16.cloned.1.call-start
scs
__scs_entry_jumppad:
0x0: {  	(pc) =	sbr.rel $0x88, $3  }
0x1: {  	(tag) =	ssettag $0x0;
	lr =	simm.s32 $0x1  }
0x2: {  	[smem:$0x3F88] =	sst lr;
	_ =	strace $0xD0000000  }
0x3: {  	_ = 	snop  }
0x4: {  	_ = 	snop  }
0x5: {  	_ = 	snop  }
0x6: {  	_ = 	snop  }
0x7: {  	_ = 	snop  }
__scs_overlays_trampoline_lowered:
0x8: {  	[smem:$0x3F97] =	sst s0  }
0x9: {  	[smem:$0x3F98] =	sst s1  }
0xa: {  	[smem:$0x3F99] =	sst s2  }
0xb: {  	[smem:$0x3F9A] =	sst s3  }
0xc: {  	[smem:$0x3F9B] =	sst s4  }
0xd: {  	[smem:$0x3F9C] =	sst s5  }
0xe: {  	[smem:$0x3F9D] =	sst s6  }
0xf: {  	[smem:$0x3F9E] =	sst s7  }
0x10: {  	[smem:$0x3F9F] =	sst s8  }
0x11: {  	[smem:$0x3FA0] =	sst s9;
	s0 =	simm.s32 @!p0 $0x0  }
0x12: {  	s1 =	sld [smem:$0x3F86];
	s0 =	simm.s32 @p0 $0x1  }
0x13: {  	[smem:$0x3FA1] =	sst s0;
	s0 =	simm.s32 @!p1 $0x0  }
0x14: {  	s2 =	sld [smem:$0x3F85];
	s0 =	simm.s32 @p1 $0x1  }
0x15: {  	[smem:$0x3FA2] =	sst s0;
	s0 =	simm.s32 @!p2 $0x0  }
0x16: {  	s3 =	sld [smem:$0x3FDB];
	s0 =	simm.s32 @p2 $0x1  }
0x17: {  	s4 =	simm.s32 $0x1BF5;
	[smem:$0x3FA4] =	sst s0  }
0x18: {  	s0 =	sld [smem:$0x3F87];
	_ =	swait.ge [sflag:s4], $0x0  }
0x19: {  	s7 =	sld [smem:$0x3F88]  }
0x1a: {  	s8 =	sadd.s32 $0xFFFFE003, lr  }
0x1b: {  	s9 =	sadd.s32 $0xFFFFFEF7, lr;
	s5 =	simm.s32 $0xFFFFFFFF;
	p2 =	slt.u32 s8, $0xFFFFF086  }
0x1c: {  	p1 =	slt.u32 s9, $0xF7A;
	s5 =	simm.s32 @!p2 $0x0  }
0x1d: {  	s5 =	simm.s32 @p1 $0x1;
	p0 =	seq.s32 s7, s2  }
0x1e: {  	s7 =	smul.u32 @!p0 $0xF7A, s2;
	p2 =	seq.s32 @!p0 s5, $0x0  }
0x1f: {  	s9 =	smul.u32 $0xF7A, s1;
	s8 =	simm.s32 @!p0 $0x1BF5;
	p2 =	por !p2, p0  }
0x20: {  	[sflag:s8] =	ssyncset.s32 @!p0 $0xFFFFF086;
	s6 =	sadd.s32 @!p0 s3, s7;
	s7 =	simm.s32 @!p0 $0x108  }
0x21: {  	s3 =	sadd.s32 s3, s9;
	s6 =	sadd.s32 @!p0 $0x88, s6;
	s7 =	simm.s32 @p2 $0x1082  }
0x22: {  	[simem:s7], [sflag:s8] =	dma.local @!p0 [hbm:s6], $0xF7A  }
0x23: {  	s9 =	sor.u32 $0xD0000000, s2;
	s6 =	simm.s32 $0x108;
	_ =	swait.ge @!p0 [sflag:s8], $0x0  }
0x24: {  	s3 =	sadd.s32 $0x88, s3;
	s6 =	simm.s32 @!p1 $0x1082;
	[sflag:s4] =	ssyncset.s32 $0xFFFFF086  }
0x25: {  	[simem:s6], [sflag:s4] =	dma.local [hbm:s3], $0xF7A  }
0x26: {  	[smem:$0x3F88] =	sst s1;
	(tag) =	ssettag s2;
	_ =	strace s9  }
0x27: {  	s1 =	sld [smem:$0x3F98]  }
0x28: {  	s2 =	sld [smem:$0x3F99]  }
0x29: {  	s4 =	sld [smem:$0x3F9B]  }
0x2a: {  	p0 =	seq.s32 s5, $0x0;
	s5 =	sld [smem:$0x3F9C]  }
0x2b: {  	s6 =	sld [smem:$0x3F9D]  }
0x2c: {  	s7 =	sld [smem:$0x3F9E]  }
0x2d: {  	s3 =	simm.s32 $0x108;
	s8 =	sld [smem:$0x3F9F]  }
0x2e: {  	s3 =	simm.s32 @!p0 $0x1082;
	s9 =	sld [smem:$0x3FA0]  }
0x2f: {  	lr =	sadd.s32 s0, s3;
	s0 =	sld [smem:$0x3F97]  }
0x30: {  	s3 =	sld [smem:$0x3F9A]  }
0x31: {  	[smem:$0x3FA3] =	sst s10  }
0x32: {  	s10 =	sld [smem:$0x3FA1];
	_ =	sdelay $0x3  }
0x33: {  	p0 =	seq.s32 s10, $0x1;
	s10 =	sld [smem:$0x3FA3];
	_ =	sdelay $0x3  }
0x34: {  	[smem:$0x3FA3] =	sst s10  }
0x35: {  	s10 =	sld [smem:$0x3FA2];
	_ =	sdelay $0x3  }
0x36: {  	p1 =	seq.s32 s10, $0x1;
	s10 =	sld [smem:$0x3FA3];
	_ =	sdelay $0x3  }
0x37: {  	[smem:$0x3FA3] =	sst s10  }
0x38: {  	s10 =	sld [smem:$0x3FA4]  }
0x39: {  	_ = 	snop;
	(pc) =	sbr.ind lr, $3  }
0x3a: {  	_ = 	snop  }
0x3b: {  	_ = 	snop  }
0x3c: {  	p2 =	seq.s32 s10, $0x1;
	s10 =	sld [smem:$0x3FA3]  }
0x3d: {  	_ =	shalt  }
0x3e: {  	_ =	shalt  }
0x3f: {  	_ =	shalt  }
0x40: {  	_ =	shalt  }
0x41: {  	_ =	shalt  }
0x42: {  	_ =	shalt  }
0x43: {  	_ =	shalt  }
0x44: {  	_ =	shalt  }
0x45: {  	_ =	shalt  }
0x46: {  	_ =	shalt  }
0x47: {  	_ =	shalt  }
0x48: {  	_ =	shalt  }
0x49: {  	_ =	shalt  }
0x4a: {  	_ =	shalt  }
0x4b: {  	_ =	shalt  }
0x4c: {  	_ =	shalt  }
0x4d: {  	_ =	shalt  }
0x4e: {  	_ =	shalt  }
0x4f: {  	_ =	shalt  }
0x50: {  	_ =	shalt  }
0x51: {  	_ =	shalt  }
0x52: {  	_ =	shalt  }
0x53: {  	_ =	shalt  }
0x54: {  	_ =	shalt  }
0x55: {  	_ =	shalt  }
0x56: {  	_ =	shalt  }
0x57: {  	_ =	shalt  }
0x58: {  	_ =	shalt  }
0x59: {  	_ =	shalt  }
0x5a: {  	_ =	shalt  }
0x5b: {  	_ =	shalt  }
0x5c: {  	_ =	shalt  }
0x5d: {  	_ =	shalt  }
0x5e: {  	_ =	shalt  }
0x5f: {  	_ =	shalt  }
0x60: {  	_ =	shalt  }
0x61: {  	_ =	shalt  }
0x62: {  	_ =	shalt  }
0x63: {  	_ =	shalt  }
0x64: {  	_ =	shalt  }
0x65: {  	_ =	shalt  }
0x66: {  	_ =	shalt  }
0x67: {  	_ =	shalt  }
0x68: {  	_ =	shalt  }
0x69: {  	_ =	shalt  }
0x6a: {  	_ =	shalt  }
0x6b: {  	_ =	shalt  }
0x6c: {  	_ =	shalt  }
0x6d: {  	_ =	shalt  }
0x6e: {  	_ =	shalt  }
0x6f: {  	_ =	shalt  }
0x70: {  	_ =	shalt  }
0x71: {  	_ =	shalt  }
0x72: {  	_ =	shalt  }
0x73: {  	_ =	shalt  }
0x74: {  	_ =	shalt  }
0x75: {  	_ =	shalt  }
0x76: {  	_ =	shalt  }
0x77: {  	_ =	shalt  }
0x78: {  	_ =	shalt  }
0x79: {  	_ =	shalt  }
0x7a: {  	_ =	shalt  }
0x7b: {  	_ =	shalt  }
0x7c: {  	_ =	shalt  }
0x7d: {  	_ =	shalt  }
0x7e: {  	_ =	shalt  }
0x7f: {  	_ =	shalt  }
0x80: {  	_ =	shalt  }
0x81: {  	_ =	shalt  }
0x82: {  	_ =	shalt  }
0x83: {  	_ =	shalt  }
0x84: {  	_ =	shalt  }
0x85: {  	_ =	shalt  }
0x86: {  	_ =	shalt  }
0x87: {  	_ =	shalt  }
.Lfunc_end0:
.L_simem_size_0:
called_computation.2_lowered:
.L_overlay_start_0:
0x88: {  	s2 =	sld [smem:$0x3FD9]  }
0x89: {  	s3 =	sld [smem:$0x3FFE];
	_ =	sdelay $0x1  }
0x8a: {  	s1 =	srdreg.scid  }
0x8b: {  	s0 =	sand.u32 $0x1, s1  }
0x8c: {  	s17 =	sshll.u32 s0, $0xA;
	s2 =	sadd.s32 s3, s2  }
0x8d: {  	s2 =	sadd.s32 s2, s17  }
0x8e: {  	[smem:$0x3FAF] =	sst s2  }
0x8f: {  	_ = 	snop  }
0x90: {  	s2 =	sld [smem:$0x3FC8]  }
0x91: {  	s18 =	sld [smem:$0x3FC7];
	(tm) =	ssettm $0x1  }
0x92: {  	s4 =	sld [smem:$0x3FFB];
	_ =	sdelay $0x3  }
0x93: {  	_ =	strace s4  }
0x94: {  	s4 =	sld [smem:$0x3FFC];
	_ =	sdelay $0x3  }
0x95: {  	_ =	strace s4  }
0x96: {  	s4 =	sld [smem:$0x3FFD];
	_ =	sdelay $0x3  }
0x97: {  	_ =	strace s4  }
0x98: {  	_ =	strace $0x8FFFFFFF  }
0x99: {  	s19 =	sld [smem:$0x3FDB];
	_ =	sdelay $0x1  }
0x9a: {  	s5 =	simm.s32 $_scs_section_size  }
0x9b: {  	s6 =	simm.s32 $_size__tile_overlayer_lowered;
	s7 =	simm.s32 $_tile_overlayer_lowered  }
0x9c: {  	s22 =	simm.s32 $0x1BFF;
	s21 =	sshll.u32 s7, $0x1;
	s4 =	sadd.s32 s5, s19  }
0x9d: {  	s8 =	simm.s32 $0x0;
	s20 =	sshll.u32 s6, $0x1;
	s6 =	sadd.s32 s21, s4  }
0x9e: {  	[timem:s8], [sflag:s22] =	dma.local [hbm:s6], s20  }
0x9f: {  	_ =	swait.ge [sflag:s22], s20  }
0xa0: {  	s5 =	ssub.s32 $0x0, s20;
	[sflag:s22] =	ssyncset.done $0x0  }
0xa1: {  	[sflag:s22] =	ssyncadd.s32 s5;
	_ =	sdelay $0x1  }
0xa2: {  	s23 =	simm.s32 $0x1B8B  }
0xa3: {  	_ =	swait.ge [sflag:s23], $0x1  }
0xa4: {  	[sflag:s23] =	ssyncset.done $0x0  }
0xa5: {  	s25 =	simm.s32 $0x1B8E;
	s24 =	sld [smem:$0x3FFE];
	[sflag:s23] =	ssyncadd.s32 $0xFFFFFFFF  }
0xa6: {  	s26 =	simm.s32 $execute0_lowered;
	[smem:$0x3FD2] =	sst s25  }
0xa7: {  	s6 =	sshll.u32 s26, $0x1;
	_ =	strace $0x8000004C;
	[dreg:$0x1] =	wrdreg $0xFFFFFFFF  }
0xa8: {  	s28 =	simm.s32 $_size_execute0_lowered;
	s4 =	sadd.s32 s4, s6;
	[dreg:$0x0] =	wrdreg $0x0  }
0xa9: {  	s6 =	sshll.u32 s28, $0x1;
	[dreg:$0x2] =	wrdreg s4  }
0xaa: {  	[dreg:$0x3] =	wrdreg s6  }
0xab: {  	[dreg:$0x4] =	wrdreg $0xC0  }
0xac: {  	_ =	task [dreg:s8], $0x5FFFF  }
0xad: {  	[dreg:$0x1] =	wrdreg $0xFFFFFFFF  }
0xae: {  	[dreg:$0x0] =	wrdreg $0x60  }
0xaf: {  	[dreg:$0x2] =	wrdreg s24  }
0xb0: {  	[dreg:$0x3] =	wrdreg s2  }
0xb1: {  	[dreg:$0x4] =	wrdreg s18  }
0xb2: {  	[dreg:$0x5] =	wrdreg $0x0  }
0xb3: {  	[dreg:$0x6] =	wrdreg $0x9  }
0xb4: {  	_ =	task.clear_ibuf [dreg:s8], $0x7FFFF;
	_ =	strace $0x9000004C  }
0xb5: {  	s29 =	simm.s32 $0x9;
	_ =	strace $0x8000004E  }
0xb6: {  	_ =	swait.ge [sflag:s29], $0x1  }
0xb7: {  	[sflag:s29] =	ssyncadd.s32 $0xFFFFFFFF  }
0xb8: {  	_ =	strace $0x9000004E  }
0xb9: {  	_ =	sfence  }
0xba: {  	s30 =	sld [smem:$0x0];
	_ =	sdelay $0x2  }
0xbb: {  	s31 =	sshll.u32 s1, $0xD;
	s1 =	sshrl.u32 s1, $0x2  }
0xbc: {  	s3 =	sand.u32 $0x4000, s31;
	s1 =	sadd.s32 s1, s30  }
0xbd: {  	s0 =	sor.u32 s3, s0;
	s1 =	sshll.u32 s1, $0x11  }
0xbe: {  	s0 =	sor.u32 s1, s0  }
0xbf: {  	s0 =	sadd.s32 $0x8F2B, s0  }
0xc0: {  	[sflag:s0] =	ssyncadd.remote.s32 $0x1  }
0xc1: {  	_ =	sfence.sel $0xFFFF  }
0xc2: {  	[dreg:$0x0] =	wrdreg $0xFFFFFFFF;
	(pc) =	sbr.abs _section_cstart, $3  }
0xc3: {  	[dreg:$0x1] =	wrdreg $0xFFFFFFFF  }
0xc4: {  	_ =	task.clear_ibuf [dreg:s8], $0x2FFFF;
	_ =	strace $0x9FFFFFFF  }
0xc5: {  	(tm) =	ssettm $0x7FFFFFFF  }
tec
execute0_lowered:
.L_overlay_start_1:
0x0: {  	(tag) =	ssettag $0x1  }
0x1: {  	s8 =	rddreg [dreg:$0x0]  }
0x2: {  	s1 =	rddreg [dreg:$0x1]  }
0x3: {  	s2 =	rddreg [dreg:$0x2]  }
0x4: {  	s3 =	rddreg [dreg:$0x3];
	s4 =	srdreg.scid  }
0x5: {  	s0 =	rddreg [dreg:$0x4];
	s5 =	simm.s32 $0x0;
	s18 =	simm.s32 $0x13880  }
0x6: {  	s19 =	simm.s32 $0x2;
	s20 =	simm.s32 $0x80;
	s21 =	simm.s32 $0x13980  }
0x7: {  	s23 =	simm.s32 $0x13900;
	s9 =	sand.u32 $0x1, s4;
	s4 =	stileid.u32  }
0x8: {  	s24 =	simm.s32 $0x0;
	[smem:$0x7FF] =	sst s5;
	s22 =	smul.u32 $0x2710, s9  }
0x9: {  	s6 =	sadd.s32 $0x2D400, s8;
	s7 =	sadd.s32 $0x165C00, s8;
	s10 =	smul.u32 $0x3E8, s4  }
0xa: {  	_ =	strace $0x8000004D;
	s11 =	smul.u32 $0x3E80, s4;
	s9 =	ssub.s32 $0x2, s9  }
0xb: {  	s12 =	smul.u32 $0x7D000, s4;
	p0 =	slt.u32 s4, $0x4;
	s15 =	sshll.u32 s4, $0x5  }
0xc: {  	s31 =	sshrl.u32 s9, $0x1;
	s10 =	sadd.s32 s10, s22;
	s11 =	sadd.s32 s11, s8  }
0xd: {  	s12 =	sshrl.u32 s12, $0x2;
	s14 =	ssub.s32 s9, s31;
	v0 =	vmov s22;
	s22 =	simm.s32 $0x1  }
0xe: {  	s10 =	sshll.u32 s10, $0x4;
	s17 =	sadd.s32 s12, s3;
	s9 =	sadd.s32 $0x6200, s11  }
0xf: {  	s12 =	sadd.s32 $0x10, s2;
	s13 =	sadd.s32 s10, s8;
	s8 =	simm.s32 $0x9D  }
0x10: {  	s14 =	smax.u32 s14, $0x1;
	s8 =	simm.s32 @!p0 $0x9C;
	p0 =	sgt.u32 s4, $0x9  }
0x11: {  	s10 =	sadd.s32 $0x10, s1;
	s11 =	sadd.s32 $0x7B600, s13;
	s16 =	sshll.u32 @!p0 s4, $0x6  }
0x12: {  	s13 =	sadd.s32 $0xC9800, s13;
	s17 =	sshrl.u32 @!p0 s17, $0x3;
	s16 =	sor.u32 @!p0 $0x1C02, s16  }
.LBB2_1:
0x13: {  	[spmem:s17], [sflag:s16] =	dma.local @!p0 [hbm:s9], $0x3E80  }
0x14: {  	s25 =	simm.s32 @!p0 $0x2  }
0x15: {  	_ =	swait.ge @!p0 [sflag:s25], $0x3E80  }
0x16: {  	[sflag:s25] =	ssyncset.done @!p0 $0x0  }
0x17: {  	[sflag:s25] =	ssyncadd.s32 @!p0 $0xFFFFC180  }
0x18: {  	s26 =	sadd.s32 s15, s1;
	[bflag:$0x0] =	sbarrier.arrive $0xFFFF  }
0x19: {  	[tilespmem:s18], [sflag:$0x2] =	stream.linear.gather [hbm4b:s26+s5], $0x80, $0x38;
	[tilespmem:$0x17980] =	vst v63  }
0x1a: {  	_ =	swait.ge [sflag:s19], $0x80  }
0x1b: {  	[sflag:s19] =	ssyncset.done $0x0  }
0x1c: {  	[sflag:s19] =	ssyncadd.s32 $0xFFFFFF80  }
0x1d: {  	v1 =	vld [tilespmem:$0x138F0]  }
0x1e: {  	v2 =	vld [tilespmem:$0x138B0]  }
0x1f: {  	v3 =	vld [tilespmem:$0x138D0]  }
0x20: {  	v5 =	vld [tilespmem:$0x138A0]  }
0x21: {  	v4 =	vld [tilespmem:$0x138E0]  }
0x22: {  	v6 =	vld [tilespmem:$0x13890];
	v1 =	vadd.s32 v0, v1  }
0x23: {  	v7 =	vld [tilespmem:$0x138C0];
	v2 =	vadd.s32 v0, v2;
	[tilespmem:$0x138F0] =	vst v1  }
0x24: {  	v1 =	vld [tilespmem:$0x13880];
	[tilespmem:$0x138B0] =	vst v2;
	v2 =	vadd.s32 v0, v3  }
0x25: {  	v3 =	vadd.s32 v0, v5;
	[tilespmem:$0x138D0] =	vst v2  }
0x26: {  	v2 =	vadd.s32 v0, v4;
	[tilespmem:$0x138A0] =	vst v3  }
0x27: {  	[tilespmem:$0x138E0] =	vst v2;
	v2 =	vadd.s32 v0, v6  }
0x28: {  	[tilespmem:$0x13890] =	vst v2;
	v2 =	vadd.s32 v0, v7  }
0x29: {  	p1 =	sne.s32 s8, $0x1;
	[tilespmem:$0x138C0] =	vst v2;
	v1 =	vadd.s32 v0, v1  }
.Ltmp0:
0x2a: {  	[tilespmem:$0x13880] =	vst v1;
	(pc) =	sbr.rel @!p1 .LBB2_3-.Ltmp0, $4  }
0x2b: {  	[tilespmem:s21], [sflag:$0x1] =	stream.indirect.gather [hbm4b:s6+s20], $0x80, s18, s20, $0xb8;
	[tilespmem:$0x17980] =	vst v63  }
0x2c: {  	_ =	swait.ge [sflag:s22], $0x4000  }
0x2d: {  	s29 =	sadd.s32 s15, s10;
	[sflag:s22] =	ssyncset.done $0x0  }
0x2e: {  	s28 =	sadd.s32 $0x200, s15;
	s26 =	sadd.s32 $0xFFFFFFFF, s8;
	[sflag:s22] =	ssyncadd.s32 $0xFFFFC000  }
.LBB2_2:
0x2f: {  	[tilespmem:s23], [sflag:$0x2] =	stream.linear.gather [hbm4b:s29+s5], $0x80, $0x38;
	[tilespmem:$0x17980] =	vst v63  }
0x30: {  	p2 =	sne.s32 s26, $0x1;
	s26 =	sadd.s32 $0xFFFFFFFF, s26;
	_ =	swait.ge [sflag:s19], $0x80  }
0x31: {  	[sflag:s19] =	ssyncset.done $0x0  }
0x32: {  	[sflag:s19] =	ssyncadd.s32 $0xFFFFFF80  }
0x33: {  	[spmem:s3] =	stream.indirect.scatter.add.f32 [tilespmem:s21], [sflag:$0x2], $0x80, s23, s20, $0xb8;
	[tilespmem:$0x17980] =	vst v63  }
0x34: {  	_ =	swait.ge [sflag:s19], $0x4000  }
0x35: {  	[sflag:s19] =	ssyncset.done $0x0  }
0x36: {  	s29 =	sadd.s32 s28, s1;
	[sflag:s19] =	ssyncadd.s32 $0xFFFFC000  }
0x37: {  	[tilespmem:s18], [sflag:$0x2] =	stream.linear.gather [hbm4b:s29+s5], $0x80, $0x38;
	[tilespmem:$0x17980] =	vst v63  }
0x38: {  	_ =	swait.ge [sflag:s19], $0x80  }
0x39: {  	[sflag:s19] =	ssyncset.done $0x0  }
0x3a: {  	[sflag:s19] =	ssyncadd.s32 $0xFFFFFF80  }
0x3b: {  	v1 =	vld [tilespmem:$0x138F0]  }
0x3c: {  	v2 =	vld [tilespmem:$0x138B0]  }
0x3d: {  	v3 =	vld [tilespmem:$0x138D0]  }
0x3e: {  	v4 =	vld [tilespmem:$0x138E0]  }
0x3f: {  	v5 =	vld [tilespmem:$0x138A0]  }
0x40: {  	v6 =	vld [tilespmem:$0x13890];
	v1 =	vadd.s32 v0, v1  }
0x41: {  	v2 =	vadd.s32 v0, v2;
	v7 =	vld [tilespmem:$0x138C0];
	[tilespmem:$0x138F0] =	vst v1  }
0x42: {  	v1 =	vld [tilespmem:$0x13880];
	[tilespmem:$0x138B0] =	vst v2;
	v2 =	vadd.s32 v0, v3  }
0x43: {  	[tilespmem:$0x138D0] =	vst v2;
	v2 =	vadd.s32 v0, v4  }
0x44: {  	v3 =	vadd.s32 v0, v5;
	[tilespmem:$0x138E0] =	vst v2  }
0x45: {  	v2 =	vadd.s32 v0, v6;
	[tilespmem:$0x138A0] =	vst v3  }
0x46: {  	[tilespmem:$0x13890] =	vst v2;
	v2 =	vadd.s32 v0, v7  }
0x47: {  	v1 =	vadd.s32 v0, v1;
	[tilespmem:$0x138C0] =	vst v2  }
.Ltmp1:
0x48: {  	[tilespmem:$0x13880] =	vst v1;
	(pc) =	sbr.rel @p2 .LBB2_2-.Ltmp1, $4  }
0x49: {  	[tilespmem:s21], [sflag:$0x1] =	stream.indirect.gather [hbm4b:s6+s20], $0x80, s18, s20, $0xb8;
	[tilespmem:$0x17980] =	vst v63  }
0x4a: {  	_ =	swait.ge [sflag:s22], $0x4000  }
0x4b: {  	[sflag:s22] =	ssyncset.done $0x0  }
0x4c: {  	s29 =	sadd.s32 s28, s10;
	s28 =	sadd.s32 $0x200, s28;
	[sflag:s22] =	ssyncadd.s32 $0xFFFFC000  }
.LBB2_3:
0x4d: {  	[tilespmem:s23], [sflag:$0x2] =	stream.linear.gather [hbm4b:s29+s5], $0x80, $0x38;
	[tilespmem:$0x17980] =	vst v63  }
0x4e: {  	_ =	swait.ge [sflag:s19], $0x80  }
0x4f: {  	[sflag:s19] =	ssyncset.done $0x0  }
0x50: {  	[sflag:s19] =	ssyncadd.s32 $0xFFFFFF80  }
0x51: {  	[spmem:s3] =	stream.indirect.scatter.add.f32 [tilespmem:s21], [sflag:$0x2], $0x80, s23, s20, $0xb8;
	[tilespmem:$0x17980] =	vst v63  }
0x52: {  	_ =	swait.ge [sflag:s19], $0x4000  }
0x53: {  	[sflag:s19] =	ssyncset.done $0x0  }
0x54: {  	[sflag:s19] =	ssyncadd.s32 $0xFFFFC000  }
0x55: {  	[bflag:$0x0] =	sbarrier.arrive $0xFFFF  }
0x56: {  	[bflag:$0x0] =	sbarrier.arrive @p0 $0xFFFF  }
0x57: {  	[hbm:s11], [sflag:s16] =	dma.local @!p0 [spmem:s17], $0x3E80  }
0x58: {  	_ =	swait.ge @!p0 [sflag:s25], $0x3E80  }
0x59: {  	[sflag:s25] =	ssyncset.done @!p0 $0x0  }
0x5a: {  	[sflag:s25] =	ssyncadd.s32 @!p0 $0xFFFFC180  }
0x5b: {  	[bflag:$0x0] =	sbarrier.arrive @!p0 $0xFFFF  }
0x5c: {  	[spmem:s17], [sflag:s16] =	dma.local @!p0 [hbm:s9], $0x3E80  }
0x5d: {  	_ =	swait.ge @!p0 [sflag:s25], $0x3E80  }
0x5e: {  	[sflag:s25] =	ssyncset.done @!p0 $0x0  }
0x5f: {  	[sflag:s25] =	ssyncadd.s32 @!p0 $0xFFFFC180  }
0x60: {  	s31 =	sadd.s32 s15, s2;
	[bflag:$0x0] =	sbarrier.arrive $0xFFFF  }
0x61: {  	[tilespmem:s18], [sflag:$0x2] =	stream.linear.gather [hbm4b:s31+s5], $0x80, $0x38;
	[tilespmem:$0x17980] =	vst v63  }
0x62: {  	_ =	swait.ge [sflag:s19], $0x80  }
0x63: {  	[sflag:s19] =	ssyncset.done $0x0  }
0x64: {  	[sflag:s19] =	ssyncadd.s32 $0xFFFFFF80  }
0x65: {  	v1 =	vld [tilespmem:$0x138F0]  }
0x66: {  	v2 =	vld [tilespmem:$0x138B0]  }
0x67: {  	v3 =	vld [tilespmem:$0x138D0]  }
0x68: {  	v5 =	vld [tilespmem:$0x138A0]  }
0x69: {  	v4 =	vld [tilespmem:$0x138E0]  }
0x6a: {  	v6 =	vld [tilespmem:$0x13890];
	v1 =	vadd.s32 v0, v1  }
0x6b: {  	v7 =	vld [tilespmem:$0x138C0];
	v2 =	vadd.s32 v0, v2;
	[tilespmem:$0x138F0] =	vst v1  }
0x6c: {  	v1 =	vld [tilespmem:$0x13880];
	[tilespmem:$0x138B0] =	vst v2;
	v2 =	vadd.s32 v0, v3  }
0x6d: {  	v3 =	vadd.s32 v0, v5;
	[tilespmem:$0x138D0] =	vst v2  }
0x6e: {  	v2 =	vadd.s32 v0, v4;
	[tilespmem:$0x138A0] =	vst v3  }
0x6f: {  	[tilespmem:$0x138E0] =	vst v2;
	v2 =	vadd.s32 v0, v6  }
0x70: {  	[tilespmem:$0x13890] =	vst v2;
	v2 =	vadd.s32 v0, v7  }
0x71: {  	[tilespmem:$0x138C0] =	vst v2;
	v1 =	vadd.s32 v0, v1  }
.Ltmp2:
0x72: {  	[tilespmem:$0x13880] =	vst v1;
	(pc) =	sbr.rel @!p1 .LBB2_5-.Ltmp2, $4  }
0x73: {  	[tilespmem:s21], [sflag:$0x1] =	stream.indirect.gather [hbm4b:s7+s20], $0x80, s18, s20, $0xb8;
	[tilespmem:$0x17980] =	vst v63  }
0x74: {  	_ =	swait.ge [sflag:s22], $0x4000  }
0x75: {  	s28 =	sadd.s32 s15, s12;
	[sflag:s22] =	ssyncset.done $0x0  }
0x76: {  	s26 =	sadd.s32 $0x200, s15;
	s25 =	sadd.s32 $0xFFFFFFFF, s8;
	[sflag:s22] =	ssyncadd.s32 $0xFFFFC000  }
.LBB2_4:
0x77: {  	[tilespmem:s23], [sflag:$0x2] =	stream.linear.gather [hbm4b:s28+s5], $0x80, $0x38;
	[tilespmem:$0x17980] =	vst v63  }
0x78: {  	p1 =	sne.s32 s25, $0x1;
	s25 =	sadd.s32 $0xFFFFFFFF, s25;
	_ =	swait.ge [sflag:s19], $0x80  }
0x79: {  	[sflag:s19] =	ssyncset.done $0x0  }
0x7a: {  	[sflag:s19] =	ssyncadd.s32 $0xFFFFFF80  }
0x7b: {  	[spmem:s3] =	stream.indirect.scatter.add.f32 [tilespmem:s21], [sflag:$0x2], $0x80, s23, s20, $0xb8;
	[tilespmem:$0x17980] =	vst v63  }
0x7c: {  	_ =	swait.ge [sflag:s19], $0x4000  }
0x7d: {  	[sflag:s19] =	ssyncset.done $0x0  }
0x7e: {  	s28 =	sadd.s32 s26, s2;
	[sflag:s19] =	ssyncadd.s32 $0xFFFFC000  }
0x7f: {  	[tilespmem:s18], [sflag:$0x2] =	stream.linear.gather [hbm4b:s28+s5], $0x80, $0x38;
	[tilespmem:$0x17980] =	vst v63  }
0x80: {  	_ =	swait.ge [sflag:s19], $0x80  }
0x81: {  	[sflag:s19] =	ssyncset.done $0x0  }
0x82: {  	[sflag:s19] =	ssyncadd.s32 $0xFFFFFF80  }
0x83: {  	v1 =	vld [tilespmem:$0x138F0]  }
0x84: {  	v2 =	vld [tilespmem:$0x138B0]  }
0x85: {  	v3 =	vld [tilespmem:$0x138D0]  }
0x86: {  	v4 =	vld [tilespmem:$0x138E0]  }
0x87: {  	v5 =	vld [tilespmem:$0x138A0]  }
0x88: {  	v6 =	vld [tilespmem:$0x13890];
	v1 =	vadd.s32 v0, v1  }
0x89: {  	v2 =	vadd.s32 v0, v2;
	v7 =	vld [tilespmem:$0x138C0];
	[tilespmem:$0x138F0] =	vst v1  }
0x8a: {  	v1 =	vld [tilespmem:$0x13880];
	[tilespmem:$0x138B0] =	vst v2;
	v2 =	vadd.s32 v0, v3  }
0x8b: {  	[tilespmem:$0x138D0] =	vst v2;
	v2 =	vadd.s32 v0, v4  }
0x8c: {  	v3 =	vadd.s32 v0, v5;
	[tilespmem:$0x138E0] =	vst v2  }
0x8d: {  	v2 =	vadd.s32 v0, v6;
	[tilespmem:$0x138A0] =	vst v3  }
0x8e: {  	[tilespmem:$0x13890] =	vst v2;
	v2 =	vadd.s32 v0, v7  }
0x8f: {  	v1 =	vadd.s32 v0, v1;
	[tilespmem:$0x138C0] =	vst v2  }
.Ltmp3:
0x90: {  	[tilespmem:$0x13880] =	vst v1;
	(pc) =	sbr.rel @p1 .LBB2_4-.Ltmp3, $4  }
0x91: {  	[tilespmem:s21], [sflag:$0x1] =	stream.indirect.gather [hbm4b:s7+s20], $0x80, s18, s20, $0xb8;
	[tilespmem:$0x17980] =	vst v63  }
0x92: {  	_ =	swait.ge [sflag:s22], $0x4000  }
0x93: {  	[sflag:s22] =	ssyncset.done $0x0  }
0x94: {  	s28 =	sadd.s32 s26, s12;
	s26 =	sadd.s32 $0x200, s26;
	[sflag:s22] =	ssyncadd.s32 $0xFFFFC000  }
.LBB2_5:
0x95: {  	[tilespmem:s23], [sflag:$0x2] =	stream.linear.gather [hbm4b:s28+s5], $0x80, $0x38;
	[tilespmem:$0x17980] =	vst v63  }
0x96: {  	_ =	swait.ge [sflag:s19], $0x80  }
0x97: {  	[sflag:s19] =	ssyncset.done $0x0  }
0x98: {  	[sflag:s19] =	ssyncadd.s32 $0xFFFFFF80  }
0x99: {  	[spmem:s3] =	stream.indirect.scatter.add.f32 [tilespmem:s21], [sflag:$0x2], $0x80, s23, s20, $0xb8;
	[tilespmem:$0x17980] =	vst v63  }
0x9a: {  	_ =	swait.ge [sflag:s19], $0x4000  }
0x9b: {  	s24 =	sadd.s32 $0x1, s24;
	[sflag:s19] =	ssyncset.done $0x0  }
0x9c: {  	p1 =	sne.s32 s24, s14;
	[sflag:s19] =	ssyncadd.s32 $0xFFFFC000  }
.Ltmp4:
0x9d: {  	s25 =	simm.s32 @!p0 $0x2;
	[bflag:$0x0] =	sbarrier.arrive $0xFFFF;
	(pc) =	sbr.rel @p1 .LBB2_1-.Ltmp4, $4  }
0x9e: {  	[hbm:s13], [sflag:s16] =	dma.local @!p0 [spmem:s17], $0x3E80  }
0x9f: {  	_ =	swait.ge @!p0 [sflag:s25], $0x3E80  }
0xa0: {  	[sflag:s25] =	ssyncset.done @!p0 $0x0  }
0xa1: {  	[sflag:s25] =	ssyncadd.s32 @!p0 $0xFFFFC180  }
0xa2: {  	_ =	sfence.sel $0x180000  }
0xa3: {  	[bflag:$0x0] =	sbarrier.arrive $0xFFFF  }
0xa4: {  	p0 =	sne.s32 s4, $0x0;
	_ =	strace $0x9000004D  }
0xa5: {  	s0 =	sadd.s32 @!p0 $0x100000, s0;
	[bflag:$0x2] =	sbarrier.arrive $0xFFFF  }
0xa6: {  	[sflag:s0] =	ssyncadd.tile.s32 @!p0 $0x1;
	_ =	shalt  }
.Lfunc_end2:
_tile_overlayer_lowered:
.L_overlay_start_2:
0xa7: {  	(tag) =	ssettag $0x2  }
0xa8: {  	s0 =	rddreg [dreg:$0x0];
	s2 =	stileid.u32  }
0xa9: {  	s1 =	rddreg [dreg:$0x1];
	p0 =	sne.s32 s2, $0x0  }
0xaa: {  	s3 =	rddreg [dreg:$0x2];
	[bflag:$0x3] =	sbarrier.arrive $0xFFFF;
	s2 =	simm.s32 @!p0 $0x1C02  }
0xab: {  	[timem:s3], [sflag:s2] =	dma.local @!p0 [hbm:s0], s1  }
0xac: {  	s0 =	simm.s32 @!p0 $0x2  }
0xad: {  	_ =	swait.ge @!p0 [sflag:s0], s1  }
0xae: {  	s1 =	ssub.s32 @!p0 $0x0, s1;
	[sflag:s0] =	ssyncset.done @!p0 $0x0  }
0xaf: {  	[sflag:s0] =	ssyncadd.s32 @!p0 s1  }
0xb0: {  	[bflag:$0x3] =	sbarrier.arrive $0xFFFF  }
0xb1: {  	_ =	shalt  }

// kernel: kernel.19.cloned.1.call-start
scs
__scs_entry_jumppad:
0x0: {  	(pc) =	sbr.rel $0x88, $3  }
0x1: {  	(tag) =	ssettag $0x0;
	lr =	simm.s32 $0x1  }
0x2: {  	[smem:$0x3F88] =	sst lr;
	_ =	strace $0xD0000000  }
0x3: {  	_ = 	snop  }
0x4: {  	_ = 	snop  }
0x5: {  	_ = 	snop  }
0x6: {  	_ = 	snop  }
0x7: {  	_ = 	snop  }
__scs_overlays_trampoline_lowered:
0x8: {  	[smem:$0x3F97] =	sst s0  }
0x9: {  	[smem:$0x3F98] =	sst s1  }
0xa: {  	[smem:$0x3F99] =	sst s2  }
0xb: {  	[smem:$0x3F9A] =	sst s3  }
0xc: {  	[smem:$0x3F9B] =	sst s4  }
0xd: {  	[smem:$0x3F9C] =	sst s5  }
0xe: {  	[smem:$0x3F9D] =	sst s6  }
0xf: {  	[smem:$0x3F9E] =	sst s7  }
0x10: {  	[smem:$0x3F9F] =	sst s8  }
0x11: {  	[smem:$0x3FA0] =	sst s9;
	s0 =	simm.s32 @!p0 $0x0  }
0x12: {  	s1 =	sld [smem:$0x3F86];
	s0 =	simm.s32 @p0 $0x1  }
0x13: {  	[smem:$0x3FA1] =	sst s0;
	s0 =	simm.s32 @!p1 $0x0  }
0x14: {  	s2 =	sld [smem:$0x3F85];
	s0 =	simm.s32 @p1 $0x1  }
0x15: {  	[smem:$0x3FA2] =	sst s0;
	s0 =	simm.s32 @!p2 $0x0  }
0x16: {  	s3 =	sld [smem:$0x3FDB];
	s0 =	simm.s32 @p2 $0x1  }
0x17: {  	s4 =	simm.s32 $0x1BF5;
	[smem:$0x3FA4] =	sst s0  }
0x18: {  	s0 =	sld [smem:$0x3F87];
	_ =	swait.ge [sflag:s4], $0x0  }
0x19: {  	s7 =	sld [smem:$0x3F88]  }
0x1a: {  	s8 =	sadd.s32 $0xFFFFE003, lr  }
0x1b: {  	s9 =	sadd.s32 $0xFFFFFEF7, lr;
	s5 =	simm.s32 $0xFFFFFFFF;
	p2 =	slt.u32 s8, $0xFFFFF086  }
0x1c: {  	p1 =	slt.u32 s9, $0xF7A;
	s5 =	simm.s32 @!p2 $0x0  }
0x1d: {  	s5 =	simm.s32 @p1 $0x1;
	p0 =	seq.s32 s7, s2  }
0x1e: {  	s7 =	smul.u32 @!p0 $0xF7A, s2;
	p2 =	seq.s32 @!p0 s5, $0x0  }
0x1f: {  	s9 =	smul.u32 $0xF7A, s1;
	s8 =	simm.s32 @!p0 $0x1BF5;
	p2 =	por !p2, p0  }
0x20: {  	[sflag:s8] =	ssyncset.s32 @!p0 $0xFFFFF086;
	s6 =	sadd.s32 @!p0 s3, s7;
	s7 =	simm.s32 @!p0 $0x108  }
0x21: {  	s3 =	sadd.s32 s3, s9;
	s6 =	sadd.s32 @!p0 $0x88, s6;
	s7 =	simm.s32 @p2 $0x1082  }
0x22: {  	[simem:s7], [sflag:s8] =	dma.local @!p0 [hbm:s6], $0xF7A  }
0x23: {  	s9 =	sor.u32 $0xD0000000, s2;
	s6 =	simm.s32 $0x108;
	_ =	swait.ge @!p0 [sflag:s8], $0x0  }
0x24: {  	s3 =	sadd.s32 $0x88, s3;
	s6 =	simm.s32 @!p1 $0x1082;
	[sflag:s4] =	ssyncset.s32 $0xFFFFF086  }
0x25: {  	[simem:s6], [sflag:s4] =	dma.local [hbm:s3], $0xF7A  }
0x26: {  	[smem:$0x3F88] =	sst s1;
	(tag) =	ssettag s2;
	_ =	strace s9  }
0x27: {  	s1 =	sld [smem:$0x3F98]  }
0x28: {  	s2 =	sld [smem:$0x3F99]  }
0x29: {  	s4 =	sld [smem:$0x3F9B]  }
0x2a: {  	p0 =	seq.s32 s5, $0x0;
	s5 =	sld [smem:$0x3F9C]  }
0x2b: {  	s6 =	sld [smem:$0x3F9D]  }
0x2c: {  	s7 =	sld [smem:$0x3F9E]  }
0x2d: {  	s3 =	simm.s32 $0x108;
	s8 =	sld [smem:$0x3F9F]  }
0x2e: {  	s3 =	simm.s32 @!p0 $0x1082;
	s9 =	sld [smem:$0x3FA0]  }
0x2f: {  	lr =	sadd.s32 s0, s3;
	s0 =	sld [smem:$0x3F97]  }
0x30: {  	s3 =	sld [smem:$0x3F9A]  }
0x31: {  	[smem:$0x3FA3] =	sst s10  }
0x32: {  	s10 =	sld [smem:$0x3FA1];
	_ =	sdelay $0x3  }
0x33: {  	p0 =	seq.s32 s10, $0x1;
	s10 =	sld [smem:$0x3FA3];
	_ =	sdelay $0x3  }
0x34: {  	[smem:$0x3FA3] =	sst s10  }
0x35: {  	s10 =	sld [smem:$0x3FA2];
	_ =	sdelay $0x3  }
0x36: {  	p1 =	seq.s32 s10, $0x1;
	s10 =	sld [smem:$0x3FA3];
	_ =	sdelay $0x3  }
0x37: {  	[smem:$0x3FA3] =	sst s10  }
0x38: {  	s10 =	sld [smem:$0x3FA4]  }
0x39: {  	_ = 	snop;
	(pc) =	sbr.ind lr, $3  }
0x3a: {  	_ = 	snop  }
0x3b: {  	_ = 	snop  }
0x3c: {  	p2 =	seq.s32 s10, $0x1;
	s10 =	sld [smem:$0x3FA3]  }
0x3d: {  	_ =	shalt  }
0x3e: {  	_ =	shalt  }
0x3f: {  	_ =	shalt  }
0x40: {  	_ =	shalt  }
0x41: {  	_ =	shalt  }
0x42: {  	_ =	shalt  }
0x43: {  	_ =	shalt  }
0x44: {  	_ =	shalt  }
0x45: {  	_ =	shalt  }
0x46: {  	_ =	shalt  }
0x47: {  	_ =	shalt  }
0x48: {  	_ =	shalt  }
0x49: {  	_ =	shalt  }
0x4a: {  	_ =	shalt  }
0x4b: {  	_ =	shalt  }
0x4c: {  	_ =	shalt  }
0x4d: {  	_ =	shalt  }
0x4e: {  	_ =	shalt  }
0x4f: {  	_ =	shalt  }
0x50: {  	_ =	shalt  }
0x51: {  	_ =	shalt  }
0x52: {  	_ =	shalt  }
0x53: {  	_ =	shalt  }
0x54: {  	_ =	shalt  }
0x55: {  	_ =	shalt  }
0x56: {  	_ =	shalt  }
0x57: {  	_ =	shalt  }
0x58: {  	_ =	shalt  }
0x59: {  	_ =	shalt  }
0x5a: {  	_ =	shalt  }
0x5b: {  	_ =	shalt  }
0x5c: {  	_ =	shalt  }
0x5d: {  	_ =	shalt  }
0x5e: {  	_ =	shalt  }
0x5f: {  	_ =	shalt  }
0x60: {  	_ =	shalt  }
0x61: {  	_ =	shalt  }
0x62: {  	_ =	shalt  }
0x63: {  	_ =	shalt  }
0x64: {  	_ =	shalt  }
0x65: {  	_ =	shalt  }
0x66: {  	_ =	shalt  }
0x67: {  	_ =	shalt  }
0x68: {  	_ =	shalt  }
0x69: {  	_ =	shalt  }
0x6a: {  	_ =	shalt  }
0x6b: {  	_ =	shalt  }
0x6c: {  	_ =	shalt  }
0x6d: {  	_ =	shalt  }
0x6e: {  	_ =	shalt  }
0x6f: {  	_ =	shalt  }
0x70: {  	_ =	shalt  }
0x71: {  	_ =	shalt  }
0x72: {  	_ =	shalt  }
0x73: {  	_ =	shalt  }
0x74: {  	_ =	shalt  }
0x75: {  	_ =	shalt  }
0x76: {  	_ =	shalt  }
0x77: {  	_ =	shalt  }
0x78: {  	_ =	shalt  }
0x79: {  	_ =	shalt  }
0x7a: {  	_ =	shalt  }
0x7b: {  	_ =	shalt  }
0x7c: {  	_ =	shalt  }
0x7d: {  	_ =	shalt  }
0x7e: {  	_ =	shalt  }
0x7f: {  	_ =	shalt  }
0x80: {  	_ =	shalt  }
0x81: {  	_ =	shalt  }
0x82: {  	_ =	shalt  }
0x83: {  	_ =	shalt  }
0x84: {  	_ =	shalt  }
0x85: {  	_ =	shalt  }
0x86: {  	_ =	shalt  }
0x87: {  	_ =	shalt  }
.Lfunc_end0:
.L_simem_size_0:
called_computation.3_lowered:
.L_overlay_start_0:
0x88: {  	s2 =	sld [smem:$0x3FD9]  }
0x89: {  	s3 =	sld [smem:$0x3FFE];
	_ =	sdelay $0x1  }
0x8a: {  	s1 =	srdreg.scid  }
0x8b: {  	s0 =	sand.u32 $0x1, s1  }
0x8c: {  	s17 =	sshll.u32 s0, $0xA;
	s2 =	sadd.s32 s3, s2  }
0x8d: {  	s2 =	sadd.s32 s2, s17  }
0x8e: {  	[smem:$0x3FAF] =	sst s2  }
0x8f: {  	_ = 	snop  }
0x90: {  	s2 =	sld [smem:$0x3FC6]  }
0x91: {  	s18 =	sld [smem:$0x3FC5]  }
0x92: {  	s4 =	sld [smem:$0x3FD0];
	(tm) =	ssettm $0x1  }
0x93: {  	s5 =	sld [smem:$0x3FFB];
	_ =	sdelay $0x3  }
0x94: {  	_ =	strace s5  }
0x95: {  	s5 =	sld [smem:$0x3FFC];
	_ =	sdelay $0x3  }
0x96: {  	_ =	strace s5  }
0x97: {  	s5 =	sld [smem:$0x3FFD];
	_ =	sdelay $0x3  }
0x98: {  	_ =	strace s5  }
0x99: {  	_ =	strace $0x8FFFFFFF  }
0x9a: {  	s19 =	sld [smem:$0x3FDB];
	_ =	sdelay $0x1  }
0x9b: {  	s6 =	simm.s32 $_scs_section_size  }
0x9c: {  	s7 =	simm.s32 $_size__tile_overlayer_lowered;
	s8 =	simm.s32 $_tile_overlayer_lowered  }
0x9d: {  	s22 =	simm.s32 $0x1BFF;
	s21 =	sshll.u32 s8, $0x1;
	s5 =	sadd.s32 s6, s19  }
0x9e: {  	s9 =	simm.s32 $0x0;
	s20 =	sshll.u32 s7, $0x1;
	s7 =	sadd.s32 s21, s5  }
0x9f: {  	[timem:s9], [sflag:s22] =	dma.local [hbm:s7], s20  }
0xa0: {  	_ =	swait.ge [sflag:s22], s20  }
0xa1: {  	s6 =	ssub.s32 $0x0, s20;
	[sflag:s22] =	ssyncset.done $0x0  }
0xa2: {  	[sflag:s22] =	ssyncadd.s32 s6;
	_ =	sdelay $0x1  }
0xa3: {  	s23 =	simm.s32 $0x1B8B  }
0xa4: {  	_ =	swait.ge [sflag:s23], $0x1  }
0xa5: {  	[sflag:s23] =	ssyncset.done $0x0  }
0xa6: {  	s25 =	simm.s32 $0x1B8E;
	s24 =	sld [smem:$0x3FFE];
	[sflag:s23] =	ssyncadd.s32 $0xFFFFFFFF  }
0xa7: {  	s26 =	simm.s32 $execute0_lowered;
	[smem:$0x3FD2] =	sst s25  }
0xa8: {  	s7 =	sshll.u32 s26, $0x1;
	_ =	strace $0x8000004F;
	[dreg:$0x1] =	wrdreg $0xFFFFFFFF  }
0xa9: {  	s28 =	simm.s32 $_size_execute0_lowered;
	s5 =	sadd.s32 s5, s7;
	[dreg:$0x0] =	wrdreg $0x0  }
0xaa: {  	s7 =	sshll.u32 s28, $0x1;
	[dreg:$0x2] =	wrdreg s5  }
0xab: {  	[dreg:$0x3] =	wrdreg s7  }
0xac: {  	[dreg:$0x4] =	wrdreg $0xC0  }
0xad: {  	_ =	task [dreg:s9], $0x5FFFF  }
0xae: {  	[dreg:$0x1] =	wrdreg $0xFFFFFFFF  }
0xaf: {  	[dreg:$0x0] =	wrdreg $0x60  }
0xb0: {  	[dreg:$0x2] =	wrdreg s24  }
0xb1: {  	[dreg:$0x3] =	wrdreg s2  }
0xb2: {  	[dreg:$0x4] =	wrdreg s18  }
0xb3: {  	[dreg:$0x5] =	wrdreg s4  }
0xb4: {  	[dreg:$0x6] =	wrdreg $0x0  }
0xb5: {  	[dreg:$0x7] =	wrdreg $0x1F400  }
0xb6: {  	[dreg:$0x8] =	wrdreg $0x3E800  }
0xb7: {  	[dreg:$0x9] =	wrdreg $0x9  }
0xb8: {  	_ =	task.clear_ibuf [dreg:s9], $0xAFFFF;
	_ =	strace $0x9000004F  }
0xb9: {  	s29 =	simm.s32 $0x9;
	_ =	strace $0x80000051  }
0xba: {  	_ =	swait.ge [sflag:s29], $0x1  }
0xbb: {  	[sflag:s29] =	ssyncadd.s32 $0xFFFFFFFF  }
0xbc: {  	_ =	strace $0x90000051  }
0xbd: {  	_ =	sfence  }
0xbe: {  	s30 =	sld [smem:$0x0];
	_ =	sdelay $0x2  }
0xbf: {  	s31 =	sshll.u32 s1, $0xD;
	s1 =	sshrl.u32 s1, $0x2  }
0xc0: {  	s3 =	sand.u32 $0x4000, s31;
	s1 =	sadd.s32 s1, s30  }
0xc1: {  	s0 =	sor.u32 s3, s0;
	s1 =	sshll.u32 s1, $0x11  }
0xc2: {  	s0 =	sor.u32 s1, s0  }
0xc3: {  	s0 =	sadd.s32 $0x8F2B, s0  }
0xc4: {  	[sflag:s0] =	ssyncadd.remote.s32 $0x1  }
0xc5: {  	_ =	sfence.sel $0xFFFF  }
0xc6: {  	[dreg:$0x0] =	wrdreg $0xFFFFFFFF;
	(pc) =	sbr.abs _section_cstart, $3  }
0xc7: {  	[dreg:$0x1] =	wrdreg $0xFFFFFFFF  }
0xc8: {  	_ =	task.clear_ibuf [dreg:s9], $0x2FFFF;
	_ =	strace $0x9FFFFFFF  }
0xc9: {  	(tm) =	ssettm $0x7FFFFFFF  }
tec
execute0_lowered:
.L_overlay_start_1:
0x0: {  	(tag) =	ssettag $0x1  }
0x1: {  	s7 =	rddreg [dreg:$0x0]  }
0x2: {  	s6 =	rddreg [dreg:$0x1]  }
0x3: {  	s8 =	rddreg [dreg:$0x2]  }
0x4: {  	s10 =	rddreg [dreg:$0x3]  }
0x5: {  	s1 =	rddreg [dreg:$0x4]  }
0x6: {  	s2 =	srdreg.scid;
	s3 =	rddreg [dreg:$0x5]  }
0x7: {  	s0 =	stileid.u32;
	s4 =	rddreg [dreg:$0x6];
	s5 =	simm.s32 $0x0  }
0x8: {  	s28 =	simm.s32 $0x80;
	s29 =	simm.s32 $0x0;
	s11 =	smul.u32 $0xC80, s0  }
0x9: {  	s2 =	sand.u32 $0x1, s2;
	s12 =	smul.u32 $0xC8, s0;
	[smem:$0x7FF] =	sst s5  }
0xa: {  	s14 =	sadd.s32 $0x6200, s7;
	s15 =	sadd.s32 $0x54400, s7;
	s18 =	smul.u32 $0x19000, s0  }
0xb: {  	s16 =	sadd.s32 $0x5C00, s7;
	s20 =	sadd.s32 $0xFFFFFFFB, s0;
	s9 =	smul.u32 $0x3E80, s2  }
0xc: {  	p0 =	slt.u32 s0, $0xE;
	p4 =	sgt.u32 s0, $0x4;
	s13 =	smul.u32 $0x3E8, s2  }
0xd: {  	_ =	strace $0x80000050;
	[dreg:$0x8] =	wrdreg s16;
	s24 =	ssub.s32 $0x2, s2  }
0xe: {  	s31 =	smul.u32 $0x138800, s2;
	p1 =	seq.s32 s2, $0x1;
	p2 =	sgt.u32 @p4 s20, $0x4  }
0xf: {  	p6 =	sne.s32 s2, $0x0;
	s12 =	sadd.s32 $0xFFFFFC18, s12;
	s17 =	sshrl.u32 s24, $0x1  }
0x10: {  	s30 =	sshrl.u32 s18, $0x2;
	s9 =	sadd.s32 s11, s9;
	s13 =	sadd.s32 s13, s12  }
0x11: {  	s25 =	sshll.u32 s12, $0x7;
	s17 =	ssub.s32 s24, s17;
	s26 =	sshll.u32 s12, $0x4  }
0x12: {  	s11 =	sadd.s32 s15, s11;
	s19 =	sshrl.u32 s31, $0x3;
	s31 =	sshll.u32 s0, $0x4  }
0x13: {  	s22 =	sadd.s32 s9, s7;
	s23 =	sshll.u32 s13, $0x4;
	s9 =	sand.u32 $0x3FFFFC00, s25  }
0x14: {  	[dreg:$0xa] =	wrdreg s11;
	s11 =	simm.s32 $0x5;
	s12 =	sadd.s32 s14, s19  }
0x15: {  	s25 =	sshll.u32 s2, $0x7;
	s18 =	smax.u32 s17, $0x1;
	s19 =	simm.s32 $0x8840  }
0x16: {  	s13 =	sadd.s32 s23, s7;
	s7 =	sadd.s32 s9, s3;
	s9 =	sadd.s32 s15, s26  }
0x17: {  	s11 =	simm.s32 @!p0 $0x4;
	s21 =	sadd.s32 $0x5C200, s22;
	s26 =	smul.u32 $0x27100, s2  }
0x18: {  	s10 =	sadd.s32 s10, s25;
	s19 =	simm.s32 @!p1 $0x87C0;
	p1 =	por !p2, !p4  }
0x19: {  	[dreg:$0x10] =	wrdreg s10;
	s10 =	sadd.s32 s26, s14;
	s14 =	simm.s32 @!p1 $0x0  }
0x1a: {  	[dreg:$0x9] =	wrdreg s9;
	s14 =	simm.s32 @p1 $0x1;
	p1 =	sne.s32 @!p1 s0, $0xA  }
0x1b: {  	s22 =	sadd.s32 $0x4E0, s6;
	[dreg:$0xb] =	wrdreg s21;
	p3 =	por @p4 p1, !p2  }
0x1c: {  	s12 =	sadd.s32 $0x27000, s12;
	[dreg:$0xd] =	wrdreg s22;
	p0 =	por p3, !p4  }
0x1d: {  	s22 =	sadd.s32 s31, s6;
	p1 =	por @p4 !p1, !p2;
	s6 =	simm.s32 @!p0 $0x0  }
0x1e: {  	[dreg:$0xc] =	wrdreg s12;
	s6 =	simm.s32 @p0 $0x1;
	p0 =	por !p1, !p4  }
0x1f: {  	s23 =	sadd.s32 $0x4E0, s8;
	[smem:$0x7F8] =	sst s6;
	s6 =	simm.s32 @!p0 $0x0  }
0x20: {  	s25 =	simm.s32 $0x86C0;
	[dreg:$0xe] =	wrdreg s23;
	s6 =	simm.s32 @p0 $0x1  }
0x21: {  	s9 =	sadd.s32 s30, s1;
	[smem:$0x7F9] =	sst s6;
	s6 =	simm.s32 @!p4 $0x0  }
0x22: {  	s24 =	sadd.s32 $0x64000, s13;
	p0 =	por p2, !p4;
	s6 =	simm.s32 @p4 $0x1  }
0x23: {  	s30 =	sshll.u32 s0, $0xB;
	[smem:$0x7FA] =	sst s6;
	s6 =	simm.s32 @!p0 $0x0  }
0x24: {  	s21 =	sadd.s32 s31, s8;
	s6 =	simm.s32 @p0 $0x1;
	p0 =	sne.s32 s0, $0xF  }
0x25: {  	[dreg:$0xf] =	wrdreg s24;
	p1 =	sgt.u32 @p0 s0, $0x4;
	s2 =	simm.s32 @!p0 $0x0  }
0x26: {  	[smem:$0x7F7] =	sst s14;
	s2 =	simm.s32 @p0 $0x1;
	p0 =	por p1, !p0  }
0x27: {  	s23 =	simm.s32 $0x3EC0;
	[smem:$0x7FC] =	sst s2;
	s2 =	simm.s32 @!p0 $0x0  }
0x28: {  	s24 =	simm.s32 $0x2;
	[smem:$0x7FB] =	sst s6;
	s2 =	simm.s32 @p0 $0x1  }
0x29: {  	v0 =	vimm.f32 $1.000000000e+00;
	s26 =	simm.s32 $0x8740;
	s17 =	sadd.s32 s30, s10;
	[smem:$0x7FD] =	sst s2  }
.LBB2_1:
0x2a: {  	[tilespmem:$0x88C0] =	vst v0  }
0x2b: {  	[tilespmem:$0x88D0] =	vst v0  }
0x2c: {  	[tilespmem:$0x88E0] =	vst v0  }
0x2d: {  	[tilespmem:$0x88F0] =	vst v0  }
0x2e: {  	[tilespmem:$0x8900] =	vst v0;
	s2 =	sld [smem:$0x7F8]  }
0x2f: {  	[tilespmem:$0x8910] =	vst v0  }
0x30: {  	[tilespmem:$0x8920] =	vst v0  }
0x31: {  	[tilespmem:$0x8930] =	vst v0;
	p0 =	seq.s32 s2, $0x1  }
0x32: {  	[tilespmem:$0x8940] =	vst v0;
	s8 =	rddreg [dreg:$0x8];
	s2 =	sshrl.u32 @!p0 s4, $0x3;
	s6 =	simm.s32 @!p0 $0x1E81  }
0x33: {  	[spmem:s2], [sflag:s6] =	dma.local @!p0 [hbm:s8], $0x80  }
0x34: {  	s2 =	simm.s32 @!p0 $0x1  }
0x35: {  	_ =	swait.ge @!p0 [sflag:s2], $0x80  }
0x36: {  	s16 =	sld [smem:$0x7FB];
	_ =	sdelay $0x2  }
0x37: {  	p5 =	seq.s32 s16, $0x1  }
0x38: {  	[sflag:s2] =	ssyncset.done @!p0 $0x0;
	s8 =	rddreg [dreg:$0x9];
	s6 =	sshll.u32 @!p5 s0, $0x6  }
0x39: {  	[sflag:s2] =	ssyncadd.s32 @!p0 $0xFFFFFF80;
	s2 =	sor.u32 @!p5 $0x1C01, s6;
	s6 =	sshrl.u32 @!p5 s7, $0x3  }
0x3a: {  	[spmem:s6], [sflag:s2] =	dma.local @!p5 [hbm:s8], $0xC80  }
0x3b: {  	s2 =	simm.s32 @!p5 $0x1  }
0x3c: {  	_ =	swait.ge @!p5 [sflag:s2], $0xC80  }
0x3d: {  	s20 =	sld [smem:$0x7FA];
	_ =	sdelay $0x2  }
0x3e: {  	p1 =	seq.s32 s20, $0x1  }
0x3f: {  	[sflag:s2] =	ssyncset.done @!p5 $0x0;
	s8 =	rddreg [dreg:$0xa];
	s6 =	sshll.u32 @!p1 s0, $0x6  }
0x40: {  	[sflag:s2] =	ssyncadd.s32 @!p5 $0xFFFFF380;
	s2 =	sor.u32 @!p1 $0x1C01, s6;
	s6 =	sshrl.u32 @!p1 s9, $0x3  }
0x41: {  	[spmem:s6], [sflag:s2] =	dma.local @!p1 [hbm:s8], $0xC80  }
0x42: {  	s2 =	simm.s32 @!p1 $0x1  }
0x43: {  	_ =	swait.ge @!p1 [sflag:s2], $0xC80  }
0x44: {  	[sflag:s2] =	ssyncset.done @!p1 $0x0  }
0x45: {  	[sflag:s2] =	ssyncadd.s32 @!p1 $0xFFFFF380  }
0x46: {  	[bflag:$0x0] =	sbarrier.arrive $0xFFFF  }
0x47: {  	[tilespmem:s23], [sflag:$0x2] =	stream.linear.gather [hbm4b:s17+s5], $0x4000, $0x38;
	[tilespmem:$0x89C0] =	vst v63  }
0x48: {  	_ =	swait.ge [sflag:s24], $0x4000  }
0x49: {  	[sflag:s24] =	ssyncset.done $0x0  }
0x4a: {  	[sflag:s24] =	ssyncadd.s32 $0xFFFFC000  }
0x4b: {  	[tilespmem:s25], [sflag:$0x2] =	stream.linear.gather [hbm4b:s22+s5], $0x80, $0x38;
	[tilespmem:$0x89C0] =	vst v63  }
0x4c: {  	_ =	swait.ge [sflag:s24], $0x80  }
0x4d: {  	[sflag:s24] =	ssyncset.done $0x0  }
0x4e: {  	[sflag:s24] =	ssyncadd.s32 $0xFFFFFF80  }
0x4f: {  	[tilespmem:s26], [sflag:$0x2] =	stream.linear.gather [hbm4b:s21+s5], $0x80, $0x38;
	[tilespmem:$0x89C0] =	vst v63  }
0x50: {  	_ =	swait.ge [sflag:s24], $0x80  }
0x51: {  	s8 =	sld [smem:$0x7F7];
	[sflag:s24] =	ssyncset.done $0x0  }
0x52: {  	s10 =	sld [smem:$0x7F9];
	[sflag:s24] =	ssyncadd.s32 $0xFFFFFF80  }
0x53: {  	[spmem:s1] =	stream.indirect.scatter.add.f32 [tilespmem:s23], [sflag:$0x2], $0x80, s25, s28, $0xb8;
	[tilespmem:$0x89C0] =	vst v63  }
0x54: {  	p2 =	seq.s32 s8, $0x1  }
0x55: {  	p4 =	por @!p0 $0x1, $0x1;
	p3 =	seq.s32 s10, $0x1;
	p2 =	por @!p2 $0x0, $0x0  }
0x56: {  	p2 =	por @!p3 p4, p4  }
0x57: {  	s2 =	simm.s32 @!p2 $0x0  }
0x58: {  	s2 =	simm.s32 @p2 $0x1  }
0x59: {  	[smem:$0x7F5] =	sst s2  }
0x5a: {  	_ =	swait.ge [sflag:s24], $0x4000  }
0x5b: {  	s12 =	sld [smem:$0x7F7];
	_ =	sdelay $0x2  }
0x5c: {  	p3 =	por @!p0 $0x0, $0x0;
	p0 =	seq.s32 s12, $0x1  }
0x5d: {  	p0 =	por @!p0 $0x0, $0x0  }
0x5e: {  	s2 =	simm.s32 @!p0 $0x0  }
0x5f: {  	s13 =	sld [smem:$0x7F9];
	s2 =	simm.s32 @p0 $0x1  }
0x60: {  	[smem:$0x7F6] =	sst s2  }
0x61: {  	[sflag:s24] =	ssyncset.done $0x0;
	s2 =	sld [smem:$0x7F6]  }
0x62: {  	[sflag:s24] =	ssyncadd.s32 $0xFFFFC000  }
0x63: {  	[spmem:s3] =	stream.indirect.scatter.add.f32 [tilespmem:s23], [sflag:$0x2], $0x80, s26, s28, $0xb8;
	[tilespmem:$0x89C0] =	vst v63  }
0x64: {  	p2 =	seq.s32 s13, $0x1;
	p0 =	seq.s32 s2, $0x1  }
0x65: {  	s30 =	simm.s32 @p6 $0x88C0;
	s14 =	sld [smem:$0x7F5];
	p0 =	por @!p2 p3, p3  }
0x66: {  	s31 =	simm.s32 @p6 $0x1;
	s15 =	sld [smem:$0x7F7];
	s2 =	simm.s32 @!p0 $0x0  }
0x67: {  	s6 =	simm.s32 @p6 $0x8740;
	s16 =	sld [smem:$0x7F7];
	s2 =	simm.s32 @p0 $0x1  }
0x68: {  	s10 =	sadd.s32 $0xFFFFFFFF, s11;
	s8 =	simm.s32 @!p6 $0x2;
	[smem:$0x7F6] =	sst s2  }
0x69: {  	p4 =	seq.s32 s14, $0x1;
	p2 =	seq.s32 s15, $0x1;
	s20 =	sld [smem:$0x7F6]  }
0x6a: {  	p0 =	por @!p5 $0x0, $0x0;
	p5 =	por @!p5 $0x1, $0x1;
	_ =	swait.ge [sflag:s24], $0x4000  }
0x6b: {  	p0 =	por @!p2 p4, p4;
	p4 =	seq.s32 s16, $0x1;
	[sflag:s24] =	ssyncset.done $0x0  }
0x6c: {  	s2 =	simm.s32 @p6 $0x80;
	[sflag:s24] =	ssyncadd.s32 $0xFFFFC000;
	p2 =	seq.s32 s20, $0x1  }
0x6d: {  	[spmem:s4] =	stream.indirect.scatter.add.f32 @p6 [tilespmem:s30], [sflag:$0x1], $0x1, s6, s2, $0xb8;
	[tilespmem:$0x89C0] =	vst v63  }
0x6e: {  	p5 =	por @!p4 p2, p2;
	p2 =	por @!p1 $0x0, $0x0;
	_ =	swait.ge @p6 [sflag:s31], $0x80  }
0x6f: {  	p0 =	por @!p1 p2, p2;
	p5 =	por @!p1 p2, p2;
	p2 =	sne.s32 s10, $0x0  }
.Ltmp0:
0x70: {  	s12 =	simm.s32 @!p6 $0x88C0;
	[sflag:s31] =	ssyncset.done @p6 $0x0;
	(pc) =	sbr.rel @!p2 .LBB2_3-.Ltmp0, $4  }
0x71: {  	s13 =	simm.s32 @!p6 $0x80;
	s14 =	simm.s32 @!p6 $0x86C0;
	[sflag:s31] =	ssyncadd.s32 @p6 $0xFFFFFF80  }
0x72: {  	[spmem:s4] =	stream.indirect.scatter.add.f32 @!p6 [tilespmem:s12], [sflag:$0x2], $0x1, s14, s13, $0xb8;
	[tilespmem:$0x89C0] =	vst v63  }
0x73: {  	s15 =	sadd.s32 $0x100, s21;
	_ =	swait.ge @!p6 [sflag:s8], $0x80  }
0x74: {  	s16 =	sadd.s32 $0x100, s22;
	s20 =	smov.u32 s17;
	[sflag:s8] =	ssyncset.done @!p6 $0x0  }
.LBB2_2:
0x75: {  	s10 =	sadd.s32 $0xFFFFFFFF, s10;
	[sflag:s8] =	ssyncadd.s32 @!p6 $0xFFFFFF80;
	s20 =	sadd.s32 $0x8000, s20  }
0x76: {  	[tilespmem:s23], [sflag:$0x2] =	stream.linear.gather [hbm4b:s20+s5], $0x4000, $0x38;
	[tilespmem:$0x89C0] =	vst v63  }
0x77: {  	p2 =	sne.s32 s10, $0x0;
	_ =	swait.ge [sflag:s24], $0x4000  }
0x78: {  	[sflag:s24] =	ssyncset.done $0x0  }
0x79: {  	[sflag:s24] =	ssyncadd.s32 $0xFFFFC000  }
0x7a: {  	[tilespmem:s25], [sflag:$0x2] =	stream.linear.gather [hbm4b:s16+s5], $0x80, $0x38;
	[tilespmem:$0x89C0] =	vst v63  }
0x7b: {  	_ =	swait.ge [sflag:s24], $0x80  }
0x7c: {  	[sflag:s24] =	ssyncset.done $0x0  }
0x7d: {  	[sflag:s24] =	ssyncadd.s32 $0xFFFFFF80  }
0x7e: {  	[tilespmem:s26], [sflag:$0x2] =	stream.linear.gather [hbm4b:s15+s5], $0x80, $0x38;
	[tilespmem:$0x89C0] =	vst v63  }
0x7f: {  	_ =	swait.ge [sflag:s24], $0x80  }
0x80: {  	[sflag:s24] =	ssyncset.done $0x0  }
0x81: {  	[sflag:s24] =	ssyncadd.s32 $0xFFFFFF80  }
0x82: {  	[spmem:s1] =	stream.indirect.scatter.add.f32 [tilespmem:s23], [sflag:$0x2], $0x80, s25, s28, $0xb8;
	[tilespmem:$0x89C0] =	vst v63  }
0x83: {  	_ =	swait.ge [sflag:s24], $0x4000  }
0x84: {  	[sflag:s24] =	ssyncset.done $0x0  }
0x85: {  	[sflag:s24] =	ssyncadd.s32 $0xFFFFC000  }
0x86: {  	[spmem:s3] =	stream.indirect.scatter.add.f32 [tilespmem:s23], [sflag:$0x2], $0x80, s26, s28, $0xb8;
	[tilespmem:$0x89C0] =	vst v63  }
0x87: {  	_ =	swait.ge [sflag:s24], $0x4000  }
0x88: {  	[sflag:s24] =	ssyncset.done $0x0  }
0x89: {  	[sflag:s24] =	ssyncadd.s32 $0xFFFFC000  }
0x8a: {  	[spmem:s4] =	stream.indirect.scatter.add.f32 @p6 [tilespmem:s30], [sflag:$0x1], $0x1, s6, s2, $0xb8;
	[tilespmem:$0x89C0] =	vst v63  }
0x8b: {  	_ =	swait.ge @p6 [sflag:s31], $0x80  }
.Ltmp1:
0x8c: {  	[sflag:s31] =	ssyncset.done @p6 $0x0;
	(pc) =	sbr.rel @p2 .LBB2_2-.Ltmp1, $4  }
0x8d: {  	[sflag:s31] =	ssyncadd.s32 @p6 $0xFFFFFF80  }
0x8e: {  	[spmem:s4] =	stream.indirect.scatter.add.f32 @!p6 [tilespmem:s12], [sflag:$0x2], $0x1, s14, s13, $0xb8;
	[tilespmem:$0x89C0] =	vst v63  }
0x8f: {  	_ =	swait.ge @!p6 [sflag:s8], $0x80  }
0x90: {  	s16 =	sadd.s32 $0x100, s16;
	s15 =	sadd.s32 $0x100, s15;
	[sflag:s8] =	ssyncset.done @!p6 $0x0  }
.LBB2_3:
0x91: {  	s2 =	sld [smem:$0x7FD]  }
0x92: {  	s6 =	sld [smem:$0x7FC];
	_ =	sdelay $0x2  }
0x93: {  	[sflag:s8] =	ssyncadd.s32 @!p6 $0xFFFFFF80;
	p1 =	seq.s32 s2, $0x1;
	p2 =	seq.s32 s6, $0x1  }
0x94: {  	s2 =	sshll.u32 @!p1 s0, $0x6;
	[bflag:$0x0] =	sbarrier.arrive @p2 $0xFFFF  }
0x95: {  	s6 =	sshrl.u32 @!p1 s9, $0x3;
	s2 =	sor.u32 @!p1 $0x1C01, s2;
	s8 =	rddreg [dreg:$0xb]  }
0x96: {  	[hbm:s8], [sflag:s2] =	dma.local @!p1 [spmem:s6], $0xC80  }
0x97: {  	s2 =	simm.s32 @!p1 $0x1  }
0x98: {  	_ =	swait.ge @!p1 [sflag:s2], $0xC80  }
0x99: {  	s6 =	simm.s32 @!p2 $0x7EC0;
	[sflag:s2] =	ssyncset.done @!p1 $0x0  }
0x9a: {  	s8 =	rddreg [dreg:$0xc];
	[sflag:s2] =	ssyncadd.s32 @!p1 $0xFFFFF380;
	s2 =	simm.s32 @!p2 $0x0  }
0x9b: {  	[tilespmem:s6], [sflag:$0x1] =	stream.linear.gather @!p2 [hbm4b:s8+s2], $0x800, $0x38;
	[tilespmem:$0x89C0] =	vst v63  }
0x9c: {  	s8 =	simm.s32 @!p2 $0x1  }
0x9d: {  	_ =	swait.ge @!p2 [sflag:s8], $0x800  }
0x9e: {  	[sflag:s8] =	ssyncset.done @!p2 $0x0  }
0x9f: {  	s10 =	simm.s32 @!p2 $0x87C0;
	s12 =	rddreg [dreg:$0xd];
	[sflag:s8] =	ssyncadd.s32 @!p2 $0xFFFFF800  }
0xa0: {  	[tilespmem:s10], [sflag:$0x1] =	stream.linear.gather @!p2 [hbm4b:s12+s2], $0x10, $0x38;
	[tilespmem:$0x89C0] =	vst v63  }
0xa1: {  	_ =	swait.ge @!p2 [sflag:s8], $0x10  }
0xa2: {  	[sflag:s8] =	ssyncset.done @!p2 $0x0  }
0xa3: {  	s12 =	simm.s32 @!p2 $0x8840;
	s13 =	rddreg [dreg:$0xe];
	[sflag:s8] =	ssyncadd.s32 @!p2 $0xFFFFFFF0  }
0xa4: {  	[tilespmem:s12], [sflag:$0x1] =	stream.linear.gather @!p2 [hbm4b:s13+s2], $0x10, $0x38;
	[tilespmem:$0x89C0] =	vst v63  }
0xa5: {  	_ =	swait.ge @!p2 [sflag:s8], $0x10  }
0xa6: {  	[sflag:s8] =	ssyncset.done @!p2 $0x0  }
0xa7: {  	s2 =	simm.s32 @!p2 $0x10;
	[sflag:s8] =	ssyncadd.s32 @!p2 $0xFFFFFFF0  }
0xa8: {  	[spmem:s1] =	stream.indirect.scatter.add.f32 @!p2 [tilespmem:s6], [sflag:$0x1], $0x80, s10, s2, $0xb8;
	[tilespmem:$0x89C0] =	vst v63  }
0xa9: {  	_ =	swait.ge @!p2 [sflag:s8], $0x800  }
0xaa: {  	[sflag:s8] =	ssyncset.done @!p2 $0x0  }
0xab: {  	[sflag:s8] =	ssyncadd.s32 @!p2 $0xFFFFF800  }
0xac: {  	[spmem:s3] =	stream.indirect.scatter.add.f32 @!p2 [tilespmem:s6], [sflag:$0x1], $0x80, s12, s2, $0xb8;
	[tilespmem:$0x89C0] =	vst v63  }
0xad: {  	_ =	swait.ge @!p2 [sflag:s8], $0x800  }
0xae: {  	[sflag:s8] =	ssyncset.done @!p2 $0x0  }
0xaf: {  	s6 =	simm.s32 @!p2 $0x8940;
	[sflag:s8] =	ssyncadd.s32 @!p2 $0xFFFFF800  }
0xb0: {  	[spmem:s4] =	stream.indirect.scatter.add.f32 @!p2 [tilespmem:s6], [sflag:$0x1], $0x1, s19, s2, $0xb8;
	[tilespmem:$0x89C0] =	vst v63  }
0xb1: {  	_ =	swait.ge @!p2 [sflag:s8], $0x10  }
0xb2: {  	[sflag:s8] =	ssyncset.done @!p2 $0x0  }
0xb3: {  	[sflag:s8] =	ssyncadd.s32 @!p2 $0xFFFFFFF0  }
0xb4: {  	s2 =	sshll.u32 @p5 s0, $0x6;
	[bflag:$0x0] =	sbarrier.arrive @!p2 $0xFFFF  }
0xb5: {  	s6 =	sshrl.u32 @p5 s7, $0x3;
	s2 =	sor.u32 @p5 $0x1C01, s2;
	s8 =	rddreg [dreg:$0xf]  }
0xb6: {  	[hbm:s8], [sflag:s2] =	dma.local @p5 [spmem:s6], $0xC80  }
0xb7: {  	s29 =	sadd.s32 $0x1, s29;
	s2 =	simm.s32 @p5 $0x1  }
0xb8: {  	p2 =	sne.s32 s29, s18;
	_ =	swait.ge @p5 [sflag:s2], $0xC80  }
0xb9: {  	s6 =	sshll.u32 @p0 s0, $0x6;
	[sflag:s2] =	ssyncset.done @p5 $0x0;
	s8 =	rddreg [dreg:$0x10]  }
0xba: {  	[sflag:s2] =	ssyncadd.s32 @p5 $0xFFFFF380;
	s2 =	sor.u32 @p0 $0x1C01, s6;
	s6 =	sshrl.u32 @p0 s4, $0x3  }
0xbb: {  	[hbm:s8], [sflag:s2] =	dma.local @p0 [spmem:s6], $0x80  }
.Ltmp2:
0xbc: {  	_ = 	snop;
	(pc) =	sbr.rel @p2 .LBB2_1-.Ltmp2, $4  }
0xbd: {  	s2 =	simm.s32 @p0 $0x1  }
0xbe: {  	_ =	swait.ge @p0 [sflag:s2], $0x80  }
0xbf: {  	[sflag:s2] =	ssyncset.done @p0 $0x0  }
0xc0: {  	[sflag:s2] =	ssyncadd.s32 @p0 $0xFFFFFF80  }
0xc1: {  	_ =	sfence.sel $0x180000  }
0xc2: {  	[bflag:$0x0] =	sbarrier.arrive $0xFFFF  }
0xc3: {  	_ =	strace $0x90000050  }
0xc4: {  	[bflag:$0x2] =	sbarrier.arrive $0xFFFF  }
0xc5: {  	p0 =	sne.s32 s0, $0x0;
	s0 =	rddreg [dreg:$0x7]  }
0xc6: {  	s0 =	sadd.s32 @!p0 $0x100000, s0  }
0xc7: {  	[sflag:s0] =	ssyncadd.tile.s32 @!p0 $0x1;
	_ =	shalt  }
.Lfunc_end2:
_tile_overlayer_lowered:
.L_overlay_start_2:
0xc8: {  	(tag) =	ssettag $0x2  }
0xc9: {  	s0 =	rddreg [dreg:$0x0];
	s2 =	stileid.u32  }
0xca: {  	s1 =	rddreg [dreg:$0x1];
	p0 =	sne.s32 s2, $0x0  }
0xcb: {  	s3 =	rddreg [dreg:$0x2];
	[bflag:$0x3] =	sbarrier.arrive $0xFFFF;
	s2 =	simm.s32 @!p0 $0x1C01  }
0xcc: {  	[timem:s3], [sflag:s2] =	dma.local @!p0 [hbm:s0], s1  }
0xcd: {  	s0 =	simm.s32 @!p0 $0x1  }
0xce: {  	_ =	swait.ge @!p0 [sflag:s0], s1  }
0xcf: {  	s1 =	ssub.s32 @!p0 $0x0, s1;
	[sflag:s0] =	ssyncset.done @!p0 $0x0  }
0xd0: {  	[sflag:s0] =	ssyncadd.s32 @!p0 s1  }
0xd1: {  	[bflag:$0x3] =	sbarrier.arrive $0xFFFF  }
0xd2: {  	_ =	shalt  }

</sc_bundles>
